<compile_context>
chip_gen: v7x
topology: tpu7x:2x2x1
jax: 0.10.2.dev20260603
libtpu: 0.0.44.dev20260713+nightly
codegen_flags: <defaults>
</compile_context>

<pallas_src>
import functools

import numpy as np
import jax
import jax.numpy as jnp
from jax import lax
from jax.experimental import pallas as pl
from jax.experimental.pallas import tpu as pltpu
from jax.experimental.pallas import tpu_sc as plsc

_B, _LQ, _LC, _D, _H, _K = 2, 2048, 4096, 1024, 16, 16
_DH = _D // _H
_QTOT = _B * _LQ
_CTOT = _B * _LC
_NC, _NS, _L = 2, 16, 16
_NW = _NC * _NS
_QPW = _QTOT // _NW
_BM = 512
_BQ, _BC = 256, 1024


def _ctx_triple_body(x_ref, wsimbf_ref, bsim_ref, wk_ref, bk_ref,
                     wv_ref, bv_ref, cpb_ref, kc_ref, vc_ref):
    x = x_ref[...]
    dn = (((1,), (1,)), ((), ()))
    cp = lax.dot_general(x.astype(jnp.bfloat16), wsimbf_ref[...], dn,
                         preferred_element_type=jnp.float32) + bsim_ref[...]
    cpb_ref[...] = cp.astype(jnp.bfloat16)
    kc_ref[...] = lax.dot_general(x, wk_ref[...], dn, precision=lax.Precision.HIGHEST,
                                  preferred_element_type=jnp.float32) + bk_ref[...]
    vc_ref[...] = lax.dot_general(x, wv_ref[...], dn, precision=lax.Precision.HIGHEST,
                                  preferred_element_type=jnp.float32) + bv_ref[...]


def _ctx_triple(x, wsim_bf, bsim, wk, bk, wv, bv):
    m = x.shape[0]
    full = lambda i: (0, 0)
    return pl.pallas_call(
        _ctx_triple_body,
        grid=(m // _BM,),
        in_specs=[
            pl.BlockSpec((_BM, _D), lambda i: (i, 0)),
            pl.BlockSpec((_D, _D), full),
            pl.BlockSpec((1, _D), full),
            pl.BlockSpec((_D, _D), full),
            pl.BlockSpec((1, _D), full),
            pl.BlockSpec((_D, _D), full),
            pl.BlockSpec((1, _D), full),
        ],
        out_specs=[
            pl.BlockSpec((_BM, _D), lambda i: (i, 0)),
            pl.BlockSpec((_BM, _D), lambda i: (i, 0)),
            pl.BlockSpec((_BM, _D), lambda i: (i, 0)),
        ],
        out_shape=[
            jax.ShapeDtypeStruct((m, _D), jnp.bfloat16),
            jax.ShapeDtypeStruct((m, _D), jnp.float32),
            jax.ShapeDtypeStruct((m, _D), jnp.float32),
        ],
    )(x, wsim_bf, bsim, wk, bk, wv, bv)


def _single_proj_body(x_ref, w_ref, b_ref, o_ref):
    dn = (((1,), (1,)), ((), ()))
    o_ref[...] = lax.dot_general(x_ref[...], w_ref[...], dn, precision=lax.Precision.HIGHEST,
                                 preferred_element_type=jnp.float32) + b_ref[...]


def _single_proj(x, w, b):
    m = x.shape[0]
    return pl.pallas_call(
        _single_proj_body,
        grid=(m // _BM,),
        in_specs=[
            pl.BlockSpec((_BM, _D), lambda i: (i, 0)),
            pl.BlockSpec((_D, _D), lambda i: (0, 0)),
            pl.BlockSpec((1, _D), lambda i: (0, 0)),
        ],
        out_specs=pl.BlockSpec((_BM, _D), lambda i: (i, 0)),
        out_shape=jax.ShapeDtypeStruct((m, _D), jnp.float32),
    )(x, w, b)


def _simtopk_body(cb_ref, cpb_ref, idx_ref, sim_ref):
    b = pl.program_id(0)
    ci = pl.program_id(2)
    s = lax.dot_general(cb_ref[0], cpb_ref[0], (((1,), (1,)), ((), ())),
                        preferred_element_type=jnp.float32)
    sim_ref[:, pl.ds(ci * _BC, _BC)] = s

    @pl.when(ci == _LC // _BC - 1)
    def _():
        vals = sim_ref[...]
        iota = lax.broadcasted_iota(jnp.int32, (_BQ, _LC), 1)
        neg = jnp.float32(-3.0e38)
        cols = []
        for _t in range(_K):
            m = jnp.max(vals, axis=1, keepdims=True)
            it = jnp.min(jnp.where(vals >= m, iota, _LC), axis=1, keepdims=True)
            cols.append(it)
            vals = jnp.where(iota == it, neg, vals)
        idx_ref[0] = jnp.concatenate(cols, axis=1) + b * _LC


def _simtopk(chunk_bf, ctxp_bf):
    return pl.pallas_call(
        _simtopk_body,
        grid=(_B, _LQ // _BQ, _LC // _BC),
        in_specs=[
            pl.BlockSpec((1, _BQ, _D), lambda b, qi, ci: (b, qi, 0)),
            pl.BlockSpec((1, _BC, _D), lambda b, qi, ci: (b, ci, 0)),
        ],
        out_specs=pl.BlockSpec((1, _BQ, _K), lambda b, qi, ci: (b, qi, 0)),
        out_shape=jax.ShapeDtypeStruct((_B, _LQ, _K), jnp.int32),
        scratch_shapes=[pltpu.VMEM((_BQ, _LC), jnp.float32)],
    )(chunk_bf, ctxp_bf)


def _sc_attention_body(q_hbm, kc_hbm, vc_hbm, idx_hbm, out_hbm,
                       idx_v, kg, vg, qv, attn_v, ov, sem_k, sem_v):
    wid = lax.axis_index("s") * _NC + lax.axis_index("c")
    base = wid * _QPW
    lanes = lax.iota(jnp.int32, _L)
    inv_sqrt_dh = jnp.float32(1.0 / np.sqrt(_DH))

    def qbody(i, carry):
        row = base + i
        pltpu.sync_copy(idx_hbm.at[row], idx_v)
        pltpu.sync_copy(q_hbm.at[row], qv)
        ck = pltpu.async_copy(kc_hbm.at[idx_v], kg, sem_k)
        cv = pltpu.async_copy(vc_hbm.at[idx_v], vg, sem_v)
        ck.wait()
        cv.wait()

        for h in range(_H):
            def sbody(j, acc):
                d = h * _DH + j
                dsplat = jnp.full((_L,), d, jnp.int32)
                col = plsc.load_gather(kg, [lanes, dsplat])
                qs = plsc.load_gather(qv, [dsplat])
                return acc + qs * col

            acc = lax.fori_loop(0, _DH, sbody, jnp.zeros((_L,), jnp.float32),
                                unroll=8)
            sc = acc * inv_sqrt_dh
            mx = jnp.max(sc)
            e = jnp.exp(sc - mx)
            attn_v[pl.ds(h * _L, _L)] = e / jnp.sum(e)

        def obody(j, carry2):
            hh = j // (_DH // _L)
            acc = jnp.zeros((_L,), jnp.float32)
            for k in range(_K):
                asplat = plsc.load_gather(
                    attn_v, [jnp.full((_L,), hh * _L + k, jnp.int32)])
                acc = acc + asplat * vg[k, pl.ds(j * _L, _L)]
            ov[pl.ds(j * _L, _L)] = acc
            return carry2

        lax.fori_loop(0, _D // _L, obody, 0, unroll=2)
        pltpu.sync_copy(ov, out_hbm.at[row])
        return carry

    lax.fori_loop(0, _QPW, qbody, 0)


@functools.lru_cache(maxsize=1)
def _sc_attention_kernel():
    mesh = plsc.VectorSubcoreMesh(core_axis_name="c", subcore_axis_name="s")
    return pl.kernel(
        _sc_attention_body,
        mesh=mesh,
        compiler_params=pltpu.CompilerParams(use_tc_tiling_on_sc=False,
                                             needs_layout_passes=False),
        out_type=jax.ShapeDtypeStruct((_QTOT, _D), jnp.float32),
        scratch_types=[
            pltpu.VMEM((_K,), jnp.int32),
            pltpu.VMEM((_K, _D), jnp.float32),
            pltpu.VMEM((_K, _D), jnp.float32),
            pltpu.VMEM((_D,), jnp.float32),
            pltpu.VMEM((_H * _L,), jnp.float32),
            pltpu.VMEM((_D,), jnp.float32),
            pltpu.SemaphoreType.DMA,
            pltpu.SemaphoreType.DMA,
        ],
    )


def kernel(chunk, context, W_sim, b_sim, Wq, bq, Wk, bk, Wv, bv, Wo, bo):
    x_chunk = chunk.reshape(_QTOT, _D)
    x_ctx = context.reshape(_CTOT, _D)

    q = _single_proj(x_chunk, Wq, bq.reshape(1, _D))
    cpb, kc, vc = _ctx_triple(x_ctx, W_sim.astype(jnp.bfloat16),
                              b_sim.reshape(1, _D), Wk, bk.reshape(1, _D),
                              Wv, bv.reshape(1, _D))
    chunk_bf = x_chunk.astype(jnp.bfloat16).reshape(_B, _LQ, _D)
    idx = _simtopk(chunk_bf, cpb.reshape(_B, _LC, _D))
    attn_out = _sc_attention_kernel()(q, kc, vc, idx.reshape(_QTOT, _K))
    out = _single_proj(attn_out, Wo, bo.reshape(1, _D))
    return out.reshape(_B, _LQ, _D)

# --- scband reference (transcript-rebuilt; emitter-appended) ---
"""Pipeline reference for scband-sparse-context-attention-83451214561953 (READ-ONLY COPY).

The authoritative reference and input builder live on the scoring server;
editing this copy changes nothing except your own understanding.
"""

import jax, jax.numpy as jnp
import numpy as np

B, LQ, LC, D, H, K = 2, 2048, 4096, 1024, 16, 16


def setup_inputs(seed: int = 0) -> dict:
    key = jax.random.key(seed)
    ks = jax.random.split(key, 12)
    s = 1.0 / np.sqrt(D)
    return {
        "chunk": jax.random.normal(ks[0], (B, LQ, D), dtype=jnp.float32),
        "context": jax.random.normal(ks[1], (B, LC, D), dtype=jnp.float32),
        "W_sim": jax.random.normal(ks[2], (D, D), dtype=jnp.float32) * s,
        "b_sim": jnp.zeros((D,), dtype=jnp.float32),
        "Wq": jax.random.normal(ks[3], (D, D), dtype=jnp.float32) * s,
        "bq": jnp.zeros((D,), dtype=jnp.float32),
        "Wk": jax.random.normal(ks[4], (D, D), dtype=jnp.float32) * s,
        "bk": jnp.zeros((D,), dtype=jnp.float32),
        "Wv": jax.random.normal(ks[5], (D, D), dtype=jnp.float32) * s,
        "bv": jnp.zeros((D,), dtype=jnp.float32),
        "Wo": jax.random.normal(ks[6], (D, D), dtype=jnp.float32) * s,
        "bo": jnp.zeros((D,), dtype=jnp.float32),
    }


def reference(chunk, context, W_sim, b_sim, Wq, bq, Wk, bk, Wv, bv, Wo, bo):
    # sim = chunk @ similarity(context)^T  -> [B, LQ, LC]
    ctx_proj = context @ W_sim.T + b_sim
    sim = jnp.einsum('bqd,bcd->bqc', chunk, ctx_proj)
    # per-query top-k context selection
    _, top_idx = jax.lax.top_k(sim, K)  # [B, LQ, K]
    # gather: sparse_ctx[b, q, k, :] = context[b, top_idx[b, q, k], :]
    sparse_ctx = jax.vmap(lambda c, idx: c[idx])(context, top_idx)  # [B, LQ, K, D]
    # multi-head cross attention: queries from chunk, keys/values from sparse context
    dh = D // H
    q = (chunk @ Wq.T + bq).reshape(B, LQ, H, dh)
    k = (sparse_ctx @ Wk.T + bk).reshape(B, LQ, K, H, dh)
    v = (sparse_ctx @ Wv.T + bv).reshape(B, LQ, K, H, dh)
    scores = jnp.einsum('bqhd,bqkhd->bqhk', q, k) / np.sqrt(dh)
    attn = jax.nn.softmax(scores, axis=-1)
    out = jnp.einsum('bqhk,bqkhd->bqhd', attn, v).reshape(B, LQ, D)
    return out @ Wo.T + bo

if __name__ == "__main__":
    import jax
    _d = setup_inputs()
    print(jax.jit(kernel)(*tuple(_d.values())))

</pallas_src>

<mosaic_0001>
#map = affine_map<(d0, d1) -> (0, 0)>
module attributes {stable_mosaic.version = 14 : i64} {
  func.func @_sc_attention_body(%arg0: i32, %arg1: i32, %arg2: memref<4096x1024xf32, #tpu.memory_space<hbm>>, %arg3: memref<8192x1024xf32, #tpu.memory_space<hbm>>, %arg4: memref<8192x1024xf32, #tpu.memory_space<hbm>>, %arg5: memref<4096x16xi32, #tpu.memory_space<hbm>>, %arg6: memref<4096x1024xf32, #tpu.memory_space<hbm>>, %arg7: memref<16xi32, #tpu.memory_space<vmem>>, %arg8: memref<16x1024xf32, #tpu.memory_space<vmem>>, %arg9: memref<16x1024xf32, #tpu.memory_space<vmem>>, %arg10: memref<1024xf32, #tpu.memory_space<vmem>>, %arg11: memref<256xf32, #tpu.memory_space<vmem>>, %arg12: memref<1024xf32, #tpu.memory_space<vmem>>, %arg13: memref<!tpu.dma_semaphore, #tpu.memory_space<semaphore_mem>>, %arg14: memref<!tpu.dma_semaphore, #tpu.memory_space<semaphore_mem>>) attributes {dimension_semantics = [#tpu.dimension_semantics<core_parallel>, #tpu.dimension_semantics<subcore_parallel>], iteration_bounds = array<i64: 2, 16>, scalar_prefetch = 0 : i64, scratch_operands = 8 : i64, tpu.core_type = #tpu.core_type<sc_vector_subcore>, window_params = [{transform_indices = #map}, {transform_indices = #map}, {transform_indices = #map}, {transform_indices = #map}, {transform_indices = #map}]} {
    %mul3A = arith.constant 2 : i32
    %mul3A_0 = arith.muli %arg1, %mul3A : i32
    %add3A = arith.addi %mul3A_0, %arg0 : i32
    %mul3A_1 = arith.constant 128 : i32
    %mul3A_2 = arith.muli %add3A, %mul3A_1 : i32
    %iota3A = tpu.iota {dimensions = array<i32: 0>} : vector<16xi32>
    %scan3A = arith.constant 0 : i32
    %scan3A_3 = arith.constant 1.250000e-01 : f32
    %scan3A_4 = arith.constant 0 : i32
    %scan3A_5 = arith.constant 128 : i32
    %scan3A_6 = arith.addi %scan3A_4, %scan3A_5 : i32
    %scan3A_7 = arith.constant 1 : i32
    scf.for %scan3A_9 = %scan3A_4 to %scan3A_6 step %scan3A_7  : i32 {
      %add3A_10 = arith.addi %mul3A_2, %scan3A_9 : i32
      "tpu.region"() ({
        %run_scoped3A = tpu.sem_alloc : memref<!tpu.dma_semaphore, #tpu.memory_space<semaphore_mem>>
        %dma_start3A_420 = arith.constant 0 : i32
        %dma_start3A_421 = tpu.memref_slice %arg5[%add3A_10, %dma_start3A_420] : memref<4096x16xi32, #tpu.memory_space<hbm>> -> memref<1x16xi32, #tpu.memory_space<hbm>>
        %dma_start3A_422 = tpu.memref_squeeze %dma_start3A_421 : memref<1x16xi32, #tpu.memory_space<hbm>> -> memref<16xi32, #tpu.memory_space<hbm>>
        %dma_start3A_423 = arith.constant 0 : i32
        %dma_start3A_424 = tpu.memref_slice %arg5[%add3A_10, %dma_start3A_423] : memref<4096x16xi32, #tpu.memory_space<hbm>> -> memref<1x16xi32, #tpu.memory_space<hbm>>
        %dma_start3A_425 = tpu.memref_squeeze %dma_start3A_424 : memref<1x16xi32, #tpu.memory_space<hbm>> -> memref<16xi32, #tpu.memory_space<hbm>>
        tpu.enqueue_dma source(%dma_start3A_425 : memref<16xi32, #tpu.memory_space<hbm>>) target(%arg7 : memref<16xi32, #tpu.memory_space<vmem>>) target_semaphore(%run_scoped3A : memref<!tpu.dma_semaphore, #tpu.memory_space<semaphore_mem>>)
        %dma_wait3A_426 = arith.constant 0 : i32
        %dma_wait3A_427 = tpu.memref_slice %arg5[%add3A_10, %dma_wait3A_426] : memref<4096x16xi32, #tpu.memory_space<hbm>> -> memref<1x16xi32, #tpu.memory_space<hbm>>
        %dma_wait3A_428 = tpu.memref_squeeze %dma_wait3A_427 : memref<1x16xi32, #tpu.memory_space<hbm>> -> memref<16xi32, #tpu.memory_space<hbm>>
        %dma_wait3A_429 = arith.constant 0 : i32
        %dma_wait3A_430 = tpu.memref_slice %arg5[%add3A_10, %dma_wait3A_429] : memref<4096x16xi32, #tpu.memory_space<hbm>> -> memref<1x16xi32, #tpu.memory_space<hbm>>
        %dma_wait3A_431 = tpu.memref_squeeze %dma_wait3A_430 : memref<1x16xi32, #tpu.memory_space<hbm>> -> memref<16xi32, #tpu.memory_space<hbm>>
        tpu.wait_dma2 semaphore(%run_scoped3A : memref<!tpu.dma_semaphore, #tpu.memory_space<semaphore_mem>>) src(%dma_wait3A_431 : memref<16xi32, #tpu.memory_space<hbm>>) dst(%arg7 : memref<16xi32, #tpu.memory_space<vmem>>)
        tpu.yield
      }) : () -> ()
      "tpu.region"() ({
        %run_scoped3A = tpu.sem_alloc : memref<!tpu.dma_semaphore, #tpu.memory_space<semaphore_mem>>
        %dma_start3A_420 = arith.constant 0 : i32
        %dma_start3A_421 = tpu.memref_slice %arg2[%add3A_10, %dma_start3A_420] : memref<4096x1024xf32, #tpu.memory_space<hbm>> -> memref<1x1024xf32, #tpu.memory_space<hbm>>
        %dma_start3A_422 = tpu.memref_squeeze %dma_start3A_421 : memref<1x1024xf32, #tpu.memory_space<hbm>> -> memref<1024xf32, #tpu.memory_space<hbm>>
        %dma_start3A_423 = arith.constant 0 : i32
        %dma_start3A_424 = tpu.memref_slice %arg2[%add3A_10, %dma_start3A_423] : memref<4096x1024xf32, #tpu.memory_space<hbm>> -> memref<1x1024xf32, #tpu.memory_space<hbm>>
        %dma_start3A_425 = tpu.memref_squeeze %dma_start3A_424 : memref<1x1024xf32, #tpu.memory_space<hbm>> -> memref<1024xf32, #tpu.memory_space<hbm>>
        tpu.enqueue_dma source(%dma_start3A_425 : memref<1024xf32, #tpu.memory_space<hbm>>) target(%arg10 : memref<1024xf32, #tpu.memory_space<vmem>>) target_semaphore(%run_scoped3A : memref<!tpu.dma_semaphore, #tpu.memory_space<semaphore_mem>>)
        %dma_wait3A_426 = arith.constant 0 : i32
        %dma_wait3A_427 = tpu.memref_slice %arg2[%add3A_10, %dma_wait3A_426] : memref<4096x1024xf32, #tpu.memory_space<hbm>> -> memref<1x1024xf32, #tpu.memory_space<hbm>>
        %dma_wait3A_428 = tpu.memref_squeeze %dma_wait3A_427 : memref<1x1024xf32, #tpu.memory_space<hbm>> -> memref<1024xf32, #tpu.memory_space<hbm>>
        %dma_wait3A_429 = arith.constant 0 : i32
        %dma_wait3A_430 = tpu.memref_slice %arg2[%add3A_10, %dma_wait3A_429] : memref<4096x1024xf32, #tpu.memory_space<hbm>> -> memref<1x1024xf32, #tpu.memory_space<hbm>>
        %dma_wait3A_431 = tpu.memref_squeeze %dma_wait3A_430 : memref<1x1024xf32, #tpu.memory_space<hbm>> -> memref<1024xf32, #tpu.memory_space<hbm>>
        tpu.wait_dma2 semaphore(%run_scoped3A : memref<!tpu.dma_semaphore, #tpu.memory_space<semaphore_mem>>) src(%dma_wait3A_431 : memref<1024xf32, #tpu.memory_space<hbm>>) dst(%arg10 : memref<1024xf32, #tpu.memory_space<vmem>>)
        tpu.yield
      }) : () -> ()
      %dma_start3A = arith.constant 0 : i32
      %dma_start3A_11 = arith.constant 0 : i32
      %dma_start3A_12 = tpu.memref_slice %arg3[%dma_start3A, %dma_start3A_11] : memref<8192x1024xf32, #tpu.memory_space<hbm>> -> memref<8192x1024xf32, #tpu.memory_space<hbm>>
      tpu.enqueue_indirect_dma source(%dma_start3A_12 : memref<8192x1024xf32, #tpu.memory_space<hbm>>) target(%arg8 : memref<16x1024xf32, #tpu.memory_space<vmem>>) offsets(%arg7 : memref<16xi32, #tpu.memory_space<vmem>>) semaphore(%arg13 : memref<!tpu.dma_semaphore, #tpu.memory_space<semaphore_mem>>)
      %dma_start3A_13 = arith.constant 0 : i32
      %dma_start3A_14 = arith.constant 0 : i32
      %dma_start3A_15 = tpu.memref_slice %arg4[%dma_start3A_13, %dma_start3A_14] : memref<8192x1024xf32, #tpu.memory_space<hbm>> -> memref<8192x1024xf32, #tpu.memory_space<hbm>>
      tpu.enqueue_indirect_dma source(%dma_start3A_15 : memref<8192x1024xf32, #tpu.memory_space<hbm>>) target(%arg9 : memref<16x1024xf32, #tpu.memory_space<vmem>>) offsets(%arg7 : memref<16xi32, #tpu.memory_space<vmem>>) semaphore(%arg14 : memref<!tpu.dma_semaphore, #tpu.memory_space<semaphore_mem>>)
      %dma_wait3A = arith.constant 0 : i32
      %dma_wait3A_16 = arith.constant 0 : i32
      %dma_wait3A_17 = tpu.memref_slice %arg3[%dma_wait3A, %dma_wait3A_16] : memref<8192x1024xf32, #tpu.memory_space<hbm>> -> memref<8192x1024xf32, #tpu.memory_space<hbm>>
      tpu.wait_indirect_dma semaphore(%arg13 : memref<!tpu.dma_semaphore, #tpu.memory_space<semaphore_mem>>) src(%dma_wait3A_17 : memref<8192x1024xf32, #tpu.memory_space<hbm>>) dst(%arg8 : memref<16x1024xf32, #tpu.memory_space<vmem>>)
      %dma_wait3A_18 = arith.constant 0 : i32
      %dma_wait3A_19 = arith.constant 0 : i32
      %dma_wait3A_20 = tpu.memref_slice %arg4[%dma_wait3A_18, %dma_wait3A_19] : memref<8192x1024xf32, #tpu.memory_space<hbm>> -> memref<8192x1024xf32, #tpu.memory_space<hbm>>
      tpu.wait_indirect_dma semaphore(%arg14 : memref<!tpu.dma_semaphore, #tpu.memory_space<semaphore_mem>>) src(%dma_wait3A_20 : memref<8192x1024xf32, #tpu.memory_space<hbm>>) dst(%arg9 : memref<16x1024xf32, #tpu.memory_space<vmem>>)
      %broadcast_in_dim3A = arith.constant 0.000000e+00 : f32
      %broadcast_in_dim3A_21 = vector.broadcast %broadcast_in_dim3A : f32 to vector<16xf32>
      %scan3A_22 = arith.constant 0 : i32
      %scan3A_23 = arith.constant 64 : i32
      %scan3A_24 = arith.addi %scan3A_22, %scan3A_23 : i32
      %scan3A_25 = arith.constant 8 : i32
      %scan3A_26 = scf.for %scan3A_420 = %scan3A_22 to %scan3A_24 step %scan3A_25 iter_args(%scan3A_421 = %broadcast_in_dim3A_21) -> (vector<16xf32>)  : i32 {
        %add3A_422 = arith.constant 0 : i32
        %add3A_423 = arith.addi %add3A_422, %scan3A_420 : i32
        %broadcast_in_dim3A_424 = vector.broadcast %add3A_423 : i32 to vector<16xi32>
        %gather3A = tpu.vector_load_idx %arg8[%iota3A, %broadcast_in_dim3A_424] : memref<16x1024xf32, #tpu.memory_space<vmem>>[vector<16xi32>, vector<16xi32>], vector<16xf32>,
        %gather3A_425 = tpu.vector_load_idx %arg10[%broadcast_in_dim3A_424] : memref<1024xf32, #tpu.memory_space<vmem>>[vector<16xi32>], vector<16xf32>,
        %mul3A_426 = arith.mulf %gather3A_425, %gather3A : vector<16xf32>
        %add3A_427 = arith.addf %scan3A_421, %mul3A_426 : vector<16xf32>
        %scan3A_428 = arith.constant 1 : i32
        %scan3A_429 = arith.addi %scan3A_420, %scan3A_428 : i32
        %add3A_430 = arith.constant 0 : i32
        %add3A_431 = arith.addi %add3A_430, %scan3A_429 : i32
        %broadcast_in_dim3A_432 = vector.broadcast %add3A_431 : i32 to vector<16xi32>
        %gather3A_433 = tpu.vector_load_idx %arg8[%iota3A, %broadcast_in_dim3A_432] : memref<16x1024xf32, #tpu.memory_space<vmem>>[vector<16xi32>, vector<16xi32>], vector<16xf32>,
        %gather3A_434 = tpu.vector_load_idx %arg10[%broadcast_in_dim3A_432] : memref<1024xf32, #tpu.memory_space<vmem>>[vector<16xi32>], vector<16xf32>,
        %mul3A_435 = arith.mulf %gather3A_434, %gather3A_433 : vector<16xf32>
        %add3A_436 = arith.addf %add3A_427, %mul3A_435 : vector<16xf32>
        %scan3A_437 = arith.constant 2 : i32
        %scan3A_438 = arith.addi %scan3A_420, %scan3A_437 : i32
        %add3A_439 = arith.constant 0 : i32
        %add3A_440 = arith.addi %add3A_439, %scan3A_438 : i32
        %broadcast_in_dim3A_441 = vector.broadcast %add3A_440 : i32 to vector<16xi32>
        %gather3A_442 = tpu.vector_load_idx %arg8[%iota3A, %broadcast_in_dim3A_441] : memref<16x1024xf32, #tpu.memory_space<vmem>>[vector<16xi32>, vector<16xi32>], vector<16xf32>,
        %gather3A_443 = tpu.vector_load_idx %arg10[%broadcast_in_dim3A_441] : memref<1024xf32, #tpu.memory_space<vmem>>[vector<16xi32>], vector<16xf32>,
        %mul3A_444 = arith.mulf %gather3A_443, %gather3A_442 : vector<16xf32>
        %add3A_445 = arith.addf %add3A_436, %mul3A_444 : vector<16xf32>
        %scan3A_446 = arith.constant 3 : i32
        %scan3A_447 = arith.addi %scan3A_420, %scan3A_446 : i32
        %add3A_448 = arith.constant 0 : i32
        %add3A_449 = arith.addi %add3A_448, %scan3A_447 : i32
        %broadcast_in_dim3A_450 = vector.broadcast %add3A_449 : i32 to vector<16xi32>
        %gather3A_451 = tpu.vector_load_idx %arg8[%iota3A, %broadcast_in_dim3A_450] : memref<16x1024xf32, #tpu.memory_space<vmem>>[vector<16xi32>, vector<16xi32>], vector<16xf32>,
        %gather3A_452 = tpu.vector_load_idx %arg10[%broadcast_in_dim3A_450] : memref<1024xf32, #tpu.memory_space<vmem>>[vector<16xi32>], vector<16xf32>,
        %mul3A_453 = arith.mulf %gather3A_452, %gather3A_451 : vector<16xf32>
        %add3A_454 = arith.addf %add3A_445, %mul3A_453 : vector<16xf32>
        %scan3A_455 = arith.constant 4 : i32
        %scan3A_456 = arith.addi %scan3A_420, %scan3A_455 : i32
        %add3A_457 = arith.constant 0 : i32
        %add3A_458 = arith.addi %add3A_457, %scan3A_456 : i32
        %broadcast_in_dim3A_459 = vector.broadcast %add3A_458 : i32 to vector<16xi32>
        %gather3A_460 = tpu.vector_load_idx %arg8[%iota3A, %broadcast_in_dim3A_459] : memref<16x1024xf32, #tpu.memory_space<vmem>>[vector<16xi32>, vector<16xi32>], vector<16xf32>,
        %gather3A_461 = tpu.vector_load_idx %arg10[%broadcast_in_dim3A_459] : memref<1024xf32, #tpu.memory_space<vmem>>[vector<16xi32>], vector<16xf32>,
        %mul3A_462 = arith.mulf %gather3A_461, %gather3A_460 : vector<16xf32>
        %add3A_463 = arith.addf %add3A_454, %mul3A_462 : vector<16xf32>
        %scan3A_464 = arith.constant 5 : i32
        %scan3A_465 = arith.addi %scan3A_420, %scan3A_464 : i32
        %add3A_466 = arith.constant 0 : i32
        %add3A_467 = arith.addi %add3A_466, %scan3A_465 : i32
        %broadcast_in_dim3A_468 = vector.broadcast %add3A_467 : i32 to vector<16xi32>
        %gather3A_469 = tpu.vector_load_idx %arg8[%iota3A, %broadcast_in_dim3A_468] : memref<16x1024xf32, #tpu.memory_space<vmem>>[vector<16xi32>, vector<16xi32>], vector<16xf32>,
        %gather3A_470 = tpu.vector_load_idx %arg10[%broadcast_in_dim3A_468] : memref<1024xf32, #tpu.memory_space<vmem>>[vector<16xi32>], vector<16xf32>,
        %mul3A_471 = arith.mulf %gather3A_470, %gather3A_469 : vector<16xf32>
        %add3A_472 = arith.addf %add3A_463, %mul3A_471 : vector<16xf32>
        %scan3A_473 = arith.constant 6 : i32
        %scan3A_474 = arith.addi %scan3A_420, %scan3A_473 : i32
        %add3A_475 = arith.constant 0 : i32
        %add3A_476 = arith.addi %add3A_475, %scan3A_474 : i32
        %broadcast_in_dim3A_477 = vector.broadcast %add3A_476 : i32 to vector<16xi32>
        %gather3A_478 = tpu.vector_load_idx %arg8[%iota3A, %broadcast_in_dim3A_477] : memref<16x1024xf32, #tpu.memory_space<vmem>>[vector<16xi32>, vector<16xi32>], vector<16xf32>,
        %gather3A_479 = tpu.vector_load_idx %arg10[%broadcast_in_dim3A_477] : memref<1024xf32, #tpu.memory_space<vmem>>[vector<16xi32>], vector<16xf32>,
        %mul3A_480 = arith.mulf %gather3A_479, %gather3A_478 : vector<16xf32>
        %add3A_481 = arith.addf %add3A_472, %mul3A_480 : vector<16xf32>
        %scan3A_482 = arith.constant 7 : i32
        %scan3A_483 = arith.addi %scan3A_420, %scan3A_482 : i32
        %add3A_484 = arith.constant 0 : i32
        %add3A_485 = arith.addi %add3A_484, %scan3A_483 : i32
        %broadcast_in_dim3A_486 = vector.broadcast %add3A_485 : i32 to vector<16xi32>
        %gather3A_487 = tpu.vector_load_idx %arg8[%iota3A, %broadcast_in_dim3A_486] : memref<16x1024xf32, #tpu.memory_space<vmem>>[vector<16xi32>, vector<16xi32>], vector<16xf32>,
        %gather3A_488 = tpu.vector_load_idx %arg10[%broadcast_in_dim3A_486] : memref<1024xf32, #tpu.memory_space<vmem>>[vector<16xi32>], vector<16xf32>,
        %mul3A_489 = arith.mulf %gather3A_488, %gather3A_487 : vector<16xf32>
        %add3A_490 = arith.addf %add3A_481, %mul3A_489 : vector<16xf32>
        scf.yield %add3A_490 : vector<16xf32>
      }
      %scan3A_27 = arith.constant 64 : i32
      %mul3A_28 = vector.broadcast %scan3A_3 : f32 to vector<16xf32>
      %mul3A_29 = arith.mulf %scan3A_26, %mul3A_28 : vector<16xf32>
      %reduce_max3A = arith.constant true
      %reduce_max3A_30 = vector.broadcast %reduce_max3A : i1 to vector<16xi1>
      %reduce_max3A_31 = tpu.scan <max>, %mul3A_29 masked %reduce_max3A_30 : vector<16xf32>, vector<16xi1> -> vector<16xf32>
      %reduce_max3A_32 = vector.extract %reduce_max3A_31[15] : f32 from vector<16xf32>
      %sub3A = vector.broadcast %reduce_max3A_32 : f32 to vector<16xf32>
      %sub3A_33 = arith.subf %mul3A_29, %sub3A : vector<16xf32>
      %exp3A = math.exp %sub3A_33 : vector<16xf32>
      %reduce_sum3A = arith.constant true
      %reduce_sum3A_34 = vector.broadcast %reduce_sum3A : i1 to vector<16xi1>
      %reduce_sum3A_35 = tpu.scan <sum>, %exp3A masked %reduce_sum3A_34 : vector<16xf32>, vector<16xi1> -> vector<16xf32>
      %reduce_sum3A_36 = vector.extract %reduce_sum3A_35[15] : f32 from vector<16xf32>
      %div3A = vector.broadcast %reduce_sum3A_36 : f32 to vector<16xf32>
      %div3A_37 = arith.divf %exp3A, %div3A : vector<16xf32>
      %swap3A = arith.constant 0 : index
      %swap3A_38 = tpu.vector_load %arg11[%swap3A] {strides = array<i32>} : memref<256xf32, #tpu.memory_space<vmem>>, vector<16xf32>,
      tpu.vector_store %arg11[%swap3A], %div3A_37 {strides = array<i32>} : memref<256xf32, #tpu.memory_space<vmem>>, vector<16xf32>,
      %broadcast_in_dim3A_39 = arith.constant 0.000000e+00 : f32
      %broadcast_in_dim3A_40 = vector.broadcast %broadcast_in_dim3A_39 : f32 to vector<16xf32>
      %scan3A_41 = arith.constant 0 : i32
      %scan3A_42 = arith.constant 64 : i32
      %scan3A_43 = arith.addi %scan3A_41, %scan3A_42 : i32
      %scan3A_44 = arith.constant 8 : i32
      %scan3A_45 = scf.for %scan3A_420 = %scan3A_41 to %scan3A_43 step %scan3A_44 iter_args(%scan3A_421 = %broadcast_in_dim3A_40) -> (vector<16xf32>)  : i32 {
        %add3A_422 = arith.constant 64 : i32
        %add3A_423 = arith.addi %add3A_422, %scan3A_420 : i32
        %broadcast_in_dim3A_424 = vector.broadcast %add3A_423 : i32 to vector<16xi32>
        %gather3A = tpu.vector_load_idx %arg8[%iota3A, %broadcast_in_dim3A_424] : memref<16x1024xf32, #tpu.memory_space<vmem>>[vector<16xi32>, vector<16xi32>], vector<16xf32>,
        %gather3A_425 = tpu.vector_load_idx %arg10[%broadcast_in_dim3A_424] : memref<1024xf32, #tpu.memory_space<vmem>>[vector<16xi32>], vector<16xf32>,
        %mul3A_426 = arith.mulf %gather3A_425, %gather3A : vector<16xf32>
        %add3A_427 = arith.addf %scan3A_421, %mul3A_426 : vector<16xf32>
        %scan3A_428 = arith.constant 1 : i32
        %scan3A_429 = arith.addi %scan3A_420, %scan3A_428 : i32
        %add3A_430 = arith.constant 64 : i32
        %add3A_431 = arith.addi %add3A_430, %scan3A_429 : i32
        %broadcast_in_dim3A_432 = vector.broadcast %add3A_431 : i32 to vector<16xi32>
        %gather3A_433 = tpu.vector_load_idx %arg8[%iota3A, %broadcast_in_dim3A_432] : memref<16x1024xf32, #tpu.memory_space<vmem>>[vector<16xi32>, vector<16xi32>], vector<16xf32>,
        %gather3A_434 = tpu.vector_load_idx %arg10[%broadcast_in_dim3A_432] : memref<1024xf32, #tpu.memory_space<vmem>>[vector<16xi32>], vector<16xf32>,
        %mul3A_435 = arith.mulf %gather3A_434, %gather3A_433 : vector<16xf32>
        %add3A_436 = arith.addf %add3A_427, %mul3A_435 : vector<16xf32>
        %scan3A_437 = arith.constant 2 : i32
        %scan3A_438 = arith.addi %scan3A_420, %scan3A_437 : i32
        %add3A_439 = arith.constant 64 : i32
        %add3A_440 = arith.addi %add3A_439, %scan3A_438 : i32
        %broadcast_in_dim3A_441 = vector.broadcast %add3A_440 : i32 to vector<16xi32>
        %gather3A_442 = tpu.vector_load_idx %arg8[%iota3A, %broadcast_in_dim3A_441] : memref<16x1024xf32, #tpu.memory_space<vmem>>[vector<16xi32>, vector<16xi32>], vector<16xf32>,
        %gather3A_443 = tpu.vector_load_idx %arg10[%broadcast_in_dim3A_441] : memref<1024xf32, #tpu.memory_space<vmem>>[vector<16xi32>], vector<16xf32>,
        %mul3A_444 = arith.mulf %gather3A_443, %gather3A_442 : vector<16xf32>
        %add3A_445 = arith.addf %add3A_436, %mul3A_444 : vector<16xf32>
        %scan3A_446 = arith.constant 3 : i32
        %scan3A_447 = arith.addi %scan3A_420, %scan3A_446 : i32
        %add3A_448 = arith.constant 64 : i32
        %add3A_449 = arith.addi %add3A_448, %scan3A_447 : i32
        %broadcast_in_dim3A_450 = vector.broadcast %add3A_449 : i32 to vector<16xi32>
        %gather3A_451 = tpu.vector_load_idx %arg8[%iota3A, %broadcast_in_dim3A_450] : memref<16x1024xf32, #tpu.memory_space<vmem>>[vector<16xi32>, vector<16xi32>], vector<16xf32>,
        %gather3A_452 = tpu.vector_load_idx %arg10[%broadcast_in_dim3A_450] : memref<1024xf32, #tpu.memory_space<vmem>>[vector<16xi32>], vector<16xf32>,
        %mul3A_453 = arith.mulf %gather3A_452, %gather3A_451 : vector<16xf32>
        %add3A_454 = arith.addf %add3A_445, %mul3A_453 : vector<16xf32>
        %scan3A_455 = arith.constant 4 : i32
        %scan3A_456 = arith.addi %scan3A_420, %scan3A_455 : i32
        %add3A_457 = arith.constant 64 : i32
        %add3A_458 = arith.addi %add3A_457, %scan3A_456 : i32
        %broadcast_in_dim3A_459 = vector.broadcast %add3A_458 : i32 to vector<16xi32>
        %gather3A_460 = tpu.vector_load_idx %arg8[%iota3A, %broadcast_in_dim3A_459] : memref<16x1024xf32, #tpu.memory_space<vmem>>[vector<16xi32>, vector<16xi32>], vector<16xf32>,
        %gather3A_461 = tpu.vector_load_idx %arg10[%broadcast_in_dim3A_459] : memref<1024xf32, #tpu.memory_space<vmem>>[vector<16xi32>], vector<16xf32>,
        %mul3A_462 = arith.mulf %gather3A_461, %gather3A_460 : vector<16xf32>
        %add3A_463 = arith.addf %add3A_454, %mul3A_462 : vector<16xf32>
        %scan3A_464 = arith.constant 5 : i32
        %scan3A_465 = arith.addi %scan3A_420, %scan3A_464 : i32
        %add3A_466 = arith.constant 64 : i32
        %add3A_467 = arith.addi %add3A_466, %scan3A_465 : i32
        %broadcast_in_dim3A_468 = vector.broadcast %add3A_467 : i32 to vector<16xi32>
        %gather3A_469 = tpu.vector_load_idx %arg8[%iota3A, %broadcast_in_dim3A_468] : memref<16x1024xf32, #tpu.memory_space<vmem>>[vector<16xi32>, vector<16xi32>], vector<16xf32>,
        %gather3A_470 = tpu.vector_load_idx %arg10[%broadcast_in_dim3A_468] : memref<1024xf32, #tpu.memory_space<vmem>>[vector<16xi32>], vector<16xf32>,
        %mul3A_471 = arith.mulf %gather3A_470, %gather3A_469 : vector<16xf32>
        %add3A_472 = arith.addf %add3A_463, %mul3A_471 : vector<16xf32>
        %scan3A_473 = arith.constant 6 : i32
        %scan3A_474 = arith.addi %scan3A_420, %scan3A_473 : i32
        %add3A_475 = arith.constant 64 : i32
        %add3A_476 = arith.addi %add3A_475, %scan3A_474 : i32
        %broadcast_in_dim3A_477 = vector.broadcast %add3A_476 : i32 to vector<16xi32>
        %gather3A_478 = tpu.vector_load_idx %arg8[%iota3A, %broadcast_in_dim3A_477] : memref<16x1024xf32, #tpu.memory_space<vmem>>[vector<16xi32>, vector<16xi32>], vector<16xf32>,
        %gather3A_479 = tpu.vector_load_idx %arg10[%broadcast_in_dim3A_477] : memref<1024xf32, #tpu.memory_space<vmem>>[vector<16xi32>], vector<16xf32>,
        %mul3A_480 = arith.mulf %gather3A_479, %gather3A_478 : vector<16xf32>
        %add3A_481 = arith.addf %add3A_472, %mul3A_480 : vector<16xf32>
        %scan3A_482 = arith.constant 7 : i32
        %scan3A_483 = arith.addi %scan3A_420, %scan3A_482 : i32
        %add3A_484 = arith.constant 64 : i32
        %add3A_485 = arith.addi %add3A_484, %scan3A_483 : i32
        %broadcast_in_dim3A_486 = vector.broadcast %add3A_485 : i32 to vector<16xi32>
        %gather3A_487 = tpu.vector_load_idx %arg8[%iota3A, %broadcast_in_dim3A_486] : memref<16x1024xf32, #tpu.memory_space<vmem>>[vector<16xi32>, vector<16xi32>], vector<16xf32>,
        %gather3A_488 = tpu.vector_load_idx %arg10[%broadcast_in_dim3A_486] : memref<1024xf32, #tpu.memory_space<vmem>>[vector<16xi32>], vector<16xf32>,
        %mul3A_489 = arith.mulf %gather3A_488, %gather3A_487 : vector<16xf32>
        %add3A_490 = arith.addf %add3A_481, %mul3A_489 : vector<16xf32>
        scf.yield %add3A_490 : vector<16xf32>
      }
      %scan3A_46 = arith.constant 64 : i32
      %mul3A_47 = vector.broadcast %scan3A_3 : f32 to vector<16xf32>
      %mul3A_48 = arith.mulf %scan3A_45, %mul3A_47 : vector<16xf32>
      %reduce_max3A_49 = arith.constant true
      %reduce_max3A_50 = vector.broadcast %reduce_max3A_49 : i1 to vector<16xi1>
      %reduce_max3A_51 = tpu.scan <max>, %mul3A_48 masked %reduce_max3A_50 : vector<16xf32>, vector<16xi1> -> vector<16xf32>
      %reduce_max3A_52 = vector.extract %reduce_max3A_51[15] : f32 from vector<16xf32>
      %sub3A_53 = vector.broadcast %reduce_max3A_52 : f32 to vector<16xf32>
      %sub3A_54 = arith.subf %mul3A_48, %sub3A_53 : vector<16xf32>
      %exp3A_55 = math.exp %sub3A_54 : vector<16xf32>
      %reduce_sum3A_56 = arith.constant true
      %reduce_sum3A_57 = vector.broadcast %reduce_sum3A_56 : i1 to vector<16xi1>
      %reduce_sum3A_58 = tpu.scan <sum>, %exp3A_55 masked %reduce_sum3A_57 : vector<16xf32>, vector<16xi1> -> vector<16xf32>
      %reduce_sum3A_59 = vector.extract %reduce_sum3A_58[15] : f32 from vector<16xf32>
      %div3A_60 = vector.broadcast %reduce_sum3A_59 : f32 to vector<16xf32>
      %div3A_61 = arith.divf %exp3A_55, %div3A_60 : vector<16xf32>
      %swap3A_62 = arith.constant 16 : index
      %swap3A_63 = tpu.vector_load %arg11[%swap3A_62] {strides = array<i32>} : memref<256xf32, #tpu.memory_space<vmem>>, vector<16xf32>,
      tpu.vector_store %arg11[%swap3A_62], %div3A_61 {strides = array<i32>} : memref<256xf32, #tpu.memory_space<vmem>>, vector<16xf32>,
      %broadcast_in_dim3A_64 = arith.constant 0.000000e+00 : f32
      %broadcast_in_dim3A_65 = vector.broadcast %broadcast_in_dim3A_64 : f32 to vector<16xf32>
      %scan3A_66 = arith.constant 0 : i32
      %scan3A_67 = arith.constant 64 : i32
      %scan3A_68 = arith.addi %scan3A_66, %scan3A_67 : i32
      %scan3A_69 = arith.constant 8 : i32
      %scan3A_70 = scf.for %scan3A_420 = %scan3A_66 to %scan3A_68 step %scan3A_69 iter_args(%scan3A_421 = %broadcast_in_dim3A_65) -> (vector<16xf32>)  : i32 {
        %add3A_422 = arith.constant 128 : i32
        %add3A_423 = arith.addi %add3A_422, %scan3A_420 : i32
        %broadcast_in_dim3A_424 = vector.broadcast %add3A_423 : i32 to vector<16xi32>
        %gather3A = tpu.vector_load_idx %arg8[%iota3A, %broadcast_in_dim3A_424] : memref<16x1024xf32, #tpu.memory_space<vmem>>[vector<16xi32>, vector<16xi32>], vector<16xf32>,
        %gather3A_425 = tpu.vector_load_idx %arg10[%broadcast_in_dim3A_424] : memref<1024xf32, #tpu.memory_space<vmem>>[vector<16xi32>], vector<16xf32>,
        %mul3A_426 = arith.mulf %gather3A_425, %gather3A : vector<16xf32>
        %add3A_427 = arith.addf %scan3A_421, %mul3A_426 : vector<16xf32>
        %scan3A_428 = arith.constant 1 : i32
        %scan3A_429 = arith.addi %scan3A_420, %scan3A_428 : i32
        %add3A_430 = arith.constant 128 : i32
        %add3A_431 = arith.addi %add3A_430, %scan3A_429 : i32
        %broadcast_in_dim3A_432 = vector.broadcast %add3A_431 : i32 to vector<16xi32>
        %gather3A_433 = tpu.vector_load_idx %arg8[%iota3A, %broadcast_in_dim3A_432] : memref<16x1024xf32, #tpu.memory_space<vmem>>[vector<16xi32>, vector<16xi32>], vector<16xf32>,
        %gather3A_434 = tpu.vector_load_idx %arg10[%broadcast_in_dim3A_432] : memref<1024xf32, #tpu.memory_space<vmem>>[vector<16xi32>], vector<16xf32>,
        %mul3A_435 = arith.mulf %gather3A_434, %gather3A_433 : vector<16xf32>
        %add3A_436 = arith.addf %add3A_427, %mul3A_435 : vector<16xf32>
        %scan3A_437 = arith.constant 2 : i32
        %scan3A_438 = arith.addi %scan3A_420, %scan3A_437 : i32
        %add3A_439 = arith.constant 128 : i32
        %add3A_440 = arith.addi %add3A_439, %scan3A_438 : i32
        %broadcast_in_dim3A_441 = vector.broadcast %add3A_440 : i32 to vector<16xi32>
        %gather3A_442 = tpu.vector_load_idx %arg8[%iota3A, %broadcast_in_dim3A_441] : memref<16x1024xf32, #tpu.memory_space<vmem>>[vector<16xi32>, vector<16xi32>], vector<16xf32>,
        %gather3A_443 = tpu.vector_load_idx %arg10[%broadcast_in_dim3A_441] : memref<1024xf32, #tpu.memory_space<vmem>>[vector<16xi32>], vector<16xf32>,
        %mul3A_444 = arith.mulf %gather3A_443, %gather3A_442 : vector<16xf32>
        %add3A_445 = arith.addf %add3A_436, %mul3A_444 : vector<16xf32>
        %scan3A_446 = arith.constant 3 : i32
        %scan3A_447 = arith.addi %scan3A_420, %scan3A_446 : i32
        %add3A_448 = arith.constant 128 : i32
        %add3A_449 = arith.addi %add3A_448, %scan3A_447 : i32
        %broadcast_in_dim3A_450 = vector.broadcast %add3A_449 : i32 to vector<16xi32>
        %gather3A_451 = tpu.vector_load_idx %arg8[%iota3A, %broadcast_in_dim3A_450] : memref<16x1024xf32, #tpu.memory_space<vmem>>[vector<16xi32>, vector<16xi32>], vector<16xf32>,
        %gather3A_452 = tpu.vector_load_idx %arg10[%broadcast_in_dim3A_450] : memref<1024xf32, #tpu.memory_space<vmem>>[vector<16xi32>], vector<16xf32>,
        %mul3A_453 = arith.mulf %gather3A_452, %gather3A_451 : vector<16xf32>
        %add3A_454 = arith.addf %add3A_445, %mul3A_453 : vector<16xf32>
        %scan3A_455 = arith.constant 4 : i32
        %scan3A_456 = arith.addi %scan3A_420, %scan3A_455 : i32
        %add3A_457 = arith.constant 128 : i32
        %add3A_458 = arith.addi %add3A_457, %scan3A_456 : i32
        %broadcast_in_dim3A_459 = vector.broadcast %add3A_458 : i32 to vector<16xi32>
        %gather3A_460 = tpu.vector_load_idx %arg8[%iota3A, %broadcast_in_dim3A_459] : memref<16x1024xf32, #tpu.memory_space<vmem>>[vector<16xi32>, vector<16xi32>], vector<16xf32>,
        %gather3A_461 = tpu.vector_load_idx %arg10[%broadcast_in_dim3A_459] : memref<1024xf32, #tpu.memory_space<vmem>>[vector<16xi32>], vector<16xf32>,
        %mul3A_462 = arith.mulf %gather3A_461, %gather3A_460 : vector<16xf32>
        %add3A_463 = arith.addf %add3A_454, %mul3A_462 : vector<16xf32>
        %scan3A_464 = arith.constant 5 : i32
        %scan3A_465 = arith.addi %scan3A_420, %scan3A_464 : i32
        %add3A_466 = arith.constant 128 : i32
        %add3A_467 = arith.addi %add3A_466, %scan3A_465 : i32
        %broadcast_in_dim3A_468 = vector.broadcast %add3A_467 : i32 to vector<16xi32>
        %gather3A_469 = tpu.vector_load_idx %arg8[%iota3A, %broadcast_in_dim3A_468] : memref<16x1024xf32, #tpu.memory_space<vmem>>[vector<16xi32>, vector<16xi32>], vector<16xf32>,
        %gather3A_470 = tpu.vector_load_idx %arg10[%broadcast_in_dim3A_468] : memref<1024xf32, #tpu.memory_space<vmem>>[vector<16xi32>], vector<16xf32>,
        %mul3A_471 = arith.mulf %gather3A_470, %gather3A_469 : vector<16xf32>
        %add3A_472 = arith.addf %add3A_463, %mul3A_471 : vector<16xf32>
        %scan3A_473 = arith.constant 6 : i32
        %scan3A_474 = arith.addi %scan3A_420, %scan3A_473 : i32
        %add3A_475 = arith.constant 128 : i32
        %add3A_476 = arith.addi %add3A_475, %scan3A_474 : i32
        %broadcast_in_dim3A_477 = vector.broadcast %add3A_476 : i32 to vector<16xi32>
        %gather3A_478 = tpu.vector_load_idx %arg8[%iota3A, %broadcast_in_dim3A_477] : memref<16x1024xf32, #tpu.memory_space<vmem>>[vector<16xi32>, vector<16xi32>], vector<16xf32>,
        %gather3A_479 = tpu.vector_load_idx %arg10[%broadcast_in_dim3A_477] : memref<1024xf32, #tpu.memory_space<vmem>>[vector<16xi32>], vector<16xf32>,
        %mul3A_480 = arith.mulf %gather3A_479, %gather3A_478 : vector<16xf32>
        %add3A_481 = arith.addf %add3A_472, %mul3A_480 : vector<16xf32>
        %scan3A_482 = arith.constant 7 : i32
        %scan3A_483 = arith.addi %scan3A_420, %scan3A_482 : i32
        %add3A_484 = arith.constant 128 : i32
        %add3A_485 = arith.addi %add3A_484, %scan3A_483 : i32
        %broadcast_in_dim3A_486 = vector.broadcast %add3A_485 : i32 to vector<16xi32>
        %gather3A_487 = tpu.vector_load_idx %arg8[%iota3A, %broadcast_in_dim3A_486] : memref<16x1024xf32, #tpu.memory_space<vmem>>[vector<16xi32>, vector<16xi32>], vector<16xf32>,
        %gather3A_488 = tpu.vector_load_idx %arg10[%broadcast_in_dim3A_486] : memref<1024xf32, #tpu.memory_space<vmem>>[vector<16xi32>], vector<16xf32>,
        %mul3A_489 = arith.mulf %gather3A_488, %gather3A_487 : vector<16xf32>
        %add3A_490 = arith.addf %add3A_481, %mul3A_489 : vector<16xf32>
        scf.yield %add3A_490 : vector<16xf32>
      }
      %scan3A_71 = arith.constant 64 : i32
      %mul3A_72 = vector.broadcast %scan3A_3 : f32 to vector<16xf32>
      %mul3A_73 = arith.mulf %scan3A_70, %mul3A_72 : vector<16xf32>
      %reduce_max3A_74 = arith.constant true
      %reduce_max3A_75 = vector.broadcast %reduce_max3A_74 : i1 to vector<16xi1>
      %reduce_max3A_76 = tpu.scan <max>, %mul3A_73 masked %reduce_max3A_75 : vector<16xf32>, vector<16xi1> -> vector<16xf32>
      %reduce_max3A_77 = vector.extract %reduce_max3A_76[15] : f32 from vector<16xf32>
      %sub3A_78 = vector.broadcast %reduce_max3A_77 : f32 to vector<16xf32>
      %sub3A_79 = arith.subf %mul3A_73, %sub3A_78 : vector<16xf32>
      %exp3A_80 = math.exp %sub3A_79 : vector<16xf32>
      %reduce_sum3A_81 = arith.constant true
      %reduce_sum3A_82 = vector.broadcast %reduce_sum3A_81 : i1 to vector<16xi1>
      %reduce_sum3A_83 = tpu.scan <sum>, %exp3A_80 masked %reduce_sum3A_82 : vector<16xf32>, vector<16xi1> -> vector<16xf32>
      %reduce_sum3A_84 = vector.extract %reduce_sum3A_83[15] : f32 from vector<16xf32>
      %div3A_85 = vector.broadcast %reduce_sum3A_84 : f32 to vector<16xf32>
      %div3A_86 = arith.divf %exp3A_80, %div3A_85 : vector<16xf32>
      %swap3A_87 = arith.constant 32 : index
      %swap3A_88 = tpu.vector_load %arg11[%swap3A_87] {strides = array<i32>} : memref<256xf32, #tpu.memory_space<vmem>>, vector<16xf32>,
      tpu.vector_store %arg11[%swap3A_87], %div3A_86 {strides = array<i32>} : memref<256xf32, #tpu.memory_space<vmem>>, vector<16xf32>,
      %broadcast_in_dim3A_89 = arith.constant 0.000000e+00 : f32
      %broadcast_in_dim3A_90 = vector.broadcast %broadcast_in_dim3A_89 : f32 to vector<16xf32>
      %scan3A_91 = arith.constant 0 : i32
      %scan3A_92 = arith.constant 64 : i32
      %scan3A_93 = arith.addi %scan3A_91, %scan3A_92 : i32
      %scan3A_94 = arith.constant 8 : i32
      %scan3A_95 = scf.for %scan3A_420 = %scan3A_91 to %scan3A_93 step %scan3A_94 iter_args(%scan3A_421 = %broadcast_in_dim3A_90) -> (vector<16xf32>)  : i32 {
        %add3A_422 = arith.constant 192 : i32
        %add3A_423 = arith.addi %add3A_422, %scan3A_420 : i32
        %broadcast_in_dim3A_424 = vector.broadcast %add3A_423 : i32 to vector<16xi32>
        %gather3A = tpu.vector_load_idx %arg8[%iota3A, %broadcast_in_dim3A_424] : memref<16x1024xf32, #tpu.memory_space<vmem>>[vector<16xi32>, vector<16xi32>], vector<16xf32>,
        %gather3A_425 = tpu.vector_load_idx %arg10[%broadcast_in_dim3A_424] : memref<1024xf32, #tpu.memory_space<vmem>>[vector<16xi32>], vector<16xf32>,
        %mul3A_426 = arith.mulf %gather3A_425, %gather3A : vector<16xf32>
        %add3A_427 = arith.addf %scan3A_421, %mul3A_426 : vector<16xf32>
        %scan3A_428 = arith.constant 1 : i32
        %scan3A_429 = arith.addi %scan3A_420, %scan3A_428 : i32
        %add3A_430 = arith.constant 192 : i32
        %add3A_431 = arith.addi %add3A_430, %scan3A_429 : i32
        %broadcast_in_dim3A_432 = vector.broadcast %add3A_431 : i32 to vector<16xi32>
        %gather3A_433 = tpu.vector_load_idx %arg8[%iota3A, %broadcast_in_dim3A_432] : memref<16x1024xf32, #tpu.memory_space<vmem>>[vector<16xi32>, vector<16xi32>], vector<16xf32>,
        %gather3A_434 = tpu.vector_load_idx %arg10[%broadcast_in_dim3A_432] : memref<1024xf32, #tpu.memory_space<vmem>>[vector<16xi32>], vector<16xf32>,
        %mul3A_435 = arith.mulf %gather3A_434, %gather3A_433 : vector<16xf32>
        %add3A_436 = arith.addf %add3A_427, %mul3A_435 : vector<16xf32>
        %scan3A_437 = arith.constant 2 : i32
        %scan3A_438 = arith.addi %scan3A_420, %scan3A_437 : i32
        %add3A_439 = arith.constant 192 : i32
        %add3A_440 = arith.addi %add3A_439, %scan3A_438 : i32
        %broadcast_in_dim3A_441 = vector.broadcast %add3A_440 : i32 to vector<16xi32>
        %gather3A_442 = tpu.vector_load_idx %arg8[%iota3A, %broadcast_in_dim3A_441] : memref<16x1024xf32, #tpu.memory_space<vmem>>[vector<16xi32>, vector<16xi32>], vector<16xf32>,
        %gather3A_443 = tpu.vector_load_idx %arg10[%broadcast_in_dim3A_441] : memref<1024xf32, #tpu.memory_space<vmem>>[vector<16xi32>], vector<16xf32>,
        %mul3A_444 = arith.mulf %gather3A_443, %gather3A_442 : vector<16xf32>
        %add3A_445 = arith.addf %add3A_436, %mul3A_444 : vector<16xf32>
        %scan3A_446 = arith.constant 3 : i32
        %scan3A_447 = arith.addi %scan3A_420, %scan3A_446 : i32
        %add3A_448 = arith.constant 192 : i32
        %add3A_449 = arith.addi %add3A_448, %scan3A_447 : i32
        %broadcast_in_dim3A_450 = vector.broadcast %add3A_449 : i32 to vector<16xi32>
        %gather3A_451 = tpu.vector_load_idx %arg8[%iota3A, %broadcast_in_dim3A_450] : memref<16x1024xf32, #tpu.memory_space<vmem>>[vector<16xi32>, vector<16xi32>], vector<16xf32>,
        %gather3A_452 = tpu.vector_load_idx %arg10[%broadcast_in_dim3A_450] : memref<1024xf32, #tpu.memory_space<vmem>>[vector<16xi32>], vector<16xf32>,
        %mul3A_453 = arith.mulf %gather3A_452, %gather3A_451 : vector<16xf32>
        %add3A_454 = arith.addf %add3A_445, %mul3A_453 : vector<16xf32>
        %scan3A_455 = arith.constant 4 : i32
        %scan3A_456 = arith.addi %scan3A_420, %scan3A_455 : i32
        %add3A_457 = arith.constant 192 : i32
        %add3A_458 = arith.addi %add3A_457, %scan3A_456 : i32
        %broadcast_in_dim3A_459 = vector.broadcast %add3A_458 : i32 to vector<16xi32>
        %gather3A_460 = tpu.vector_load_idx %arg8[%iota3A, %broadcast_in_dim3A_459] : memref<16x1024xf32, #tpu.memory_space<vmem>>[vector<16xi32>, vector<16xi32>], vector<16xf32>,
        %gather3A_461 = tpu.vector_load_idx %arg10[%broadcast_in_dim3A_459] : memref<1024xf32, #tpu.memory_space<vmem>>[vector<16xi32>], vector<16xf32>,
        %mul3A_462 = arith.mulf %gather3A_461, %gather3A_460 : vector<16xf32>
        %add3A_463 = arith.addf %add3A_454, %mul3A_462 : vector<16xf32>
        %scan3A_464 = arith.constant 5 : i32
        %scan3A_465 = arith.addi %scan3A_420, %scan3A_464 : i32
        %add3A_466 = arith.constant 192 : i32
        %add3A_467 = arith.addi %add3A_466, %scan3A_465 : i32
        %broadcast_in_dim3A_468 = vector.broadcast %add3A_467 : i32 to vector<16xi32>
        %gather3A_469 = tpu.vector_load_idx %arg8[%iota3A, %broadcast_in_dim3A_468] : memref<16x1024xf32, #tpu.memory_space<vmem>>[vector<16xi32>, vector<16xi32>], vector<16xf32>,
        %gather3A_470 = tpu.vector_load_idx %arg10[%broadcast_in_dim3A_468] : memref<1024xf32, #tpu.memory_space<vmem>>[vector<16xi32>], vector<16xf32>,
        %mul3A_471 = arith.mulf %gather3A_470, %gather3A_469 : vector<16xf32>
        %add3A_472 = arith.addf %add3A_463, %mul3A_471 : vector<16xf32>
        %scan3A_473 = arith.constant 6 : i32
        %scan3A_474 = arith.addi %scan3A_420, %scan3A_473 : i32
        %add3A_475 = arith.constant 192 : i32
        %add3A_476 = arith.addi %add3A_475, %scan3A_474 : i32
        %broadcast_in_dim3A_477 = vector.broadcast %add3A_476 : i32 to vector<16xi32>
        %gather3A_478 = tpu.vector_load_idx %arg8[%iota3A, %broadcast_in_dim3A_477] : memref<16x1024xf32, #tpu.memory_space<vmem>>[vector<16xi32>, vector<16xi32>], vector<16xf32>,
        %gather3A_479 = tpu.vector_load_idx %arg10[%broadcast_in_dim3A_477] : memref<1024xf32, #tpu.memory_space<vmem>>[vector<16xi32>], vector<16xf32>,
        %mul3A_480 = arith.mulf %gather3A_479, %gather3A_478 : vector<16xf32>
        %add3A_481 = arith.addf %add3A_472, %mul3A_480 : vector<16xf32>
        %scan3A_482 = arith.constant 7 : i32
        %scan3A_483 = arith.addi %scan3A_420, %scan3A_482 : i32
        %add3A_484 = arith.constant 192 : i32
        %add3A_485 = arith.addi %add3A_484, %scan3A_483 : i32
        %broadcast_in_dim3A_486 = vector.broadcast %add3A_485 : i32 to vector<16xi32>
        %gather3A_487 = tpu.vector_load_idx %arg8[%iota3A, %broadcast_in_dim3A_486] : memref<16x1024xf32, #tpu.memory_space<vmem>>[vector<16xi32>, vector<16xi32>], vector<16xf32>,
        %gather3A_488 = tpu.vector_load_idx %arg10[%broadcast_in_dim3A_486] : memref<1024xf32, #tpu.memory_space<vmem>>[vector<16xi32>], vector<16xf32>,
        %mul3A_489 = arith.mulf %gather3A_488, %gather3A_487 : vector<16xf32>
        %add3A_490 = arith.addf %add3A_481, %mul3A_489 : vector<16xf32>
        scf.yield %add3A_490 : vector<16xf32>
      }
      %scan3A_96 = arith.constant 64 : i32
      %mul3A_97 = vector.broadcast %scan3A_3 : f32 to vector<16xf32>
      %mul3A_98 = arith.mulf %scan3A_95, %mul3A_97 : vector<16xf32>
      %reduce_max3A_99 = arith.constant true
      %reduce_max3A_100 = vector.broadcast %reduce_max3A_99 : i1 to vector<16xi1>
      %reduce_max3A_101 = tpu.scan <max>, %mul3A_98 masked %reduce_max3A_100 : vector<16xf32>, vector<16xi1> -> vector<16xf32>
      %reduce_max3A_102 = vector.extract %reduce_max3A_101[15] : f32 from vector<16xf32>
      %sub3A_103 = vector.broadcast %reduce_max3A_102 : f32 to vector<16xf32>
      %sub3A_104 = arith.subf %mul3A_98, %sub3A_103 : vector<16xf32>
      %exp3A_105 = math.exp %sub3A_104 : vector<16xf32>
      %reduce_sum3A_106 = arith.constant true
      %reduce_sum3A_107 = vector.broadcast %reduce_sum3A_106 : i1 to vector<16xi1>
      %reduce_sum3A_108 = tpu.scan <sum>, %exp3A_105 masked %reduce_sum3A_107 : vector<16xf32>, vector<16xi1> -> vector<16xf32>
      %reduce_sum3A_109 = vector.extract %reduce_sum3A_108[15] : f32 from vector<16xf32>
      %div3A_110 = vector.broadcast %reduce_sum3A_109 : f32 to vector<16xf32>
      %div3A_111 = arith.divf %exp3A_105, %div3A_110 : vector<16xf32>
      %swap3A_112 = arith.constant 48 : index
      %swap3A_113 = tpu.vector_load %arg11[%swap3A_112] {strides = array<i32>} : memref<256xf32, #tpu.memory_space<vmem>>, vector<16xf32>,
      tpu.vector_store %arg11[%swap3A_112], %div3A_111 {strides = array<i32>} : memref<256xf32, #tpu.memory_space<vmem>>, vector<16xf32>,
      %broadcast_in_dim3A_114 = arith.constant 0.000000e+00 : f32
      %broadcast_in_dim3A_115 = vector.broadcast %broadcast_in_dim3A_114 : f32 to vector<16xf32>
      %scan3A_116 = arith.constant 0 : i32
      %scan3A_117 = arith.constant 64 : i32
      %scan3A_118 = arith.addi %scan3A_116, %scan3A_117 : i32
      %scan3A_119 = arith.constant 8 : i32
      %scan3A_120 = scf.for %scan3A_420 = %scan3A_116 to %scan3A_118 step %scan3A_119 iter_args(%scan3A_421 = %broadcast_in_dim3A_115) -> (vector<16xf32>)  : i32 {
        %add3A_422 = arith.constant 256 : i32
        %add3A_423 = arith.addi %add3A_422, %scan3A_420 : i32
        %broadcast_in_dim3A_424 = vector.broadcast %add3A_423 : i32 to vector<16xi32>
        %gather3A = tpu.vector_load_idx %arg8[%iota3A, %broadcast_in_dim3A_424] : memref<16x1024xf32, #tpu.memory_space<vmem>>[vector<16xi32>, vector<16xi32>], vector<16xf32>,
        %gather3A_425 = tpu.vector_load_idx %arg10[%broadcast_in_dim3A_424] : memref<1024xf32, #tpu.memory_space<vmem>>[vector<16xi32>], vector<16xf32>,
        %mul3A_426 = arith.mulf %gather3A_425, %gather3A : vector<16xf32>
        %add3A_427 = arith.addf %scan3A_421, %mul3A_426 : vector<16xf32>
        %scan3A_428 = arith.constant 1 : i32
        %scan3A_429 = arith.addi %scan3A_420, %scan3A_428 : i32
        %add3A_430 = arith.constant 256 : i32
        %add3A_431 = arith.addi %add3A_430, %scan3A_429 : i32
        %broadcast_in_dim3A_432 = vector.broadcast %add3A_431 : i32 to vector<16xi32>
        %gather3A_433 = tpu.vector_load_idx %arg8[%iota3A, %broadcast_in_dim3A_432] : memref<16x1024xf32, #tpu.memory_space<vmem>>[vector<16xi32>, vector<16xi32>], vector<16xf32>,
        %gather3A_434 = tpu.vector_load_idx %arg10[%broadcast_in_dim3A_432] : memref<1024xf32, #tpu.memory_space<vmem>>[vector<16xi32>], vector<16xf32>,
        %mul3A_435 = arith.mulf %gather3A_434, %gather3A_433 : vector<16xf32>
        %add3A_436 = arith.addf %add3A_427, %mul3A_435 : vector<16xf32>
        %scan3A_437 = arith.constant 2 : i32
        %scan3A_438 = arith.addi %scan3A_420, %scan3A_437 : i32
        %add3A_439 = arith.constant 256 : i32
        %add3A_440 = arith.addi %add3A_439, %scan3A_438 : i32
        %broadcast_in_dim3A_441 = vector.broadcast %add3A_440 : i32 to vector<16xi32>
        %gather3A_442 = tpu.vector_load_idx %arg8[%iota3A, %broadcast_in_dim3A_441] : memref<16x1024xf32, #tpu.memory_space<vmem>>[vector<16xi32>, vector<16xi32>], vector<16xf32>,
        %gather3A_443 = tpu.vector_load_idx %arg10[%broadcast_in_dim3A_441] : memref<1024xf32, #tpu.memory_space<vmem>>[vector<16xi32>], vector<16xf32>,
        %mul3A_444 = arith.mulf %gather3A_443, %gather3A_442 : vector<16xf32>
        %add3A_445 = arith.addf %add3A_436, %mul3A_444 : vector<16xf32>
        %scan3A_446 = arith.constant 3 : i32
        %scan3A_447 = arith.addi %scan3A_420, %scan3A_446 : i32
        %add3A_448 = arith.constant 256 : i32
        %add3A_449 = arith.addi %add3A_448, %scan3A_447 : i32
        %broadcast_in_dim3A_450 = vector.broadcast %add3A_449 : i32 to vector<16xi32>
        %gather3A_451 = tpu.vector_load_idx %arg8[%iota3A, %broadcast_in_dim3A_450] : memref<16x1024xf32, #tpu.memory_space<vmem>>[vector<16xi32>, vector<16xi32>], vector<16xf32>,
        %gather3A_452 = tpu.vector_load_idx %arg10[%broadcast_in_dim3A_450] : memref<1024xf32, #tpu.memory_space<vmem>>[vector<16xi32>], vector<16xf32>,
        %mul3A_453 = arith.mulf %gather3A_452, %gather3A_451 : vector<16xf32>
        %add3A_454 = arith.addf %add3A_445, %mul3A_453 : vector<16xf32>
        %scan3A_455 = arith.constant 4 : i32
        %scan3A_456 = arith.addi %scan3A_420, %scan3A_455 : i32
        %add3A_457 = arith.constant 256 : i32
        %add3A_458 = arith.addi %add3A_457, %scan3A_456 : i32
        %broadcast_in_dim3A_459 = vector.broadcast %add3A_458 : i32 to vector<16xi32>
        %gather3A_460 = tpu.vector_load_idx %arg8[%iota3A, %broadcast_in_dim3A_459] : memref<16x1024xf32, #tpu.memory_space<vmem>>[vector<16xi32>, vector<16xi32>], vector<16xf32>,
        %gather3A_461 = tpu.vector_load_idx %arg10[%broadcast_in_dim3A_459] : memref<1024xf32, #tpu.memory_space<vmem>>[vector<16xi32>], vector<16xf32>,
        %mul3A_462 = arith.mulf %gather3A_461, %gather3A_460 : vector<16xf32>
        %add3A_463 = arith.addf %add3A_454, %mul3A_462 : vector<16xf32>
        %scan3A_464 = arith.constant 5 : i32
        %scan3A_465 = arith.addi %scan3A_420, %scan3A_464 : i32
        %add3A_466 = arith.constant 256 : i32
        %add3A_467 = arith.addi %add3A_466, %scan3A_465 : i32
        %broadcast_in_dim3A_468 = vector.broadcast %add3A_467 : i32 to vector<16xi32>
        %gather3A_469 = tpu.vector_load_idx %arg8[%iota3A, %broadcast_in_dim3A_468] : memref<16x1024xf32, #tpu.memory_space<vmem>>[vector<16xi32>, vector<16xi32>], vector<16xf32>,
        %gather3A_470 = tpu.vector_load_idx %arg10[%broadcast_in_dim3A_468] : memref<1024xf32, #tpu.memory_space<vmem>>[vector<16xi32>], vector<16xf32>,
        %mul3A_471 = arith.mulf %gather3A_470, %gather3A_469 : vector<16xf32>
        %add3A_472 = arith.addf %add3A_463, %mul3A_471 : vector<16xf32>
        %scan3A_473 = arith.constant 6 : i32
        %scan3A_474 = arith.addi %scan3A_420, %scan3A_473 : i32
        %add3A_475 = arith.constant 256 : i32
        %add3A_476 = arith.addi %add3A_475, %scan3A_474 : i32
        %broadcast_in_dim3A_477 = vector.broadcast %add3A_476 : i32 to vector<16xi32>
        %gather3A_478 = tpu.vector_load_idx %arg8[%iota3A, %broadcast_in_dim3A_477] : memref<16x1024xf32, #tpu.memory_space<vmem>>[vector<16xi32>, vector<16xi32>], vector<16xf32>,
        %gather3A_479 = tpu.vector_load_idx %arg10[%broadcast_in_dim3A_477] : memref<1024xf32, #tpu.memory_space<vmem>>[vector<16xi32>], vector<16xf32>,
        %mul3A_480 = arith.mulf %gather3A_479, %gather3A_478 : vector<16xf32>
        %add3A_481 = arith.addf %add3A_472, %mul3A_480 : vector<16xf32>
        %scan3A_482 = arith.constant 7 : i32
        %scan3A_483 = arith.addi %scan3A_420, %scan3A_482 : i32
        %add3A_484 = arith.constant 256 : i32
        %add3A_485 = arith.addi %add3A_484, %scan3A_483 : i32
        %broadcast_in_dim3A_486 = vector.broadcast %add3A_485 : i32 to vector<16xi32>
        %gather3A_487 = tpu.vector_load_idx %arg8[%iota3A, %broadcast_in_dim3A_486] : memref<16x1024xf32, #tpu.memory_space<vmem>>[vector<16xi32>, vector<16xi32>], vector<16xf32>,
        %gather3A_488 = tpu.vector_load_idx %arg10[%broadcast_in_dim3A_486] : memref<1024xf32, #tpu.memory_space<vmem>>[vector<16xi32>], vector<16xf32>,
        %mul3A_489 = arith.mulf %gather3A_488, %gather3A_487 : vector<16xf32>
        %add3A_490 = arith.addf %add3A_481, %mul3A_489 : vector<16xf32>
        scf.yield %add3A_490 : vector<16xf32>
      }
      %scan3A_121 = arith.constant 64 : i32
      %mul3A_122 = vector.broadcast %scan3A_3 : f32 to vector<16xf32>
      %mul3A_123 = arith.mulf %scan3A_120, %mul3A_122 : vector<16xf32>
      %reduce_max3A_124 = arith.constant true
      %reduce_max3A_125 = vector.broadcast %reduce_max3A_124 : i1 to vector<16xi1>
      %reduce_max3A_126 = tpu.scan <max>, %mul3A_123 masked %reduce_max3A_125 : vector<16xf32>, vector<16xi1> -> vector<16xf32>
      %reduce_max3A_127 = vector.extract %reduce_max3A_126[15] : f32 from vector<16xf32>
      %sub3A_128 = vector.broadcast %reduce_max3A_127 : f32 to vector<16xf32>
      %sub3A_129 = arith.subf %mul3A_123, %sub3A_128 : vector<16xf32>
      %exp3A_130 = math.exp %sub3A_129 : vector<16xf32>
      %reduce_sum3A_131 = arith.constant true
      %reduce_sum3A_132 = vector.broadcast %reduce_sum3A_131 : i1 to vector<16xi1>
      %reduce_sum3A_133 = tpu.scan <sum>, %exp3A_130 masked %reduce_sum3A_132 : vector<16xf32>, vector<16xi1> -> vector<16xf32>
      %reduce_sum3A_134 = vector.extract %reduce_sum3A_133[15] : f32 from vector<16xf32>
      %div3A_135 = vector.broadcast %reduce_sum3A_134 : f32 to vector<16xf32>
      %div3A_136 = arith.divf %exp3A_130, %div3A_135 : vector<16xf32>
      %swap3A_137 = arith.constant 64 : index
      %swap3A_138 = tpu.vector_load %arg11[%swap3A_137] {strides = array<i32>} : memref<256xf32, #tpu.memory_space<vmem>>, vector<16xf32>,
      tpu.vector_store %arg11[%swap3A_137], %div3A_136 {strides = array<i32>} : memref<256xf32, #tpu.memory_space<vmem>>, vector<16xf32>,
      %broadcast_in_dim3A_139 = arith.constant 0.000000e+00 : f32
      %broadcast_in_dim3A_140 = vector.broadcast %broadcast_in_dim3A_139 : f32 to vector<16xf32>
      %scan3A_141 = arith.constant 0 : i32
      %scan3A_142 = arith.constant 64 : i32
      %scan3A_143 = arith.addi %scan3A_141, %scan3A_142 : i32
      %scan3A_144 = arith.constant 8 : i32
      %scan3A_145 = scf.for %scan3A_420 = %scan3A_141 to %scan3A_143 step %scan3A_144 iter_args(%scan3A_421 = %broadcast_in_dim3A_140) -> (vector<16xf32>)  : i32 {
        %add3A_422 = arith.constant 320 : i32
        %add3A_423 = arith.addi %add3A_422, %scan3A_420 : i32
        %broadcast_in_dim3A_424 = vector.broadcast %add3A_423 : i32 to vector<16xi32>
        %gather3A = tpu.vector_load_idx %arg8[%iota3A, %broadcast_in_dim3A_424] : memref<16x1024xf32, #tpu.memory_space<vmem>>[vector<16xi32>, vector<16xi32>], vector<16xf32>,
        %gather3A_425 = tpu.vector_load_idx %arg10[%broadcast_in_dim3A_424] : memref<1024xf32, #tpu.memory_space<vmem>>[vector<16xi32>], vector<16xf32>,
        %mul3A_426 = arith.mulf %gather3A_425, %gather3A : vector<16xf32>
        %add3A_427 = arith.addf %scan3A_421, %mul3A_426 : vector<16xf32>
        %scan3A_428 = arith.constant 1 : i32
        %scan3A_429 = arith.addi %scan3A_420, %scan3A_428 : i32
        %add3A_430 = arith.constant 320 : i32
        %add3A_431 = arith.addi %add3A_430, %scan3A_429 : i32
        %broadcast_in_dim3A_432 = vector.broadcast %add3A_431 : i32 to vector<16xi32>
        %gather3A_433 = tpu.vector_load_idx %arg8[%iota3A, %broadcast_in_dim3A_432] : memref<16x1024xf32, #tpu.memory_space<vmem>>[vector<16xi32>, vector<16xi32>], vector<16xf32>,
        %gather3A_434 = tpu.vector_load_idx %arg10[%broadcast_in_dim3A_432] : memref<1024xf32, #tpu.memory_space<vmem>>[vector<16xi32>], vector<16xf32>,
        %mul3A_435 = arith.mulf %gather3A_434, %gather3A_433 : vector<16xf32>
        %add3A_436 = arith.addf %add3A_427, %mul3A_435 : vector<16xf32>
        %scan3A_437 = arith.constant 2 : i32
        %scan3A_438 = arith.addi %scan3A_420, %scan3A_437 : i32
        %add3A_439 = arith.constant 320 : i32
        %add3A_440 = arith.addi %add3A_439, %scan3A_438 : i32
        %broadcast_in_dim3A_441 = vector.broadcast %add3A_440 : i32 to vector<16xi32>
        %gather3A_442 = tpu.vector_load_idx %arg8[%iota3A, %broadcast_in_dim3A_441] : memref<16x1024xf32, #tpu.memory_space<vmem>>[vector<16xi32>, vector<16xi32>], vector<16xf32>,
        %gather3A_443 = tpu.vector_load_idx %arg10[%broadcast_in_dim3A_441] : memref<1024xf32, #tpu.memory_space<vmem>>[vector<16xi32>], vector<16xf32>,
        %mul3A_444 = arith.mulf %gather3A_443, %gather3A_442 : vector<16xf32>
        %add3A_445 = arith.addf %add3A_436, %mul3A_444 : vector<16xf32>
        %scan3A_446 = arith.constant 3 : i32
        %scan3A_447 = arith.addi %scan3A_420, %scan3A_446 : i32
        %add3A_448 = arith.constant 320 : i32
        %add3A_449 = arith.addi %add3A_448, %scan3A_447 : i32
        %broadcast_in_dim3A_450 = vector.broadcast %add3A_449 : i32 to vector<16xi32>
        %gather3A_451 = tpu.vector_load_idx %arg8[%iota3A, %broadcast_in_dim3A_450] : memref<16x1024xf32, #tpu.memory_space<vmem>>[vector<16xi32>, vector<16xi32>], vector<16xf32>,
        %gather3A_452 = tpu.vector_load_idx %arg10[%broadcast_in_dim3A_450] : memref<1024xf32, #tpu.memory_space<vmem>>[vector<16xi32>], vector<16xf32>,
        %mul3A_453 = arith.mulf %gather3A_452, %gather3A_451 : vector<16xf32>
        %add3A_454 = arith.addf %add3A_445, %mul3A_453 : vector<16xf32>
        %scan3A_455 = arith.constant 4 : i32
        %scan3A_456 = arith.addi %scan3A_420, %scan3A_455 : i32
        %add3A_457 = arith.constant 320 : i32
        %add3A_458 = arith.addi %add3A_457, %scan3A_456 : i32
        %broadcast_in_dim3A_459 = vector.broadcast %add3A_458 : i32 to vector<16xi32>
        %gather3A_460 = tpu.vector_load_idx %arg8[%iota3A, %broadcast_in_dim3A_459] : memref<16x1024xf32, #tpu.memory_space<vmem>>[vector<16xi32>, vector<16xi32>], vector<16xf32>,
        %gather3A_461 = tpu.vector_load_idx %arg10[%broadcast_in_dim3A_459] : memref<1024xf32, #tpu.memory_space<vmem>>[vector<16xi32>], vector<16xf32>,
        %mul3A_462 = arith.mulf %gather3A_461, %gather3A_460 : vector<16xf32>
        %add3A_463 = arith.addf %add3A_454, %mul3A_462 : vector<16xf32>
        %scan3A_464 = arith.constant 5 : i32
        %scan3A_465 = arith.addi %scan3A_420, %scan3A_464 : i32
        %add3A_466 = arith.constant 320 : i32
        %add3A_467 = arith.addi %add3A_466, %scan3A_465 : i32
        %broadcast_in_dim3A_468 = vector.broadcast %add3A_467 : i32 to vector<16xi32>
        %gather3A_469 = tpu.vector_load_idx %arg8[%iota3A, %broadcast_in_dim3A_468] : memref<16x1024xf32, #tpu.memory_space<vmem>>[vector<16xi32>, vector<16xi32>], vector<16xf32>,
        %gather3A_470 = tpu.vector_load_idx %arg10[%broadcast_in_dim3A_468] : memref<1024xf32, #tpu.memory_space<vmem>>[vector<16xi32>], vector<16xf32>,
        %mul3A_471 = arith.mulf %gather3A_470, %gather3A_469 : vector<16xf32>
        %add3A_472 = arith.addf %add3A_463, %mul3A_471 : vector<16xf32>
        %scan3A_473 = arith.constant 6 : i32
        %scan3A_474 = arith.addi %scan3A_420, %scan3A_473 : i32
        %add3A_475 = arith.constant 320 : i32
        %add3A_476 = arith.addi %add3A_475, %scan3A_474 : i32
        %broadcast_in_dim3A_477 = vector.broadcast %add3A_476 : i32 to vector<16xi32>
        %gather3A_478 = tpu.vector_load_idx %arg8[%iota3A, %broadcast_in_dim3A_477] : memref<16x1024xf32, #tpu.memory_space<vmem>>[vector<16xi32>, vector<16xi32>], vector<16xf32>,
        %gather3A_479 = tpu.vector_load_idx %arg10[%broadcast_in_dim3A_477] : memref<1024xf32, #tpu.memory_space<vmem>>[vector<16xi32>], vector<16xf32>,
        %mul3A_480 = arith.mulf %gather3A_479, %gather3A_478 : vector<16xf32>
        %add3A_481 = arith.addf %add3A_472, %mul3A_480 : vector<16xf32>
        %scan3A_482 = arith.constant 7 : i32
        %scan3A_483 = arith.addi %scan3A_420, %scan3A_482 : i32
        %add3A_484 = arith.constant 320 : i32
        %add3A_485 = arith.addi %add3A_484, %scan3A_483 : i32
        %broadcast_in_dim3A_486 = vector.broadcast %add3A_485 : i32 to vector<16xi32>
        %gather3A_487 = tpu.vector_load_idx %arg8[%iota3A, %broadcast_in_dim3A_486] : memref<16x1024xf32, #tpu.memory_space<vmem>>[vector<16xi32>, vector<16xi32>], vector<16xf32>,
        %gather3A_488 = tpu.vector_load_idx %arg10[%broadcast_in_dim3A_486] : memref<1024xf32, #tpu.memory_space<vmem>>[vector<16xi32>], vector<16xf32>,
        %mul3A_489 = arith.mulf %gather3A_488, %gather3A_487 : vector<16xf32>
        %add3A_490 = arith.addf %add3A_481, %mul3A_489 : vector<16xf32>
        scf.yield %add3A_490 : vector<16xf32>
      }
      %scan3A_146 = arith.constant 64 : i32
      %mul3A_147 = vector.broadcast %scan3A_3 : f32 to vector<16xf32>
      %mul3A_148 = arith.mulf %scan3A_145, %mul3A_147 : vector<16xf32>
      %reduce_max3A_149 = arith.constant true
      %reduce_max3A_150 = vector.broadcast %reduce_max3A_149 : i1 to vector<16xi1>
      %reduce_max3A_151 = tpu.scan <max>, %mul3A_148 masked %reduce_max3A_150 : vector<16xf32>, vector<16xi1> -> vector<16xf32>
      %reduce_max3A_152 = vector.extract %reduce_max3A_151[15] : f32 from vector<16xf32>
      %sub3A_153 = vector.broadcast %reduce_max3A_152 : f32 to vector<16xf32>
      %sub3A_154 = arith.subf %mul3A_148, %sub3A_153 : vector<16xf32>
      %exp3A_155 = math.exp %sub3A_154 : vector<16xf32>
      %reduce_sum3A_156 = arith.constant true
      %reduce_sum3A_157 = vector.broadcast %reduce_sum3A_156 : i1 to vector<16xi1>
      %reduce_sum3A_158 = tpu.scan <sum>, %exp3A_155 masked %reduce_sum3A_157 : vector<16xf32>, vector<16xi1> -> vector<16xf32>
      %reduce_sum3A_159 = vector.extract %reduce_sum3A_158[15] : f32 from vector<16xf32>
      %div3A_160 = vector.broadcast %reduce_sum3A_159 : f32 to vector<16xf32>
      %div3A_161 = arith.divf %exp3A_155, %div3A_160 : vector<16xf32>
      %swap3A_162 = arith.constant 80 : index
      %swap3A_163 = tpu.vector_load %arg11[%swap3A_162] {strides = array<i32>} : memref<256xf32, #tpu.memory_space<vmem>>, vector<16xf32>,
      tpu.vector_store %arg11[%swap3A_162], %div3A_161 {strides = array<i32>} : memref<256xf32, #tpu.memory_space<vmem>>, vector<16xf32>,
      %broadcast_in_dim3A_164 = arith.constant 0.000000e+00 : f32
      %broadcast_in_dim3A_165 = vector.broadcast %broadcast_in_dim3A_164 : f32 to vector<16xf32>
      %scan3A_166 = arith.constant 0 : i32
      %scan3A_167 = arith.constant 64 : i32
      %scan3A_168 = arith.addi %scan3A_166, %scan3A_167 : i32
      %scan3A_169 = arith.constant 8 : i32
      %scan3A_170 = scf.for %scan3A_420 = %scan3A_166 to %scan3A_168 step %scan3A_169 iter_args(%scan3A_421 = %broadcast_in_dim3A_165) -> (vector<16xf32>)  : i32 {
        %add3A_422 = arith.constant 384 : i32
        %add3A_423 = arith.addi %add3A_422, %scan3A_420 : i32
        %broadcast_in_dim3A_424 = vector.broadcast %add3A_423 : i32 to vector<16xi32>
        %gather3A = tpu.vector_load_idx %arg8[%iota3A, %broadcast_in_dim3A_424] : memref<16x1024xf32, #tpu.memory_space<vmem>>[vector<16xi32>, vector<16xi32>], vector<16xf32>,
        %gather3A_425 = tpu.vector_load_idx %arg10[%broadcast_in_dim3A_424] : memref<1024xf32, #tpu.memory_space<vmem>>[vector<16xi32>], vector<16xf32>,
        %mul3A_426 = arith.mulf %gather3A_425, %gather3A : vector<16xf32>
        %add3A_427 = arith.addf %scan3A_421, %mul3A_426 : vector<16xf32>
        %scan3A_428 = arith.constant 1 : i32
        %scan3A_429 = arith.addi %scan3A_420, %scan3A_428 : i32
        %add3A_430 = arith.constant 384 : i32
        %add3A_431 = arith.addi %add3A_430, %scan3A_429 : i32
        %broadcast_in_dim3A_432 = vector.broadcast %add3A_431 : i32 to vector<16xi32>
        %gather3A_433 = tpu.vector_load_idx %arg8[%iota3A, %broadcast_in_dim3A_432] : memref<16x1024xf32, #tpu.memory_space<vmem>>[vector<16xi32>, vector<16xi32>], vector<16xf32>,
        %gather3A_434 = tpu.vector_load_idx %arg10[%broadcast_in_dim3A_432] : memref<1024xf32, #tpu.memory_space<vmem>>[vector<16xi32>], vector<16xf32>,
        %mul3A_435 = arith.mulf %gather3A_434, %gather3A_433 : vector<16xf32>
        %add3A_436 = arith.addf %add3A_427, %mul3A_435 : vector<16xf32>
        %scan3A_437 = arith.constant 2 : i32
        %scan3A_438 = arith.addi %scan3A_420, %scan3A_437 : i32
        %add3A_439 = arith.constant 384 : i32
        %add3A_440 = arith.addi %add3A_439, %scan3A_438 : i32
        %broadcast_in_dim3A_441 = vector.broadcast %add3A_440 : i32 to vector<16xi32>
        %gather3A_442 = tpu.vector_load_idx %arg8[%iota3A, %broadcast_in_dim3A_441] : memref<16x1024xf32, #tpu.memory_space<vmem>>[vector<16xi32>, vector<16xi32>], vector<16xf32>,
        %gather3A_443 = tpu.vector_load_idx %arg10[%broadcast_in_dim3A_441] : memref<1024xf32, #tpu.memory_space<vmem>>[vector<16xi32>], vector<16xf32>,
        %mul3A_444 = arith.mulf %gather3A_443, %gather3A_442 : vector<16xf32>
        %add3A_445 = arith.addf %add3A_436, %mul3A_444 : vector<16xf32>
        %scan3A_446 = arith.constant 3 : i32
        %scan3A_447 = arith.addi %scan3A_420, %scan3A_446 : i32
        %add3A_448 = arith.constant 384 : i32
        %add3A_449 = arith.addi %add3A_448, %scan3A_447 : i32
        %broadcast_in_dim3A_450 = vector.broadcast %add3A_449 : i32 to vector<16xi32>
        %gather3A_451 = tpu.vector_load_idx %arg8[%iota3A, %broadcast_in_dim3A_450] : memref<16x1024xf32, #tpu.memory_space<vmem>>[vector<16xi32>, vector<16xi32>], vector<16xf32>,
        %gather3A_452 = tpu.vector_load_idx %arg10[%broadcast_in_dim3A_450] : memref<1024xf32, #tpu.memory_space<vmem>>[vector<16xi32>], vector<16xf32>,
        %mul3A_453 = arith.mulf %gather3A_452, %gather3A_451 : vector<16xf32>
        %add3A_454 = arith.addf %add3A_445, %mul3A_453 : vector<16xf32>
        %scan3A_455 = arith.constant 4 : i32
        %scan3A_456 = arith.addi %scan3A_420, %scan3A_455 : i32
        %add3A_457 = arith.constant 384 : i32
        %add3A_458 = arith.addi %add3A_457, %scan3A_456 : i32
        %broadcast_in_dim3A_459 = vector.broadcast %add3A_458 : i32 to vector<16xi32>
        %gather3A_460 = tpu.vector_load_idx %arg8[%iota3A, %broadcast_in_dim3A_459] : memref<16x1024xf32, #tpu.memory_space<vmem>>[vector<16xi32>, vector<16xi32>], vector<16xf32>,
        %gather3A_461 = tpu.vector_load_idx %arg10[%broadcast_in_dim3A_459] : memref<1024xf32, #tpu.memory_space<vmem>>[vector<16xi32>], vector<16xf32>,
        %mul3A_462 = arith.mulf %gather3A_461, %gather3A_460 : vector<16xf32>
        %add3A_463 = arith.addf %add3A_454, %mul3A_462 : vector<16xf32>
        %scan3A_464 = arith.constant 5 : i32
        %scan3A_465 = arith.addi %scan3A_420, %scan3A_464 : i32
        %add3A_466 = arith.constant 384 : i32
        %add3A_467 = arith.addi %add3A_466, %scan3A_465 : i32
        %broadcast_in_dim3A_468 = vector.broadcast %add3A_467 : i32 to vector<16xi32>
        %gather3A_469 = tpu.vector_load_idx %arg8[%iota3A, %broadcast_in_dim3A_468] : memref<16x1024xf32, #tpu.memory_space<vmem>>[vector<16xi32>, vector<16xi32>], vector<16xf32>,
        %gather3A_470 = tpu.vector_load_idx %arg10[%broadcast_in_dim3A_468] : memref<1024xf32, #tpu.memory_space<vmem>>[vector<16xi32>], vector<16xf32>,
        %mul3A_471 = arith.mulf %gather3A_470, %gather3A_469 : vector<16xf32>
        %add3A_472 = arith.addf %add3A_463, %mul3A_471 : vector<16xf32>
        %scan3A_473 = arith.constant 6 : i32
        %scan3A_474 = arith.addi %scan3A_420, %scan3A_473 : i32
        %add3A_475 = arith.constant 384 : i32
        %add3A_476 = arith.addi %add3A_475, %scan3A_474 : i32
        %broadcast_in_dim3A_477 = vector.broadcast %add3A_476 : i32 to vector<16xi32>
        %gather3A_478 = tpu.vector_load_idx %arg8[%iota3A, %broadcast_in_dim3A_477] : memref<16x1024xf32, #tpu.memory_space<vmem>>[vector<16xi32>, vector<16xi32>], vector<16xf32>,
        %gather3A_479 = tpu.vector_load_idx %arg10[%broadcast_in_dim3A_477] : memref<1024xf32, #tpu.memory_space<vmem>>[vector<16xi32>], vector<16xf32>,
        %mul3A_480 = arith.mulf %gather3A_479, %gather3A_478 : vector<16xf32>
        %add3A_481 = arith.addf %add3A_472, %mul3A_480 : vector<16xf32>
        %scan3A_482 = arith.constant 7 : i32
        %scan3A_483 = arith.addi %scan3A_420, %scan3A_482 : i32
        %add3A_484 = arith.constant 384 : i32
        %add3A_485 = arith.addi %add3A_484, %scan3A_483 : i32
        %broadcast_in_dim3A_486 = vector.broadcast %add3A_485 : i32 to vector<16xi32>
        %gather3A_487 = tpu.vector_load_idx %arg8[%iota3A, %broadcast_in_dim3A_486] : memref<16x1024xf32, #tpu.memory_space<vmem>>[vector<16xi32>, vector<16xi32>], vector<16xf32>,
        %gather3A_488 = tpu.vector_load_idx %arg10[%broadcast_in_dim3A_486] : memref<1024xf32, #tpu.memory_space<vmem>>[vector<16xi32>], vector<16xf32>,
        %mul3A_489 = arith.mulf %gather3A_488, %gather3A_487 : vector<16xf32>
        %add3A_490 = arith.addf %add3A_481, %mul3A_489 : vector<16xf32>
        scf.yield %add3A_490 : vector<16xf32>
      }
      %scan3A_171 = arith.constant 64 : i32
      %mul3A_172 = vector.broadcast %scan3A_3 : f32 to vector<16xf32>
      %mul3A_173 = arith.mulf %scan3A_170, %mul3A_172 : vector<16xf32>
      %reduce_max3A_174 = arith.constant true
      %reduce_max3A_175 = vector.broadcast %reduce_max3A_174 : i1 to vector<16xi1>
      %reduce_max3A_176 = tpu.scan <max>, %mul3A_173 masked %reduce_max3A_175 : vector<16xf32>, vector<16xi1> -> vector<16xf32>
      %reduce_max3A_177 = vector.extract %reduce_max3A_176[15] : f32 from vector<16xf32>
      %sub3A_178 = vector.broadcast %reduce_max3A_177 : f32 to vector<16xf32>
      %sub3A_179 = arith.subf %mul3A_173, %sub3A_178 : vector<16xf32>
      %exp3A_180 = math.exp %sub3A_179 : vector<16xf32>
      %reduce_sum3A_181 = arith.constant true
      %reduce_sum3A_182 = vector.broadcast %reduce_sum3A_181 : i1 to vector<16xi1>
      %reduce_sum3A_183 = tpu.scan <sum>, %exp3A_180 masked %reduce_sum3A_182 : vector<16xf32>, vector<16xi1> -> vector<16xf32>
      %reduce_sum3A_184 = vector.extract %reduce_sum3A_183[15] : f32 from vector<16xf32>
      %div3A_185 = vector.broadcast %reduce_sum3A_184 : f32 to vector<16xf32>
      %div3A_186 = arith.divf %exp3A_180, %div3A_185 : vector<16xf32>
      %swap3A_187 = arith.constant 96 : index
      %swap3A_188 = tpu.vector_load %arg11[%swap3A_187] {strides = array<i32>} : memref<256xf32, #tpu.memory_space<vmem>>, vector<16xf32>,
      tpu.vector_store %arg11[%swap3A_187], %div3A_186 {strides = array<i32>} : memref<256xf32, #tpu.memory_space<vmem>>, vector<16xf32>,
      %broadcast_in_dim3A_189 = arith.constant 0.000000e+00 : f32
      %broadcast_in_dim3A_190 = vector.broadcast %broadcast_in_dim3A_189 : f32 to vector<16xf32>
      %scan3A_191 = arith.constant 0 : i32
      %scan3A_192 = arith.constant 64 : i32
      %scan3A_193 = arith.addi %scan3A_191, %scan3A_192 : i32
      %scan3A_194 = arith.constant 8 : i32
      %scan3A_195 = scf.for %scan3A_420 = %scan3A_191 to %scan3A_193 step %scan3A_194 iter_args(%scan3A_421 = %broadcast_in_dim3A_190) -> (vector<16xf32>)  : i32 {
        %add3A_422 = arith.constant 448 : i32
        %add3A_423 = arith.addi %add3A_422, %scan3A_420 : i32
        %broadcast_in_dim3A_424 = vector.broadcast %add3A_423 : i32 to vector<16xi32>
        %gather3A = tpu.vector_load_idx %arg8[%iota3A, %broadcast_in_dim3A_424] : memref<16x1024xf32, #tpu.memory_space<vmem>>[vector<16xi32>, vector<16xi32>], vector<16xf32>,
        %gather3A_425 = tpu.vector_load_idx %arg10[%broadcast_in_dim3A_424] : memref<1024xf32, #tpu.memory_space<vmem>>[vector<16xi32>], vector<16xf32>,
        %mul3A_426 = arith.mulf %gather3A_425, %gather3A : vector<16xf32>
        %add3A_427 = arith.addf %scan3A_421, %mul3A_426 : vector<16xf32>
        %scan3A_428 = arith.constant 1 : i32
        %scan3A_429 = arith.addi %scan3A_420, %scan3A_428 : i32
        %add3A_430 = arith.constant 448 : i32
        %add3A_431 = arith.addi %add3A_430, %scan3A_429 : i32
        %broadcast_in_dim3A_432 = vector.broadcast %add3A_431 : i32 to vector<16xi32>
        %gather3A_433 = tpu.vector_load_idx %arg8[%iota3A, %broadcast_in_dim3A_432] : memref<16x1024xf32, #tpu.memory_space<vmem>>[vector<16xi32>, vector<16xi32>], vector<16xf32>,
        %gather3A_434 = tpu.vector_load_idx %arg10[%broadcast_in_dim3A_432] : memref<1024xf32, #tpu.memory_space<vmem>>[vector<16xi32>], vector<16xf32>,
        %mul3A_435 = arith.mulf %gather3A_434, %gather3A_433 : vector<16xf32>
        %add3A_436 = arith.addf %add3A_427, %mul3A_435 : vector<16xf32>
        %scan3A_437 = arith.constant 2 : i32
        %scan3A_438 = arith.addi %scan3A_420, %scan3A_437 : i32
        %add3A_439 = arith.constant 448 : i32
        %add3A_440 = arith.addi %add3A_439, %scan3A_438 : i32
        %broadcast_in_dim3A_441 = vector.broadcast %add3A_440 : i32 to vector<16xi32>
        %gather3A_442 = tpu.vector_load_idx %arg8[%iota3A, %broadcast_in_dim3A_441] : memref<16x1024xf32, #tpu.memory_space<vmem>>[vector<16xi32>, vector<16xi32>], vector<16xf32>,
        %gather3A_443 = tpu.vector_load_idx %arg10[%broadcast_in_dim3A_441] : memref<1024xf32, #tpu.memory_space<vmem>>[vector<16xi32>], vector<16xf32>,
        %mul3A_444 = arith.mulf %gather3A_443, %gather3A_442 : vector<16xf32>
        %add3A_445 = arith.addf %add3A_436, %mul3A_444 : vector<16xf32>
        %scan3A_446 = arith.constant 3 : i32
        %scan3A_447 = arith.addi %scan3A_420, %scan3A_446 : i32
        %add3A_448 = arith.constant 448 : i32
        %add3A_449 = arith.addi %add3A_448, %scan3A_447 : i32
        %broadcast_in_dim3A_450 = vector.broadcast %add3A_449 : i32 to vector<16xi32>
        %gather3A_451 = tpu.vector_load_idx %arg8[%iota3A, %broadcast_in_dim3A_450] : memref<16x1024xf32, #tpu.memory_space<vmem>>[vector<16xi32>, vector<16xi32>], vector<16xf32>,
        %gather3A_452 = tpu.vector_load_idx %arg10[%broadcast_in_dim3A_450] : memref<1024xf32, #tpu.memory_space<vmem>>[vector<16xi32>], vector<16xf32>,
        %mul3A_453 = arith.mulf %gather3A_452, %gather3A_451 : vector<16xf32>
        %add3A_454 = arith.addf %add3A_445, %mul3A_453 : vector<16xf32>
        %scan3A_455 = arith.constant 4 : i32
        %scan3A_456 = arith.addi %scan3A_420, %scan3A_455 : i32
        %add3A_457 = arith.constant 448 : i32
        %add3A_458 = arith.addi %add3A_457, %scan3A_456 : i32
        %broadcast_in_dim3A_459 = vector.broadcast %add3A_458 : i32 to vector<16xi32>
        %gather3A_460 = tpu.vector_load_idx %arg8[%iota3A, %broadcast_in_dim3A_459] : memref<16x1024xf32, #tpu.memory_space<vmem>>[vector<16xi32>, vector<16xi32>], vector<16xf32>,
        %gather3A_461 = tpu.vector_load_idx %arg10[%broadcast_in_dim3A_459] : memref<1024xf32, #tpu.memory_space<vmem>>[vector<16xi32>], vector<16xf32>,
        %mul3A_462 = arith.mulf %gather3A_461, %gather3A_460 : vector<16xf32>
        %add3A_463 = arith.addf %add3A_454, %mul3A_462 : vector<16xf32>
        %scan3A_464 = arith.constant 5 : i32
        %scan3A_465 = arith.addi %scan3A_420, %scan3A_464 : i32
        %add3A_466 = arith.constant 448 : i32
        %add3A_467 = arith.addi %add3A_466, %scan3A_465 : i32
        %broadcast_in_dim3A_468 = vector.broadcast %add3A_467 : i32 to vector<16xi32>
        %gather3A_469 = tpu.vector_load_idx %arg8[%iota3A, %broadcast_in_dim3A_468] : memref<16x1024xf32, #tpu.memory_space<vmem>>[vector<16xi32>, vector<16xi32>], vector<16xf32>,
        %gather3A_470 = tpu.vector_load_idx %arg10[%broadcast_in_dim3A_468] : memref<1024xf32, #tpu.memory_space<vmem>>[vector<16xi32>], vector<16xf32>,
        %mul3A_471 = arith.mulf %gather3A_470, %gather3A_469 : vector<16xf32>
        %add3A_472 = arith.addf %add3A_463, %mul3A_471 : vector<16xf32>
        %scan3A_473 = arith.constant 6 : i32
        %scan3A_474 = arith.addi %scan3A_420, %scan3A_473 : i32
        %add3A_475 = arith.constant 448 : i32
        %add3A_476 = arith.addi %add3A_475, %scan3A_474 : i32
        %broadcast_in_dim3A_477 = vector.broadcast %add3A_476 : i32 to vector<16xi32>
        %gather3A_478 = tpu.vector_load_idx %arg8[%iota3A, %broadcast_in_dim3A_477] : memref<16x1024xf32, #tpu.memory_space<vmem>>[vector<16xi32>, vector<16xi32>], vector<16xf32>,
        %gather3A_479 = tpu.vector_load_idx %arg10[%broadcast_in_dim3A_477] : memref<1024xf32, #tpu.memory_space<vmem>>[vector<16xi32>], vector<16xf32>,
        %mul3A_480 = arith.mulf %gather3A_479, %gather3A_478 : vector<16xf32>
        %add3A_481 = arith.addf %add3A_472, %mul3A_480 : vector<16xf32>
        %scan3A_482 = arith.constant 7 : i32
        %scan3A_483 = arith.addi %scan3A_420, %scan3A_482 : i32
        %add3A_484 = arith.constant 448 : i32
        %add3A_485 = arith.addi %add3A_484, %scan3A_483 : i32
        %broadcast_in_dim3A_486 = vector.broadcast %add3A_485 : i32 to vector<16xi32>
        %gather3A_487 = tpu.vector_load_idx %arg8[%iota3A, %broadcast_in_dim3A_486] : memref<16x1024xf32, #tpu.memory_space<vmem>>[vector<16xi32>, vector<16xi32>], vector<16xf32>,
        %gather3A_488 = tpu.vector_load_idx %arg10[%broadcast_in_dim3A_486] : memref<1024xf32, #tpu.memory_space<vmem>>[vector<16xi32>], vector<16xf32>,
        %mul3A_489 = arith.mulf %gather3A_488, %gather3A_487 : vector<16xf32>
        %add3A_490 = arith.addf %add3A_481, %mul3A_489 : vector<16xf32>
        scf.yield %add3A_490 : vector<16xf32>
      }
      %scan3A_196 = arith.constant 64 : i32
      %mul3A_197 = vector.broadcast %scan3A_3 : f32 to vector<16xf32>
      %mul3A_198 = arith.mulf %scan3A_195, %mul3A_197 : vector<16xf32>
      %reduce_max3A_199 = arith.constant true
      %reduce_max3A_200 = vector.broadcast %reduce_max3A_199 : i1 to vector<16xi1>
      %reduce_max3A_201 = tpu.scan <max>, %mul3A_198 masked %reduce_max3A_200 : vector<16xf32>, vector<16xi1> -> vector<16xf32>
      %reduce_max3A_202 = vector.extract %reduce_max3A_201[15] : f32 from vector<16xf32>
      %sub3A_203 = vector.broadcast %reduce_max3A_202 : f32 to vector<16xf32>
      %sub3A_204 = arith.subf %mul3A_198, %sub3A_203 : vector<16xf32>
      %exp3A_205 = math.exp %sub3A_204 : vector<16xf32>
      %reduce_sum3A_206 = arith.constant true
      %reduce_sum3A_207 = vector.broadcast %reduce_sum3A_206 : i1 to vector<16xi1>
      %reduce_sum3A_208 = tpu.scan <sum>, %exp3A_205 masked %reduce_sum3A_207 : vector<16xf32>, vector<16xi1> -> vector<16xf32>
      %reduce_sum3A_209 = vector.extract %reduce_sum3A_208[15] : f32 from vector<16xf32>
      %div3A_210 = vector.broadcast %reduce_sum3A_209 : f32 to vector<16xf32>
      %div3A_211 = arith.divf %exp3A_205, %div3A_210 : vector<16xf32>
      %swap3A_212 = arith.constant 112 : index
      %swap3A_213 = tpu.vector_load %arg11[%swap3A_212] {strides = array<i32>} : memref<256xf32, #tpu.memory_space<vmem>>, vector<16xf32>,
      tpu.vector_store %arg11[%swap3A_212], %div3A_211 {strides = array<i32>} : memref<256xf32, #tpu.memory_space<vmem>>, vector<16xf32>,
      %broadcast_in_dim3A_214 = arith.constant 0.000000e+00 : f32
      %broadcast_in_dim3A_215 = vector.broadcast %broadcast_in_dim3A_214 : f32 to vector<16xf32>
      %scan3A_216 = arith.constant 0 : i32
      %scan3A_217 = arith.constant 64 : i32
      %scan3A_218 = arith.addi %scan3A_216, %scan3A_217 : i32
      %scan3A_219 = arith.constant 8 : i32
      %scan3A_220 = scf.for %scan3A_420 = %scan3A_216 to %scan3A_218 step %scan3A_219 iter_args(%scan3A_421 = %broadcast_in_dim3A_215) -> (vector<16xf32>)  : i32 {
        %add3A_422 = arith.constant 512 : i32
        %add3A_423 = arith.addi %add3A_422, %scan3A_420 : i32
        %broadcast_in_dim3A_424 = vector.broadcast %add3A_423 : i32 to vector<16xi32>
        %gather3A = tpu.vector_load_idx %arg8[%iota3A, %broadcast_in_dim3A_424] : memref<16x1024xf32, #tpu.memory_space<vmem>>[vector<16xi32>, vector<16xi32>], vector<16xf32>,
        %gather3A_425 = tpu.vector_load_idx %arg10[%broadcast_in_dim3A_424] : memref<1024xf32, #tpu.memory_space<vmem>>[vector<16xi32>], vector<16xf32>,
        %mul3A_426 = arith.mulf %gather3A_425, %gather3A : vector<16xf32>
        %add3A_427 = arith.addf %scan3A_421, %mul3A_426 : vector<16xf32>
        %scan3A_428 = arith.constant 1 : i32
        %scan3A_429 = arith.addi %scan3A_420, %scan3A_428 : i32
        %add3A_430 = arith.constant 512 : i32
        %add3A_431 = arith.addi %add3A_430, %scan3A_429 : i32
        %broadcast_in_dim3A_432 = vector.broadcast %add3A_431 : i32 to vector<16xi32>
        %gather3A_433 = tpu.vector_load_idx %arg8[%iota3A, %broadcast_in_dim3A_432] : memref<16x1024xf32, #tpu.memory_space<vmem>>[vector<16xi32>, vector<16xi32>], vector<16xf32>,
        %gather3A_434 = tpu.vector_load_idx %arg10[%broadcast_in_dim3A_432] : memref<1024xf32, #tpu.memory_space<vmem>>[vector<16xi32>], vector<16xf32>,
        %mul3A_435 = arith.mulf %gather3A_434, %gather3A_433 : vector<16xf32>
        %add3A_436 = arith.addf %add3A_427, %mul3A_435 : vector<16xf32>
        %scan3A_437 = arith.constant 2 : i32
        %scan3A_438 = arith.addi %scan3A_420, %scan3A_437 : i32
        %add3A_439 = arith.constant 512 : i32
        %add3A_440 = arith.addi %add3A_439, %scan3A_438 : i32
        %broadcast_in_dim3A_441 = vector.broadcast %add3A_440 : i32 to vector<16xi32>
        %gather3A_442 = tpu.vector_load_idx %arg8[%iota3A, %broadcast_in_dim3A_441] : memref<16x1024xf32, #tpu.memory_space<vmem>>[vector<16xi32>, vector<16xi32>], vector<16xf32>,
        %gather3A_443 = tpu.vector_load_idx %arg10[%broadcast_in_dim3A_441] : memref<1024xf32, #tpu.memory_space<vmem>>[vector<16xi32>], vector<16xf32>,
        %mul3A_444 = arith.mulf %gather3A_443, %gather3A_442 : vector<16xf32>
        %add3A_445 = arith.addf %add3A_436, %mul3A_444 : vector<16xf32>
        %scan3A_446 = arith.constant 3 : i32
        %scan3A_447 = arith.addi %scan3A_420, %scan3A_446 : i32
        %add3A_448 = arith.constant 512 : i32
        %add3A_449 = arith.addi %add3A_448, %scan3A_447 : i32
        %broadcast_in_dim3A_450 = vector.broadcast %add3A_449 : i32 to vector<16xi32>
        %gather3A_451 = tpu.vector_load_idx %arg8[%iota3A, %broadcast_in_dim3A_450] : memref<16x1024xf32, #tpu.memory_space<vmem>>[vector<16xi32>, vector<16xi32>], vector<16xf32>,
        %gather3A_452 = tpu.vector_load_idx %arg10[%broadcast_in_dim3A_450] : memref<1024xf32, #tpu.memory_space<vmem>>[vector<16xi32>], vector<16xf32>,
        %mul3A_453 = arith.mulf %gather3A_452, %gather3A_451 : vector<16xf32>
        %add3A_454 = arith.addf %add3A_445, %mul3A_453 : vector<16xf32>
        %scan3A_455 = arith.constant 4 : i32
        %scan3A_456 = arith.addi %scan3A_420, %scan3A_455 : i32
        %add3A_457 = arith.constant 512 : i32
        %add3A_458 = arith.addi %add3A_457, %scan3A_456 : i32
        %broadcast_in_dim3A_459 = vector.broadcast %add3A_458 : i32 to vector<16xi32>
        %gather3A_460 = tpu.vector_load_idx %arg8[%iota3A, %broadcast_in_dim3A_459] : memref<16x1024xf32, #tpu.memory_space<vmem>>[vector<16xi32>, vector<16xi32>], vector<16xf32>,
        %gather3A_461 = tpu.vector_load_idx %arg10[%broadcast_in_dim3A_459] : memref<1024xf32, #tpu.memory_space<vmem>>[vector<16xi32>], vector<16xf32>,
        %mul3A_462 = arith.mulf %gather3A_461, %gather3A_460 : vector<16xf32>
        %add3A_463 = arith.addf %add3A_454, %mul3A_462 : vector<16xf32>
        %scan3A_464 = arith.constant 5 : i32
        %scan3A_465 = arith.addi %scan3A_420, %scan3A_464 : i32
        %add3A_466 = arith.constant 512 : i32
        %add3A_467 = arith.addi %add3A_466, %scan3A_465 : i32
        %broadcast_in_dim3A_468 = vector.broadcast %add3A_467 : i32 to vector<16xi32>
        %gather3A_469 = tpu.vector_load_idx %arg8[%iota3A, %broadcast_in_dim3A_468] : memref<16x1024xf32, #tpu.memory_space<vmem>>[vector<16xi32>, vector<16xi32>], vector<16xf32>,
        %gather3A_470 = tpu.vector_load_idx %arg10[%broadcast_in_dim3A_468] : memref<1024xf32, #tpu.memory_space<vmem>>[vector<16xi32>], vector<16xf32>,
        %mul3A_471 = arith.mulf %gather3A_470, %gather3A_469 : vector<16xf32>
        %add3A_472 = arith.addf %add3A_463, %mul3A_471 : vector<16xf32>
        %scan3A_473 = arith.constant 6 : i32
        %scan3A_474 = arith.addi %scan3A_420, %scan3A_473 : i32
        %add3A_475 = arith.constant 512 : i32
        %add3A_476 = arith.addi %add3A_475, %scan3A_474 : i32
        %broadcast_in_dim3A_477 = vector.broadcast %add3A_476 : i32 to vector<16xi32>
        %gather3A_478 = tpu.vector_load_idx %arg8[%iota3A, %broadcast_in_dim3A_477] : memref<16x1024xf32, #tpu.memory_space<vmem>>[vector<16xi32>, vector<16xi32>], vector<16xf32>,
        %gather3A_479 = tpu.vector_load_idx %arg10[%broadcast_in_dim3A_477] : memref<1024xf32, #tpu.memory_space<vmem>>[vector<16xi32>], vector<16xf32>,
        %mul3A_480 = arith.mulf %gather3A_479, %gather3A_478 : vector<16xf32>
        %add3A_481 = arith.addf %add3A_472, %mul3A_480 : vector<16xf32>
        %scan3A_482 = arith.constant 7 : i32
        %scan3A_483 = arith.addi %scan3A_420, %scan3A_482 : i32
        %add3A_484 = arith.constant 512 : i32
        %add3A_485 = arith.addi %add3A_484, %scan3A_483 : i32
        %broadcast_in_dim3A_486 = vector.broadcast %add3A_485 : i32 to vector<16xi32>
        %gather3A_487 = tpu.vector_load_idx %arg8[%iota3A, %broadcast_in_dim3A_486] : memref<16x1024xf32, #tpu.memory_space<vmem>>[vector<16xi32>, vector<16xi32>], vector<16xf32>,
        %gather3A_488 = tpu.vector_load_idx %arg10[%broadcast_in_dim3A_486] : memref<1024xf32, #tpu.memory_space<vmem>>[vector<16xi32>], vector<16xf32>,
        %mul3A_489 = arith.mulf %gather3A_488, %gather3A_487 : vector<16xf32>
        %add3A_490 = arith.addf %add3A_481, %mul3A_489 : vector<16xf32>
        scf.yield %add3A_490 : vector<16xf32>
      }
      %scan3A_221 = arith.constant 64 : i32
      %mul3A_222 = vector.broadcast %scan3A_3 : f32 to vector<16xf32>
      %mul3A_223 = arith.mulf %scan3A_220, %mul3A_222 : vector<16xf32>
      %reduce_max3A_224 = arith.constant true
      %reduce_max3A_225 = vector.broadcast %reduce_max3A_224 : i1 to vector<16xi1>
      %reduce_max3A_226 = tpu.scan <max>, %mul3A_223 masked %reduce_max3A_225 : vector<16xf32>, vector<16xi1> -> vector<16xf32>
      %reduce_max3A_227 = vector.extract %reduce_max3A_226[15] : f32 from vector<16xf32>
      %sub3A_228 = vector.broadcast %reduce_max3A_227 : f32 to vector<16xf32>
      %sub3A_229 = arith.subf %mul3A_223, %sub3A_228 : vector<16xf32>
      %exp3A_230 = math.exp %sub3A_229 : vector<16xf32>
      %reduce_sum3A_231 = arith.constant true
      %reduce_sum3A_232 = vector.broadcast %reduce_sum3A_231 : i1 to vector<16xi1>
      %reduce_sum3A_233 = tpu.scan <sum>, %exp3A_230 masked %reduce_sum3A_232 : vector<16xf32>, vector<16xi1> -> vector<16xf32>
      %reduce_sum3A_234 = vector.extract %reduce_sum3A_233[15] : f32 from vector<16xf32>
      %div3A_235 = vector.broadcast %reduce_sum3A_234 : f32 to vector<16xf32>
      %div3A_236 = arith.divf %exp3A_230, %div3A_235 : vector<16xf32>
      %swap3A_237 = arith.constant 128 : index
      %swap3A_238 = tpu.vector_load %arg11[%swap3A_237] {strides = array<i32>} : memref<256xf32, #tpu.memory_space<vmem>>, vector<16xf32>,
      tpu.vector_store %arg11[%swap3A_237], %div3A_236 {strides = array<i32>} : memref<256xf32, #tpu.memory_space<vmem>>, vector<16xf32>,
      %broadcast_in_dim3A_239 = arith.constant 0.000000e+00 : f32
      %broadcast_in_dim3A_240 = vector.broadcast %broadcast_in_dim3A_239 : f32 to vector<16xf32>
      %scan3A_241 = arith.constant 0 : i32
      %scan3A_242 = arith.constant 64 : i32
      %scan3A_243 = arith.addi %scan3A_241, %scan3A_242 : i32
      %scan3A_244 = arith.constant 8 : i32
      %scan3A_245 = scf.for %scan3A_420 = %scan3A_241 to %scan3A_243 step %scan3A_244 iter_args(%scan3A_421 = %broadcast_in_dim3A_240) -> (vector<16xf32>)  : i32 {
        %add3A_422 = arith.constant 576 : i32
        %add3A_423 = arith.addi %add3A_422, %scan3A_420 : i32
        %broadcast_in_dim3A_424 = vector.broadcast %add3A_423 : i32 to vector<16xi32>
        %gather3A = tpu.vector_load_idx %arg8[%iota3A, %broadcast_in_dim3A_424] : memref<16x1024xf32, #tpu.memory_space<vmem>>[vector<16xi32>, vector<16xi32>], vector<16xf32>,
        %gather3A_425 = tpu.vector_load_idx %arg10[%broadcast_in_dim3A_424] : memref<1024xf32, #tpu.memory_space<vmem>>[vector<16xi32>], vector<16xf32>,
        %mul3A_426 = arith.mulf %gather3A_425, %gather3A : vector<16xf32>
        %add3A_427 = arith.addf %scan3A_421, %mul3A_426 : vector<16xf32>
        %scan3A_428 = arith.constant 1 : i32
        %scan3A_429 = arith.addi %scan3A_420, %scan3A_428 : i32
        %add3A_430 = arith.constant 576 : i32
        %add3A_431 = arith.addi %add3A_430, %scan3A_429 : i32
        %broadcast_in_dim3A_432 = vector.broadcast %add3A_431 : i32 to vector<16xi32>
        %gather3A_433 = tpu.vector_load_idx %arg8[%iota3A, %broadcast_in_dim3A_432] : memref<16x1024xf32, #tpu.memory_space<vmem>>[vector<16xi32>, vector<16xi32>], vector<16xf32>,
        %gather3A_434 = tpu.vector_load_idx %arg10[%broadcast_in_dim3A_432] : memref<1024xf32, #tpu.memory_space<vmem>>[vector<16xi32>], vector<16xf32>,
        %mul3A_435 = arith.mulf %gather3A_434, %gather3A_433 : vector<16xf32>
        %add3A_436 = arith.addf %add3A_427, %mul3A_435 : vector<16xf32>
        %scan3A_437 = arith.constant 2 : i32
        %scan3A_438 = arith.addi %scan3A_420, %scan3A_437 : i32
        %add3A_439 = arith.constant 576 : i32
        %add3A_440 = arith.addi %add3A_439, %scan3A_438 : i32
        %broadcast_in_dim3A_441 = vector.broadcast %add3A_440 : i32 to vector<16xi32>
        %gather3A_442 = tpu.vector_load_idx %arg8[%iota3A, %broadcast_in_dim3A_441] : memref<16x1024xf32, #tpu.memory_space<vmem>>[vector<16xi32>, vector<16xi32>], vector<16xf32>,
        %gather3A_443 = tpu.vector_load_idx %arg10[%broadcast_in_dim3A_441] : memref<1024xf32, #tpu.memory_space<vmem>>[vector<16xi32>], vector<16xf32>,
        %mul3A_444 = arith.mulf %gather3A_443, %gather3A_442 : vector<16xf32>
        %add3A_445 = arith.addf %add3A_436, %mul3A_444 : vector<16xf32>
        %scan3A_446 = arith.constant 3 : i32
        %scan3A_447 = arith.addi %scan3A_420, %scan3A_446 : i32
        %add3A_448 = arith.constant 576 : i32
        %add3A_449 = arith.addi %add3A_448, %scan3A_447 : i32
        %broadcast_in_dim3A_450 = vector.broadcast %add3A_449 : i32 to vector<16xi32>
        %gather3A_451 = tpu.vector_load_idx %arg8[%iota3A, %broadcast_in_dim3A_450] : memref<16x1024xf32, #tpu.memory_space<vmem>>[vector<16xi32>, vector<16xi32>], vector<16xf32>,
        %gather3A_452 = tpu.vector_load_idx %arg10[%broadcast_in_dim3A_450] : memref<1024xf32, #tpu.memory_space<vmem>>[vector<16xi32>], vector<16xf32>,
        %mul3A_453 = arith.mulf %gather3A_452, %gather3A_451 : vector<16xf32>
        %add3A_454 = arith.addf %add3A_445, %mul3A_453 : vector<16xf32>
        %scan3A_455 = arith.constant 4 : i32
        %scan3A_456 = arith.addi %scan3A_420, %scan3A_455 : i32
        %add3A_457 = arith.constant 576 : i32
        %add3A_458 = arith.addi %add3A_457, %scan3A_456 : i32
        %broadcast_in_dim3A_459 = vector.broadcast %add3A_458 : i32 to vector<16xi32>
        %gather3A_460 = tpu.vector_load_idx %arg8[%iota3A, %broadcast_in_dim3A_459] : memref<16x1024xf32, #tpu.memory_space<vmem>>[vector<16xi32>, vector<16xi32>], vector<16xf32>,
        %gather3A_461 = tpu.vector_load_idx %arg10[%broadcast_in_dim3A_459] : memref<1024xf32, #tpu.memory_space<vmem>>[vector<16xi32>], vector<16xf32>,
        %mul3A_462 = arith.mulf %gather3A_461, %gather3A_460 : vector<16xf32>
        %add3A_463 = arith.addf %add3A_454, %mul3A_462 : vector<16xf32>
        %scan3A_464 = arith.constant 5 : i32
        %scan3A_465 = arith.addi %scan3A_420, %scan3A_464 : i32
        %add3A_466 = arith.constant 576 : i32
        %add3A_467 = arith.addi %add3A_466, %scan3A_465 : i32
        %broadcast_in_dim3A_468 = vector.broadcast %add3A_467 : i32 to vector<16xi32>
        %gather3A_469 = tpu.vector_load_idx %arg8[%iota3A, %broadcast_in_dim3A_468] : memref<16x1024xf32, #tpu.memory_space<vmem>>[vector<16xi32>, vector<16xi32>], vector<16xf32>,
        %gather3A_470 = tpu.vector_load_idx %arg10[%broadcast_in_dim3A_468] : memref<1024xf32, #tpu.memory_space<vmem>>[vector<16xi32>], vector<16xf32>,
        %mul3A_471 = arith.mulf %gather3A_470, %gather3A_469 : vector<16xf32>
        %add3A_472 = arith.addf %add3A_463, %mul3A_471 : vector<16xf32>
        %scan3A_473 = arith.constant 6 : i32
        %scan3A_474 = arith.addi %scan3A_420, %scan3A_473 : i32
        %add3A_475 = arith.constant 576 : i32
        %add3A_476 = arith.addi %add3A_475, %scan3A_474 : i32
        %broadcast_in_dim3A_477 = vector.broadcast %add3A_476 : i32 to vector<16xi32>
        %gather3A_478 = tpu.vector_load_idx %arg8[%iota3A, %broadcast_in_dim3A_477] : memref<16x1024xf32, #tpu.memory_space<vmem>>[vector<16xi32>, vector<16xi32>], vector<16xf32>,
        %gather3A_479 = tpu.vector_load_idx %arg10[%broadcast_in_dim3A_477] : memref<1024xf32, #tpu.memory_space<vmem>>[vector<16xi32>], vector<16xf32>,
        %mul3A_480 = arith.mulf %gather3A_479, %gather3A_478 : vector<16xf32>
        %add3A_481 = arith.addf %add3A_472, %mul3A_480 : vector<16xf32>
        %scan3A_482 = arith.constant 7 : i32
        %scan3A_483 = arith.addi %scan3A_420, %scan3A_482 : i32
        %add3A_484 = arith.constant 576 : i32
        %add3A_485 = arith.addi %add3A_484, %scan3A_483 : i32
        %broadcast_in_dim3A_486 = vector.broadcast %add3A_485 : i32 to vector<16xi32>
        %gather3A_487 = tpu.vector_load_idx %arg8[%iota3A, %broadcast_in_dim3A_486] : memref<16x1024xf32, #tpu.memory_space<vmem>>[vector<16xi32>, vector<16xi32>], vector<16xf32>,
        %gather3A_488 = tpu.vector_load_idx %arg10[%broadcast_in_dim3A_486] : memref<1024xf32, #tpu.memory_space<vmem>>[vector<16xi32>], vector<16xf32>,
        %mul3A_489 = arith.mulf %gather3A_488, %gather3A_487 : vector<16xf32>
        %add3A_490 = arith.addf %add3A_481, %mul3A_489 : vector<16xf32>
        scf.yield %add3A_490 : vector<16xf32>
      }
      %scan3A_246 = arith.constant 64 : i32
      %mul3A_247 = vector.broadcast %scan3A_3 : f32 to vector<16xf32>
      %mul3A_248 = arith.mulf %scan3A_245, %mul3A_247 : vector<16xf32>
      %reduce_max3A_249 = arith.constant true
      %reduce_max3A_250 = vector.broadcast %reduce_max3A_249 : i1 to vector<16xi1>
      %reduce_max3A_251 = tpu.scan <max>, %mul3A_248 masked %reduce_max3A_250 : vector<16xf32>, vector<16xi1> -> vector<16xf32>
      %reduce_max3A_252 = vector.extract %reduce_max3A_251[15] : f32 from vector<16xf32>
      %sub3A_253 = vector.broadcast %reduce_max3A_252 : f32 to vector<16xf32>
      %sub3A_254 = arith.subf %mul3A_248, %sub3A_253 : vector<16xf32>
      %exp3A_255 = math.exp %sub3A_254 : vector<16xf32>
      %reduce_sum3A_256 = arith.constant true
      %reduce_sum3A_257 = vector.broadcast %reduce_sum3A_256 : i1 to vector<16xi1>
      %reduce_sum3A_258 = tpu.scan <sum>, %exp3A_255 masked %reduce_sum3A_257 : vector<16xf32>, vector<16xi1> -> vector<16xf32>
      %reduce_sum3A_259 = vector.extract %reduce_sum3A_258[15] : f32 from vector<16xf32>
      %div3A_260 = vector.broadcast %reduce_sum3A_259 : f32 to vector<16xf32>
      %div3A_261 = arith.divf %exp3A_255, %div3A_260 : vector<16xf32>
      %swap3A_262 = arith.constant 144 : index
      %swap3A_263 = tpu.vector_load %arg11[%swap3A_262] {strides = array<i32>} : memref<256xf32, #tpu.memory_space<vmem>>, vector<16xf32>,
      tpu.vector_store %arg11[%swap3A_262], %div3A_261 {strides = array<i32>} : memref<256xf32, #tpu.memory_space<vmem>>, vector<16xf32>,
      %broadcast_in_dim3A_264 = arith.constant 0.000000e+00 : f32
      %broadcast_in_dim3A_265 = vector.broadcast %broadcast_in_dim3A_264 : f32 to vector<16xf32>
      %scan3A_266 = arith.constant 0 : i32
      %scan3A_267 = arith.constant 64 : i32
      %scan3A_268 = arith.addi %scan3A_266, %scan3A_267 : i32
      %scan3A_269 = arith.constant 8 : i32
      %scan3A_270 = scf.for %scan3A_420 = %scan3A_266 to %scan3A_268 step %scan3A_269 iter_args(%scan3A_421 = %broadcast_in_dim3A_265) -> (vector<16xf32>)  : i32 {
        %add3A_422 = arith.constant 640 : i32
        %add3A_423 = arith.addi %add3A_422, %scan3A_420 : i32
        %broadcast_in_dim3A_424 = vector.broadcast %add3A_423 : i32 to vector<16xi32>
        %gather3A = tpu.vector_load_idx %arg8[%iota3A, %broadcast_in_dim3A_424] : memref<16x1024xf32, #tpu.memory_space<vmem>>[vector<16xi32>, vector<16xi32>], vector<16xf32>,
        %gather3A_425 = tpu.vector_load_idx %arg10[%broadcast_in_dim3A_424] : memref<1024xf32, #tpu.memory_space<vmem>>[vector<16xi32>], vector<16xf32>,
        %mul3A_426 = arith.mulf %gather3A_425, %gather3A : vector<16xf32>
        %add3A_427 = arith.addf %scan3A_421, %mul3A_426 : vector<16xf32>
        %scan3A_428 = arith.constant 1 : i32
        %scan3A_429 = arith.addi %scan3A_420, %scan3A_428 : i32
        %add3A_430 = arith.constant 640 : i32
        %add3A_431 = arith.addi %add3A_430, %scan3A_429 : i32
        %broadcast_in_dim3A_432 = vector.broadcast %add3A_431 : i32 to vector<16xi32>
        %gather3A_433 = tpu.vector_load_idx %arg8[%iota3A, %broadcast_in_dim3A_432] : memref<16x1024xf32, #tpu.memory_space<vmem>>[vector<16xi32>, vector<16xi32>], vector<16xf32>,
        %gather3A_434 = tpu.vector_load_idx %arg10[%broadcast_in_dim3A_432] : memref<1024xf32, #tpu.memory_space<vmem>>[vector<16xi32>], vector<16xf32>,
        %mul3A_435 = arith.mulf %gather3A_434, %gather3A_433 : vector<16xf32>
        %add3A_436 = arith.addf %add3A_427, %mul3A_435 : vector<16xf32>
        %scan3A_437 = arith.constant 2 : i32
        %scan3A_438 = arith.addi %scan3A_420, %scan3A_437 : i32
        %add3A_439 = arith.constant 640 : i32
        %add3A_440 = arith.addi %add3A_439, %scan3A_438 : i32
        %broadcast_in_dim3A_441 = vector.broadcast %add3A_440 : i32 to vector<16xi32>
        %gather3A_442 = tpu.vector_load_idx %arg8[%iota3A, %broadcast_in_dim3A_441] : memref<16x1024xf32, #tpu.memory_space<vmem>>[vector<16xi32>, vector<16xi32>], vector<16xf32>,
        %gather3A_443 = tpu.vector_load_idx %arg10[%broadcast_in_dim3A_441] : memref<1024xf32, #tpu.memory_space<vmem>>[vector<16xi32>], vector<16xf32>,
        %mul3A_444 = arith.mulf %gather3A_443, %gather3A_442 : vector<16xf32>
        %add3A_445 = arith.addf %add3A_436, %mul3A_444 : vector<16xf32>
        %scan3A_446 = arith.constant 3 : i32
        %scan3A_447 = arith.addi %scan3A_420, %scan3A_446 : i32
        %add3A_448 = arith.constant 640 : i32
        %add3A_449 = arith.addi %add3A_448, %scan3A_447 : i32
        %broadcast_in_dim3A_450 = vector.broadcast %add3A_449 : i32 to vector<16xi32>
        %gather3A_451 = tpu.vector_load_idx %arg8[%iota3A, %broadcast_in_dim3A_450] : memref<16x1024xf32, #tpu.memory_space<vmem>>[vector<16xi32>, vector<16xi32>], vector<16xf32>,
        %gather3A_452 = tpu.vector_load_idx %arg10[%broadcast_in_dim3A_450] : memref<1024xf32, #tpu.memory_space<vmem>>[vector<16xi32>], vector<16xf32>,
        %mul3A_453 = arith.mulf %gather3A_452, %gather3A_451 : vector<16xf32>
        %add3A_454 = arith.addf %add3A_445, %mul3A_453 : vector<16xf32>
        %scan3A_455 = arith.constant 4 : i32
        %scan3A_456 = arith.addi %scan3A_420, %scan3A_455 : i32
        %add3A_457 = arith.constant 640 : i32
        %add3A_458 = arith.addi %add3A_457, %scan3A_456 : i32
        %broadcast_in_dim3A_459 = vector.broadcast %add3A_458 : i32 to vector<16xi32>
        %gather3A_460 = tpu.vector_load_idx %arg8[%iota3A, %broadcast_in_dim3A_459] : memref<16x1024xf32, #tpu.memory_space<vmem>>[vector<16xi32>, vector<16xi32>], vector<16xf32>,
        %gather3A_461 = tpu.vector_load_idx %arg10[%broadcast_in_dim3A_459] : memref<1024xf32, #tpu.memory_space<vmem>>[vector<16xi32>], vector<16xf32>,
        %mul3A_462 = arith.mulf %gather3A_461, %gather3A_460 : vector<16xf32>
        %add3A_463 = arith.addf %add3A_454, %mul3A_462 : vector<16xf32>
        %scan3A_464 = arith.constant 5 : i32
        %scan3A_465 = arith.addi %scan3A_420, %scan3A_464 : i32
        %add3A_466 = arith.constant 640 : i32
        %add3A_467 = arith.addi %add3A_466, %scan3A_465 : i32
        %broadcast_in_dim3A_468 = vector.broadcast %add3A_467 : i32 to vector<16xi32>
        %gather3A_469 = tpu.vector_load_idx %arg8[%iota3A, %broadcast_in_dim3A_468] : memref<16x1024xf32, #tpu.memory_space<vmem>>[vector<16xi32>, vector<16xi32>], vector<16xf32>,
        %gather3A_470 = tpu.vector_load_idx %arg10[%broadcast_in_dim3A_468] : memref<1024xf32, #tpu.memory_space<vmem>>[vector<16xi32>], vector<16xf32>,
        %mul3A_471 = arith.mulf %gather3A_470, %gather3A_469 : vector<16xf32>
        %add3A_472 = arith.addf %add3A_463, %mul3A_471 : vector<16xf32>
        %scan3A_473 = arith.constant 6 : i32
        %scan3A_474 = arith.addi %scan3A_420, %scan3A_473 : i32
        %add3A_475 = arith.constant 640 : i32
        %add3A_476 = arith.addi %add3A_475, %scan3A_474 : i32
        %broadcast_in_dim3A_477 = vector.broadcast %add3A_476 : i32 to vector<16xi32>
        %gather3A_478 = tpu.vector_load_idx %arg8[%iota3A, %broadcast_in_dim3A_477] : memref<16x1024xf32, #tpu.memory_space<vmem>>[vector<16xi32>, vector<16xi32>], vector<16xf32>,
        %gather3A_479 = tpu.vector_load_idx %arg10[%broadcast_in_dim3A_477] : memref<1024xf32, #tpu.memory_space<vmem>>[vector<16xi32>], vector<16xf32>,
        %mul3A_480 = arith.mulf %gather3A_479, %gather3A_478 : vector<16xf32>
        %add3A_481 = arith.addf %add3A_472, %mul3A_480 : vector<16xf32>
        %scan3A_482 = arith.constant 7 : i32
        %scan3A_483 = arith.addi %scan3A_420, %scan3A_482 : i32
        %add3A_484 = arith.constant 640 : i32
        %add3A_485 = arith.addi %add3A_484, %scan3A_483 : i32
        %broadcast_in_dim3A_486 = vector.broadcast %add3A_485 : i32 to vector<16xi32>
        %gather3A_487 = tpu.vector_load_idx %arg8[%iota3A, %broadcast_in_dim3A_486] : memref<16x1024xf32, #tpu.memory_space<vmem>>[vector<16xi32>, vector<16xi32>], vector<16xf32>,
        %gather3A_488 = tpu.vector_load_idx %arg10[%broadcast_in_dim3A_486] : memref<1024xf32, #tpu.memory_space<vmem>>[vector<16xi32>], vector<16xf32>,
        %mul3A_489 = arith.mulf %gather3A_488, %gather3A_487 : vector<16xf32>
        %add3A_490 = arith.addf %add3A_481, %mul3A_489 : vector<16xf32>
        scf.yield %add3A_490 : vector<16xf32>
      }
      %scan3A_271 = arith.constant 64 : i32
      %mul3A_272 = vector.broadcast %scan3A_3 : f32 to vector<16xf32>
      %mul3A_273 = arith.mulf %scan3A_270, %mul3A_272 : vector<16xf32>
      %reduce_max3A_274 = arith.constant true
      %reduce_max3A_275 = vector.broadcast %reduce_max3A_274 : i1 to vector<16xi1>
      %reduce_max3A_276 = tpu.scan <max>, %mul3A_273 masked %reduce_max3A_275 : vector<16xf32>, vector<16xi1> -> vector<16xf32>
      %reduce_max3A_277 = vector.extract %reduce_max3A_276[15] : f32 from vector<16xf32>
      %sub3A_278 = vector.broadcast %reduce_max3A_277 : f32 to vector<16xf32>
      %sub3A_279 = arith.subf %mul3A_273, %sub3A_278 : vector<16xf32>
      %exp3A_280 = math.exp %sub3A_279 : vector<16xf32>
      %reduce_sum3A_281 = arith.constant true
      %reduce_sum3A_282 = vector.broadcast %reduce_sum3A_281 : i1 to vector<16xi1>
      %reduce_sum3A_283 = tpu.scan <sum>, %exp3A_280 masked %reduce_sum3A_282 : vector<16xf32>, vector<16xi1> -> vector<16xf32>
      %reduce_sum3A_284 = vector.extract %reduce_sum3A_283[15] : f32 from vector<16xf32>
      %div3A_285 = vector.broadcast %reduce_sum3A_284 : f32 to vector<16xf32>
      %div3A_286 = arith.divf %exp3A_280, %div3A_285 : vector<16xf32>
      %swap3A_287 = arith.constant 160 : index
      %swap3A_288 = tpu.vector_load %arg11[%swap3A_287] {strides = array<i32>} : memref<256xf32, #tpu.memory_space<vmem>>, vector<16xf32>,
      tpu.vector_store %arg11[%swap3A_287], %div3A_286 {strides = array<i32>} : memref<256xf32, #tpu.memory_space<vmem>>, vector<16xf32>,
      %broadcast_in_dim3A_289 = arith.constant 0.000000e+00 : f32
      %broadcast_in_dim3A_290 = vector.broadcast %broadcast_in_dim3A_289 : f32 to vector<16xf32>
      %scan3A_291 = arith.constant 0 : i32
      %scan3A_292 = arith.constant 64 : i32
      %scan3A_293 = arith.addi %scan3A_291, %scan3A_292 : i32
      %scan3A_294 = arith.constant 8 : i32
      %scan3A_295 = scf.for %scan3A_420 = %scan3A_291 to %scan3A_293 step %scan3A_294 iter_args(%scan3A_421 = %broadcast_in_dim3A_290) -> (vector<16xf32>)  : i32 {
        %add3A_422 = arith.constant 704 : i32
        %add3A_423 = arith.addi %add3A_422, %scan3A_420 : i32
        %broadcast_in_dim3A_424 = vector.broadcast %add3A_423 : i32 to vector<16xi32>
        %gather3A = tpu.vector_load_idx %arg8[%iota3A, %broadcast_in_dim3A_424] : memref<16x1024xf32, #tpu.memory_space<vmem>>[vector<16xi32>, vector<16xi32>], vector<16xf32>,
        %gather3A_425 = tpu.vector_load_idx %arg10[%broadcast_in_dim3A_424] : memref<1024xf32, #tpu.memory_space<vmem>>[vector<16xi32>], vector<16xf32>,
        %mul3A_426 = arith.mulf %gather3A_425, %gather3A : vector<16xf32>
        %add3A_427 = arith.addf %scan3A_421, %mul3A_426 : vector<16xf32>
        %scan3A_428 = arith.constant 1 : i32
        %scan3A_429 = arith.addi %scan3A_420, %scan3A_428 : i32
        %add3A_430 = arith.constant 704 : i32
        %add3A_431 = arith.addi %add3A_430, %scan3A_429 : i32
        %broadcast_in_dim3A_432 = vector.broadcast %add3A_431 : i32 to vector<16xi32>
        %gather3A_433 = tpu.vector_load_idx %arg8[%iota3A, %broadcast_in_dim3A_432] : memref<16x1024xf32, #tpu.memory_space<vmem>>[vector<16xi32>, vector<16xi32>], vector<16xf32>,
        %gather3A_434 = tpu.vector_load_idx %arg10[%broadcast_in_dim3A_432] : memref<1024xf32, #tpu.memory_space<vmem>>[vector<16xi32>], vector<16xf32>,
        %mul3A_435 = arith.mulf %gather3A_434, %gather3A_433 : vector<16xf32>
        %add3A_436 = arith.addf %add3A_427, %mul3A_435 : vector<16xf32>
        %scan3A_437 = arith.constant 2 : i32
        %scan3A_438 = arith.addi %scan3A_420, %scan3A_437 : i32
        %add3A_439 = arith.constant 704 : i32
        %add3A_440 = arith.addi %add3A_439, %scan3A_438 : i32
        %broadcast_in_dim3A_441 = vector.broadcast %add3A_440 : i32 to vector<16xi32>
        %gather3A_442 = tpu.vector_load_idx %arg8[%iota3A, %broadcast_in_dim3A_441] : memref<16x1024xf32, #tpu.memory_space<vmem>>[vector<16xi32>, vector<16xi32>], vector<16xf32>,
        %gather3A_443 = tpu.vector_load_idx %arg10[%broadcast_in_dim3A_441] : memref<1024xf32, #tpu.memory_space<vmem>>[vector<16xi32>], vector<16xf32>,
        %mul3A_444 = arith.mulf %gather3A_443, %gather3A_442 : vector<16xf32>
        %add3A_445 = arith.addf %add3A_436, %mul3A_444 : vector<16xf32>
        %scan3A_446 = arith.constant 3 : i32
        %scan3A_447 = arith.addi %scan3A_420, %scan3A_446 : i32
        %add3A_448 = arith.constant 704 : i32
        %add3A_449 = arith.addi %add3A_448, %scan3A_447 : i32
        %broadcast_in_dim3A_450 = vector.broadcast %add3A_449 : i32 to vector<16xi32>
        %gather3A_451 = tpu.vector_load_idx %arg8[%iota3A, %broadcast_in_dim3A_450] : memref<16x1024xf32, #tpu.memory_space<vmem>>[vector<16xi32>, vector<16xi32>], vector<16xf32>,
        %gather3A_452 = tpu.vector_load_idx %arg10[%broadcast_in_dim3A_450] : memref<1024xf32, #tpu.memory_space<vmem>>[vector<16xi32>], vector<16xf32>,
        %mul3A_453 = arith.mulf %gather3A_452, %gather3A_451 : vector<16xf32>
        %add3A_454 = arith.addf %add3A_445, %mul3A_453 : vector<16xf32>
        %scan3A_455 = arith.constant 4 : i32
        %scan3A_456 = arith.addi %scan3A_420, %scan3A_455 : i32
        %add3A_457 = arith.constant 704 : i32
        %add3A_458 = arith.addi %add3A_457, %scan3A_456 : i32
        %broadcast_in_dim3A_459 = vector.broadcast %add3A_458 : i32 to vector<16xi32>
        %gather3A_460 = tpu.vector_load_idx %arg8[%iota3A, %broadcast_in_dim3A_459] : memref<16x1024xf32, #tpu.memory_space<vmem>>[vector<16xi32>, vector<16xi32>], vector<16xf32>,
        %gather3A_461 = tpu.vector_load_idx %arg10[%broadcast_in_dim3A_459] : memref<1024xf32, #tpu.memory_space<vmem>>[vector<16xi32>], vector<16xf32>,
        %mul3A_462 = arith.mulf %gather3A_461, %gather3A_460 : vector<16xf32>
        %add3A_463 = arith.addf %add3A_454, %mul3A_462 : vector<16xf32>
        %scan3A_464 = arith.constant 5 : i32
        %scan3A_465 = arith.addi %scan3A_420, %scan3A_464 : i32
        %add3A_466 = arith.constant 704 : i32
        %add3A_467 = arith.addi %add3A_466, %scan3A_465 : i32
        %broadcast_in_dim3A_468 = vector.broadcast %add3A_467 : i32 to vector<16xi32>
        %gather3A_469 = tpu.vector_load_idx %arg8[%iota3A, %broadcast_in_dim3A_468] : memref<16x1024xf32, #tpu.memory_space<vmem>>[vector<16xi32>, vector<16xi32>], vector<16xf32>,
        %gather3A_470 = tpu.vector_load_idx %arg10[%broadcast_in_dim3A_468] : memref<1024xf32, #tpu.memory_space<vmem>>[vector<16xi32>], vector<16xf32>,
        %mul3A_471 = arith.mulf %gather3A_470, %gather3A_469 : vector<16xf32>
        %add3A_472 = arith.addf %add3A_463, %mul3A_471 : vector<16xf32>
        %scan3A_473 = arith.constant 6 : i32
        %scan3A_474 = arith.addi %scan3A_420, %scan3A_473 : i32
        %add3A_475 = arith.constant 704 : i32
        %add3A_476 = arith.addi %add3A_475, %scan3A_474 : i32
        %broadcast_in_dim3A_477 = vector.broadcast %add3A_476 : i32 to vector<16xi32>
        %gather3A_478 = tpu.vector_load_idx %arg8[%iota3A, %broadcast_in_dim3A_477] : memref<16x1024xf32, #tpu.memory_space<vmem>>[vector<16xi32>, vector<16xi32>], vector<16xf32>,
        %gather3A_479 = tpu.vector_load_idx %arg10[%broadcast_in_dim3A_477] : memref<1024xf32, #tpu.memory_space<vmem>>[vector<16xi32>], vector<16xf32>,
        %mul3A_480 = arith.mulf %gather3A_479, %gather3A_478 : vector<16xf32>
        %add3A_481 = arith.addf %add3A_472, %mul3A_480 : vector<16xf32>
        %scan3A_482 = arith.constant 7 : i32
        %scan3A_483 = arith.addi %scan3A_420, %scan3A_482 : i32
        %add3A_484 = arith.constant 704 : i32
        %add3A_485 = arith.addi %add3A_484, %scan3A_483 : i32
        %broadcast_in_dim3A_486 = vector.broadcast %add3A_485 : i32 to vector<16xi32>
        %gather3A_487 = tpu.vector_load_idx %arg8[%iota3A, %broadcast_in_dim3A_486] : memref<16x1024xf32, #tpu.memory_space<vmem>>[vector<16xi32>, vector<16xi32>], vector<16xf32>,
        %gather3A_488 = tpu.vector_load_idx %arg10[%broadcast_in_dim3A_486] : memref<1024xf32, #tpu.memory_space<vmem>>[vector<16xi32>], vector<16xf32>,
        %mul3A_489 = arith.mulf %gather3A_488, %gather3A_487 : vector<16xf32>
        %add3A_490 = arith.addf %add3A_481, %mul3A_489 : vector<16xf32>
        scf.yield %add3A_490 : vector<16xf32>
      }
      %scan3A_296 = arith.constant 64 : i32
      %mul3A_297 = vector.broadcast %scan3A_3 : f32 to vector<16xf32>
      %mul3A_298 = arith.mulf %scan3A_295, %mul3A_297 : vector<16xf32>
      %reduce_max3A_299 = arith.constant true
      %reduce_max3A_300 = vector.broadcast %reduce_max3A_299 : i1 to vector<16xi1>
      %reduce_max3A_301 = tpu.scan <max>, %mul3A_298 masked %reduce_max3A_300 : vector<16xf32>, vector<16xi1> -> vector<16xf32>
      %reduce_max3A_302 = vector.extract %reduce_max3A_301[15] : f32 from vector<16xf32>
      %sub3A_303 = vector.broadcast %reduce_max3A_302 : f32 to vector<16xf32>
      %sub3A_304 = arith.subf %mul3A_298, %sub3A_303 : vector<16xf32>
      %exp3A_305 = math.exp %sub3A_304 : vector<16xf32>
      %reduce_sum3A_306 = arith.constant true
      %reduce_sum3A_307 = vector.broadcast %reduce_sum3A_306 : i1 to vector<16xi1>
      %reduce_sum3A_308 = tpu.scan <sum>, %exp3A_305 masked %reduce_sum3A_307 : vector<16xf32>, vector<16xi1> -> vector<16xf32>
      %reduce_sum3A_309 = vector.extract %reduce_sum3A_308[15] : f32 from vector<16xf32>
      %div3A_310 = vector.broadcast %reduce_sum3A_309 : f32 to vector<16xf32>
      %div3A_311 = arith.divf %exp3A_305, %div3A_310 : vector<16xf32>
      %swap3A_312 = arith.constant 176 : index
      %swap3A_313 = tpu.vector_load %arg11[%swap3A_312] {strides = array<i32>} : memref<256xf32, #tpu.memory_space<vmem>>, vector<16xf32>,
      tpu.vector_store %arg11[%swap3A_312], %div3A_311 {strides = array<i32>} : memref<256xf32, #tpu.memory_space<vmem>>, vector<16xf32>,
      %broadcast_in_dim3A_314 = arith.constant 0.000000e+00 : f32
      %broadcast_in_dim3A_315 = vector.broadcast %broadcast_in_dim3A_314 : f32 to vector<16xf32>
      %scan3A_316 = arith.constant 0 : i32
      %scan3A_317 = arith.constant 64 : i32
      %scan3A_318 = arith.addi %scan3A_316, %scan3A_317 : i32
      %scan3A_319 = arith.constant 8 : i32
      %scan3A_320 = scf.for %scan3A_420 = %scan3A_316 to %scan3A_318 step %scan3A_319 iter_args(%scan3A_421 = %broadcast_in_dim3A_315) -> (vector<16xf32>)  : i32 {
        %add3A_422 = arith.constant 768 : i32
        %add3A_423 = arith.addi %add3A_422, %scan3A_420 : i32
        %broadcast_in_dim3A_424 = vector.broadcast %add3A_423 : i32 to vector<16xi32>
        %gather3A = tpu.vector_load_idx %arg8[%iota3A, %broadcast_in_dim3A_424] : memref<16x1024xf32, #tpu.memory_space<vmem>>[vector<16xi32>, vector<16xi32>], vector<16xf32>,
        %gather3A_425 = tpu.vector_load_idx %arg10[%broadcast_in_dim3A_424] : memref<1024xf32, #tpu.memory_space<vmem>>[vector<16xi32>], vector<16xf32>,
        %mul3A_426 = arith.mulf %gather3A_425, %gather3A : vector<16xf32>
        %add3A_427 = arith.addf %scan3A_421, %mul3A_426 : vector<16xf32>
        %scan3A_428 = arith.constant 1 : i32
        %scan3A_429 = arith.addi %scan3A_420, %scan3A_428 : i32
        %add3A_430 = arith.constant 768 : i32
        %add3A_431 = arith.addi %add3A_430, %scan3A_429 : i32
        %broadcast_in_dim3A_432 = vector.broadcast %add3A_431 : i32 to vector<16xi32>
        %gather3A_433 = tpu.vector_load_idx %arg8[%iota3A, %broadcast_in_dim3A_432] : memref<16x1024xf32, #tpu.memory_space<vmem>>[vector<16xi32>, vector<16xi32>], vector<16xf32>,
        %gather3A_434 = tpu.vector_load_idx %arg10[%broadcast_in_dim3A_432] : memref<1024xf32, #tpu.memory_space<vmem>>[vector<16xi32>], vector<16xf32>,
        %mul3A_435 = arith.mulf %gather3A_434, %gather3A_433 : vector<16xf32>
        %add3A_436 = arith.addf %add3A_427, %mul3A_435 : vector<16xf32>
        %scan3A_437 = arith.constant 2 : i32
        %scan3A_438 = arith.addi %scan3A_420, %scan3A_437 : i32
        %add3A_439 = arith.constant 768 : i32
        %add3A_440 = arith.addi %add3A_439, %scan3A_438 : i32
        %broadcast_in_dim3A_441 = vector.broadcast %add3A_440 : i32 to vector<16xi32>
        %gather3A_442 = tpu.vector_load_idx %arg8[%iota3A, %broadcast_in_dim3A_441] : memref<16x1024xf32, #tpu.memory_space<vmem>>[vector<16xi32>, vector<16xi32>], vector<16xf32>,
        %gather3A_443 = tpu.vector_load_idx %arg10[%broadcast_in_dim3A_441] : memref<1024xf32, #tpu.memory_space<vmem>>[vector<16xi32>], vector<16xf32>,
        %mul3A_444 = arith.mulf %gather3A_443, %gather3A_442 : vector<16xf32>
        %add3A_445 = arith.addf %add3A_436, %mul3A_444 : vector<16xf32>
        %scan3A_446 = arith.constant 3 : i32
        %scan3A_447 = arith.addi %scan3A_420, %scan3A_446 : i32
        %add3A_448 = arith.constant 768 : i32
        %add3A_449 = arith.addi %add3A_448, %scan3A_447 : i32
        %broadcast_in_dim3A_450 = vector.broadcast %add3A_449 : i32 to vector<16xi32>
        %gather3A_451 = tpu.vector_load_idx %arg8[%iota3A, %broadcast_in_dim3A_450] : memref<16x1024xf32, #tpu.memory_space<vmem>>[vector<16xi32>, vector<16xi32>], vector<16xf32>,
        %gather3A_452 = tpu.vector_load_idx %arg10[%broadcast_in_dim3A_450] : memref<1024xf32, #tpu.memory_space<vmem>>[vector<16xi32>], vector<16xf32>,
        %mul3A_453 = arith.mulf %gather3A_452, %gather3A_451 : vector<16xf32>
        %add3A_454 = arith.addf %add3A_445, %mul3A_453 : vector<16xf32>
        %scan3A_455 = arith.constant 4 : i32
        %scan3A_456 = arith.addi %scan3A_420, %scan3A_455 : i32
        %add3A_457 = arith.constant 768 : i32
        %add3A_458 = arith.addi %add3A_457, %scan3A_456 : i32
        %broadcast_in_dim3A_459 = vector.broadcast %add3A_458 : i32 to vector<16xi32>
        %gather3A_460 = tpu.vector_load_idx %arg8[%iota3A, %broadcast_in_dim3A_459] : memref<16x1024xf32, #tpu.memory_space<vmem>>[vector<16xi32>, vector<16xi32>], vector<16xf32>,
        %gather3A_461 = tpu.vector_load_idx %arg10[%broadcast_in_dim3A_459] : memref<1024xf32, #tpu.memory_space<vmem>>[vector<16xi32>], vector<16xf32>,
        %mul3A_462 = arith.mulf %gather3A_461, %gather3A_460 : vector<16xf32>
        %add3A_463 = arith.addf %add3A_454, %mul3A_462 : vector<16xf32>
        %scan3A_464 = arith.constant 5 : i32
        %scan3A_465 = arith.addi %scan3A_420, %scan3A_464 : i32
        %add3A_466 = arith.constant 768 : i32
        %add3A_467 = arith.addi %add3A_466, %scan3A_465 : i32
        %broadcast_in_dim3A_468 = vector.broadcast %add3A_467 : i32 to vector<16xi32>
        %gather3A_469 = tpu.vector_load_idx %arg8[%iota3A, %broadcast_in_dim3A_468] : memref<16x1024xf32, #tpu.memory_space<vmem>>[vector<16xi32>, vector<16xi32>], vector<16xf32>,
        %gather3A_470 = tpu.vector_load_idx %arg10[%broadcast_in_dim3A_468] : memref<1024xf32, #tpu.memory_space<vmem>>[vector<16xi32>], vector<16xf32>,
        %mul3A_471 = arith.mulf %gather3A_470, %gather3A_469 : vector<16xf32>
        %add3A_472 = arith.addf %add3A_463, %mul3A_471 : vector<16xf32>
        %scan3A_473 = arith.constant 6 : i32
        %scan3A_474 = arith.addi %scan3A_420, %scan3A_473 : i32
        %add3A_475 = arith.constant 768 : i32
        %add3A_476 = arith.addi %add3A_475, %scan3A_474 : i32
        %broadcast_in_dim3A_477 = vector.broadcast %add3A_476 : i32 to vector<16xi32>
        %gather3A_478 = tpu.vector_load_idx %arg8[%iota3A, %broadcast_in_dim3A_477] : memref<16x1024xf32, #tpu.memory_space<vmem>>[vector<16xi32>, vector<16xi32>], vector<16xf32>,
        %gather3A_479 = tpu.vector_load_idx %arg10[%broadcast_in_dim3A_477] : memref<1024xf32, #tpu.memory_space<vmem>>[vector<16xi32>], vector<16xf32>,
        %mul3A_480 = arith.mulf %gather3A_479, %gather3A_478 : vector<16xf32>
        %add3A_481 = arith.addf %add3A_472, %mul3A_480 : vector<16xf32>
        %scan3A_482 = arith.constant 7 : i32
        %scan3A_483 = arith.addi %scan3A_420, %scan3A_482 : i32
        %add3A_484 = arith.constant 768 : i32
        %add3A_485 = arith.addi %add3A_484, %scan3A_483 : i32
        %broadcast_in_dim3A_486 = vector.broadcast %add3A_485 : i32 to vector<16xi32>
        %gather3A_487 = tpu.vector_load_idx %arg8[%iota3A, %broadcast_in_dim3A_486] : memref<16x1024xf32, #tpu.memory_space<vmem>>[vector<16xi32>, vector<16xi32>], vector<16xf32>,
        %gather3A_488 = tpu.vector_load_idx %arg10[%broadcast_in_dim3A_486] : memref<1024xf32, #tpu.memory_space<vmem>>[vector<16xi32>], vector<16xf32>,
        %mul3A_489 = arith.mulf %gather3A_488, %gather3A_487 : vector<16xf32>
        %add3A_490 = arith.addf %add3A_481, %mul3A_489 : vector<16xf32>
        scf.yield %add3A_490 : vector<16xf32>
      }
      %scan3A_321 = arith.constant 64 : i32
      %mul3A_322 = vector.broadcast %scan3A_3 : f32 to vector<16xf32>
      %mul3A_323 = arith.mulf %scan3A_320, %mul3A_322 : vector<16xf32>
      %reduce_max3A_324 = arith.constant true
      %reduce_max3A_325 = vector.broadcast %reduce_max3A_324 : i1 to vector<16xi1>
      %reduce_max3A_326 = tpu.scan <max>, %mul3A_323 masked %reduce_max3A_325 : vector<16xf32>, vector<16xi1> -> vector<16xf32>
      %reduce_max3A_327 = vector.extract %reduce_max3A_326[15] : f32 from vector<16xf32>
      %sub3A_328 = vector.broadcast %reduce_max3A_327 : f32 to vector<16xf32>
      %sub3A_329 = arith.subf %mul3A_323, %sub3A_328 : vector<16xf32>
      %exp3A_330 = math.exp %sub3A_329 : vector<16xf32>
      %reduce_sum3A_331 = arith.constant true
      %reduce_sum3A_332 = vector.broadcast %reduce_sum3A_331 : i1 to vector<16xi1>
      %reduce_sum3A_333 = tpu.scan <sum>, %exp3A_330 masked %reduce_sum3A_332 : vector<16xf32>, vector<16xi1> -> vector<16xf32>
      %reduce_sum3A_334 = vector.extract %reduce_sum3A_333[15] : f32 from vector<16xf32>
      %div3A_335 = vector.broadcast %reduce_sum3A_334 : f32 to vector<16xf32>
      %div3A_336 = arith.divf %exp3A_330, %div3A_335 : vector<16xf32>
      %swap3A_337 = arith.constant 192 : index
      %swap3A_338 = tpu.vector_load %arg11[%swap3A_337] {strides = array<i32>} : memref<256xf32, #tpu.memory_space<vmem>>, vector<16xf32>,
      tpu.vector_store %arg11[%swap3A_337], %div3A_336 {strides = array<i32>} : memref<256xf32, #tpu.memory_space<vmem>>, vector<16xf32>,
      %broadcast_in_dim3A_339 = arith.constant 0.000000e+00 : f32
      %broadcast_in_dim3A_340 = vector.broadcast %broadcast_in_dim3A_339 : f32 to vector<16xf32>
      %scan3A_341 = arith.constant 0 : i32
      %scan3A_342 = arith.constant 64 : i32
      %scan3A_343 = arith.addi %scan3A_341, %scan3A_342 : i32
      %scan3A_344 = arith.constant 8 : i32
      %scan3A_345 = scf.for %scan3A_420 = %scan3A_341 to %scan3A_343 step %scan3A_344 iter_args(%scan3A_421 = %broadcast_in_dim3A_340) -> (vector<16xf32>)  : i32 {
        %add3A_422 = arith.constant 832 : i32
        %add3A_423 = arith.addi %add3A_422, %scan3A_420 : i32
        %broadcast_in_dim3A_424 = vector.broadcast %add3A_423 : i32 to vector<16xi32>
        %gather3A = tpu.vector_load_idx %arg8[%iota3A, %broadcast_in_dim3A_424] : memref<16x1024xf32, #tpu.memory_space<vmem>>[vector<16xi32>, vector<16xi32>], vector<16xf32>,
        %gather3A_425 = tpu.vector_load_idx %arg10[%broadcast_in_dim3A_424] : memref<1024xf32, #tpu.memory_space<vmem>>[vector<16xi32>], vector<16xf32>,
        %mul3A_426 = arith.mulf %gather3A_425, %gather3A : vector<16xf32>
        %add3A_427 = arith.addf %scan3A_421, %mul3A_426 : vector<16xf32>
        %scan3A_428 = arith.constant 1 : i32
        %scan3A_429 = arith.addi %scan3A_420, %scan3A_428 : i32
        %add3A_430 = arith.constant 832 : i32
        %add3A_431 = arith.addi %add3A_430, %scan3A_429 : i32
        %broadcast_in_dim3A_432 = vector.broadcast %add3A_431 : i32 to vector<16xi32>
        %gather3A_433 = tpu.vector_load_idx %arg8[%iota3A, %broadcast_in_dim3A_432] : memref<16x1024xf32, #tpu.memory_space<vmem>>[vector<16xi32>, vector<16xi32>], vector<16xf32>,
        %gather3A_434 = tpu.vector_load_idx %arg10[%broadcast_in_dim3A_432] : memref<1024xf32, #tpu.memory_space<vmem>>[vector<16xi32>], vector<16xf32>,
        %mul3A_435 = arith.mulf %gather3A_434, %gather3A_433 : vector<16xf32>
        %add3A_436 = arith.addf %add3A_427, %mul3A_435 : vector<16xf32>
        %scan3A_437 = arith.constant 2 : i32
        %scan3A_438 = arith.addi %scan3A_420, %scan3A_437 : i32
        %add3A_439 = arith.constant 832 : i32
        %add3A_440 = arith.addi %add3A_439, %scan3A_438 : i32
        %broadcast_in_dim3A_441 = vector.broadcast %add3A_440 : i32 to vector<16xi32>
        %gather3A_442 = tpu.vector_load_idx %arg8[%iota3A, %broadcast_in_dim3A_441] : memref<16x1024xf32, #tpu.memory_space<vmem>>[vector<16xi32>, vector<16xi32>], vector<16xf32>,
        %gather3A_443 = tpu.vector_load_idx %arg10[%broadcast_in_dim3A_441] : memref<1024xf32, #tpu.memory_space<vmem>>[vector<16xi32>], vector<16xf32>,
        %mul3A_444 = arith.mulf %gather3A_443, %gather3A_442 : vector<16xf32>
        %add3A_445 = arith.addf %add3A_436, %mul3A_444 : vector<16xf32>
        %scan3A_446 = arith.constant 3 : i32
        %scan3A_447 = arith.addi %scan3A_420, %scan3A_446 : i32
        %add3A_448 = arith.constant 832 : i32
        %add3A_449 = arith.addi %add3A_448, %scan3A_447 : i32
        %broadcast_in_dim3A_450 = vector.broadcast %add3A_449 : i32 to vector<16xi32>
        %gather3A_451 = tpu.vector_load_idx %arg8[%iota3A, %broadcast_in_dim3A_450] : memref<16x1024xf32, #tpu.memory_space<vmem>>[vector<16xi32>, vector<16xi32>], vector<16xf32>,
        %gather3A_452 = tpu.vector_load_idx %arg10[%broadcast_in_dim3A_450] : memref<1024xf32, #tpu.memory_space<vmem>>[vector<16xi32>], vector<16xf32>,
        %mul3A_453 = arith.mulf %gather3A_452, %gather3A_451 : vector<16xf32>
        %add3A_454 = arith.addf %add3A_445, %mul3A_453 : vector<16xf32>
        %scan3A_455 = arith.constant 4 : i32
        %scan3A_456 = arith.addi %scan3A_420, %scan3A_455 : i32
        %add3A_457 = arith.constant 832 : i32
        %add3A_458 = arith.addi %add3A_457, %scan3A_456 : i32
        %broadcast_in_dim3A_459 = vector.broadcast %add3A_458 : i32 to vector<16xi32>
        %gather3A_460 = tpu.vector_load_idx %arg8[%iota3A, %broadcast_in_dim3A_459] : memref<16x1024xf32, #tpu.memory_space<vmem>>[vector<16xi32>, vector<16xi32>], vector<16xf32>,
        %gather3A_461 = tpu.vector_load_idx %arg10[%broadcast_in_dim3A_459] : memref<1024xf32, #tpu.memory_space<vmem>>[vector<16xi32>], vector<16xf32>,
        %mul3A_462 = arith.mulf %gather3A_461, %gather3A_460 : vector<16xf32>
        %add3A_463 = arith.addf %add3A_454, %mul3A_462 : vector<16xf32>
        %scan3A_464 = arith.constant 5 : i32
        %scan3A_465 = arith.addi %scan3A_420, %scan3A_464 : i32
        %add3A_466 = arith.constant 832 : i32
        %add3A_467 = arith.addi %add3A_466, %scan3A_465 : i32
        %broadcast_in_dim3A_468 = vector.broadcast %add3A_467 : i32 to vector<16xi32>
        %gather3A_469 = tpu.vector_load_idx %arg8[%iota3A, %broadcast_in_dim3A_468] : memref<16x1024xf32, #tpu.memory_space<vmem>>[vector<16xi32>, vector<16xi32>], vector<16xf32>,
        %gather3A_470 = tpu.vector_load_idx %arg10[%broadcast_in_dim3A_468] : memref<1024xf32, #tpu.memory_space<vmem>>[vector<16xi32>], vector<16xf32>,
        %mul3A_471 = arith.mulf %gather3A_470, %gather3A_469 : vector<16xf32>
        %add3A_472 = arith.addf %add3A_463, %mul3A_471 : vector<16xf32>
        %scan3A_473 = arith.constant 6 : i32
        %scan3A_474 = arith.addi %scan3A_420, %scan3A_473 : i32
        %add3A_475 = arith.constant 832 : i32
        %add3A_476 = arith.addi %add3A_475, %scan3A_474 : i32
        %broadcast_in_dim3A_477 = vector.broadcast %add3A_476 : i32 to vector<16xi32>
        %gather3A_478 = tpu.vector_load_idx %arg8[%iota3A, %broadcast_in_dim3A_477] : memref<16x1024xf32, #tpu.memory_space<vmem>>[vector<16xi32>, vector<16xi32>], vector<16xf32>,
        %gather3A_479 = tpu.vector_load_idx %arg10[%broadcast_in_dim3A_477] : memref<1024xf32, #tpu.memory_space<vmem>>[vector<16xi32>], vector<16xf32>,
        %mul3A_480 = arith.mulf %gather3A_479, %gather3A_478 : vector<16xf32>
        %add3A_481 = arith.addf %add3A_472, %mul3A_480 : vector<16xf32>
        %scan3A_482 = arith.constant 7 : i32
        %scan3A_483 = arith.addi %scan3A_420, %scan3A_482 : i32
        %add3A_484 = arith.constant 832 : i32
        %add3A_485 = arith.addi %add3A_484, %scan3A_483 : i32
        %broadcast_in_dim3A_486 = vector.broadcast %add3A_485 : i32 to vector<16xi32>
        %gather3A_487 = tpu.vector_load_idx %arg8[%iota3A, %broadcast_in_dim3A_486] : memref<16x1024xf32, #tpu.memory_space<vmem>>[vector<16xi32>, vector<16xi32>], vector<16xf32>,
        %gather3A_488 = tpu.vector_load_idx %arg10[%broadcast_in_dim3A_486] : memref<1024xf32, #tpu.memory_space<vmem>>[vector<16xi32>], vector<16xf32>,
        %mul3A_489 = arith.mulf %gather3A_488, %gather3A_487 : vector<16xf32>
        %add3A_490 = arith.addf %add3A_481, %mul3A_489 : vector<16xf32>
        scf.yield %add3A_490 : vector<16xf32>
      }
      %scan3A_346 = arith.constant 64 : i32
      %mul3A_347 = vector.broadcast %scan3A_3 : f32 to vector<16xf32>
      %mul3A_348 = arith.mulf %scan3A_345, %mul3A_347 : vector<16xf32>
      %reduce_max3A_349 = arith.constant true
      %reduce_max3A_350 = vector.broadcast %reduce_max3A_349 : i1 to vector<16xi1>
      %reduce_max3A_351 = tpu.scan <max>, %mul3A_348 masked %reduce_max3A_350 : vector<16xf32>, vector<16xi1> -> vector<16xf32>
      %reduce_max3A_352 = vector.extract %reduce_max3A_351[15] : f32 from vector<16xf32>
      %sub3A_353 = vector.broadcast %reduce_max3A_352 : f32 to vector<16xf32>
      %sub3A_354 = arith.subf %mul3A_348, %sub3A_353 : vector<16xf32>
      %exp3A_355 = math.exp %sub3A_354 : vector<16xf32>
      %reduce_sum3A_356 = arith.constant true
      %reduce_sum3A_357 = vector.broadcast %reduce_sum3A_356 : i1 to vector<16xi1>
      %reduce_sum3A_358 = tpu.scan <sum>, %exp3A_355 masked %reduce_sum3A_357 : vector<16xf32>, vector<16xi1> -> vector<16xf32>
      %reduce_sum3A_359 = vector.extract %reduce_sum3A_358[15] : f32 from vector<16xf32>
      %div3A_360 = vector.broadcast %reduce_sum3A_359 : f32 to vector<16xf32>
      %div3A_361 = arith.divf %exp3A_355, %div3A_360 : vector<16xf32>
      %swap3A_362 = arith.constant 208 : index
      %swap3A_363 = tpu.vector_load %arg11[%swap3A_362] {strides = array<i32>} : memref<256xf32, #tpu.memory_space<vmem>>, vector<16xf32>,
      tpu.vector_store %arg11[%swap3A_362], %div3A_361 {strides = array<i32>} : memref<256xf32, #tpu.memory_space<vmem>>, vector<16xf32>,
      %broadcast_in_dim3A_364 = arith.constant 0.000000e+00 : f32
      %broadcast_in_dim3A_365 = vector.broadcast %broadcast_in_dim3A_364 : f32 to vector<16xf32>
      %scan3A_366 = arith.constant 0 : i32
      %scan3A_367 = arith.constant 64 : i32
      %scan3A_368 = arith.addi %scan3A_366, %scan3A_367 : i32
      %scan3A_369 = arith.constant 8 : i32
      %scan3A_370 = scf.for %scan3A_420 = %scan3A_366 to %scan3A_368 step %scan3A_369 iter_args(%scan3A_421 = %broadcast_in_dim3A_365) -> (vector<16xf32>)  : i32 {
        %add3A_422 = arith.constant 896 : i32
        %add3A_423 = arith.addi %add3A_422, %scan3A_420 : i32
        %broadcast_in_dim3A_424 = vector.broadcast %add3A_423 : i32 to vector<16xi32>
        %gather3A = tpu.vector_load_idx %arg8[%iota3A, %broadcast_in_dim3A_424] : memref<16x1024xf32, #tpu.memory_space<vmem>>[vector<16xi32>, vector<16xi32>], vector<16xf32>,
        %gather3A_425 = tpu.vector_load_idx %arg10[%broadcast_in_dim3A_424] : memref<1024xf32, #tpu.memory_space<vmem>>[vector<16xi32>], vector<16xf32>,
        %mul3A_426 = arith.mulf %gather3A_425, %gather3A : vector<16xf32>
        %add3A_427 = arith.addf %scan3A_421, %mul3A_426 : vector<16xf32>
        %scan3A_428 = arith.constant 1 : i32
        %scan3A_429 = arith.addi %scan3A_420, %scan3A_428 : i32
        %add3A_430 = arith.constant 896 : i32
        %add3A_431 = arith.addi %add3A_430, %scan3A_429 : i32
        %broadcast_in_dim3A_432 = vector.broadcast %add3A_431 : i32 to vector<16xi32>
        %gather3A_433 = tpu.vector_load_idx %arg8[%iota3A, %broadcast_in_dim3A_432] : memref<16x1024xf32, #tpu.memory_space<vmem>>[vector<16xi32>, vector<16xi32>], vector<16xf32>,
        %gather3A_434 = tpu.vector_load_idx %arg10[%broadcast_in_dim3A_432] : memref<1024xf32, #tpu.memory_space<vmem>>[vector<16xi32>], vector<16xf32>,
        %mul3A_435 = arith.mulf %gather3A_434, %gather3A_433 : vector<16xf32>
        %add3A_436 = arith.addf %add3A_427, %mul3A_435 : vector<16xf32>
        %scan3A_437 = arith.constant 2 : i32
        %scan3A_438 = arith.addi %scan3A_420, %scan3A_437 : i32
        %add3A_439 = arith.constant 896 : i32
        %add3A_440 = arith.addi %add3A_439, %scan3A_438 : i32
        %broadcast_in_dim3A_441 = vector.broadcast %add3A_440 : i32 to vector<16xi32>
        %gather3A_442 = tpu.vector_load_idx %arg8[%iota3A, %broadcast_in_dim3A_441] : memref<16x1024xf32, #tpu.memory_space<vmem>>[vector<16xi32>, vector<16xi32>], vector<16xf32>,
        %gather3A_443 = tpu.vector_load_idx %arg10[%broadcast_in_dim3A_441] : memref<1024xf32, #tpu.memory_space<vmem>>[vector<16xi32>], vector<16xf32>,
        %mul3A_444 = arith.mulf %gather3A_443, %gather3A_442 : vector<16xf32>
        %add3A_445 = arith.addf %add3A_436, %mul3A_444 : vector<16xf32>
        %scan3A_446 = arith.constant 3 : i32
        %scan3A_447 = arith.addi %scan3A_420, %scan3A_446 : i32
        %add3A_448 = arith.constant 896 : i32
        %add3A_449 = arith.addi %add3A_448, %scan3A_447 : i32
        %broadcast_in_dim3A_450 = vector.broadcast %add3A_449 : i32 to vector<16xi32>
        %gather3A_451 = tpu.vector_load_idx %arg8[%iota3A, %broadcast_in_dim3A_450] : memref<16x1024xf32, #tpu.memory_space<vmem>>[vector<16xi32>, vector<16xi32>], vector<16xf32>,
        %gather3A_452 = tpu.vector_load_idx %arg10[%broadcast_in_dim3A_450] : memref<1024xf32, #tpu.memory_space<vmem>>[vector<16xi32>], vector<16xf32>,
        %mul3A_453 = arith.mulf %gather3A_452, %gather3A_451 : vector<16xf32>
        %add3A_454 = arith.addf %add3A_445, %mul3A_453 : vector<16xf32>
        %scan3A_455 = arith.constant 4 : i32
        %scan3A_456 = arith.addi %scan3A_420, %scan3A_455 : i32
        %add3A_457 = arith.constant 896 : i32
        %add3A_458 = arith.addi %add3A_457, %scan3A_456 : i32
        %broadcast_in_dim3A_459 = vector.broadcast %add3A_458 : i32 to vector<16xi32>
        %gather3A_460 = tpu.vector_load_idx %arg8[%iota3A, %broadcast_in_dim3A_459] : memref<16x1024xf32, #tpu.memory_space<vmem>>[vector<16xi32>, vector<16xi32>], vector<16xf32>,
        %gather3A_461 = tpu.vector_load_idx %arg10[%broadcast_in_dim3A_459] : memref<1024xf32, #tpu.memory_space<vmem>>[vector<16xi32>], vector<16xf32>,
        %mul3A_462 = arith.mulf %gather3A_461, %gather3A_460 : vector<16xf32>
        %add3A_463 = arith.addf %add3A_454, %mul3A_462 : vector<16xf32>
        %scan3A_464 = arith.constant 5 : i32
        %scan3A_465 = arith.addi %scan3A_420, %scan3A_464 : i32
        %add3A_466 = arith.constant 896 : i32
        %add3A_467 = arith.addi %add3A_466, %scan3A_465 : i32
        %broadcast_in_dim3A_468 = vector.broadcast %add3A_467 : i32 to vector<16xi32>
        %gather3A_469 = tpu.vector_load_idx %arg8[%iota3A, %broadcast_in_dim3A_468] : memref<16x1024xf32, #tpu.memory_space<vmem>>[vector<16xi32>, vector<16xi32>], vector<16xf32>,
        %gather3A_470 = tpu.vector_load_idx %arg10[%broadcast_in_dim3A_468] : memref<1024xf32, #tpu.memory_space<vmem>>[vector<16xi32>], vector<16xf32>,
        %mul3A_471 = arith.mulf %gather3A_470, %gather3A_469 : vector<16xf32>
        %add3A_472 = arith.addf %add3A_463, %mul3A_471 : vector<16xf32>
        %scan3A_473 = arith.constant 6 : i32
        %scan3A_474 = arith.addi %scan3A_420, %scan3A_473 : i32
        %add3A_475 = arith.constant 896 : i32
        %add3A_476 = arith.addi %add3A_475, %scan3A_474 : i32
        %broadcast_in_dim3A_477 = vector.broadcast %add3A_476 : i32 to vector<16xi32>
        %gather3A_478 = tpu.vector_load_idx %arg8[%iota3A, %broadcast_in_dim3A_477] : memref<16x1024xf32, #tpu.memory_space<vmem>>[vector<16xi32>, vector<16xi32>], vector<16xf32>,
        %gather3A_479 = tpu.vector_load_idx %arg10[%broadcast_in_dim3A_477] : memref<1024xf32, #tpu.memory_space<vmem>>[vector<16xi32>], vector<16xf32>,
        %mul3A_480 = arith.mulf %gather3A_479, %gather3A_478 : vector<16xf32>
        %add3A_481 = arith.addf %add3A_472, %mul3A_480 : vector<16xf32>
        %scan3A_482 = arith.constant 7 : i32
        %scan3A_483 = arith.addi %scan3A_420, %scan3A_482 : i32
        %add3A_484 = arith.constant 896 : i32
        %add3A_485 = arith.addi %add3A_484, %scan3A_483 : i32
        %broadcast_in_dim3A_486 = vector.broadcast %add3A_485 : i32 to vector<16xi32>
        %gather3A_487 = tpu.vector_load_idx %arg8[%iota3A, %broadcast_in_dim3A_486] : memref<16x1024xf32, #tpu.memory_space<vmem>>[vector<16xi32>, vector<16xi32>], vector<16xf32>,
        %gather3A_488 = tpu.vector_load_idx %arg10[%broadcast_in_dim3A_486] : memref<1024xf32, #tpu.memory_space<vmem>>[vector<16xi32>], vector<16xf32>,
        %mul3A_489 = arith.mulf %gather3A_488, %gather3A_487 : vector<16xf32>
        %add3A_490 = arith.addf %add3A_481, %mul3A_489 : vector<16xf32>
        scf.yield %add3A_490 : vector<16xf32>
      }
      %scan3A_371 = arith.constant 64 : i32
      %mul3A_372 = vector.broadcast %scan3A_3 : f32 to vector<16xf32>
      %mul3A_373 = arith.mulf %scan3A_370, %mul3A_372 : vector<16xf32>
      %reduce_max3A_374 = arith.constant true
      %reduce_max3A_375 = vector.broadcast %reduce_max3A_374 : i1 to vector<16xi1>
      %reduce_max3A_376 = tpu.scan <max>, %mul3A_373 masked %reduce_max3A_375 : vector<16xf32>, vector<16xi1> -> vector<16xf32>
      %reduce_max3A_377 = vector.extract %reduce_max3A_376[15] : f32 from vector<16xf32>
      %sub3A_378 = vector.broadcast %reduce_max3A_377 : f32 to vector<16xf32>
      %sub3A_379 = arith.subf %mul3A_373, %sub3A_378 : vector<16xf32>
      %exp3A_380 = math.exp %sub3A_379 : vector<16xf32>
      %reduce_sum3A_381 = arith.constant true
      %reduce_sum3A_382 = vector.broadcast %reduce_sum3A_381 : i1 to vector<16xi1>
      %reduce_sum3A_383 = tpu.scan <sum>, %exp3A_380 masked %reduce_sum3A_382 : vector<16xf32>, vector<16xi1> -> vector<16xf32>
      %reduce_sum3A_384 = vector.extract %reduce_sum3A_383[15] : f32 from vector<16xf32>
      %div3A_385 = vector.broadcast %reduce_sum3A_384 : f32 to vector<16xf32>
      %div3A_386 = arith.divf %exp3A_380, %div3A_385 : vector<16xf32>
      %swap3A_387 = arith.constant 224 : index
      %swap3A_388 = tpu.vector_load %arg11[%swap3A_387] {strides = array<i32>} : memref<256xf32, #tpu.memory_space<vmem>>, vector<16xf32>,
      tpu.vector_store %arg11[%swap3A_387], %div3A_386 {strides = array<i32>} : memref<256xf32, #tpu.memory_space<vmem>>, vector<16xf32>,
      %broadcast_in_dim3A_389 = arith.constant 0.000000e+00 : f32
      %broadcast_in_dim3A_390 = vector.broadcast %broadcast_in_dim3A_389 : f32 to vector<16xf32>
      %scan3A_391 = arith.constant 0 : i32
      %scan3A_392 = arith.constant 64 : i32
      %scan3A_393 = arith.addi %scan3A_391, %scan3A_392 : i32
      %scan3A_394 = arith.constant 8 : i32
      %scan3A_395 = scf.for %scan3A_420 = %scan3A_391 to %scan3A_393 step %scan3A_394 iter_args(%scan3A_421 = %broadcast_in_dim3A_390) -> (vector<16xf32>)  : i32 {
        %add3A_422 = arith.constant 960 : i32
        %add3A_423 = arith.addi %add3A_422, %scan3A_420 : i32
        %broadcast_in_dim3A_424 = vector.broadcast %add3A_423 : i32 to vector<16xi32>
        %gather3A = tpu.vector_load_idx %arg8[%iota3A, %broadcast_in_dim3A_424] : memref<16x1024xf32, #tpu.memory_space<vmem>>[vector<16xi32>, vector<16xi32>], vector<16xf32>,
        %gather3A_425 = tpu.vector_load_idx %arg10[%broadcast_in_dim3A_424] : memref<1024xf32, #tpu.memory_space<vmem>>[vector<16xi32>], vector<16xf32>,
        %mul3A_426 = arith.mulf %gather3A_425, %gather3A : vector<16xf32>
        %add3A_427 = arith.addf %scan3A_421, %mul3A_426 : vector<16xf32>
        %scan3A_428 = arith.constant 1 : i32
        %scan3A_429 = arith.addi %scan3A_420, %scan3A_428 : i32
        %add3A_430 = arith.constant 960 : i32
        %add3A_431 = arith.addi %add3A_430, %scan3A_429 : i32
        %broadcast_in_dim3A_432 = vector.broadcast %add3A_431 : i32 to vector<16xi32>
        %gather3A_433 = tpu.vector_load_idx %arg8[%iota3A, %broadcast_in_dim3A_432] : memref<16x1024xf32, #tpu.memory_space<vmem>>[vector<16xi32>, vector<16xi32>], vector<16xf32>,
        %gather3A_434 = tpu.vector_load_idx %arg10[%broadcast_in_dim3A_432] : memref<1024xf32, #tpu.memory_space<vmem>>[vector<16xi32>], vector<16xf32>,
        %mul3A_435 = arith.mulf %gather3A_434, %gather3A_433 : vector<16xf32>
        %add3A_436 = arith.addf %add3A_427, %mul3A_435 : vector<16xf32>
        %scan3A_437 = arith.constant 2 : i32
        %scan3A_438 = arith.addi %scan3A_420, %scan3A_437 : i32
        %add3A_439 = arith.constant 960 : i32
        %add3A_440 = arith.addi %add3A_439, %scan3A_438 : i32
        %broadcast_in_dim3A_441 = vector.broadcast %add3A_440 : i32 to vector<16xi32>
        %gather3A_442 = tpu.vector_load_idx %arg8[%iota3A, %broadcast_in_dim3A_441] : memref<16x1024xf32, #tpu.memory_space<vmem>>[vector<16xi32>, vector<16xi32>], vector<16xf32>,
        %gather3A_443 = tpu.vector_load_idx %arg10[%broadcast_in_dim3A_441] : memref<1024xf32, #tpu.memory_space<vmem>>[vector<16xi32>], vector<16xf32>,
        %mul3A_444 = arith.mulf %gather3A_443, %gather3A_442 : vector<16xf32>
        %add3A_445 = arith.addf %add3A_436, %mul3A_444 : vector<16xf32>
        %scan3A_446 = arith.constant 3 : i32
        %scan3A_447 = arith.addi %scan3A_420, %scan3A_446 : i32
        %add3A_448 = arith.constant 960 : i32
        %add3A_449 = arith.addi %add3A_448, %scan3A_447 : i32
        %broadcast_in_dim3A_450 = vector.broadcast %add3A_449 : i32 to vector<16xi32>
        %gather3A_451 = tpu.vector_load_idx %arg8[%iota3A, %broadcast_in_dim3A_450] : memref<16x1024xf32, #tpu.memory_space<vmem>>[vector<16xi32>, vector<16xi32>], vector<16xf32>,
        %gather3A_452 = tpu.vector_load_idx %arg10[%broadcast_in_dim3A_450] : memref<1024xf32, #tpu.memory_space<vmem>>[vector<16xi32>], vector<16xf32>,
        %mul3A_453 = arith.mulf %gather3A_452, %gather3A_451 : vector<16xf32>
        %add3A_454 = arith.addf %add3A_445, %mul3A_453 : vector<16xf32>
        %scan3A_455 = arith.constant 4 : i32
        %scan3A_456 = arith.addi %scan3A_420, %scan3A_455 : i32
        %add3A_457 = arith.constant 960 : i32
        %add3A_458 = arith.addi %add3A_457, %scan3A_456 : i32
        %broadcast_in_dim3A_459 = vector.broadcast %add3A_458 : i32 to vector<16xi32>
        %gather3A_460 = tpu.vector_load_idx %arg8[%iota3A, %broadcast_in_dim3A_459] : memref<16x1024xf32, #tpu.memory_space<vmem>>[vector<16xi32>, vector<16xi32>], vector<16xf32>,
        %gather3A_461 = tpu.vector_load_idx %arg10[%broadcast_in_dim3A_459] : memref<1024xf32, #tpu.memory_space<vmem>>[vector<16xi32>], vector<16xf32>,
        %mul3A_462 = arith.mulf %gather3A_461, %gather3A_460 : vector<16xf32>
        %add3A_463 = arith.addf %add3A_454, %mul3A_462 : vector<16xf32>
        %scan3A_464 = arith.constant 5 : i32
        %scan3A_465 = arith.addi %scan3A_420, %scan3A_464 : i32
        %add3A_466 = arith.constant 960 : i32
        %add3A_467 = arith.addi %add3A_466, %scan3A_465 : i32
        %broadcast_in_dim3A_468 = vector.broadcast %add3A_467 : i32 to vector<16xi32>
        %gather3A_469 = tpu.vector_load_idx %arg8[%iota3A, %broadcast_in_dim3A_468] : memref<16x1024xf32, #tpu.memory_space<vmem>>[vector<16xi32>, vector<16xi32>], vector<16xf32>,
        %gather3A_470 = tpu.vector_load_idx %arg10[%broadcast_in_dim3A_468] : memref<1024xf32, #tpu.memory_space<vmem>>[vector<16xi32>], vector<16xf32>,
        %mul3A_471 = arith.mulf %gather3A_470, %gather3A_469 : vector<16xf32>
        %add3A_472 = arith.addf %add3A_463, %mul3A_471 : vector<16xf32>
        %scan3A_473 = arith.constant 6 : i32
        %scan3A_474 = arith.addi %scan3A_420, %scan3A_473 : i32
        %add3A_475 = arith.constant 960 : i32
        %add3A_476 = arith.addi %add3A_475, %scan3A_474 : i32
        %broadcast_in_dim3A_477 = vector.broadcast %add3A_476 : i32 to vector<16xi32>
        %gather3A_478 = tpu.vector_load_idx %arg8[%iota3A, %broadcast_in_dim3A_477] : memref<16x1024xf32, #tpu.memory_space<vmem>>[vector<16xi32>, vector<16xi32>], vector<16xf32>,
        %gather3A_479 = tpu.vector_load_idx %arg10[%broadcast_in_dim3A_477] : memref<1024xf32, #tpu.memory_space<vmem>>[vector<16xi32>], vector<16xf32>,
        %mul3A_480 = arith.mulf %gather3A_479, %gather3A_478 : vector<16xf32>
        %add3A_481 = arith.addf %add3A_472, %mul3A_480 : vector<16xf32>
        %scan3A_482 = arith.constant 7 : i32
        %scan3A_483 = arith.addi %scan3A_420, %scan3A_482 : i32
        %add3A_484 = arith.constant 960 : i32
        %add3A_485 = arith.addi %add3A_484, %scan3A_483 : i32
        %broadcast_in_dim3A_486 = vector.broadcast %add3A_485 : i32 to vector<16xi32>
        %gather3A_487 = tpu.vector_load_idx %arg8[%iota3A, %broadcast_in_dim3A_486] : memref<16x1024xf32, #tpu.memory_space<vmem>>[vector<16xi32>, vector<16xi32>], vector<16xf32>,
        %gather3A_488 = tpu.vector_load_idx %arg10[%broadcast_in_dim3A_486] : memref<1024xf32, #tpu.memory_space<vmem>>[vector<16xi32>], vector<16xf32>,
        %mul3A_489 = arith.mulf %gather3A_488, %gather3A_487 : vector<16xf32>
        %add3A_490 = arith.addf %add3A_481, %mul3A_489 : vector<16xf32>
        scf.yield %add3A_490 : vector<16xf32>
      }
      %scan3A_396 = arith.constant 64 : i32
      %mul3A_397 = vector.broadcast %scan3A_3 : f32 to vector<16xf32>
      %mul3A_398 = arith.mulf %scan3A_395, %mul3A_397 : vector<16xf32>
      %reduce_max3A_399 = arith.constant true
      %reduce_max3A_400 = vector.broadcast %reduce_max3A_399 : i1 to vector<16xi1>
      %reduce_max3A_401 = tpu.scan <max>, %mul3A_398 masked %reduce_max3A_400 : vector<16xf32>, vector<16xi1> -> vector<16xf32>
      %reduce_max3A_402 = vector.extract %reduce_max3A_401[15] : f32 from vector<16xf32>
      %sub3A_403 = vector.broadcast %reduce_max3A_402 : f32 to vector<16xf32>
      %sub3A_404 = arith.subf %mul3A_398, %sub3A_403 : vector<16xf32>
      %exp3A_405 = math.exp %sub3A_404 : vector<16xf32>
      %reduce_sum3A_406 = arith.constant true
      %reduce_sum3A_407 = vector.broadcast %reduce_sum3A_406 : i1 to vector<16xi1>
      %reduce_sum3A_408 = tpu.scan <sum>, %exp3A_405 masked %reduce_sum3A_407 : vector<16xf32>, vector<16xi1> -> vector<16xf32>
      %reduce_sum3A_409 = vector.extract %reduce_sum3A_408[15] : f32 from vector<16xf32>
      %div3A_410 = vector.broadcast %reduce_sum3A_409 : f32 to vector<16xf32>
      %div3A_411 = arith.divf %exp3A_405, %div3A_410 : vector<16xf32>
      %swap3A_412 = arith.constant 240 : index
      %swap3A_413 = tpu.vector_load %arg11[%swap3A_412] {strides = array<i32>} : memref<256xf32, #tpu.memory_space<vmem>>, vector<16xf32>,
      tpu.vector_store %arg11[%swap3A_412], %div3A_411 {strides = array<i32>} : memref<256xf32, #tpu.memory_space<vmem>>, vector<16xf32>,
      %scan3A_414 = arith.constant 0 : i32
      %scan3A_415 = arith.constant 0 : i32
      %scan3A_416 = arith.constant 64 : i32
      %scan3A_417 = arith.addi %scan3A_415, %scan3A_416 : i32
      %scan3A_418 = arith.constant 2 : i32
      scf.for %scan3A_420 = %scan3A_415 to %scan3A_417 step %scan3A_418  : i32 {
        %jit3A = arith.constant 4 : i32
        %div3A_421 = arith.divsi %scan3A_420, %jit3A : i32
        %sign3A = arith.constant 0 : i32
        %sign3A_422 = arith.cmpi sgt, %scan3A_420, %sign3A : i32
        %sign3A_423 = arith.extui %sign3A_422 : i1 to i32
        %sign3A_424 = arith.constant 0 : i32
        %sign3A_425 = arith.cmpi slt, %scan3A_420, %sign3A_424 : i32
        %sign3A_426 = arith.extui %sign3A_425 : i1 to i32
        %sign3A_427 = arith.subi %sign3A_423, %sign3A_426 : i32
        %sign3A_428 = arith.constant 0 : i32
        %sign3A_429 = arith.cmpi sgt, %jit3A, %sign3A_428 : i32
        %sign3A_430 = arith.extui %sign3A_429 : i1 to i32
        %sign3A_431 = arith.constant 0 : i32
        %sign3A_432 = arith.cmpi slt, %jit3A, %sign3A_431 : i32
        %sign3A_433 = arith.extui %sign3A_432 : i1 to i32
        %sign3A_434 = arith.subi %sign3A_430, %sign3A_433 : i32
        %ne3A = arith.cmpi ne, %sign3A_427, %sign3A_434 : i32
        %rem3A = arith.remsi %scan3A_420, %jit3A : i32
        %ne3A_435 = arith.constant 0 : i32
        %ne3A_436 = arith.cmpi ne, %rem3A, %ne3A_435 : i32
        %and3A = arith.andi %ne3A, %ne3A_436 : i1
        %sub3A_437 = arith.constant 1 : i32
        %sub3A_438 = arith.subi %div3A_421, %sub3A_437 : i32
        %select_n3A = arith.select %and3A, %sub3A_438, %div3A_421 : i32
        %broadcast_in_dim3A_439 = arith.constant 0.000000e+00 : f32
        %broadcast_in_dim3A_440 = vector.broadcast %broadcast_in_dim3A_439 : f32 to vector<16xf32>
        %mul3A_441 = arith.constant 16 : i32
        %mul3A_442 = arith.muli %select_n3A, %mul3A_441 : i32
        %add3A_443 = arith.constant 0 : i32
        %add3A_444 = arith.addi %mul3A_442, %add3A_443 : i32
        %broadcast_in_dim3A_445 = vector.broadcast %add3A_444 : i32 to vector<16xi32>
        %gather3A = tpu.vector_load_idx %arg11[%broadcast_in_dim3A_445] : memref<256xf32, #tpu.memory_space<vmem>>[vector<16xi32>], vector<16xf32>,
        %mul3A_446 = arith.constant 16 : i32
        %mul3A_447 = arith.muli %scan3A_420, %mul3A_446 : i32
        %get3A = arith.constant 0 : i32
        %get3A_448 = arith.index_cast %get3A : i32 to index
        %get3A_449 = arith.index_cast %mul3A_447 : i32 to index
        %get3A_450 = tpu.vector_load %arg9[%get3A_448, %get3A_449] {strides = array<i32>} : memref<16x1024xf32, #tpu.memory_space<vmem>>, vector<16xf32>,
        %mul3A_451 = arith.mulf %gather3A, %get3A_450 : vector<16xf32>
        %add3A_452 = arith.addf %broadcast_in_dim3A_440, %mul3A_451 : vector<16xf32>
        %mul3A_453 = arith.constant 16 : i32
        %mul3A_454 = arith.muli %select_n3A, %mul3A_453 : i32
        %add3A_455 = arith.constant 1 : i32
        %add3A_456 = arith.addi %mul3A_454, %add3A_455 : i32
        %broadcast_in_dim3A_457 = vector.broadcast %add3A_456 : i32 to vector<16xi32>
        %gather3A_458 = tpu.vector_load_idx %arg11[%broadcast_in_dim3A_457] : memref<256xf32, #tpu.memory_space<vmem>>[vector<16xi32>], vector<16xf32>,
        %mul3A_459 = arith.constant 16 : i32
        %mul3A_460 = arith.muli %scan3A_420, %mul3A_459 : i32
        %get3A_461 = arith.constant 1 : i32
        %get3A_462 = arith.index_cast %get3A_461 : i32 to index
        %get3A_463 = arith.index_cast %mul3A_460 : i32 to index
        %get3A_464 = tpu.vector_load %arg9[%get3A_462, %get3A_463] {strides = array<i32>} : memref<16x1024xf32, #tpu.memory_space<vmem>>, vector<16xf32>,
        %mul3A_465 = arith.mulf %gather3A_458, %get3A_464 : vector<16xf32>
        %add3A_466 = arith.addf %add3A_452, %mul3A_465 : vector<16xf32>
        %mul3A_467 = arith.constant 16 : i32
        %mul3A_468 = arith.muli %select_n3A, %mul3A_467 : i32
        %add3A_469 = arith.constant 2 : i32
        %add3A_470 = arith.addi %mul3A_468, %add3A_469 : i32
        %broadcast_in_dim3A_471 = vector.broadcast %add3A_470 : i32 to vector<16xi32>
        %gather3A_472 = tpu.vector_load_idx %arg11[%broadcast_in_dim3A_471] : memref<256xf32, #tpu.memory_space<vmem>>[vector<16xi32>], vector<16xf32>,
        %mul3A_473 = arith.constant 16 : i32
        %mul3A_474 = arith.muli %scan3A_420, %mul3A_473 : i32
        %get3A_475 = arith.constant 2 : i32
        %get3A_476 = arith.index_cast %get3A_475 : i32 to index
        %get3A_477 = arith.index_cast %mul3A_474 : i32 to index
        %get3A_478 = tpu.vector_load %arg9[%get3A_476, %get3A_477] {strides = array<i32>} : memref<16x1024xf32, #tpu.memory_space<vmem>>, vector<16xf32>,
        %mul3A_479 = arith.mulf %gather3A_472, %get3A_478 : vector<16xf32>
        %add3A_480 = arith.addf %add3A_466, %mul3A_479 : vector<16xf32>
        %mul3A_481 = arith.constant 16 : i32
        %mul3A_482 = arith.muli %select_n3A, %mul3A_481 : i32
        %add3A_483 = arith.constant 3 : i32
        %add3A_484 = arith.addi %mul3A_482, %add3A_483 : i32
        %broadcast_in_dim3A_485 = vector.broadcast %add3A_484 : i32 to vector<16xi32>
        %gather3A_486 = tpu.vector_load_idx %arg11[%broadcast_in_dim3A_485] : memref<256xf32, #tpu.memory_space<vmem>>[vector<16xi32>], vector<16xf32>,
        %mul3A_487 = arith.constant 16 : i32
        %mul3A_488 = arith.muli %scan3A_420, %mul3A_487 : i32
        %get3A_489 = arith.constant 3 : i32
        %get3A_490 = arith.index_cast %get3A_489 : i32 to index
        %get3A_491 = arith.index_cast %mul3A_488 : i32 to index
        %get3A_492 = tpu.vector_load %arg9[%get3A_490, %get3A_491] {strides = array<i32>} : memref<16x1024xf32, #tpu.memory_space<vmem>>, vector<16xf32>,
        %mul3A_493 = arith.mulf %gather3A_486, %get3A_492 : vector<16xf32>
        %add3A_494 = arith.addf %add3A_480, %mul3A_493 : vector<16xf32>
        %mul3A_495 = arith.constant 16 : i32
        %mul3A_496 = arith.muli %select_n3A, %mul3A_495 : i32
        %add3A_497 = arith.constant 4 : i32
        %add3A_498 = arith.addi %mul3A_496, %add3A_497 : i32
        %broadcast_in_dim3A_499 = vector.broadcast %add3A_498 : i32 to vector<16xi32>
        %gather3A_500 = tpu.vector_load_idx %arg11[%broadcast_in_dim3A_499] : memref<256xf32, #tpu.memory_space<vmem>>[vector<16xi32>], vector<16xf32>,
        %mul3A_501 = arith.constant 16 : i32
        %mul3A_502 = arith.muli %scan3A_420, %mul3A_501 : i32
        %get3A_503 = arith.constant 4 : i32
        %get3A_504 = arith.index_cast %get3A_503 : i32 to index
        %get3A_505 = arith.index_cast %mul3A_502 : i32 to index
        %get3A_506 = tpu.vector_load %arg9[%get3A_504, %get3A_505] {strides = array<i32>} : memref<16x1024xf32, #tpu.memory_space<vmem>>, vector<16xf32>,
        %mul3A_507 = arith.mulf %gather3A_500, %get3A_506 : vector<16xf32>
        %add3A_508 = arith.addf %add3A_494, %mul3A_507 : vector<16xf32>
        %mul3A_509 = arith.constant 16 : i32
        %mul3A_510 = arith.muli %select_n3A, %mul3A_509 : i32
        %add3A_511 = arith.constant 5 : i32
        %add3A_512 = arith.addi %mul3A_510, %add3A_511 : i32
        %broadcast_in_dim3A_513 = vector.broadcast %add3A_512 : i32 to vector<16xi32>
        %gather3A_514 = tpu.vector_load_idx %arg11[%broadcast_in_dim3A_513] : memref<256xf32, #tpu.memory_space<vmem>>[vector<16xi32>], vector<16xf32>,
        %mul3A_515 = arith.constant 16 : i32
        %mul3A_516 = arith.muli %scan3A_420, %mul3A_515 : i32
        %get3A_517 = arith.constant 5 : i32
        %get3A_518 = arith.index_cast %get3A_517 : i32 to index
        %get3A_519 = arith.index_cast %mul3A_516 : i32 to index
        %get3A_520 = tpu.vector_load %arg9[%get3A_518, %get3A_519] {strides = array<i32>} : memref<16x1024xf32, #tpu.memory_space<vmem>>, vector<16xf32>,
        %mul3A_521 = arith.mulf %gather3A_514, %get3A_520 : vector<16xf32>
        %add3A_522 = arith.addf %add3A_508, %mul3A_521 : vector<16xf32>
        %mul3A_523 = arith.constant 16 : i32
        %mul3A_524 = arith.muli %select_n3A, %mul3A_523 : i32
        %add3A_525 = arith.constant 6 : i32
        %add3A_526 = arith.addi %mul3A_524, %add3A_525 : i32
        %broadcast_in_dim3A_527 = vector.broadcast %add3A_526 : i32 to vector<16xi32>
        %gather3A_528 = tpu.vector_load_idx %arg11[%broadcast_in_dim3A_527] : memref<256xf32, #tpu.memory_space<vmem>>[vector<16xi32>], vector<16xf32>,
        %mul3A_529 = arith.constant 16 : i32
        %mul3A_530 = arith.muli %scan3A_420, %mul3A_529 : i32
        %get3A_531 = arith.constant 6 : i32
        %get3A_532 = arith.index_cast %get3A_531 : i32 to index
        %get3A_533 = arith.index_cast %mul3A_530 : i32 to index
        %get3A_534 = tpu.vector_load %arg9[%get3A_532, %get3A_533] {strides = array<i32>} : memref<16x1024xf32, #tpu.memory_space<vmem>>, vector<16xf32>,
        %mul3A_535 = arith.mulf %gather3A_528, %get3A_534 : vector<16xf32>
        %add3A_536 = arith.addf %add3A_522, %mul3A_535 : vector<16xf32>
        %mul3A_537 = arith.constant 16 : i32
        %mul3A_538 = arith.muli %select_n3A, %mul3A_537 : i32
        %add3A_539 = arith.constant 7 : i32
        %add3A_540 = arith.addi %mul3A_538, %add3A_539 : i32
        %broadcast_in_dim3A_541 = vector.broadcast %add3A_540 : i32 to vector<16xi32>
        %gather3A_542 = tpu.vector_load_idx %arg11[%broadcast_in_dim3A_541] : memref<256xf32, #tpu.memory_space<vmem>>[vector<16xi32>], vector<16xf32>,
        %mul3A_543 = arith.constant 16 : i32
        %mul3A_544 = arith.muli %scan3A_420, %mul3A_543 : i32
        %get3A_545 = arith.constant 7 : i32
        %get3A_546 = arith.index_cast %get3A_545 : i32 to index
        %get3A_547 = arith.index_cast %mul3A_544 : i32 to index
        %get3A_548 = tpu.vector_load %arg9[%get3A_546, %get3A_547] {strides = array<i32>} : memref<16x1024xf32, #tpu.memory_space<vmem>>, vector<16xf32>,
        %mul3A_549 = arith.mulf %gather3A_542, %get3A_548 : vector<16xf32>
        %add3A_550 = arith.addf %add3A_536, %mul3A_549 : vector<16xf32>
        %mul3A_551 = arith.constant 16 : i32
        %mul3A_552 = arith.muli %select_n3A, %mul3A_551 : i32
        %add3A_553 = arith.constant 8 : i32
        %add3A_554 = arith.addi %mul3A_552, %add3A_553 : i32
        %broadcast_in_dim3A_555 = vector.broadcast %add3A_554 : i32 to vector<16xi32>
        %gather3A_556 = tpu.vector_load_idx %arg11[%broadcast_in_dim3A_555] : memref<256xf32, #tpu.memory_space<vmem>>[vector<16xi32>], vector<16xf32>,
        %mul3A_557 = arith.constant 16 : i32
        %mul3A_558 = arith.muli %scan3A_420, %mul3A_557 : i32
        %get3A_559 = arith.constant 8 : i32
        %get3A_560 = arith.index_cast %get3A_559 : i32 to index
        %get3A_561 = arith.index_cast %mul3A_558 : i32 to index
        %get3A_562 = tpu.vector_load %arg9[%get3A_560, %get3A_561] {strides = array<i32>} : memref<16x1024xf32, #tpu.memory_space<vmem>>, vector<16xf32>,
        %mul3A_563 = arith.mulf %gather3A_556, %get3A_562 : vector<16xf32>
        %add3A_564 = arith.addf %add3A_550, %mul3A_563 : vector<16xf32>
        %mul3A_565 = arith.constant 16 : i32
        %mul3A_566 = arith.muli %select_n3A, %mul3A_565 : i32
        %add3A_567 = arith.constant 9 : i32
        %add3A_568 = arith.addi %mul3A_566, %add3A_567 : i32
        %broadcast_in_dim3A_569 = vector.broadcast %add3A_568 : i32 to vector<16xi32>
        %gather3A_570 = tpu.vector_load_idx %arg11[%broadcast_in_dim3A_569] : memref<256xf32, #tpu.memory_space<vmem>>[vector<16xi32>], vector<16xf32>,
        %mul3A_571 = arith.constant 16 : i32
        %mul3A_572 = arith.muli %scan3A_420, %mul3A_571 : i32
        %get3A_573 = arith.constant 9 : i32
        %get3A_574 = arith.index_cast %get3A_573 : i32 to index
        %get3A_575 = arith.index_cast %mul3A_572 : i32 to index
        %get3A_576 = tpu.vector_load %arg9[%get3A_574, %get3A_575] {strides = array<i32>} : memref<16x1024xf32, #tpu.memory_space<vmem>>, vector<16xf32>,
        %mul3A_577 = arith.mulf %gather3A_570, %get3A_576 : vector<16xf32>
        %add3A_578 = arith.addf %add3A_564, %mul3A_577 : vector<16xf32>
        %mul3A_579 = arith.constant 16 : i32
        %mul3A_580 = arith.muli %select_n3A, %mul3A_579 : i32
        %add3A_581 = arith.constant 10 : i32
        %add3A_582 = arith.addi %mul3A_580, %add3A_581 : i32
        %broadcast_in_dim3A_583 = vector.broadcast %add3A_582 : i32 to vector<16xi32>
        %gather3A_584 = tpu.vector_load_idx %arg11[%broadcast_in_dim3A_583] : memref<256xf32, #tpu.memory_space<vmem>>[vector<16xi32>], vector<16xf32>,
        %mul3A_585 = arith.constant 16 : i32
        %mul3A_586 = arith.muli %scan3A_420, %mul3A_585 : i32
        %get3A_587 = arith.constant 10 : i32
        %get3A_588 = arith.index_cast %get3A_587 : i32 to index
        %get3A_589 = arith.index_cast %mul3A_586 : i32 to index
        %get3A_590 = tpu.vector_load %arg9[%get3A_588, %get3A_589] {strides = array<i32>} : memref<16x1024xf32, #tpu.memory_space<vmem>>, vector<16xf32>,
        %mul3A_591 = arith.mulf %gather3A_584, %get3A_590 : vector<16xf32>
        %add3A_592 = arith.addf %add3A_578, %mul3A_591 : vector<16xf32>
        %mul3A_593 = arith.constant 16 : i32
        %mul3A_594 = arith.muli %select_n3A, %mul3A_593 : i32
        %add3A_595 = arith.constant 11 : i32
        %add3A_596 = arith.addi %mul3A_594, %add3A_595 : i32
        %broadcast_in_dim3A_597 = vector.broadcast %add3A_596 : i32 to vector<16xi32>
        %gather3A_598 = tpu.vector_load_idx %arg11[%broadcast_in_dim3A_597] : memref<256xf32, #tpu.memory_space<vmem>>[vector<16xi32>], vector<16xf32>,
        %mul3A_599 = arith.constant 16 : i32
        %mul3A_600 = arith.muli %scan3A_420, %mul3A_599 : i32
        %get3A_601 = arith.constant 11 : i32
        %get3A_602 = arith.index_cast %get3A_601 : i32 to index
        %get3A_603 = arith.index_cast %mul3A_600 : i32 to index
        %get3A_604 = tpu.vector_load %arg9[%get3A_602, %get3A_603] {strides = array<i32>} : memref<16x1024xf32, #tpu.memory_space<vmem>>, vector<16xf32>,
        %mul3A_605 = arith.mulf %gather3A_598, %get3A_604 : vector<16xf32>
        %add3A_606 = arith.addf %add3A_592, %mul3A_605 : vector<16xf32>
        %mul3A_607 = arith.constant 16 : i32
        %mul3A_608 = arith.muli %select_n3A, %mul3A_607 : i32
        %add3A_609 = arith.constant 12 : i32
        %add3A_610 = arith.addi %mul3A_608, %add3A_609 : i32
        %broadcast_in_dim3A_611 = vector.broadcast %add3A_610 : i32 to vector<16xi32>
        %gather3A_612 = tpu.vector_load_idx %arg11[%broadcast_in_dim3A_611] : memref<256xf32, #tpu.memory_space<vmem>>[vector<16xi32>], vector<16xf32>,
        %mul3A_613 = arith.constant 16 : i32
        %mul3A_614 = arith.muli %scan3A_420, %mul3A_613 : i32
        %get3A_615 = arith.constant 12 : i32
        %get3A_616 = arith.index_cast %get3A_615 : i32 to index
        %get3A_617 = arith.index_cast %mul3A_614 : i32 to index
        %get3A_618 = tpu.vector_load %arg9[%get3A_616, %get3A_617] {strides = array<i32>} : memref<16x1024xf32, #tpu.memory_space<vmem>>, vector<16xf32>,
        %mul3A_619 = arith.mulf %gather3A_612, %get3A_618 : vector<16xf32>
        %add3A_620 = arith.addf %add3A_606, %mul3A_619 : vector<16xf32>
        %mul3A_621 = arith.constant 16 : i32
        %mul3A_622 = arith.muli %select_n3A, %mul3A_621 : i32
        %add3A_623 = arith.constant 13 : i32
        %add3A_624 = arith.addi %mul3A_622, %add3A_623 : i32
        %broadcast_in_dim3A_625 = vector.broadcast %add3A_624 : i32 to vector<16xi32>
        %gather3A_626 = tpu.vector_load_idx %arg11[%broadcast_in_dim3A_625] : memref<256xf32, #tpu.memory_space<vmem>>[vector<16xi32>], vector<16xf32>,
        %mul3A_627 = arith.constant 16 : i32
        %mul3A_628 = arith.muli %scan3A_420, %mul3A_627 : i32
        %get3A_629 = arith.constant 13 : i32
        %get3A_630 = arith.index_cast %get3A_629 : i32 to index
        %get3A_631 = arith.index_cast %mul3A_628 : i32 to index
        %get3A_632 = tpu.vector_load %arg9[%get3A_630, %get3A_631] {strides = array<i32>} : memref<16x1024xf32, #tpu.memory_space<vmem>>, vector<16xf32>,
        %mul3A_633 = arith.mulf %gather3A_626, %get3A_632 : vector<16xf32>
        %add3A_634 = arith.addf %add3A_620, %mul3A_633 : vector<16xf32>
        %mul3A_635 = arith.constant 16 : i32
        %mul3A_636 = arith.muli %select_n3A, %mul3A_635 : i32
        %add3A_637 = arith.constant 14 : i32
        %add3A_638 = arith.addi %mul3A_636, %add3A_637 : i32
        %broadcast_in_dim3A_639 = vector.broadcast %add3A_638 : i32 to vector<16xi32>
        %gather3A_640 = tpu.vector_load_idx %arg11[%broadcast_in_dim3A_639] : memref<256xf32, #tpu.memory_space<vmem>>[vector<16xi32>], vector<16xf32>,
        %mul3A_641 = arith.constant 16 : i32
        %mul3A_642 = arith.muli %scan3A_420, %mul3A_641 : i32
        %get3A_643 = arith.constant 14 : i32
        %get3A_644 = arith.index_cast %get3A_643 : i32 to index
        %get3A_645 = arith.index_cast %mul3A_642 : i32 to index
        %get3A_646 = tpu.vector_load %arg9[%get3A_644, %get3A_645] {strides = array<i32>} : memref<16x1024xf32, #tpu.memory_space<vmem>>, vector<16xf32>,
        %mul3A_647 = arith.mulf %gather3A_640, %get3A_646 : vector<16xf32>
        %add3A_648 = arith.addf %add3A_634, %mul3A_647 : vector<16xf32>
        %mul3A_649 = arith.constant 16 : i32
        %mul3A_650 = arith.muli %select_n3A, %mul3A_649 : i32
        %add3A_651 = arith.constant 15 : i32
        %add3A_652 = arith.addi %mul3A_650, %add3A_651 : i32
        %broadcast_in_dim3A_653 = vector.broadcast %add3A_652 : i32 to vector<16xi32>
        %gather3A_654 = tpu.vector_load_idx %arg11[%broadcast_in_dim3A_653] : memref<256xf32, #tpu.memory_space<vmem>>[vector<16xi32>], vector<16xf32>,
        %mul3A_655 = arith.constant 16 : i32
        %mul3A_656 = arith.muli %scan3A_420, %mul3A_655 : i32
        %get3A_657 = arith.constant 15 : i32
        %get3A_658 = arith.index_cast %get3A_657 : i32 to index
        %get3A_659 = arith.index_cast %mul3A_656 : i32 to index
        %get3A_660 = tpu.vector_load %arg9[%get3A_658, %get3A_659] {strides = array<i32>} : memref<16x1024xf32, #tpu.memory_space<vmem>>, vector<16xf32>,
        %mul3A_661 = arith.mulf %gather3A_654, %get3A_660 : vector<16xf32>
        %add3A_662 = arith.addf %add3A_648, %mul3A_661 : vector<16xf32>
        %mul3A_663 = arith.constant 16 : i32
        %mul3A_664 = arith.muli %scan3A_420, %mul3A_663 : i32
        %swap3A_665 = arith.index_cast %mul3A_664 : i32 to index
        %swap3A_666 = tpu.vector_load %arg12[%swap3A_665] {strides = array<i32>} : memref<1024xf32, #tpu.memory_space<vmem>>, vector<16xf32>,
        tpu.vector_store %arg12[%swap3A_665], %add3A_662 {strides = array<i32>} : memref<1024xf32, #tpu.memory_space<vmem>>, vector<16xf32>,
        %scan3A_667 = arith.constant 1 : i32
        %scan3A_668 = arith.addi %scan3A_420, %scan3A_667 : i32
        %jit3A_669 = arith.constant 4 : i32
        %div3A_670 = arith.divsi %scan3A_668, %jit3A_669 : i32
        %sign3A_671 = arith.constant 0 : i32
        %sign3A_672 = arith.cmpi sgt, %scan3A_668, %sign3A_671 : i32
        %sign3A_673 = arith.extui %sign3A_672 : i1 to i32
        %sign3A_674 = arith.constant 0 : i32
        %sign3A_675 = arith.cmpi slt, %scan3A_668, %sign3A_674 : i32
        %sign3A_676 = arith.extui %sign3A_675 : i1 to i32
        %sign3A_677 = arith.subi %sign3A_673, %sign3A_676 : i32
        %sign3A_678 = arith.constant 0 : i32
        %sign3A_679 = arith.cmpi sgt, %jit3A_669, %sign3A_678 : i32
        %sign3A_680 = arith.extui %sign3A_679 : i1 to i32
        %sign3A_681 = arith.constant 0 : i32
        %sign3A_682 = arith.cmpi slt, %jit3A_669, %sign3A_681 : i32
        %sign3A_683 = arith.extui %sign3A_682 : i1 to i32
        %sign3A_684 = arith.subi %sign3A_680, %sign3A_683 : i32
        %ne3A_685 = arith.cmpi ne, %sign3A_677, %sign3A_684 : i32
        %rem3A_686 = arith.remsi %scan3A_668, %jit3A_669 : i32
        %ne3A_687 = arith.constant 0 : i32
        %ne3A_688 = arith.cmpi ne, %rem3A_686, %ne3A_687 : i32
        %and3A_689 = arith.andi %ne3A_685, %ne3A_688 : i1
        %sub3A_690 = arith.constant 1 : i32
        %sub3A_691 = arith.subi %div3A_670, %sub3A_690 : i32
        %select_n3A_692 = arith.select %and3A_689, %sub3A_691, %div3A_670 : i32
        %broadcast_in_dim3A_693 = arith.constant 0.000000e+00 : f32
        %broadcast_in_dim3A_694 = vector.broadcast %broadcast_in_dim3A_693 : f32 to vector<16xf32>
        %mul3A_695 = arith.constant 16 : i32
        %mul3A_696 = arith.muli %select_n3A_692, %mul3A_695 : i32
        %add3A_697 = arith.constant 0 : i32
        %add3A_698 = arith.addi %mul3A_696, %add3A_697 : i32
        %broadcast_in_dim3A_699 = vector.broadcast %add3A_698 : i32 to vector<16xi32>
        %gather3A_700 = tpu.vector_load_idx %arg11[%broadcast_in_dim3A_699] : memref<256xf32, #tpu.memory_space<vmem>>[vector<16xi32>], vector<16xf32>,
        %mul3A_701 = arith.constant 16 : i32
        %mul3A_702 = arith.muli %scan3A_668, %mul3A_701 : i32
        %get3A_703 = arith.constant 0 : i32
        %get3A_704 = arith.index_cast %get3A_703 : i32 to index
        %get3A_705 = arith.index_cast %mul3A_702 : i32 to index
        %get3A_706 = tpu.vector_load %arg9[%get3A_704, %get3A_705] {strides = array<i32>} : memref<16x1024xf32, #tpu.memory_space<vmem>>, vector<16xf32>,
        %mul3A_707 = arith.mulf %gather3A_700, %get3A_706 : vector<16xf32>
        %add3A_708 = arith.addf %broadcast_in_dim3A_694, %mul3A_707 : vector<16xf32>
        %mul3A_709 = arith.constant 16 : i32
        %mul3A_710 = arith.muli %select_n3A_692, %mul3A_709 : i32
        %add3A_711 = arith.constant 1 : i32
        %add3A_712 = arith.addi %mul3A_710, %add3A_711 : i32
        %broadcast_in_dim3A_713 = vector.broadcast %add3A_712 : i32 to vector<16xi32>
        %gather3A_714 = tpu.vector_load_idx %arg11[%broadcast_in_dim3A_713] : memref<256xf32, #tpu.memory_space<vmem>>[vector<16xi32>], vector<16xf32>,
        %mul3A_715 = arith.constant 16 : i32
        %mul3A_716 = arith.muli %scan3A_668, %mul3A_715 : i32
        %get3A_717 = arith.constant 1 : i32
        %get3A_718 = arith.index_cast %get3A_717 : i32 to index
        %get3A_719 = arith.index_cast %mul3A_716 : i32 to index
        %get3A_720 = tpu.vector_load %arg9[%get3A_718, %get3A_719] {strides = array<i32>} : memref<16x1024xf32, #tpu.memory_space<vmem>>, vector<16xf32>,
        %mul3A_721 = arith.mulf %gather3A_714, %get3A_720 : vector<16xf32>
        %add3A_722 = arith.addf %add3A_708, %mul3A_721 : vector<16xf32>
        %mul3A_723 = arith.constant 16 : i32
        %mul3A_724 = arith.muli %select_n3A_692, %mul3A_723 : i32
        %add3A_725 = arith.constant 2 : i32
        %add3A_726 = arith.addi %mul3A_724, %add3A_725 : i32
        %broadcast_in_dim3A_727 = vector.broadcast %add3A_726 : i32 to vector<16xi32>
        %gather3A_728 = tpu.vector_load_idx %arg11[%broadcast_in_dim3A_727] : memref<256xf32, #tpu.memory_space<vmem>>[vector<16xi32>], vector<16xf32>,
        %mul3A_729 = arith.constant 16 : i32
        %mul3A_730 = arith.muli %scan3A_668, %mul3A_729 : i32
        %get3A_731 = arith.constant 2 : i32
        %get3A_732 = arith.index_cast %get3A_731 : i32 to index
        %get3A_733 = arith.index_cast %mul3A_730 : i32 to index
        %get3A_734 = tpu.vector_load %arg9[%get3A_732, %get3A_733] {strides = array<i32>} : memref<16x1024xf32, #tpu.memory_space<vmem>>, vector<16xf32>,
        %mul3A_735 = arith.mulf %gather3A_728, %get3A_734 : vector<16xf32>
        %add3A_736 = arith.addf %add3A_722, %mul3A_735 : vector<16xf32>
        %mul3A_737 = arith.constant 16 : i32
        %mul3A_738 = arith.muli %select_n3A_692, %mul3A_737 : i32
        %add3A_739 = arith.constant 3 : i32
        %add3A_740 = arith.addi %mul3A_738, %add3A_739 : i32
        %broadcast_in_dim3A_741 = vector.broadcast %add3A_740 : i32 to vector<16xi32>
        %gather3A_742 = tpu.vector_load_idx %arg11[%broadcast_in_dim3A_741] : memref<256xf32, #tpu.memory_space<vmem>>[vector<16xi32>], vector<16xf32>,
        %mul3A_743 = arith.constant 16 : i32
        %mul3A_744 = arith.muli %scan3A_668, %mul3A_743 : i32
        %get3A_745 = arith.constant 3 : i32
        %get3A_746 = arith.index_cast %get3A_745 : i32 to index
        %get3A_747 = arith.index_cast %mul3A_744 : i32 to index
        %get3A_748 = tpu.vector_load %arg9[%get3A_746, %get3A_747] {strides = array<i32>} : memref<16x1024xf32, #tpu.memory_space<vmem>>, vector<16xf32>,
        %mul3A_749 = arith.mulf %gather3A_742, %get3A_748 : vector<16xf32>
        %add3A_750 = arith.addf %add3A_736, %mul3A_749 : vector<16xf32>
        %mul3A_751 = arith.constant 16 : i32
        %mul3A_752 = arith.muli %select_n3A_692, %mul3A_751 : i32
        %add3A_753 = arith.constant 4 : i32
        %add3A_754 = arith.addi %mul3A_752, %add3A_753 : i32
        %broadcast_in_dim3A_755 = vector.broadcast %add3A_754 : i32 to vector<16xi32>
        %gather3A_756 = tpu.vector_load_idx %arg11[%broadcast_in_dim3A_755] : memref<256xf32, #tpu.memory_space<vmem>>[vector<16xi32>], vector<16xf32>,
        %mul3A_757 = arith.constant 16 : i32
        %mul3A_758 = arith.muli %scan3A_668, %mul3A_757 : i32
        %get3A_759 = arith.constant 4 : i32
        %get3A_760 = arith.index_cast %get3A_759 : i32 to index
        %get3A_761 = arith.index_cast %mul3A_758 : i32 to index
        %get3A_762 = tpu.vector_load %arg9[%get3A_760, %get3A_761] {strides = array<i32>} : memref<16x1024xf32, #tpu.memory_space<vmem>>, vector<16xf32>,
        %mul3A_763 = arith.mulf %gather3A_756, %get3A_762 : vector<16xf32>
        %add3A_764 = arith.addf %add3A_750, %mul3A_763 : vector<16xf32>
        %mul3A_765 = arith.constant 16 : i32
        %mul3A_766 = arith.muli %select_n3A_692, %mul3A_765 : i32
        %add3A_767 = arith.constant 5 : i32
        %add3A_768 = arith.addi %mul3A_766, %add3A_767 : i32
        %broadcast_in_dim3A_769 = vector.broadcast %add3A_768 : i32 to vector<16xi32>
        %gather3A_770 = tpu.vector_load_idx %arg11[%broadcast_in_dim3A_769] : memref<256xf32, #tpu.memory_space<vmem>>[vector<16xi32>], vector<16xf32>,
        %mul3A_771 = arith.constant 16 : i32
        %mul3A_772 = arith.muli %scan3A_668, %mul3A_771 : i32
        %get3A_773 = arith.constant 5 : i32
        %get3A_774 = arith.index_cast %get3A_773 : i32 to index
        %get3A_775 = arith.index_cast %mul3A_772 : i32 to index
        %get3A_776 = tpu.vector_load %arg9[%get3A_774, %get3A_775] {strides = array<i32>} : memref<16x1024xf32, #tpu.memory_space<vmem>>, vector<16xf32>,
        %mul3A_777 = arith.mulf %gather3A_770, %get3A_776 : vector<16xf32>
        %add3A_778 = arith.addf %add3A_764, %mul3A_777 : vector<16xf32>
        %mul3A_779 = arith.constant 16 : i32
        %mul3A_780 = arith.muli %select_n3A_692, %mul3A_779 : i32
        %add3A_781 = arith.constant 6 : i32
        %add3A_782 = arith.addi %mul3A_780, %add3A_781 : i32
        %broadcast_in_dim3A_783 = vector.broadcast %add3A_782 : i32 to vector<16xi32>
        %gather3A_784 = tpu.vector_load_idx %arg11[%broadcast_in_dim3A_783] : memref<256xf32, #tpu.memory_space<vmem>>[vector<16xi32>], vector<16xf32>,
        %mul3A_785 = arith.constant 16 : i32
        %mul3A_786 = arith.muli %scan3A_668, %mul3A_785 : i32
        %get3A_787 = arith.constant 6 : i32
        %get3A_788 = arith.index_cast %get3A_787 : i32 to index
        %get3A_789 = arith.index_cast %mul3A_786 : i32 to index
        %get3A_790 = tpu.vector_load %arg9[%get3A_788, %get3A_789] {strides = array<i32>} : memref<16x1024xf32, #tpu.memory_space<vmem>>, vector<16xf32>,
        %mul3A_791 = arith.mulf %gather3A_784, %get3A_790 : vector<16xf32>
        %add3A_792 = arith.addf %add3A_778, %mul3A_791 : vector<16xf32>
        %mul3A_793 = arith.constant 16 : i32
        %mul3A_794 = arith.muli %select_n3A_692, %mul3A_793 : i32
        %add3A_795 = arith.constant 7 : i32
        %add3A_796 = arith.addi %mul3A_794, %add3A_795 : i32
        %broadcast_in_dim3A_797 = vector.broadcast %add3A_796 : i32 to vector<16xi32>
        %gather3A_798 = tpu.vector_load_idx %arg11[%broadcast_in_dim3A_797] : memref<256xf32, #tpu.memory_space<vmem>>[vector<16xi32>], vector<16xf32>,
        %mul3A_799 = arith.constant 16 : i32
        %mul3A_800 = arith.muli %scan3A_668, %mul3A_799 : i32
        %get3A_801 = arith.constant 7 : i32
        %get3A_802 = arith.index_cast %get3A_801 : i32 to index
        %get3A_803 = arith.index_cast %mul3A_800 : i32 to index
        %get3A_804 = tpu.vector_load %arg9[%get3A_802, %get3A_803] {strides = array<i32>} : memref<16x1024xf32, #tpu.memory_space<vmem>>, vector<16xf32>,
        %mul3A_805 = arith.mulf %gather3A_798, %get3A_804 : vector<16xf32>
        %add3A_806 = arith.addf %add3A_792, %mul3A_805 : vector<16xf32>
        %mul3A_807 = arith.constant 16 : i32
        %mul3A_808 = arith.muli %select_n3A_692, %mul3A_807 : i32
        %add3A_809 = arith.constant 8 : i32
        %add3A_810 = arith.addi %mul3A_808, %add3A_809 : i32
        %broadcast_in_dim3A_811 = vector.broadcast %add3A_810 : i32 to vector<16xi32>
        %gather3A_812 = tpu.vector_load_idx %arg11[%broadcast_in_dim3A_811] : memref<256xf32, #tpu.memory_space<vmem>>[vector<16xi32>], vector<16xf32>,
        %mul3A_813 = arith.constant 16 : i32
        %mul3A_814 = arith.muli %scan3A_668, %mul3A_813 : i32
        %get3A_815 = arith.constant 8 : i32
        %get3A_816 = arith.index_cast %get3A_815 : i32 to index
        %get3A_817 = arith.index_cast %mul3A_814 : i32 to index
        %get3A_818 = tpu.vector_load %arg9[%get3A_816, %get3A_817] {strides = array<i32>} : memref<16x1024xf32, #tpu.memory_space<vmem>>, vector<16xf32>,
        %mul3A_819 = arith.mulf %gather3A_812, %get3A_818 : vector<16xf32>
        %add3A_820 = arith.addf %add3A_806, %mul3A_819 : vector<16xf32>
        %mul3A_821 = arith.constant 16 : i32
        %mul3A_822 = arith.muli %select_n3A_692, %mul3A_821 : i32
        %add3A_823 = arith.constant 9 : i32
        %add3A_824 = arith.addi %mul3A_822, %add3A_823 : i32
        %broadcast_in_dim3A_825 = vector.broadcast %add3A_824 : i32 to vector<16xi32>
        %gather3A_826 = tpu.vector_load_idx %arg11[%broadcast_in_dim3A_825] : memref<256xf32, #tpu.memory_space<vmem>>[vector<16xi32>], vector<16xf32>,
        %mul3A_827 = arith.constant 16 : i32
        %mul3A_828 = arith.muli %scan3A_668, %mul3A_827 : i32
        %get3A_829 = arith.constant 9 : i32
        %get3A_830 = arith.index_cast %get3A_829 : i32 to index
        %get3A_831 = arith.index_cast %mul3A_828 : i32 to index
        %get3A_832 = tpu.vector_load %arg9[%get3A_830, %get3A_831] {strides = array<i32>} : memref<16x1024xf32, #tpu.memory_space<vmem>>, vector<16xf32>,
        %mul3A_833 = arith.mulf %gather3A_826, %get3A_832 : vector<16xf32>
        %add3A_834 = arith.addf %add3A_820, %mul3A_833 : vector<16xf32>
        %mul3A_835 = arith.constant 16 : i32
        %mul3A_836 = arith.muli %select_n3A_692, %mul3A_835 : i32
        %add3A_837 = arith.constant 10 : i32
        %add3A_838 = arith.addi %mul3A_836, %add3A_837 : i32
        %broadcast_in_dim3A_839 = vector.broadcast %add3A_838 : i32 to vector<16xi32>
        %gather3A_840 = tpu.vector_load_idx %arg11[%broadcast_in_dim3A_839] : memref<256xf32, #tpu.memory_space<vmem>>[vector<16xi32>], vector<16xf32>,
        %mul3A_841 = arith.constant 16 : i32
        %mul3A_842 = arith.muli %scan3A_668, %mul3A_841 : i32
        %get3A_843 = arith.constant 10 : i32
        %get3A_844 = arith.index_cast %get3A_843 : i32 to index
        %get3A_845 = arith.index_cast %mul3A_842 : i32 to index
        %get3A_846 = tpu.vector_load %arg9[%get3A_844, %get3A_845] {strides = array<i32>} : memref<16x1024xf32, #tpu.memory_space<vmem>>, vector<16xf32>,
        %mul3A_847 = arith.mulf %gather3A_840, %get3A_846 : vector<16xf32>
        %add3A_848 = arith.addf %add3A_834, %mul3A_847 : vector<16xf32>
        %mul3A_849 = arith.constant 16 : i32
        %mul3A_850 = arith.muli %select_n3A_692, %mul3A_849 : i32
        %add3A_851 = arith.constant 11 : i32
        %add3A_852 = arith.addi %mul3A_850, %add3A_851 : i32
        %broadcast_in_dim3A_853 = vector.broadcast %add3A_852 : i32 to vector<16xi32>
        %gather3A_854 = tpu.vector_load_idx %arg11[%broadcast_in_dim3A_853] : memref<256xf32, #tpu.memory_space<vmem>>[vector<16xi32>], vector<16xf32>,
        %mul3A_855 = arith.constant 16 : i32
        %mul3A_856 = arith.muli %scan3A_668, %mul3A_855 : i32
        %get3A_857 = arith.constant 11 : i32
        %get3A_858 = arith.index_cast %get3A_857 : i32 to index
        %get3A_859 = arith.index_cast %mul3A_856 : i32 to index
        %get3A_860 = tpu.vector_load %arg9[%get3A_858, %get3A_859] {strides = array<i32>} : memref<16x1024xf32, #tpu.memory_space<vmem>>, vector<16xf32>,
        %mul3A_861 = arith.mulf %gather3A_854, %get3A_860 : vector<16xf32>
        %add3A_862 = arith.addf %add3A_848, %mul3A_861 : vector<16xf32>
        %mul3A_863 = arith.constant 16 : i32
        %mul3A_864 = arith.muli %select_n3A_692, %mul3A_863 : i32
        %add3A_865 = arith.constant 12 : i32
        %add3A_866 = arith.addi %mul3A_864, %add3A_865 : i32
        %broadcast_in_dim3A_867 = vector.broadcast %add3A_866 : i32 to vector<16xi32>
        %gather3A_868 = tpu.vector_load_idx %arg11[%broadcast_in_dim3A_867] : memref<256xf32, #tpu.memory_space<vmem>>[vector<16xi32>], vector<16xf32>,
        %mul3A_869 = arith.constant 16 : i32
        %mul3A_870 = arith.muli %scan3A_668, %mul3A_869 : i32
        %get3A_871 = arith.constant 12 : i32
        %get3A_872 = arith.index_cast %get3A_871 : i32 to index
        %get3A_873 = arith.index_cast %mul3A_870 : i32 to index
        %get3A_874 = tpu.vector_load %arg9[%get3A_872, %get3A_873] {strides = array<i32>} : memref<16x1024xf32, #tpu.memory_space<vmem>>, vector<16xf32>,
        %mul3A_875 = arith.mulf %gather3A_868, %get3A_874 : vector<16xf32>
        %add3A_876 = arith.addf %add3A_862, %mul3A_875 : vector<16xf32>
        %mul3A_877 = arith.constant 16 : i32
        %mul3A_878 = arith.muli %select_n3A_692, %mul3A_877 : i32
        %add3A_879 = arith.constant 13 : i32
        %add3A_880 = arith.addi %mul3A_878, %add3A_879 : i32
        %broadcast_in_dim3A_881 = vector.broadcast %add3A_880 : i32 to vector<16xi32>
        %gather3A_882 = tpu.vector_load_idx %arg11[%broadcast_in_dim3A_881] : memref<256xf32, #tpu.memory_space<vmem>>[vector<16xi32>], vector<16xf32>,
        %mul3A_883 = arith.constant 16 : i32
        %mul3A_884 = arith.muli %scan3A_668, %mul3A_883 : i32
        %get3A_885 = arith.constant 13 : i32
        %get3A_886 = arith.index_cast %get3A_885 : i32 to index
        %get3A_887 = arith.index_cast %mul3A_884 : i32 to index
        %get3A_888 = tpu.vector_load %arg9[%get3A_886, %get3A_887] {strides = array<i32>} : memref<16x1024xf32, #tpu.memory_space<vmem>>, vector<16xf32>,
        %mul3A_889 = arith.mulf %gather3A_882, %get3A_888 : vector<16xf32>
        %add3A_890 = arith.addf %add3A_876, %mul3A_889 : vector<16xf32>
        %mul3A_891 = arith.constant 16 : i32
        %mul3A_892 = arith.muli %select_n3A_692, %mul3A_891 : i32
        %add3A_893 = arith.constant 14 : i32
        %add3A_894 = arith.addi %mul3A_892, %add3A_893 : i32
        %broadcast_in_dim3A_895 = vector.broadcast %add3A_894 : i32 to vector<16xi32>
        %gather3A_896 = tpu.vector_load_idx %arg11[%broadcast_in_dim3A_895] : memref<256xf32, #tpu.memory_space<vmem>>[vector<16xi32>], vector<16xf32>,
        %mul3A_897 = arith.constant 16 : i32
        %mul3A_898 = arith.muli %scan3A_668, %mul3A_897 : i32
        %get3A_899 = arith.constant 14 : i32
        %get3A_900 = arith.index_cast %get3A_899 : i32 to index
        %get3A_901 = arith.index_cast %mul3A_898 : i32 to index
        %get3A_902 = tpu.vector_load %arg9[%get3A_900, %get3A_901] {strides = array<i32>} : memref<16x1024xf32, #tpu.memory_space<vmem>>, vector<16xf32>,
        %mul3A_903 = arith.mulf %gather3A_896, %get3A_902 : vector<16xf32>
        %add3A_904 = arith.addf %add3A_890, %mul3A_903 : vector<16xf32>
        %mul3A_905 = arith.constant 16 : i32
        %mul3A_906 = arith.muli %select_n3A_692, %mul3A_905 : i32
        %add3A_907 = arith.constant 15 : i32
        %add3A_908 = arith.addi %mul3A_906, %add3A_907 : i32
        %broadcast_in_dim3A_909 = vector.broadcast %add3A_908 : i32 to vector<16xi32>
        %gather3A_910 = tpu.vector_load_idx %arg11[%broadcast_in_dim3A_909] : memref<256xf32, #tpu.memory_space<vmem>>[vector<16xi32>], vector<16xf32>,
        %mul3A_911 = arith.constant 16 : i32
        %mul3A_912 = arith.muli %scan3A_668, %mul3A_911 : i32
        %get3A_913 = arith.constant 15 : i32
        %get3A_914 = arith.index_cast %get3A_913 : i32 to index
        %get3A_915 = arith.index_cast %mul3A_912 : i32 to index
        %get3A_916 = tpu.vector_load %arg9[%get3A_914, %get3A_915] {strides = array<i32>} : memref<16x1024xf32, #tpu.memory_space<vmem>>, vector<16xf32>,
        %mul3A_917 = arith.mulf %gather3A_910, %get3A_916 : vector<16xf32>
        %add3A_918 = arith.addf %add3A_904, %mul3A_917 : vector<16xf32>
        %mul3A_919 = arith.constant 16 : i32
        %mul3A_920 = arith.muli %scan3A_668, %mul3A_919 : i32
        %swap3A_921 = arith.index_cast %mul3A_920 : i32 to index
        %swap3A_922 = tpu.vector_load %arg12[%swap3A_921] {strides = array<i32>} : memref<1024xf32, #tpu.memory_space<vmem>>, vector<16xf32>,
        tpu.vector_store %arg12[%swap3A_921], %add3A_918 {strides = array<i32>} : memref<1024xf32, #tpu.memory_space<vmem>>, vector<16xf32>,
      }
      %scan3A_419 = arith.constant 64 : i32
      "tpu.region"() ({
        %run_scoped3A = tpu.sem_alloc : memref<!tpu.dma_semaphore, #tpu.memory_space<semaphore_mem>>
        %dma_start3A_420 = arith.constant 0 : i32
        %dma_start3A_421 = tpu.memref_slice %arg6[%add3A_10, %dma_start3A_420] : memref<4096x1024xf32, #tpu.memory_space<hbm>> -> memref<1x1024xf32, #tpu.memory_space<hbm>>
        %dma_start3A_422 = tpu.memref_squeeze %dma_start3A_421 : memref<1x1024xf32, #tpu.memory_space<hbm>> -> memref<1024xf32, #tpu.memory_space<hbm>>
        %dma_start3A_423 = arith.constant 0 : i32
        %dma_start3A_424 = tpu.memref_slice %arg6[%add3A_10, %dma_start3A_423] : memref<4096x1024xf32, #tpu.memory_space<hbm>> -> memref<1x1024xf32, #tpu.memory_space<hbm>>
        %dma_start3A_425 = tpu.memref_squeeze %dma_start3A_424 : memref<1x1024xf32, #tpu.memory_space<hbm>> -> memref<1024xf32, #tpu.memory_space<hbm>>
        tpu.enqueue_dma source(%arg12 : memref<1024xf32, #tpu.memory_space<vmem>>) target(%dma_start3A_425 : memref<1024xf32, #tpu.memory_space<hbm>>) target_semaphore(%run_scoped3A : memref<!tpu.dma_semaphore, #tpu.memory_space<semaphore_mem>>)
        %dma_wait3A_426 = arith.constant 0 : i32
        %dma_wait3A_427 = tpu.memref_slice %arg6[%add3A_10, %dma_wait3A_426] : memref<4096x1024xf32, #tpu.memory_space<hbm>> -> memref<1x1024xf32, #tpu.memory_space<hbm>>
        %dma_wait3A_428 = tpu.memref_squeeze %dma_wait3A_427 : memref<1x1024xf32, #tpu.memory_space<hbm>> -> memref<1024xf32, #tpu.memory_space<hbm>>
        %dma_wait3A_429 = arith.constant 0 : i32
        %dma_wait3A_430 = tpu.memref_slice %arg6[%add3A_10, %dma_wait3A_429] : memref<4096x1024xf32, #tpu.memory_space<hbm>> -> memref<1x1024xf32, #tpu.memory_space<hbm>>
        %dma_wait3A_431 = tpu.memref_squeeze %dma_wait3A_430 : memref<1x1024xf32, #tpu.memory_space<hbm>> -> memref<1024xf32, #tpu.memory_space<hbm>>
        tpu.wait_dma2 semaphore(%run_scoped3A : memref<!tpu.dma_semaphore, #tpu.memory_space<semaphore_mem>>) src(%arg12 : memref<1024xf32, #tpu.memory_space<vmem>>) dst(%dma_wait3A_431 : memref<1024xf32, #tpu.memory_space<hbm>>)
        tpu.yield
      }) : () -> ()
    }
    %scan3A_8 = arith.constant 128 : i32
    return
  }
}

module attributes {stable_mosaic.version = 14 : i64} {
  func.func @_simtopk_body(%arg0: i32, %arg1: i32, %arg2: i32, %arg3: memref<1x256x1024xbf16, #tpu.memory_space<vmem>>, %arg4: memref<1x1024x1024xbf16, #tpu.memory_space<vmem>>, %arg5: memref<1x256x16xi32, #tpu.memory_space<vmem>>, %arg6: memref<256x4096xf32, #tpu.memory_space<vmem>>) attributes {dimension_semantics = [#tpu.dimension_semantics<arbitrary>, #tpu.dimension_semantics<arbitrary>, #tpu.dimension_semantics<arbitrary>], iteration_bounds = array<i64: 2, 8, 4>, scalar_prefetch = 0 : i64, scratch_operands = 1 : i64, tpu.core_type = #tpu.core_type<tc>, window_params = [{transform_indices = @transform_0, window_bounds = array<i64: 1, 256, 1024>}, {transform_indices = @transform_1, window_bounds = array<i64: 1, 1024, 1024>}, {transform_indices = @transform_2, window_bounds = array<i64: 1, 256, 16>}]} {
    %get3A = arith.constant 0 : index
    %get3A_0 = arith.constant 0 : index
    %get3A_1 = arith.constant 0 : index
    %get3A_2 = vector.load %arg3[%get3A, %get3A_0, %get3A_1] : memref<1x256x1024xbf16, #tpu.memory_space<vmem>>, vector<1x256x1024xbf16>
    %get3A_3 = vector.shape_cast %get3A_2 : vector<1x256x1024xbf16> to vector<256x1024xbf16>
    %get3A_4 = arith.constant 0 : index
    %get3A_5 = arith.constant 0 : index
    %get3A_6 = arith.constant 0 : index
    %get3A_7 = vector.load %arg4[%get3A_4, %get3A_5, %get3A_6] : memref<1x1024x1024xbf16, #tpu.memory_space<vmem>>, vector<1x1024x1024xbf16>
    %get3A_8 = vector.shape_cast %get3A_7 : vector<1x1024x1024xbf16> to vector<1024x1024xbf16>
    %dot_general3A = arith.constant dense<0.000000e+00> : vector<256x1024xf32>
    %dot_general3A_9 = tpu.matmul %get3A_3, %get3A_8, %dot_general3A {dimension_numbers = #tpu.dot_dimension_numbers<[1], [1], [0], [0], [0, 0, 1, 0], [], []>, transpose_lhs_hint = false} : vector<256x1024xbf16>, vector<1024x1024xbf16>, vector<256x1024xf32> -> vector<256x1024xf32>
    %mul3A = arith.constant 1024 : i32
    %mul3A_10 = arith.muli %arg2, %mul3A : i32
    %swap3A = arith.constant 0 : index
    %swap3A_11 = arith.index_cast %mul3A_10 : i32 to index
    %swap3A_12 = vector.load %arg6[%swap3A, %swap3A_11] : memref<256x4096xf32, #tpu.memory_space<vmem>>, vector<256x1024xf32>
    tpu.vector_store %arg6[%swap3A, %swap3A_11], %dot_general3A_9 {strides = array<i32>} : memref<256x4096xf32, #tpu.memory_space<vmem>>, vector<256x1024xf32>,
    %eq3A = arith.constant 3 : i32
    %eq3A_13 = arith.cmpi eq, %arg2, %eq3A : i32
    %convert_element_type3A = arith.extui %eq3A_13 : i1 to i32
    %cond3A = arith.constant 0 : i32
    %cond3A_14 = arith.cmpi ne, %convert_element_type3A, %cond3A : i32
    scf.if %cond3A_14 {
      %get3A_15 = arith.constant 0 : index
      %get3A_16 = arith.constant 0 : index
      %get3A_17 = vector.load %arg6[%get3A_15, %get3A_16] : memref<256x4096xf32, #tpu.memory_space<vmem>>, vector<256x4096xf32>
      %iota3A = tpu.iota {dimensions = array<i32: 1>} : vector<256x4096xi32>
      %reduce_max3A = arith.constant dense<0xFF800000> : vector<256xf32>
      %reduce_max3A_18 = vector.multi_reduction <maximumf>, %get3A_17, %reduce_max3A [1] : vector<256x4096xf32> to vector<256xf32>
      %broadcast_in_dim3A = vector.shape_cast %reduce_max3A_18 : vector<256xf32> to vector<256x1xf32>
      %ge3A = vector.broadcast %broadcast_in_dim3A : vector<256x1xf32> to vector<256x4096xf32>
      %ge3A_19 = arith.cmpf oge, %get3A_17, %ge3A : vector<256x4096xf32>
      %jit3A = arith.constant 4096 : i32
      %broadcast_in_dim3A_20 = vector.broadcast %jit3A : i32 to vector<256x4096xi32>
      %select_n3A = arith.select %ge3A_19, %iota3A, %broadcast_in_dim3A_20 : vector<256x4096xi1>, vector<256x4096xi32>
      %reduce_min3A = arith.constant dense<2147483647> : vector<256xi32>
      %reduce_min3A_21 = vector.multi_reduction <minsi>, %select_n3A, %reduce_min3A [1] : vector<256x4096xi32> to vector<256xi32>
      %broadcast_in_dim3A_22 = vector.shape_cast %reduce_min3A_21 : vector<256xi32> to vector<256x1xi32>
      %eq3A_23 = vector.broadcast %broadcast_in_dim3A_22 : vector<256x1xi32> to vector<256x4096xi32>
      %eq3A_24 = arith.cmpi eq, %iota3A, %eq3A_23 : vector<256x4096xi32>
      %jit3A_25 = arith.constant -3.000000e+38 : f32
      %broadcast_in_dim3A_26 = vector.broadcast %jit3A_25 : f32 to vector<256x4096xf32>
      %select_n3A_27 = arith.select %eq3A_24, %broadcast_in_dim3A_26, %get3A_17 : vector<256x4096xi1>, vector<256x4096xf32>
      %reduce_max3A_28 = arith.constant dense<0xFF800000> : vector<256xf32>
      %reduce_max3A_29 = vector.multi_reduction <maximumf>, %select_n3A_27, %reduce_max3A_28 [1] : vector<256x4096xf32> to vector<256xf32>
      %broadcast_in_dim3A_30 = vector.shape_cast %reduce_max3A_29 : vector<256xf32> to vector<256x1xf32>
      %ge3A_31 = vector.broadcast %broadcast_in_dim3A_30 : vector<256x1xf32> to vector<256x4096xf32>
      %ge3A_32 = arith.cmpf oge, %select_n3A_27, %ge3A_31 : vector<256x4096xf32>
      %jit3A_33 = arith.constant 4096 : i32
      %broadcast_in_dim3A_34 = vector.broadcast %jit3A_33 : i32 to vector<256x4096xi32>
      %select_n3A_35 = arith.select %ge3A_32, %iota3A, %broadcast_in_dim3A_34 : vector<256x4096xi1>, vector<256x4096xi32>
      %reduce_min3A_36 = arith.constant dense<2147483647> : vector<256xi32>
      %reduce_min3A_37 = vector.multi_reduction <minsi>, %select_n3A_35, %reduce_min3A_36 [1] : vector<256x4096xi32> to vector<256xi32>
      %broadcast_in_dim3A_38 = vector.shape_cast %reduce_min3A_37 : vector<256xi32> to vector<256x1xi32>
      %eq3A_39 = vector.broadcast %broadcast_in_dim3A_38 : vector<256x1xi32> to vector<256x4096xi32>
      %eq3A_40 = arith.cmpi eq, %iota3A, %eq3A_39 : vector<256x4096xi32>
      %jit3A_41 = arith.constant -3.000000e+38 : f32
      %broadcast_in_dim3A_42 = vector.broadcast %jit3A_41 : f32 to vector<256x4096xf32>
      %select_n3A_43 = arith.select %eq3A_40, %broadcast_in_dim3A_42, %select_n3A_27 : vector<256x4096xi1>, vector<256x4096xf32>
      %reduce_max3A_44 = arith.constant dense<0xFF800000> : vector<256xf32>
      %reduce_max3A_45 = vector.multi_reduction <maximumf>, %select_n3A_43, %reduce_max3A_44 [1] : vector<256x4096xf32> to vector<256xf32>
      %broadcast_in_dim3A_46 = vector.shape_cast %reduce_max3A_45 : vector<256xf32> to vector<256x1xf32>
      %ge3A_47 = vector.broadcast %broadcast_in_dim3A_46 : vector<256x1xf32> to vector<256x4096xf32>
      %ge3A_48 = arith.cmpf oge, %select_n3A_43, %ge3A_47 : vector<256x4096xf32>
      %jit3A_49 = arith.constant 4096 : i32
      %broadcast_in_dim3A_50 = vector.broadcast %jit3A_49 : i32 to vector<256x4096xi32>
      %select_n3A_51 = arith.select %ge3A_48, %iota3A, %broadcast_in_dim3A_50 : vector<256x4096xi1>, vector<256x4096xi32>
      %reduce_min3A_52 = arith.constant dense<2147483647> : vector<256xi32>
      %reduce_min3A_53 = vector.multi_reduction <minsi>, %select_n3A_51, %reduce_min3A_52 [1] : vector<256x4096xi32> to vector<256xi32>
      %broadcast_in_dim3A_54 = vector.shape_cast %reduce_min3A_53 : vector<256xi32> to vector<256x1xi32>
      %eq3A_55 = vector.broadcast %broadcast_in_dim3A_54 : vector<256x1xi32> to vector<256x4096xi32>
      %eq3A_56 = arith.cmpi eq, %iota3A, %eq3A_55 : vector<256x4096xi32>
      %jit3A_57 = arith.constant -3.000000e+38 : f32
      %broadcast_in_dim3A_58 = vector.broadcast %jit3A_57 : f32 to vector<256x4096xf32>
      %select_n3A_59 = arith.select %eq3A_56, %broadcast_in_dim3A_58, %select_n3A_43 : vector<256x4096xi1>, vector<256x4096xf32>
      %reduce_max3A_60 = arith.constant dense<0xFF800000> : vector<256xf32>
      %reduce_max3A_61 = vector.multi_reduction <maximumf>, %select_n3A_59, %reduce_max3A_60 [1] : vector<256x4096xf32> to vector<256xf32>
      %broadcast_in_dim3A_62 = vector.shape_cast %reduce_max3A_61 : vector<256xf32> to vector<256x1xf32>
      %ge3A_63 = vector.broadcast %broadcast_in_dim3A_62 : vector<256x1xf32> to vector<256x4096xf32>
      %ge3A_64 = arith.cmpf oge, %select_n3A_59, %ge3A_63 : vector<256x4096xf32>
      %jit3A_65 = arith.constant 4096 : i32
      %broadcast_in_dim3A_66 = vector.broadcast %jit3A_65 : i32 to vector<256x4096xi32>
      %select_n3A_67 = arith.select %ge3A_64, %iota3A, %broadcast_in_dim3A_66 : vector<256x4096xi1>, vector<256x4096xi32>
      %reduce_min3A_68 = arith.constant dense<2147483647> : vector<256xi32>
      %reduce_min3A_69 = vector.multi_reduction <minsi>, %select_n3A_67, %reduce_min3A_68 [1] : vector<256x4096xi32> to vector<256xi32>
      %broadcast_in_dim3A_70 = vector.shape_cast %reduce_min3A_69 : vector<256xi32> to vector<256x1xi32>
      %eq3A_71 = vector.broadcast %broadcast_in_dim3A_70 : vector<256x1xi32> to vector<256x4096xi32>
      %eq3A_72 = arith.cmpi eq, %iota3A, %eq3A_71 : vector<256x4096xi32>
      %jit3A_73 = arith.constant -3.000000e+38 : f32
      %broadcast_in_dim3A_74 = vector.broadcast %jit3A_73 : f32 to vector<256x4096xf32>
      %select_n3A_75 = arith.select %eq3A_72, %broadcast_in_dim3A_74, %select_n3A_59 : vector<256x4096xi1>, vector<256x4096xf32>
      %reduce_max3A_76 = arith.constant dense<0xFF800000> : vector<256xf32>
      %reduce_max3A_77 = vector.multi_reduction <maximumf>, %select_n3A_75, %reduce_max3A_76 [1] : vector<256x4096xf32> to vector<256xf32>
      %broadcast_in_dim3A_78 = vector.shape_cast %reduce_max3A_77 : vector<256xf32> to vector<256x1xf32>
      %ge3A_79 = vector.broadcast %broadcast_in_dim3A_78 : vector<256x1xf32> to vector<256x4096xf32>
      %ge3A_80 = arith.cmpf oge, %select_n3A_75, %ge3A_79 : vector<256x4096xf32>
      %jit3A_81 = arith.constant 4096 : i32
      %broadcast_in_dim3A_82 = vector.broadcast %jit3A_81 : i32 to vector<256x4096xi32>
      %select_n3A_83 = arith.select %ge3A_80, %iota3A, %broadcast_in_dim3A_82 : vector<256x4096xi1>, vector<256x4096xi32>
      %reduce_min3A_84 = arith.constant dense<2147483647> : vector<256xi32>
      %reduce_min3A_85 = vector.multi_reduction <minsi>, %select_n3A_83, %reduce_min3A_84 [1] : vector<256x4096xi32> to vector<256xi32>
      %broadcast_in_dim3A_86 = vector.shape_cast %reduce_min3A_85 : vector<256xi32> to vector<256x1xi32>
      %eq3A_87 = vector.broadcast %broadcast_in_dim3A_86 : vector<256x1xi32> to vector<256x4096xi32>
      %eq3A_88 = arith.cmpi eq, %iota3A, %eq3A_87 : vector<256x4096xi32>
      %jit3A_89 = arith.constant -3.000000e+38 : f32
      %broadcast_in_dim3A_90 = vector.broadcast %jit3A_89 : f32 to vector<256x4096xf32>
      %select_n3A_91 = arith.select %eq3A_88, %broadcast_in_dim3A_90, %select_n3A_75 : vector<256x4096xi1>, vector<256x4096xf32>
      %reduce_max3A_92 = arith.constant dense<0xFF800000> : vector<256xf32>
      %reduce_max3A_93 = vector.multi_reduction <maximumf>, %select_n3A_91, %reduce_max3A_92 [1] : vector<256x4096xf32> to vector<256xf32>
      %broadcast_in_dim3A_94 = vector.shape_cast %reduce_max3A_93 : vector<256xf32> to vector<256x1xf32>
      %ge3A_95 = vector.broadcast %broadcast_in_dim3A_94 : vector<256x1xf32> to vector<256x4096xf32>
      %ge3A_96 = arith.cmpf oge, %select_n3A_91, %ge3A_95 : vector<256x4096xf32>
      %jit3A_97 = arith.constant 4096 : i32
      %broadcast_in_dim3A_98 = vector.broadcast %jit3A_97 : i32 to vector<256x4096xi32>
      %select_n3A_99 = arith.select %ge3A_96, %iota3A, %broadcast_in_dim3A_98 : vector<256x4096xi1>, vector<256x4096xi32>
      %reduce_min3A_100 = arith.constant dense<2147483647> : vector<256xi32>
      %reduce_min3A_101 = vector.multi_reduction <minsi>, %select_n3A_99, %reduce_min3A_100 [1] : vector<256x4096xi32> to vector<256xi32>
      %broadcast_in_dim3A_102 = vector.shape_cast %reduce_min3A_101 : vector<256xi32> to vector<256x1xi32>
      %eq3A_103 = vector.broadcast %broadcast_in_dim3A_102 : vector<256x1xi32> to vector<256x4096xi32>
      %eq3A_104 = arith.cmpi eq, %iota3A, %eq3A_103 : vector<256x4096xi32>
      %jit3A_105 = arith.constant -3.000000e+38 : f32
      %broadcast_in_dim3A_106 = vector.broadcast %jit3A_105 : f32 to vector<256x4096xf32>
      %select_n3A_107 = arith.select %eq3A_104, %broadcast_in_dim3A_106, %select_n3A_91 : vector<256x4096xi1>, vector<256x4096xf32>
      %reduce_max3A_108 = arith.constant dense<0xFF800000> : vector<256xf32>
      %reduce_max3A_109 = vector.multi_reduction <maximumf>, %select_n3A_107, %reduce_max3A_108 [1] : vector<256x4096xf32> to vector<256xf32>
      %broadcast_in_dim3A_110 = vector.shape_cast %reduce_max3A_109 : vector<256xf32> to vector<256x1xf32>
      %ge3A_111 = vector.broadcast %broadcast_in_dim3A_110 : vector<256x1xf32> to vector<256x4096xf32>
      %ge3A_112 = arith.cmpf oge, %select_n3A_107, %ge3A_111 : vector<256x4096xf32>
      %jit3A_113 = arith.constant 4096 : i32
      %broadcast_in_dim3A_114 = vector.broadcast %jit3A_113 : i32 to vector<256x4096xi32>
      %select_n3A_115 = arith.select %ge3A_112, %iota3A, %broadcast_in_dim3A_114 : vector<256x4096xi1>, vector<256x4096xi32>
      %reduce_min3A_116 = arith.constant dense<2147483647> : vector<256xi32>
      %reduce_min3A_117 = vector.multi_reduction <minsi>, %select_n3A_115, %reduce_min3A_116 [1] : vector<256x4096xi32> to vector<256xi32>
      %broadcast_in_dim3A_118 = vector.shape_cast %reduce_min3A_117 : vector<256xi32> to vector<256x1xi32>
      %eq3A_119 = vector.broadcast %broadcast_in_dim3A_118 : vector<256x1xi32> to vector<256x4096xi32>
      %eq3A_120 = arith.cmpi eq, %iota3A, %eq3A_119 : vector<256x4096xi32>
      %jit3A_121 = arith.constant -3.000000e+38 : f32
      %broadcast_in_dim3A_122 = vector.broadcast %jit3A_121 : f32 to vector<256x4096xf32>
      %select_n3A_123 = arith.select %eq3A_120, %broadcast_in_dim3A_122, %select_n3A_107 : vector<256x4096xi1>, vector<256x4096xf32>
      %reduce_max3A_124 = arith.constant dense<0xFF800000> : vector<256xf32>
      %reduce_max3A_125 = vector.multi_reduction <maximumf>, %select_n3A_123, %reduce_max3A_124 [1] : vector<256x4096xf32> to vector<256xf32>
      %broadcast_in_dim3A_126 = vector.shape_cast %reduce_max3A_125 : vector<256xf32> to vector<256x1xf32>
      %ge3A_127 = vector.broadcast %broadcast_in_dim3A_126 : vector<256x1xf32> to vector<256x4096xf32>
      %ge3A_128 = arith.cmpf oge, %select_n3A_123, %ge3A_127 : vector<256x4096xf32>
      %jit3A_129 = arith.constant 4096 : i32
      %broadcast_in_dim3A_130 = vector.broadcast %jit3A_129 : i32 to vector<256x4096xi32>
      %select_n3A_131 = arith.select %ge3A_128, %iota3A, %broadcast_in_dim3A_130 : vector<256x4096xi1>, vector<256x4096xi32>
      %reduce_min3A_132 = arith.constant dense<2147483647> : vector<256xi32>
      %reduce_min3A_133 = vector.multi_reduction <minsi>, %select_n3A_131, %reduce_min3A_132 [1] : vector<256x4096xi32> to vector<256xi32>
      %broadcast_in_dim3A_134 = vector.shape_cast %reduce_min3A_133 : vector<256xi32> to vector<256x1xi32>
      %eq3A_135 = vector.broadcast %broadcast_in_dim3A_134 : vector<256x1xi32> to vector<256x4096xi32>
      %eq3A_136 = arith.cmpi eq, %iota3A, %eq3A_135 : vector<256x4096xi32>
      %jit3A_137 = arith.constant -3.000000e+38 : f32
      %broadcast_in_dim3A_138 = vector.broadcast %jit3A_137 : f32 to vector<256x4096xf32>
      %select_n3A_139 = arith.select %eq3A_136, %broadcast_in_dim3A_138, %select_n3A_123 : vector<256x4096xi1>, vector<256x4096xf32>
      %reduce_max3A_140 = arith.constant dense<0xFF800000> : vector<256xf32>
      %reduce_max3A_141 = vector.multi_reduction <maximumf>, %select_n3A_139, %reduce_max3A_140 [1] : vector<256x4096xf32> to vector<256xf32>
      %broadcast_in_dim3A_142 = vector.shape_cast %reduce_max3A_141 : vector<256xf32> to vector<256x1xf32>
      %ge3A_143 = vector.broadcast %broadcast_in_dim3A_142 : vector<256x1xf32> to vector<256x4096xf32>
      %ge3A_144 = arith.cmpf oge, %select_n3A_139, %ge3A_143 : vector<256x4096xf32>
      %jit3A_145 = arith.constant 4096 : i32
      %broadcast_in_dim3A_146 = vector.broadcast %jit3A_145 : i32 to vector<256x4096xi32>
      %select_n3A_147 = arith.select %ge3A_144, %iota3A, %broadcast_in_dim3A_146 : vector<256x4096xi1>, vector<256x4096xi32>
      %reduce_min3A_148 = arith.constant dense<2147483647> : vector<256xi32>
      %reduce_min3A_149 = vector.multi_reduction <minsi>, %select_n3A_147, %reduce_min3A_148 [1] : vector<256x4096xi32> to vector<256xi32>
      %broadcast_in_dim3A_150 = vector.shape_cast %reduce_min3A_149 : vector<256xi32> to vector<256x1xi32>
      %eq3A_151 = vector.broadcast %broadcast_in_dim3A_150 : vector<256x1xi32> to vector<256x4096xi32>
      %eq3A_152 = arith.cmpi eq, %iota3A, %eq3A_151 : vector<256x4096xi32>
      %jit3A_153 = arith.constant -3.000000e+38 : f32
      %broadcast_in_dim3A_154 = vector.broadcast %jit3A_153 : f32 to vector<256x4096xf32>
      %select_n3A_155 = arith.select %eq3A_152, %broadcast_in_dim3A_154, %select_n3A_139 : vector<256x4096xi1>, vector<256x4096xf32>
      %reduce_max3A_156 = arith.constant dense<0xFF800000> : vector<256xf32>
      %reduce_max3A_157 = vector.multi_reduction <maximumf>, %select_n3A_155, %reduce_max3A_156 [1] : vector<256x4096xf32> to vector<256xf32>
      %broadcast_in_dim3A_158 = vector.shape_cast %reduce_max3A_157 : vector<256xf32> to vector<256x1xf32>
      %ge3A_159 = vector.broadcast %broadcast_in_dim3A_158 : vector<256x1xf32> to vector<256x4096xf32>
      %ge3A_160 = arith.cmpf oge, %select_n3A_155, %ge3A_159 : vector<256x4096xf32>
      %jit3A_161 = arith.constant 4096 : i32
      %broadcast_in_dim3A_162 = vector.broadcast %jit3A_161 : i32 to vector<256x4096xi32>
      %select_n3A_163 = arith.select %ge3A_160, %iota3A, %broadcast_in_dim3A_162 : vector<256x4096xi1>, vector<256x4096xi32>
      %reduce_min3A_164 = arith.constant dense<2147483647> : vector<256xi32>
      %reduce_min3A_165 = vector.multi_reduction <minsi>, %select_n3A_163, %reduce_min3A_164 [1] : vector<256x4096xi32> to vector<256xi32>
      %broadcast_in_dim3A_166 = vector.shape_cast %reduce_min3A_165 : vector<256xi32> to vector<256x1xi32>
      %eq3A_167 = vector.broadcast %broadcast_in_dim3A_166 : vector<256x1xi32> to vector<256x4096xi32>
      %eq3A_168 = arith.cmpi eq, %iota3A, %eq3A_167 : vector<256x4096xi32>
      %jit3A_169 = arith.constant -3.000000e+38 : f32
      %broadcast_in_dim3A_170 = vector.broadcast %jit3A_169 : f32 to vector<256x4096xf32>
      %select_n3A_171 = arith.select %eq3A_168, %broadcast_in_dim3A_170, %select_n3A_155 : vector<256x4096xi1>, vector<256x4096xf32>
      %reduce_max3A_172 = arith.constant dense<0xFF800000> : vector<256xf32>
      %reduce_max3A_173 = vector.multi_reduction <maximumf>, %select_n3A_171, %reduce_max3A_172 [1] : vector<256x4096xf32> to vector<256xf32>
      %broadcast_in_dim3A_174 = vector.shape_cast %reduce_max3A_173 : vector<256xf32> to vector<256x1xf32>
      %ge3A_175 = vector.broadcast %broadcast_in_dim3A_174 : vector<256x1xf32> to vector<256x4096xf32>
      %ge3A_176 = arith.cmpf oge, %select_n3A_171, %ge3A_175 : vector<256x4096xf32>
      %jit3A_177 = arith.constant 4096 : i32
      %broadcast_in_dim3A_178 = vector.broadcast %jit3A_177 : i32 to vector<256x4096xi32>
      %select_n3A_179 = arith.select %ge3A_176, %iota3A, %broadcast_in_dim3A_178 : vector<256x4096xi1>, vector<256x4096xi32>
      %reduce_min3A_180 = arith.constant dense<2147483647> : vector<256xi32>
      %reduce_min3A_181 = vector.multi_reduction <minsi>, %select_n3A_179, %reduce_min3A_180 [1] : vector<256x4096xi32> to vector<256xi32>
      %broadcast_in_dim3A_182 = vector.shape_cast %reduce_min3A_181 : vector<256xi32> to vector<256x1xi32>
      %eq3A_183 = vector.broadcast %broadcast_in_dim3A_182 : vector<256x1xi32> to vector<256x4096xi32>
      %eq3A_184 = arith.cmpi eq, %iota3A, %eq3A_183 : vector<256x4096xi32>
      %jit3A_185 = arith.constant -3.000000e+38 : f32
      %broadcast_in_dim3A_186 = vector.broadcast %jit3A_185 : f32 to vector<256x4096xf32>
      %select_n3A_187 = arith.select %eq3A_184, %broadcast_in_dim3A_186, %select_n3A_171 : vector<256x4096xi1>, vector<256x4096xf32>
      %reduce_max3A_188 = arith.constant dense<0xFF800000> : vector<256xf32>
      %reduce_max3A_189 = vector.multi_reduction <maximumf>, %select_n3A_187, %reduce_max3A_188 [1] : vector<256x4096xf32> to vector<256xf32>
      %broadcast_in_dim3A_190 = vector.shape_cast %reduce_max3A_189 : vector<256xf32> to vector<256x1xf32>
      %ge3A_191 = vector.broadcast %broadcast_in_dim3A_190 : vector<256x1xf32> to vector<256x4096xf32>
      %ge3A_192 = arith.cmpf oge, %select_n3A_187, %ge3A_191 : vector<256x4096xf32>
      %jit3A_193 = arith.constant 4096 : i32
      %broadcast_in_dim3A_194 = vector.broadcast %jit3A_193 : i32 to vector<256x4096xi32>
      %select_n3A_195 = arith.select %ge3A_192, %iota3A, %broadcast_in_dim3A_194 : vector<256x4096xi1>, vector<256x4096xi32>
      %reduce_min3A_196 = arith.constant dense<2147483647> : vector<256xi32>
      %reduce_min3A_197 = vector.multi_reduction <minsi>, %select_n3A_195, %reduce_min3A_196 [1] : vector<256x4096xi32> to vector<256xi32>
      %broadcast_in_dim3A_198 = vector.shape_cast %reduce_min3A_197 : vector<256xi32> to vector<256x1xi32>
      %eq3A_199 = vector.broadcast %broadcast_in_dim3A_198 : vector<256x1xi32> to vector<256x4096xi32>
      %eq3A_200 = arith.cmpi eq, %iota3A, %eq3A_199 : vector<256x4096xi32>
      %jit3A_201 = arith.constant -3.000000e+38 : f32
      %broadcast_in_dim3A_202 = vector.broadcast %jit3A_201 : f32 to vector<256x4096xf32>
      %select_n3A_203 = arith.select %eq3A_200, %broadcast_in_dim3A_202, %select_n3A_187 : vector<256x4096xi1>, vector<256x4096xf32>
      %reduce_max3A_204 = arith.constant dense<0xFF800000> : vector<256xf32>
      %reduce_max3A_205 = vector.multi_reduction <maximumf>, %select_n3A_203, %reduce_max3A_204 [1] : vector<256x4096xf32> to vector<256xf32>
      %broadcast_in_dim3A_206 = vector.shape_cast %reduce_max3A_205 : vector<256xf32> to vector<256x1xf32>
      %ge3A_207 = vector.broadcast %broadcast_in_dim3A_206 : vector<256x1xf32> to vector<256x4096xf32>
      %ge3A_208 = arith.cmpf oge, %select_n3A_203, %ge3A_207 : vector<256x4096xf32>
      %jit3A_209 = arith.constant 4096 : i32
      %broadcast_in_dim3A_210 = vector.broadcast %jit3A_209 : i32 to vector<256x4096xi32>
      %select_n3A_211 = arith.select %ge3A_208, %iota3A, %broadcast_in_dim3A_210 : vector<256x4096xi1>, vector<256x4096xi32>
      %reduce_min3A_212 = arith.constant dense<2147483647> : vector<256xi32>
      %reduce_min3A_213 = vector.multi_reduction <minsi>, %select_n3A_211, %reduce_min3A_212 [1] : vector<256x4096xi32> to vector<256xi32>
      %broadcast_in_dim3A_214 = vector.shape_cast %reduce_min3A_213 : vector<256xi32> to vector<256x1xi32>
      %eq3A_215 = vector.broadcast %broadcast_in_dim3A_214 : vector<256x1xi32> to vector<256x4096xi32>
      %eq3A_216 = arith.cmpi eq, %iota3A, %eq3A_215 : vector<256x4096xi32>
      %jit3A_217 = arith.constant -3.000000e+38 : f32
      %broadcast_in_dim3A_218 = vector.broadcast %jit3A_217 : f32 to vector<256x4096xf32>
      %select_n3A_219 = arith.select %eq3A_216, %broadcast_in_dim3A_218, %select_n3A_203 : vector<256x4096xi1>, vector<256x4096xf32>
      %reduce_max3A_220 = arith.constant dense<0xFF800000> : vector<256xf32>
      %reduce_max3A_221 = vector.multi_reduction <maximumf>, %select_n3A_219, %reduce_max3A_220 [1] : vector<256x4096xf32> to vector<256xf32>
      %broadcast_in_dim3A_222 = vector.shape_cast %reduce_max3A_221 : vector<256xf32> to vector<256x1xf32>
      %ge3A_223 = vector.broadcast %broadcast_in_dim3A_222 : vector<256x1xf32> to vector<256x4096xf32>
      %ge3A_224 = arith.cmpf oge, %select_n3A_219, %ge3A_223 : vector<256x4096xf32>
      %jit3A_225 = arith.constant 4096 : i32
      %broadcast_in_dim3A_226 = vector.broadcast %jit3A_225 : i32 to vector<256x4096xi32>
      %select_n3A_227 = arith.select %ge3A_224, %iota3A, %broadcast_in_dim3A_226 : vector<256x4096xi1>, vector<256x4096xi32>
      %reduce_min3A_228 = arith.constant dense<2147483647> : vector<256xi32>
      %reduce_min3A_229 = vector.multi_reduction <minsi>, %select_n3A_227, %reduce_min3A_228 [1] : vector<256x4096xi32> to vector<256xi32>
      %broadcast_in_dim3A_230 = vector.shape_cast %reduce_min3A_229 : vector<256xi32> to vector<256x1xi32>
      %eq3A_231 = vector.broadcast %broadcast_in_dim3A_230 : vector<256x1xi32> to vector<256x4096xi32>
      %eq3A_232 = arith.cmpi eq, %iota3A, %eq3A_231 : vector<256x4096xi32>
      %jit3A_233 = arith.constant -3.000000e+38 : f32
      %broadcast_in_dim3A_234 = vector.broadcast %jit3A_233 : f32 to vector<256x4096xf32>
      %select_n3A_235 = arith.select %eq3A_232, %broadcast_in_dim3A_234, %select_n3A_219 : vector<256x4096xi1>, vector<256x4096xf32>
      %reduce_max3A_236 = arith.constant dense<0xFF800000> : vector<256xf32>
      %reduce_max3A_237 = vector.multi_reduction <maximumf>, %select_n3A_235, %reduce_max3A_236 [1] : vector<256x4096xf32> to vector<256xf32>
      %broadcast_in_dim3A_238 = vector.shape_cast %reduce_max3A_237 : vector<256xf32> to vector<256x1xf32>
      %ge3A_239 = vector.broadcast %broadcast_in_dim3A_238 : vector<256x1xf32> to vector<256x4096xf32>
      %ge3A_240 = arith.cmpf oge, %select_n3A_235, %ge3A_239 : vector<256x4096xf32>
      %jit3A_241 = arith.constant 4096 : i32
      %broadcast_in_dim3A_242 = vector.broadcast %jit3A_241 : i32 to vector<256x4096xi32>
      %select_n3A_243 = arith.select %ge3A_240, %iota3A, %broadcast_in_dim3A_242 : vector<256x4096xi1>, vector<256x4096xi32>
      %reduce_min3A_244 = arith.constant dense<2147483647> : vector<256xi32>
      %reduce_min3A_245 = vector.multi_reduction <minsi>, %select_n3A_243, %reduce_min3A_244 [1] : vector<256x4096xi32> to vector<256xi32>
      %broadcast_in_dim3A_246 = vector.shape_cast %reduce_min3A_245 : vector<256xi32> to vector<256x1xi32>
      %eq3A_247 = vector.broadcast %broadcast_in_dim3A_246 : vector<256x1xi32> to vector<256x4096xi32>
      %eq3A_248 = arith.cmpi eq, %iota3A, %eq3A_247 : vector<256x4096xi32>
      %jit3A_249 = arith.constant -3.000000e+38 : f32
      %broadcast_in_dim3A_250 = vector.broadcast %jit3A_249 : f32 to vector<256x4096xf32>
      %select_n3A_251 = arith.select %eq3A_248, %broadcast_in_dim3A_250, %select_n3A_235 : vector<256x4096xi1>, vector<256x4096xf32>
      %reduce_max3A_252 = arith.constant dense<0xFF800000> : vector<256xf32>
      %reduce_max3A_253 = vector.multi_reduction <maximumf>, %select_n3A_251, %reduce_max3A_252 [1] : vector<256x4096xf32> to vector<256xf32>
      %broadcast_in_dim3A_254 = vector.shape_cast %reduce_max3A_253 : vector<256xf32> to vector<256x1xf32>
      %ge3A_255 = vector.broadcast %broadcast_in_dim3A_254 : vector<256x1xf32> to vector<256x4096xf32>
      %ge3A_256 = arith.cmpf oge, %select_n3A_251, %ge3A_255 : vector<256x4096xf32>
      %jit3A_257 = arith.constant 4096 : i32
      %broadcast_in_dim3A_258 = vector.broadcast %jit3A_257 : i32 to vector<256x4096xi32>
      %select_n3A_259 = arith.select %ge3A_256, %iota3A, %broadcast_in_dim3A_258 : vector<256x4096xi1>, vector<256x4096xi32>
      %reduce_min3A_260 = arith.constant dense<2147483647> : vector<256xi32>
      %reduce_min3A_261 = vector.multi_reduction <minsi>, %select_n3A_259, %reduce_min3A_260 [1] : vector<256x4096xi32> to vector<256xi32>
      %broadcast_in_dim3A_262 = vector.shape_cast %reduce_min3A_261 : vector<256xi32> to vector<256x1xi32>
      %concatenate3A = tpu.concatenate %broadcast_in_dim3A_22, %broadcast_in_dim3A_38, %broadcast_in_dim3A_54, %broadcast_in_dim3A_70, %broadcast_in_dim3A_86, %broadcast_in_dim3A_102, %broadcast_in_dim3A_118, %broadcast_in_dim3A_134, %broadcast_in_dim3A_150, %broadcast_in_dim3A_166, %broadcast_in_dim3A_182, %broadcast_in_dim3A_198, %broadcast_in_dim3A_214, %broadcast_in_dim3A_230, %broadcast_in_dim3A_246, %broadcast_in_dim3A_262 in 1 : vector<256x1xi32>, vector<256x1xi32>, vector<256x1xi32>, vector<256x1xi32>, vector<256x1xi32>, vector<256x1xi32>, vector<256x1xi32>, vector<256x1xi32>, vector<256x1xi32>, vector<256x1xi32>, vector<256x1xi32>, vector<256x1xi32>, vector<256x1xi32>, vector<256x1xi32>, vector<256x1xi32>, vector<256x1xi32> -> vector<256x16xi32>
      %mul3A_263 = arith.constant 4096 : i32
      %mul3A_264 = arith.muli %arg0, %mul3A_263 : i32
      %add3A = vector.broadcast %mul3A_264 : i32 to vector<256x16xi32>
      %add3A_265 = arith.addi %concatenate3A, %add3A : vector<256x16xi32>
      %swap3A_266 = arith.constant 0 : index
      %swap3A_267 = arith.constant 0 : index
      %swap3A_268 = arith.constant 0 : index
      %swap3A_269 = vector.load %arg5[%swap3A_266, %swap3A_267, %swap3A_268] : memref<1x256x16xi32, #tpu.memory_space<vmem>>, vector<1x256x16xi32>
      %swap3A_270 = vector.shape_cast %swap3A_269 : vector<1x256x16xi32> to vector<256x16xi32>
      %swap3A_271 = vector.shape_cast %add3A_265 : vector<256x16xi32> to vector<1x256x16xi32>
      tpu.vector_store %arg5[%swap3A_266, %swap3A_267, %swap3A_268], %swap3A_271 {strides = array<i32>} : memref<1x256x16xi32, #tpu.memory_space<vmem>>, vector<1x256x16xi32>,
    } else {
    }
    return
  }
  func.func @transform_0(%arg0: i32, %arg1: i32, %arg2: i32) -> (i32, i32, i32) {
    %c0_i32 = arith.constant 0 : i32
    %c0_i32_0 = arith.constant 0 : i32
    return %arg0, %arg1, %c0_i32 : i32, i32, i32
  }
  func.func @transform_1(%arg0: i32, %arg1: i32, %arg2: i32) -> (i32, i32, i32) {
    %c0_i32 = arith.constant 0 : i32
    %c0_i32_0 = arith.constant 0 : i32
    return %arg0, %arg2, %c0_i32 : i32, i32, i32
  }
  func.func @transform_2(%arg0: i32, %arg1: i32, %arg2: i32) -> (i32, i32, i32) {
    %c0_i32 = arith.constant 0 : i32
    %c0_i32_0 = arith.constant 0 : i32
    return %arg0, %arg1, %c0_i32 : i32, i32, i32
  }
}

module attributes {stable_mosaic.version = 14 : i64} {
  func.func @_ctx_triple_body(%arg0: i32, %arg1: memref<512x1024xf32, #tpu.memory_space<vmem>>, %arg2: memref<1024x1024xbf16, #tpu.memory_space<vmem>>, %arg3: memref<1x1024xf32, #tpu.memory_space<vmem>>, %arg4: memref<1024x1024xf32, #tpu.memory_space<vmem>>, %arg5: memref<1x1024xf32, #tpu.memory_space<vmem>>, %arg6: memref<1024x1024xf32, #tpu.memory_space<vmem>>, %arg7: memref<1x1024xf32, #tpu.memory_space<vmem>>, %arg8: memref<512x1024xbf16, #tpu.memory_space<vmem>>, %arg9: memref<512x1024xf32, #tpu.memory_space<vmem>>, %arg10: memref<512x1024xf32, #tpu.memory_space<vmem>>) attributes {dimension_semantics = [#tpu.dimension_semantics<arbitrary>], iteration_bounds = array<i64: 16>, scalar_prefetch = 0 : i64, scratch_operands = 0 : i64, tpu.core_type = #tpu.core_type<tc>, window_params = [{transform_indices = @transform_0, window_bounds = array<i64: 512, 1024>}, {pipeline_mode = #tpu.pipeline_mode<synchronous>, transform_indices = @transform_1, window_bounds = array<i64: 1024, 1024>}, {pipeline_mode = #tpu.pipeline_mode<synchronous>, transform_indices = @transform_2, window_bounds = array<i64: 1, 1024>}, {pipeline_mode = #tpu.pipeline_mode<synchronous>, transform_indices = @transform_3, window_bounds = array<i64: 1024, 1024>}, {pipeline_mode = #tpu.pipeline_mode<synchronous>, transform_indices = @transform_4, window_bounds = array<i64: 1, 1024>}, {pipeline_mode = #tpu.pipeline_mode<synchronous>, transform_indices = @transform_5, window_bounds = array<i64: 1024, 1024>}, {pipeline_mode = #tpu.pipeline_mode<synchronous>, transform_indices = @transform_6, window_bounds = array<i64: 1, 1024>}, {transform_indices = @transform_7, window_bounds = array<i64: 512, 1024>}, {transform_indices = @transform_8, window_bounds = array<i64: 512, 1024>}, {transform_indices = @transform_9, window_bounds = array<i64: 512, 1024>}]} {
    %get3A = arith.constant 0 : index
    %get3A_0 = arith.constant 0 : index
    %get3A_1 = vector.load %arg1[%get3A, %get3A_0] : memref<512x1024xf32, #tpu.memory_space<vmem>>, vector<512x1024xf32>
    %convert_element_type3A = arith.truncf %get3A_1 : vector<512x1024xf32> to vector<512x1024xbf16>
    %get3A_2 = arith.constant 0 : index
    %get3A_3 = arith.constant 0 : index
    %get3A_4 = vector.load %arg2[%get3A_2, %get3A_3] : memref<1024x1024xbf16, #tpu.memory_space<vmem>>, vector<1024x1024xbf16>
    %dot_general3A = arith.constant dense<0.000000e+00> : vector<512x1024xf32>
    %dot_general3A_5 = tpu.matmul %convert_element_type3A, %get3A_4, %dot_general3A {dimension_numbers = #tpu.dot_dimension_numbers<[1], [1], [0], [0], [0, 0, 1, 0], [], []>, transpose_lhs_hint = false} : vector<512x1024xbf16>, vector<1024x1024xbf16>, vector<512x1024xf32> -> vector<512x1024xf32>
    %get3A_6 = arith.constant 0 : index
    %get3A_7 = arith.constant 0 : index
    %get3A_8 = vector.load %arg3[%get3A_6, %get3A_7] : memref<1x1024xf32, #tpu.memory_space<vmem>>, vector<1x1024xf32>
    %add3A = vector.broadcast %get3A_8 : vector<1x1024xf32> to vector<512x1024xf32>
    %add3A_9 = arith.addf %dot_general3A_5, %add3A : vector<512x1024xf32>
    %convert_element_type3A_10 = arith.truncf %add3A_9 : vector<512x1024xf32> to vector<512x1024xbf16>
    %swap3A = arith.constant 0 : index
    %swap3A_11 = arith.constant 0 : index
    %swap3A_12 = vector.load %arg8[%swap3A, %swap3A_11] : memref<512x1024xbf16, #tpu.memory_space<vmem>>, vector<512x1024xbf16>
    tpu.vector_store %arg8[%swap3A, %swap3A_11], %convert_element_type3A_10 {strides = array<i32>} : memref<512x1024xbf16, #tpu.memory_space<vmem>>, vector<512x1024xbf16>,
    %get3A_13 = arith.constant 0 : index
    %get3A_14 = arith.constant 0 : index
    %get3A_15 = vector.load %arg4[%get3A_13, %get3A_14] : memref<1024x1024xf32, #tpu.memory_space<vmem>>, vector<1024x1024xf32>
    %dot_general3A_16 = arith.constant dense<0.000000e+00> : vector<512x1024xf32>
    %dot_general3A_17 = tpu.matmul %get3A_1, %get3A_15, %dot_general3A_16 {dimension_numbers = #tpu.dot_dimension_numbers<[1], [1], [0], [0], [0, 0, 1, 0], [], []>, precision = #tpu.contract_precision<fp32>, transpose_lhs_hint = false} : vector<512x1024xf32>, vector<1024x1024xf32>, vector<512x1024xf32> -> vector<512x1024xf32>
    %get3A_18 = arith.constant 0 : index
    %get3A_19 = arith.constant 0 : index
    %get3A_20 = vector.load %arg5[%get3A_18, %get3A_19] : memref<1x1024xf32, #tpu.memory_space<vmem>>, vector<1x1024xf32>
    %add3A_21 = vector.broadcast %get3A_20 : vector<1x1024xf32> to vector<512x1024xf32>
    %add3A_22 = arith.addf %dot_general3A_17, %add3A_21 : vector<512x1024xf32>
    %swap3A_23 = arith.constant 0 : index
    %swap3A_24 = arith.constant 0 : index
    %swap3A_25 = vector.load %arg9[%swap3A_23, %swap3A_24] : memref<512x1024xf32, #tpu.memory_space<vmem>>, vector<512x1024xf32>
    tpu.vector_store %arg9[%swap3A_23, %swap3A_24], %add3A_22 {strides = array<i32>} : memref<512x1024xf32, #tpu.memory_space<vmem>>, vector<512x1024xf32>,
    %get3A_26 = arith.constant 0 : index
    %get3A_27 = arith.constant 0 : index
    %get3A_28 = vector.load %arg6[%get3A_26, %get3A_27] : memref<1024x1024xf32, #tpu.memory_space<vmem>>, vector<1024x1024xf32>
    %dot_general3A_29 = arith.constant dense<0.000000e+00> : vector<512x1024xf32>
    %dot_general3A_30 = tpu.matmul %get3A_1, %get3A_28, %dot_general3A_29 {dimension_numbers = #tpu.dot_dimension_numbers<[1], [1], [0], [0], [0, 0, 1, 0], [], []>, precision = #tpu.contract_precision<fp32>, transpose_lhs_hint = false} : vector<512x1024xf32>, vector<1024x1024xf32>, vector<512x1024xf32> -> vector<512x1024xf32>
    %get3A_31 = arith.constant 0 : index
    %get3A_32 = arith.constant 0 : index
    %get3A_33 = vector.load %arg7[%get3A_31, %get3A_32] : memref<1x1024xf32, #tpu.memory_space<vmem>>, vector<1x1024xf32>
    %add3A_34 = vector.broadcast %get3A_33 : vector<1x1024xf32> to vector<512x1024xf32>
    %add3A_35 = arith.addf %dot_general3A_30, %add3A_34 : vector<512x1024xf32>
    %swap3A_36 = arith.constant 0 : index
    %swap3A_37 = arith.constant 0 : index
    %swap3A_38 = vector.load %arg10[%swap3A_36, %swap3A_37] : memref<512x1024xf32, #tpu.memory_space<vmem>>, vector<512x1024xf32>
    tpu.vector_store %arg10[%swap3A_36, %swap3A_37], %add3A_35 {strides = array<i32>} : memref<512x1024xf32, #tpu.memory_space<vmem>>, vector<512x1024xf32>,
    return
  }
  func.func @transform_0(%arg0: i32) -> (i32, i32) {
    %c0_i32 = arith.constant 0 : i32
    %c0_i32_0 = arith.constant 0 : i32
    return %arg0, %c0_i32 : i32, i32
  }
  func.func @transform_1(%arg0: i32) -> (i32, i32) {
    %c0_i32 = arith.constant 0 : i32
    %c0_i32_0 = arith.constant 0 : i32
    %c0_i32_1 = arith.constant 0 : i32
    return %c0_i32, %c0_i32_0 : i32, i32
  }
  func.func @transform_2(%arg0: i32) -> (i32, i32) {
    %c0_i32 = arith.constant 0 : i32
    %c0_i32_0 = arith.constant 0 : i32
    %c0_i32_1 = arith.constant 0 : i32
    return %c0_i32, %c0_i32_0 : i32, i32
  }
  func.func @transform_3(%arg0: i32) -> (i32, i32) {
    %c0_i32 = arith.constant 0 : i32
    %c0_i32_0 = arith.constant 0 : i32
    %c0_i32_1 = arith.constant 0 : i32
    return %c0_i32, %c0_i32_0 : i32, i32
  }
  func.func @transform_4(%arg0: i32) -> (i32, i32) {
    %c0_i32 = arith.constant 0 : i32
    %c0_i32_0 = arith.constant 0 : i32
    %c0_i32_1 = arith.constant 0 : i32
    return %c0_i32, %c0_i32_0 : i32, i32
  }
  func.func @transform_5(%arg0: i32) -> (i32, i32) {
    %c0_i32 = arith.constant 0 : i32
    %c0_i32_0 = arith.constant 0 : i32
    %c0_i32_1 = arith.constant 0 : i32
    return %c0_i32, %c0_i32_0 : i32, i32
  }
  func.func @transform_6(%arg0: i32) -> (i32, i32) {
    %c0_i32 = arith.constant 0 : i32
    %c0_i32_0 = arith.constant 0 : i32
    %c0_i32_1 = arith.constant 0 : i32
    return %c0_i32, %c0_i32_0 : i32, i32
  }
  func.func @transform_7(%arg0: i32) -> (i32, i32) {
    %c0_i32 = arith.constant 0 : i32
    %c0_i32_0 = arith.constant 0 : i32
    return %arg0, %c0_i32 : i32, i32
  }
  func.func @transform_8(%arg0: i32) -> (i32, i32) {
    %c0_i32 = arith.constant 0 : i32
    %c0_i32_0 = arith.constant 0 : i32
    return %arg0, %c0_i32 : i32, i32
  }
  func.func @transform_9(%arg0: i32) -> (i32, i32) {
    %c0_i32 = arith.constant 0 : i32
    %c0_i32_0 = arith.constant 0 : i32
    return %arg0, %c0_i32 : i32, i32
  }
}

module attributes {stable_mosaic.version = 14 : i64} {
  func.func @_single_proj_body(%arg0: i32, %arg1: memref<512x1024xf32, #tpu.memory_space<vmem>>, %arg2: memref<1024x1024xf32, #tpu.memory_space<vmem>>, %arg3: memref<1x1024xf32, #tpu.memory_space<vmem>>, %arg4: memref<512x1024xf32, #tpu.memory_space<vmem>>) attributes {dimension_semantics = [#tpu.dimension_semantics<arbitrary>], iteration_bounds = array<i64: 8>, scalar_prefetch = 0 : i64, scratch_operands = 0 : i64, tpu.core_type = #tpu.core_type<tc>, window_params = [{transform_indices = @transform_0, window_bounds = array<i64: 512, 1024>}, {pipeline_mode = #tpu.pipeline_mode<synchronous>, transform_indices = @transform_1, window_bounds = array<i64: 1024, 1024>}, {pipeline_mode = #tpu.pipeline_mode<synchronous>, transform_indices = @transform_2, window_bounds = array<i64: 1, 1024>}, {transform_indices = @transform_3, window_bounds = array<i64: 512, 1024>}]} {
    %get3A = arith.constant 0 : index
    %get3A_0 = arith.constant 0 : index
    %get3A_1 = vector.load %arg1[%get3A, %get3A_0] : memref<512x1024xf32, #tpu.memory_space<vmem>>, vector<512x1024xf32>
    %get3A_2 = arith.constant 0 : index
    %get3A_3 = arith.constant 0 : index
    %get3A_4 = vector.load %arg2[%get3A_2, %get3A_3] : memref<1024x1024xf32, #tpu.memory_space<vmem>>, vector<1024x1024xf32>
    %dot_general3A = arith.constant dense<0.000000e+00> : vector<512x1024xf32>
    %dot_general3A_5 = tpu.matmul %get3A_1, %get3A_4, %dot_general3A {dimension_numbers = #tpu.dot_dimension_numbers<[1], [1], [0], [0], [0, 0, 1, 0], [], []>, precision = #tpu.contract_precision<fp32>, transpose_lhs_hint = false} : vector<512x1024xf32>, vector<1024x1024xf32>, vector<512x1024xf32> -> vector<512x1024xf32>
    %get3A_6 = arith.constant 0 : index
    %get3A_7 = arith.constant 0 : index
    %get3A_8 = vector.load %arg3[%get3A_6, %get3A_7] : memref<1x1024xf32, #tpu.memory_space<vmem>>, vector<1x1024xf32>
    %add3A = vector.broadcast %get3A_8 : vector<1x1024xf32> to vector<512x1024xf32>
    %add3A_9 = arith.addf %dot_general3A_5, %add3A : vector<512x1024xf32>
    %swap3A = arith.constant 0 : index
    %swap3A_10 = arith.constant 0 : index
    %swap3A_11 = vector.load %arg4[%swap3A, %swap3A_10] : memref<512x1024xf32, #tpu.memory_space<vmem>>, vector<512x1024xf32>
    tpu.vector_store %arg4[%swap3A, %swap3A_10], %add3A_9 {strides = array<i32>} : memref<512x1024xf32, #tpu.memory_space<vmem>>, vector<512x1024xf32>,
    return
  }
  func.func @transform_0(%arg0: i32) -> (i32, i32) {
    %c0_i32 = arith.constant 0 : i32
    %c0_i32_0 = arith.constant 0 : i32
    return %arg0, %c0_i32 : i32, i32
  }
  func.func @transform_1(%arg0: i32) -> (i32, i32) {
    %c0_i32 = arith.constant 0 : i32
    %c0_i32_0 = arith.constant 0 : i32
    %c0_i32_1 = arith.constant 0 : i32
    return %c0_i32, %c0_i32_0 : i32, i32
  }
  func.func @transform_2(%arg0: i32) -> (i32, i32) {
    %c0_i32 = arith.constant 0 : i32
    %c0_i32_0 = arith.constant 0 : i32
    %c0_i32_1 = arith.constant 0 : i32
    return %c0_i32, %c0_i32_0 : i32, i32
  }
  func.func @transform_3(%arg0: i32) -> (i32, i32) {
    %c0_i32 = arith.constant 0 : i32
    %c0_i32_0 = arith.constant 0 : i32
    return %arg0, %c0_i32 : i32, i32
  }
}

module attributes {stable_mosaic.version = 14 : i64} {
  func.func @_single_proj_body(%arg0: i32, %arg1: memref<512x1024xf32, #tpu.memory_space<vmem>>, %arg2: memref<1024x1024xf32, #tpu.memory_space<vmem>>, %arg3: memref<1x1024xf32, #tpu.memory_space<vmem>>, %arg4: memref<512x1024xf32, #tpu.memory_space<vmem>>) attributes {dimension_semantics = [#tpu.dimension_semantics<arbitrary>], iteration_bounds = array<i64: 8>, scalar_prefetch = 0 : i64, scratch_operands = 0 : i64, tpu.core_type = #tpu.core_type<tc>, window_params = [{transform_indices = @transform_0, window_bounds = array<i64: 512, 1024>}, {pipeline_mode = #tpu.pipeline_mode<synchronous>, transform_indices = @transform_1, window_bounds = array<i64: 1024, 1024>}, {pipeline_mode = #tpu.pipeline_mode<synchronous>, transform_indices = @transform_2, window_bounds = array<i64: 1, 1024>}, {transform_indices = @transform_3, window_bounds = array<i64: 512, 1024>}]} {
    %get3A = arith.constant 0 : index
    %get3A_0 = arith.constant 0 : index
    %get3A_1 = vector.load %arg1[%get3A, %get3A_0] : memref<512x1024xf32, #tpu.memory_space<vmem>>, vector<512x1024xf32>
    %get3A_2 = arith.constant 0 : index
    %get3A_3 = arith.constant 0 : index
    %get3A_4 = vector.load %arg2[%get3A_2, %get3A_3] : memref<1024x1024xf32, #tpu.memory_space<vmem>>, vector<1024x1024xf32>
    %dot_general3A = arith.constant dense<0.000000e+00> : vector<512x1024xf32>
    %dot_general3A_5 = tpu.matmul %get3A_1, %get3A_4, %dot_general3A {dimension_numbers = #tpu.dot_dimension_numbers<[1], [1], [0], [0], [0, 0, 1, 0], [], []>, precision = #tpu.contract_precision<fp32>, transpose_lhs_hint = false} : vector<512x1024xf32>, vector<1024x1024xf32>, vector<512x1024xf32> -> vector<512x1024xf32>
    %get3A_6 = arith.constant 0 : index
    %get3A_7 = arith.constant 0 : index
    %get3A_8 = vector.load %arg3[%get3A_6, %get3A_7] : memref<1x1024xf32, #tpu.memory_space<vmem>>, vector<1x1024xf32>
    %add3A = vector.broadcast %get3A_8 : vector<1x1024xf32> to vector<512x1024xf32>
    %add3A_9 = arith.addf %dot_general3A_5, %add3A : vector<512x1024xf32>
    %swap3A = arith.constant 0 : index
    %swap3A_10 = arith.constant 0 : index
    %swap3A_11 = vector.load %arg4[%swap3A, %swap3A_10] : memref<512x1024xf32, #tpu.memory_space<vmem>>, vector<512x1024xf32>
    tpu.vector_store %arg4[%swap3A, %swap3A_10], %add3A_9 {strides = array<i32>} : memref<512x1024xf32, #tpu.memory_space<vmem>>, vector<512x1024xf32>,
    return
  }
  func.func @transform_0(%arg0: i32) -> (i32, i32) {
    %c0_i32 = arith.constant 0 : i32
    %c0_i32_0 = arith.constant 0 : i32
    return %arg0, %c0_i32 : i32, i32
  }
  func.func @transform_1(%arg0: i32) -> (i32, i32) {
    %c0_i32 = arith.constant 0 : i32
    %c0_i32_0 = arith.constant 0 : i32
    %c0_i32_1 = arith.constant 0 : i32
    return %c0_i32, %c0_i32_0 : i32, i32
  }
  func.func @transform_2(%arg0: i32) -> (i32, i32) {
    %c0_i32 = arith.constant 0 : i32
    %c0_i32_0 = arith.constant 0 : i32
    %c0_i32_1 = arith.constant 0 : i32
    return %c0_i32, %c0_i32_0 : i32, i32
  }
  func.func @transform_3(%arg0: i32) -> (i32, i32) {
    %c0_i32 = arith.constant 0 : i32
    %c0_i32_0 = arith.constant 0 : i32
    return %arg0, %c0_i32 : i32, i32
  }
}

</mosaic_0001>

<sc_bundles>
// kernel: kernel.7.cloned.1.call-start
scs
__scs_entry_jumppad:
0x0: {  	(pc) =	sbr.rel $0x88, $3  }
0x1: {  	(tag) =	ssettag $0x0;
	lr =	simm.s32 $0x1  }
0x2: {  	[smem:$0x3F95] =	sst lr;
	_ =	strace $0xD0000000  }
0x3: {  	_ = 	snop  }
0x4: {  	_ = 	snop  }
0x5: {  	_ = 	snop  }
0x6: {  	_ = 	snop  }
0x7: {  	_ = 	snop  }
__scs_overlays_trampoline_lowered:
0x8: {  	[smem:$0x3FA4] =	sst s0  }
0x9: {  	[smem:$0x3FA5] =	sst s1  }
0xa: {  	[smem:$0x3FA6] =	sst s2  }
0xb: {  	[smem:$0x3FA7] =	sst s3  }
0xc: {  	[smem:$0x3FA8] =	sst s4  }
0xd: {  	[smem:$0x3FA9] =	sst s5  }
0xe: {  	[smem:$0x3FAA] =	sst s6  }
0xf: {  	[smem:$0x3FAB] =	sst s7  }
0x10: {  	[smem:$0x3FAC] =	sst s8  }
0x11: {  	[smem:$0x3FAD] =	sst s9;
	s0 =	simm.s32 @!p0 $0x0  }
0x12: {  	s1 =	sld [smem:$0x3F93];
	s0 =	simm.s32 @p0 $0x1  }
0x13: {  	[smem:$0x3FAE] =	sst s0;
	s0 =	simm.s32 @!p1 $0x0  }
0x14: {  	s2 =	sld [smem:$0x3F92];
	s0 =	simm.s32 @p1 $0x1  }
0x15: {  	[smem:$0x3FAF] =	sst s0;
	s0 =	simm.s32 @!p2 $0x0  }
0x16: {  	s3 =	sld [smem:$0x3FDB];
	s0 =	simm.s32 @p2 $0x1  }
0x17: {  	s4 =	simm.s32 $0x1BF5;
	[smem:$0x3FB1] =	sst s0  }
0x18: {  	s0 =	sld [smem:$0x3F94];
	_ =	swait.ge [sflag:s4], $0x0  }
0x19: {  	s7 =	sld [smem:$0x3F95]  }
0x1a: {  	s8 =	sadd.s32 $0xFFFFE003, lr  }
0x1b: {  	s9 =	sadd.s32 $0xFFFFFEF7, lr;
	s5 =	simm.s32 $0xFFFFFFFF;
	p2 =	slt.u32 s8, $0xFFFFF086  }
0x1c: {  	p1 =	slt.u32 s9, $0xF7A;
	s5 =	simm.s32 @!p2 $0x0  }
0x1d: {  	s5 =	simm.s32 @p1 $0x1;
	p0 =	seq.s32 s7, s2  }
0x1e: {  	s7 =	smul.u32 @!p0 $0xF7A, s2;
	p2 =	seq.s32 @!p0 s5, $0x0  }
0x1f: {  	s9 =	smul.u32 $0xF7A, s1;
	s8 =	simm.s32 @!p0 $0x1BF5;
	p2 =	por !p2, p0  }
0x20: {  	[sflag:s8] =	ssyncset.s32 @!p0 $0xFFFFF086;
	s6 =	sadd.s32 @!p0 s3, s7;
	s7 =	simm.s32 @!p0 $0x108  }
0x21: {  	s3 =	sadd.s32 s3, s9;
	s6 =	sadd.s32 @!p0 $0x88, s6;
	s7 =	simm.s32 @p2 $0x1082  }
0x22: {  	[simem:s7], [sflag:s8] =	dma.local @!p0 [hbm:s6], $0xF7A  }
0x23: {  	s9 =	sor.u32 $0xD0000000, s2;
	s6 =	simm.s32 $0x108;
	_ =	swait.ge @!p0 [sflag:s8], $0x0  }
0x24: {  	s3 =	sadd.s32 $0x88, s3;
	s6 =	simm.s32 @!p1 $0x1082;
	[sflag:s4] =	ssyncset.s32 $0xFFFFF086  }
0x25: {  	[simem:s6], [sflag:s4] =	dma.local [hbm:s3], $0xF7A  }
0x26: {  	[smem:$0x3F95] =	sst s1;
	(tag) =	ssettag s2;
	_ =	strace s9  }
0x27: {  	s1 =	sld [smem:$0x3FA5]  }
0x28: {  	s2 =	sld [smem:$0x3FA6]  }
0x29: {  	s4 =	sld [smem:$0x3FA8]  }
0x2a: {  	p0 =	seq.s32 s5, $0x0;
	s5 =	sld [smem:$0x3FA9]  }
0x2b: {  	s6 =	sld [smem:$0x3FAA]  }
0x2c: {  	s7 =	sld [smem:$0x3FAB]  }
0x2d: {  	s3 =	simm.s32 $0x108;
	s8 =	sld [smem:$0x3FAC]  }
0x2e: {  	s3 =	simm.s32 @!p0 $0x1082;
	s9 =	sld [smem:$0x3FAD]  }
0x2f: {  	lr =	sadd.s32 s0, s3;
	s0 =	sld [smem:$0x3FA4]  }
0x30: {  	s3 =	sld [smem:$0x3FA7]  }
0x31: {  	[smem:$0x3FB0] =	sst s10  }
0x32: {  	s10 =	sld [smem:$0x3FAE];
	_ =	sdelay $0x3  }
0x33: {  	p0 =	seq.s32 s10, $0x1;
	s10 =	sld [smem:$0x3FB0];
	_ =	sdelay $0x3  }
0x34: {  	[smem:$0x3FB0] =	sst s10  }
0x35: {  	s10 =	sld [smem:$0x3FAF];
	_ =	sdelay $0x3  }
0x36: {  	p1 =	seq.s32 s10, $0x1;
	s10 =	sld [smem:$0x3FB0];
	_ =	sdelay $0x3  }
0x37: {  	[smem:$0x3FB0] =	sst s10  }
0x38: {  	s10 =	sld [smem:$0x3FB1]  }
0x39: {  	_ = 	snop;
	(pc) =	sbr.ind lr, $3  }
0x3a: {  	_ = 	snop  }
0x3b: {  	_ = 	snop  }
0x3c: {  	p2 =	seq.s32 s10, $0x1;
	s10 =	sld [smem:$0x3FB0]  }
0x3d: {  	_ =	shalt  }
0x3e: {  	_ =	shalt  }
0x3f: {  	_ =	shalt  }
0x40: {  	_ =	shalt  }
0x41: {  	_ =	shalt  }
0x42: {  	_ =	shalt  }
0x43: {  	_ =	shalt  }
0x44: {  	_ =	shalt  }
0x45: {  	_ =	shalt  }
0x46: {  	_ =	shalt  }
0x47: {  	_ =	shalt  }
0x48: {  	_ =	shalt  }
0x49: {  	_ =	shalt  }
0x4a: {  	_ =	shalt  }
0x4b: {  	_ =	shalt  }
0x4c: {  	_ =	shalt  }
0x4d: {  	_ =	shalt  }
0x4e: {  	_ =	shalt  }
0x4f: {  	_ =	shalt  }
0x50: {  	_ =	shalt  }
0x51: {  	_ =	shalt  }
0x52: {  	_ =	shalt  }
0x53: {  	_ =	shalt  }
0x54: {  	_ =	shalt  }
0x55: {  	_ =	shalt  }
0x56: {  	_ =	shalt  }
0x57: {  	_ =	shalt  }
0x58: {  	_ =	shalt  }
0x59: {  	_ =	shalt  }
0x5a: {  	_ =	shalt  }
0x5b: {  	_ =	shalt  }
0x5c: {  	_ =	shalt  }
0x5d: {  	_ =	shalt  }
0x5e: {  	_ =	shalt  }
0x5f: {  	_ =	shalt  }
0x60: {  	_ =	shalt  }
0x61: {  	_ =	shalt  }
0x62: {  	_ =	shalt  }
0x63: {  	_ =	shalt  }
0x64: {  	_ =	shalt  }
0x65: {  	_ =	shalt  }
0x66: {  	_ =	shalt  }
0x67: {  	_ =	shalt  }
0x68: {  	_ =	shalt  }
0x69: {  	_ =	shalt  }
0x6a: {  	_ =	shalt  }
0x6b: {  	_ =	shalt  }
0x6c: {  	_ =	shalt  }
0x6d: {  	_ =	shalt  }
0x6e: {  	_ =	shalt  }
0x6f: {  	_ =	shalt  }
0x70: {  	_ =	shalt  }
0x71: {  	_ =	shalt  }
0x72: {  	_ =	shalt  }
0x73: {  	_ =	shalt  }
0x74: {  	_ =	shalt  }
0x75: {  	_ =	shalt  }
0x76: {  	_ =	shalt  }
0x77: {  	_ =	shalt  }
0x78: {  	_ =	shalt  }
0x79: {  	_ =	shalt  }
0x7a: {  	_ =	shalt  }
0x7b: {  	_ =	shalt  }
0x7c: {  	_ =	shalt  }
0x7d: {  	_ =	shalt  }
0x7e: {  	_ =	shalt  }
0x7f: {  	_ =	shalt  }
0x80: {  	_ =	shalt  }
0x81: {  	_ =	shalt  }
0x82: {  	_ =	shalt  }
0x83: {  	_ =	shalt  }
0x84: {  	_ =	shalt  }
0x85: {  	_ =	shalt  }
0x86: {  	_ =	shalt  }
0x87: {  	_ =	shalt  }
.Lfunc_end0:
.L_simem_size_0:
called_computation.2_lowered:
.L_overlay_start_0:
0x88: {  	s2 =	sld [smem:$0x3FD9]  }
0x89: {  	s3 =	sld [smem:$0x3FFE];
	_ =	sdelay $0x1  }
0x8a: {  	s1 =	srdreg.scid  }
0x8b: {  	s0 =	sand.u32 $0x1, s1  }
0x8c: {  	s17 =	sshll.u32 s0, $0xA;
	s2 =	sadd.s32 s3, s2  }
0x8d: {  	s2 =	sadd.s32 s2, s17  }
0x8e: {  	[smem:$0x3FBC] =	sst s2  }
0x8f: {  	_ = 	snop  }
0x90: {  	s2 =	sld [smem:$0x3FD0];
	(tm) =	ssettm $0x1  }
0x91: {  	s18 =	sld [smem:$0x3FFB];
	_ =	sdelay $0x3  }
0x92: {  	_ =	strace s18  }
0x93: {  	s3 =	sld [smem:$0x3FFC];
	_ =	sdelay $0x3  }
0x94: {  	_ =	strace s3  }
0x95: {  	s3 =	sld [smem:$0x3FFD];
	_ =	sdelay $0x3  }
0x96: {  	_ =	strace s3  }
0x97: {  	_ =	strace $0x8FFFFFFF  }
0x98: {  	s19 =	sld [smem:$0x3FDB];
	_ =	sdelay $0x1  }
0x99: {  	s4 =	simm.s32 $_scs_section_size  }
0x9a: {  	s5 =	simm.s32 $_size__tile_overlayer_lowered;
	s6 =	simm.s32 $_tile_overlayer_lowered  }
0x9b: {  	s22 =	simm.s32 $0x1BFF;
	s21 =	sshll.u32 s6, $0x1;
	s3 =	sadd.s32 s4, s19  }
0x9c: {  	s7 =	simm.s32 $0x0;
	s20 =	sshll.u32 s5, $0x1;
	s5 =	sadd.s32 s21, s3  }
0x9d: {  	[timem:s7], [sflag:s22] =	dma.local [hbm:s5], s20  }
0x9e: {  	_ =	swait.ge [sflag:s22], s20  }
0x9f: {  	s4 =	ssub.s32 $0x0, s20;
	[sflag:s22] =	ssyncset.done $0x0  }
0xa0: {  	[sflag:s22] =	ssyncadd.s32 s4;
	_ =	sdelay $0x1  }
0xa1: {  	s23 =	simm.s32 $0x1B8B  }
0xa2: {  	_ =	swait.ge [sflag:s23], $0x1  }
0xa3: {  	[sflag:s23] =	ssyncset.done $0x0  }
0xa4: {  	s25 =	simm.s32 $0x1B8E;
	s24 =	sld [smem:$0x3FFE];
	[sflag:s23] =	ssyncadd.s32 $0xFFFFFFFF  }
0xa5: {  	s26 =	simm.s32 $execute0_lowered;
	[smem:$0x3FD2] =	sst s25  }
0xa6: {  	s5 =	sshll.u32 s26, $0x1;
	_ =	strace $0x8000004C;
	[dreg:$0x1] =	wrdreg $0xFFFFFFFF  }
0xa7: {  	s28 =	simm.s32 $_size_execute0_lowered;
	s3 =	sadd.s32 s3, s5;
	[dreg:$0x0] =	wrdreg $0x0  }
0xa8: {  	s5 =	sshll.u32 s28, $0x1;
	[dreg:$0x2] =	wrdreg s3  }
0xa9: {  	[dreg:$0x3] =	wrdreg s5  }
0xaa: {  	[dreg:$0x4] =	wrdreg $0xC0  }
0xab: {  	_ =	task [dreg:s7], $0x5FFFF  }
0xac: {  	[dreg:$0x1] =	wrdreg $0xFFFFFFFF  }
0xad: {  	[dreg:$0x0] =	wrdreg $0x60  }
0xae: {  	[dreg:$0x2] =	wrdreg s2  }
0xaf: {  	[dreg:$0x3] =	wrdreg s24  }
0xb0: {  	[dreg:$0x4] =	wrdreg $0x9  }
0xb1: {  	_ =	task.clear_ibuf [dreg:s7], $0x5FFFF;
	_ =	strace $0x9000004C  }
0xb2: {  	s29 =	simm.s32 $0x9;
	_ =	strace $0x8000004E  }
0xb3: {  	_ =	swait.ge [sflag:s29], $0x1  }
0xb4: {  	[sflag:s29] =	ssyncadd.s32 $0xFFFFFFFF  }
0xb5: {  	_ =	strace $0x9000004E  }
0xb6: {  	_ =	sfence  }
0xb7: {  	s30 =	sld [smem:$0x0];
	_ =	sdelay $0x2  }
0xb8: {  	s31 =	sshll.u32 s1, $0xD;
	s1 =	sshrl.u32 s1, $0x2  }
0xb9: {  	s3 =	sand.u32 $0x4000, s31;
	s1 =	sadd.s32 s1, s30  }
0xba: {  	s0 =	sor.u32 s3, s0;
	s1 =	sshll.u32 s1, $0x11  }
0xbb: {  	s0 =	sor.u32 s1, s0  }
0xbc: {  	s0 =	sadd.s32 $0x8F2B, s0  }
0xbd: {  	[sflag:s0] =	ssyncadd.remote.s32 $0x1  }
0xbe: {  	_ =	sfence.sel $0xFFFF  }
0xbf: {  	[dreg:$0x0] =	wrdreg $0xFFFFFFFF;
	(pc) =	sbr.abs _section_cstart, $3  }
0xc0: {  	[dreg:$0x1] =	wrdreg $0xFFFFFFFF  }
0xc1: {  	_ =	task.clear_ibuf [dreg:s7], $0x2FFFF;
	_ =	strace $0x9FFFFFFF  }
0xc2: {  	(tm) =	ssettm $0x7FFFFFFF  }
0xc3: {  	_ =	shalt  }
tec
execute0_lowered:
.L_overlay_start_1:
0x0: {  	(tag) =	ssettag $0x1  }
0x1: {  	s1 =	rddreg [dreg:$0x0]  }
0x2: {  	s7 =	rddreg [dreg:$0x1]  }
0x3: {  	s0 =	rddreg [dreg:$0x2];
	s2 =	simm.s32 $0x0;
	s3 =	srdreg.scid  }
0x4: {  	s4 =	stileid.u32;
	s11 =	simm.s32 $0x8010;
	s12 =	simm.s32 $0x10  }
0x5: {  	s13 =	simm.s32 $0x4010;
	s14 =	simm.s32 $0x1;
	s15 =	simm.s32 $0x2  }
0x6: {  	v0 =	vlaneseq.u32;
	s16 =	simm.s32 $0x8410;
	s17 =	simm.s32 $0x8510;
	s18 =	simm.s32 $0x0  }
0x7: {  	[smem:$0x7FF] =	sst s2;
	s8 =	sand.u32 $0x1, s3;
	s3 =	sadd.s32 $0x303000, s7;
	v0 =	vmul.u32 $0x400, v0  }
0x8: {  	v8 =	vimm.s32 $0x0;
	vm0 =	vcmask $0x300;
	s5 =	sadd.s32 $0x203000, s7;
	s6 =	sadd.s32 $0x403000, s7;
	s9 =	ssub.s32 $0x2, s8  }
0x9: {  	s31 =	sshll.u32 s4, $0x8;
	s7 =	sadd.s32 $0x3000, s7;
	v8 =	vsel vm0, $0x3, v8;
	s10 =	sshrl.u32 s9, $0x1;
	v1 =	vor.u32 $0x1, v0  }
0xa: {  	_ =	strace $0x8000004D;
	s8 =	sshll.u32 s8, $0x7;
	v2 =	vor.u32 $0x2, v0;
	v3 =	vor.u32 $0x3, v0;
	v4 =	vor.u32 $0x4, v0;
	s9 =	ssub.s32 s9, s10  }
0xb: {  	s8 =	sor.u32 s8, s31;
	v5 =	vor.u32 $0x5, v0;
	v6 =	vor.u32 $0x6, v0;
	v7 =	vor.u32 $0x7, v0;
	s10 =	simm.s32 $0x3;
	s9 =	smax.u32 s9, $0x1  }
.LBB2_1:
0xc: {  	s19 =	simm.s32 $0x0  }
.LBB2_2:
0xd: {  	s20 =	sadd.s32 s8, s19  }
0xe: {  	s21 =	sshll.u32 s20, $0x1  }
0xf: {  	s21 =	sadd.s32 s6, s21  }
0x10: {  	[tilespmem:s2], [sflag:$0x3] =	stream.linear.gather [hbm4b:s21+s2], $0x10, $0x38;
	[tilespmem:$0x8910] =	vst v63  }
0x11: {  	_ =	swait.ge [sflag:s10], $0x10  }
0x12: {  	s20 =	sshll.u32 s20, $0x7;
	[sflag:s10] =	ssyncset.done $0x0  }
0x13: {  	s30 =	sadd.s32 s1, s20;
	[sflag:s10] =	ssyncadd.s32 $0xFFFFFFF0  }
0x14: {  	[tilespmem:s11], [sflag:$0x3] =	stream.linear.gather [hbm4b:s30+s2], $0x400, $0x38;
	[tilespmem:$0x8910] =	vst v63  }
0x15: {  	_ =	swait.ge [sflag:s10], $0x400  }
0x16: {  	[sflag:s10] =	ssyncset.done $0x0  }
0x17: {  	s31 =	simm.s32 $0x0;
	[sflag:s10] =	ssyncadd.s32 $0xFFFFFC00  }
0x18: {  	v9 =	vmov s31;
	[tilespmem:s12], [sflag:$0x1] =	stream.indirect.gather [hbm4b:s3+s12], $0x400, s2, s12, $0xb8;
	[tilespmem:$0x8910] =	vst v63  }
0x19: {  	v9 =	vshrl.u32 v9, $0x3  }
0x1a: {  	v9 =	vshll.u32 v9, $0x3;
	[tilespmem:s13], [sflag:$0x2] =	stream.indirect.gather [hbm4b:s5+s12], $0x400, s2, s12, $0xb8;
	[tilespmem:$0x8910] =	vst v63  }
0x1b: {  	v10 =	vbroadcast v9, $0x0;
	_ =	swait.ge [sflag:s14], $0x4000  }
0x1c: {  	[sflag:s14] =	ssyncset.done $0x0  }
0x1d: {  	v9 =	vor.u32 v0, v10;
	[sflag:s14] =	ssyncadd.s32 $0xFFFFC000  }
0x1e: {  	v11 =	vor.u32 v1, v10;
	_ =	swait.ge [sflag:s15], $0x4000  }
0x1f: {  	v12 =	vor.u32 $0x1, v10;
	[sflag:s15] =	ssyncset.done $0x0  }
0x20: {  	v13 =	vor.u32 v2, v10;
	[sflag:s15] =	ssyncadd.s32 $0xFFFFC000  }
0x21: {  	v15 =	vor.u32 $0x2, v10;
	v14 =	vld.idx.msk [tilespmem:v10+s11+$0x0], $0xffff  }
0x22: {  	v16 =	vor.u32 v3, v10;
	v9 =	vld.idx.msk [tilespmem:v9+s12+$0x0], $0xffff  }
0x23: {  	v18 =	vor.u32 v4, v10;
	v11 =	vld.idx.msk [tilespmem:v11+s12+$0x0], $0xffff  }
0x24: {  	v17 =	vor.u32 $0x3, v10;
	v12 =	vld.idx.msk [tilespmem:v12+s11+$0x0], $0xffff  }
0x25: {  	v19 =	vor.u32 $0x4, v10;
	v13 =	vld.idx.msk [tilespmem:v13+s12+$0x0], $0xffff  }
0x26: {  	s21 =	simm.s32 $0x8;
	v20 =	vor.u32 v5, v10;
	v15 =	vld.idx.msk [tilespmem:v15+s11+$0x0], $0xffff  }
0x27: {  	v23 =	vimm.f32 $0.0e+00;
	v22 =	vmov s21;
	v21 =	vld.idx.msk [tilespmem:v16+s12+$0x0], $0xffff;
	v16 =	vor.u32 $0x5, v10  }
0x28: {  	v22 =	vshrl.u32 v22, $0x3;
	v24 =	vor.u32 $0x6, v10;
	v18 =	vld.idx.msk [tilespmem:v18+s12+$0x0], $0xffff;
	v9 =	vmul.f32 v14, v9  }
0x29: {  	v22 =	vshll.u32 v22, $0x3;
	v25 =	vor.u32 v7, v10;
	v14 =	vld.idx.msk [tilespmem:v17+s11+$0x0], $0xffff;
	v17 =	vor.u32 v6, v10  }
0x2a: {  	v19 =	vld.idx.msk [tilespmem:v19+s11+$0x0], $0xffff;
	v11 =	vmul.f32 v12, v11;
	v10 =	vor.u32 $0x7, v10;
	v23 =	vadd.f32 v9, v23  }
0x2b: {  	v26 =	vld.idx.msk [tilespmem:v20+s12+$0x0], $0xffff;
	v9 =	vbroadcast v22, $0x0  }
0x2c: {  	v27 =	vld.idx.msk [tilespmem:v16+s11+$0x0], $0xffff;
	v12 =	vmul.f32 v15, v13;
	v11 =	vadd.f32 v11, v23  }
0x2d: {  	v16 =	vld.idx.msk [tilespmem:v24+s11+$0x0], $0xffff;
	v15 =	vor.u32 v0, v9  }
0x2e: {  	v28 =	vor.u32 v1, v9;
	v13 =	vld.idx.msk [tilespmem:v17+s12+$0x0], $0xffff;
	v17 =	vmul.f32 v14, v21;
	v12 =	vadd.f32 v12, v11  }
0x2f: {  	v14 =	vld.idx.msk [tilespmem:v10+s11+$0x0], $0xffff;
	v21 =	vor.u32 $0x1, v9  }
0x30: {  	v18 =	vmul.f32 v19, v18;
	v19 =	vor.u32 v2, v9;
	v11 =	vld.idx.msk [tilespmem:v25+s12+$0x0], $0xffff;
	v10 =	vadd.f32 v17, v12  }
0x31: {  	v20 =	vor.u32 $0x2, v9;
	v12 =	vld.idx.msk [tilespmem:v9+s11+$0x0], $0xffff  }
0x32: {  	v23 =	vmul.f32 v27, v26;
	v17 =	vor.u32 v3, v9;
	v15 =	vld.idx.msk [tilespmem:v15+s12+$0x0], $0xffff;
	v22 =	vadd.f32 v18, v10  }
0x33: {  	v10 =	vld.idx.msk [tilespmem:v28+s12+$0x0], $0xffff;
	v18 =	vor.u32 $0x3, v9  }
.LBB2_3:
0x34: {  	s21 =	sadd.s32 $0x8, s21;
	v21 =	vld.idx.msk [tilespmem:v21+s11+$0x0], $0xffff;
	v24 =	vor.u32 v4, v9;
	v22 =	vadd.f32 v23, v22;
	v13 =	vmul.f32 v16, v13  }
0x35: {  	v23 =	vor.u32 $0x4, v9;
	v16 =	vmov s21;
	v19 =	vld.idx.msk [tilespmem:v19+s12+$0x0], $0xffff  }
0x36: {  	v25 =	vor.u32 v5, v9;
	v11 =	vmul.f32 v14, v11;
	v20 =	vld.idx.msk [tilespmem:v20+s11+$0x0], $0xffff;
	v13 =	vadd.f32 v13, v22  }
0x37: {  	p0 =	slt.u32 s21, $0x38;
	v14 =	vshrl.u32 v16, $0x3;
	v16 =	vld.idx.msk [tilespmem:v17+s12+$0x0], $0xffff;
	v17 =	vor.u32 $0x5, v9  }
0x38: {  	v12 =	vmul.f32 v12, v15;
	v15 =	vld.idx.msk [tilespmem:v18+s11+$0x0], $0xffff;
	v18 =	vor.u32 v6, v9;
	v11 =	vadd.f32 v11, v13  }
0x39: {  	v22 =	vor.u32 $0x6, v9;
	v13 =	vshll.u32 v14, $0x3;
	v14 =	vld.idx.msk [tilespmem:v24+s12+$0x0], $0xffff  }
0x3a: {  	v10 =	vmul.f32 v21, v10;
	v11 =	vadd.f32 v12, v11;
	v12 =	vld.idx.msk [tilespmem:v23+s11+$0x0], $0xffff;
	v23 =	vor.u32 v7, v9  }
0x3b: {  	v24 =	vld.idx.msk [tilespmem:v25+s12+$0x0], $0xffff;
	v25 =	vor.u32 $0x7, v9;
	v9 =	vbroadcast v13, $0x0  }
0x3c: {  	v10 =	vadd.f32 v10, v11;
	v11 =	vmul.f32 v20, v19;
	v26 =	vld.idx.msk [tilespmem:v17+s11+$0x0], $0xffff  }
0x3d: {  	v17 =	vor.u32 v0, v9;
	v13 =	vld.idx.msk [tilespmem:v18+s12+$0x0], $0xffff  }
0x3e: {  	v18 =	vor.u32 v1, v9;
	v15 =	vmul.f32 v15, v16;
	v10 =	vadd.f32 v11, v10;
	v16 =	vld.idx.msk [tilespmem:v22+s11+$0x0], $0xffff  }
.Ltmp0:
0x3f: {  	v21 =	vor.u32 $0x1, v9;
	v11 =	vld.idx.msk [tilespmem:v23+s12+$0x0], $0xffff;
	(pc) =	sbr.rel @p0 .LBB2_3-.Ltmp0, $4  }
0x40: {  	v19 =	vor.u32 v2, v9;
	v22 =	vmul.f32 v12, v14;
	v10 =	vadd.f32 v15, v10;
	v14 =	vld.idx.msk [tilespmem:v25+s11+$0x0], $0xffff  }
0x41: {  	v20 =	vor.u32 $0x2, v9;
	v12 =	vld.idx.msk [tilespmem:v9+s11+$0x0], $0xffff  }
0x42: {  	v23 =	vmul.f32 v26, v24;
	v15 =	vld.idx.msk [tilespmem:v17+s12+$0x0], $0xffff;
	v17 =	vor.u32 v3, v9;
	v22 =	vadd.f32 v22, v10  }
0x43: {  	v10 =	vld.idx.msk [tilespmem:v18+s12+$0x0], $0xffff;
	v18 =	vor.u32 $0x3, v9  }
0x44: {  	_ =	sdelay $0x2  }
0x45: {  	v22 =	vadd.f32 v23, v22;
	v13 =	vmul.f32 v16, v13  }
0x46: {  	v16 =	vld.idx.msk [tilespmem:v21+s11+$0x0], $0xffff;
	v21 =	vor.u32 v4, v9  }
0x47: {  	v19 =	vld.idx.msk [tilespmem:v19+s12+$0x0], $0xffff;
	v23 =	vor.u32 $0x4, v9;
	v11 =	vmul.f32 v14, v11;
	v13 =	vadd.f32 v13, v22  }
0x48: {  	v14 =	vld.idx.msk [tilespmem:v20+s11+$0x0], $0xffff;
	v20 =	vor.u32 v5, v9  }
0x49: {  	v17 =	vld.idx.msk [tilespmem:v17+s12+$0x0], $0xffff;
	v22 =	vor.u32 $0x5, v9;
	v12 =	vmul.f32 v12, v15;
	v11 =	vadd.f32 v11, v13  }
0x4a: {  	v15 =	vor.u32 v6, v9;
	v13 =	vld.idx.msk [tilespmem:v18+s11+$0x0], $0xffff  }
0x4b: {  	v18 =	vld.idx.msk [tilespmem:v21+s12+$0x0], $0xffff;
	v21 =	vor.u32 $0x6, v9;
	v10 =	vmul.f32 v16, v10;
	v11 =	vadd.f32 v12, v11  }
0x4c: {  	v16 =	vor.u32 v7, v9;
	v12 =	vld.idx.msk [tilespmem:v23+s11+$0x0], $0xffff  }
0x4d: {  	v9 =	vor.u32 $0x7, v9;
	v20 =	vld.idx.msk [tilespmem:v20+s12+$0x0], $0xffff;
	v10 =	vadd.f32 v10, v11;
	v11 =	vmul.f32 v14, v19  }
0x4e: {  	v14 =	vld.idx.msk [tilespmem:v22+s11+$0x0], $0xffff  }
0x4f: {  	v15 =	vld.idx.msk [tilespmem:v15+s12+$0x0], $0xffff;
	v10 =	vadd.f32 v11, v10;
	v11 =	vmul.f32 v13, v17  }
0x50: {  	v13 =	vld.idx.msk [tilespmem:v21+s11+$0x0], $0xffff  }
0x51: {  	v16 =	vld.idx.msk [tilespmem:v16+s12+$0x0], $0xffff;
	v10 =	vadd.f32 v11, v10;
	v11 =	vmul.f32 v12, v18  }
0x52: {  	v9 =	vld.idx.msk [tilespmem:v9+s11+$0x0], $0xffff  }
0x53: {  	v10 =	vadd.f32 v11, v10;
	v11 =	vmul.f32 v14, v20;
	_ =	sdelay $0x1  }
0x54: {  	v10 =	vadd.f32 v11, v10;
	v11 =	vmul.f32 v13, v15;
	_ =	sdelay $0x1  }
0x55: {  	v9 =	vmul.f32 v9, v16;
	v10 =	vadd.f32 v11, v10;
	_ =	sdelay $0x1  }
0x56: {  	v9 =	vadd.f32 v9, v10;
	_ =	sdelay $0x1  }
0x57: {  	v9 =	vmul.f32 $1.250000000e-01, v9;
	_ =	sdelay $0x1  }
0x58: {  	(xrf0) =	vmax.scan.msk.f32 $0xffff, v9;
	_ =	sdelay $0x5  }
0x59: {  	v10, _, _ =	vpop (xrf0)  }
0x5a: {  	v10 =	vbroadcast v10, $0xF;
	_ =	sdelay $0x1  }
0x5b: {  	v9 =	vsub.f32 v9, v10;
	_ =	sdelay $0x1  }
0x5c: {  	v9 =	vmul.f32 $1.442695020e+00, v9;
	_ =	sdelay $0x1  }
0x5d: {  	(erf) = vpow2.f32 v9;
	_ =	sdelay $0x8  }
0x5e: {  	v9 =	vpop (erf)  }
0x5f: {  	(xrf2) =	vadd.scan.msk.f32 $0xffff, v9;
	_ =	sdelay $0x9  }
0x60: {  	v10, _, _ =	vpop (xrf2)  }
0x61: {  	v10 =	vbroadcast v10, $0xF;
	_ =	sdelay $0x1  }
0x62: {  	(erf) = vrcp.f32 v10;
	_ =	sdelay $0x5  }
0x63: {  	s21 =	simm.s32 $0x40  }
0x64: {  	v10 =	vmov s21  }
0x65: {  	s22 =	simm.s32 $0x41;
	v10 =	vshrl.u32 v10, $0x3  }
0x66: {  	v12 =	vmov s22;
	v10 =	vshll.u32 v10, v8;
	v11 =	vpop (erf)  }
0x67: {  	s25 =	simm.s32 $0x42;
	s28 =	simm.s32 $0x43;
	v10 =	vbroadcast v10, $0x0;
	v11 =	vmul.f32 v11, v9;
	v9 =	vshrl.u32 v12, $0x3  }
0x68: {  	v15 =	vmov s28;
	v12 =	vmov s25;
	v13 =	vshll.u32 v9, v8  }
0x69: {  	v14 =	vor.u32 v0, v10;
	v12 =	vshrl.u32 v12, $0x3;
	v13 =	vbroadcast v13, $0x0  }
0x6a: {  	s29 =	simm.s32 $0x44;
	v15 =	vshrl.u32 v15, $0x3;
	v12 =	vshll.u32 v12, v8  }
0x6b: {  	v18 =	vbroadcast v12, $0x0;
	v12 =	vmov s29;
	v16 =	vor.u32 v1, v13  }
0x6c: {  	s26 =	simm.s32 $0x46;
	[tilespmem:$0x8410] =	vst v11;
	v13 =	vor.u32 $0x1, v13;
	v11 =	vshrl.u32 v12, $0x3;
	v12 =	vshll.u32 v15, v8  }
0x6d: {  	s30 =	simm.s32 $0x45;
	v17 =	vmov s26;
	v21 =	vor.u32 v2, v18;
	v20 =	vbroadcast v12, $0x0  }
0x6e: {  	v14 =	vld.idx.msk [tilespmem:v14+s12+$0x0], $0xffff;
	v15 =	vmov s30;
	v11 =	vshll.u32 v11, v8;
	v19 =	vor.u32 $0x2, v18  }
0x6f: {  	v12 =	vld.idx.msk [tilespmem:v10+s11+$0x0], $0xffff;
	v22 =	vbroadcast v11, $0x0;
	v11 =	vshrl.u32 v15, $0x3;
	v18 =	vor.u32 v3, v20  }
0x70: {  	v23 =	vshrl.u32 v17, $0x3;
	v11 =	vshll.u32 v11, v8;
	v10 =	vld.idx.msk [tilespmem:v16+s12+$0x0], $0xffff;
	v16 =	vor.u32 $0x3, v20  }
0x71: {  	s31 =	simm.s32 $0x47;
	v9 =	vimm.f32 $0.0e+00;
	v15 =	vor.u32 v4, v22;
	v13 =	vld.idx.msk [tilespmem:v13+s11+$0x0], $0xffff;
	v20 =	vbroadcast v11, $0x0  }
0x72: {  	s21 =	simm.s32 $0x0;
	v17 =	vor.u32 $0x4, v22;
	v22 =	vmov s31;
	v11 =	vld.idx.msk [tilespmem:v21+s12+$0x0], $0xffff;
	v21 =	vshll.u32 v23, v8  }
.LBB2_5:
0x73: {  	s23 =	sadd.s32 $0x4E, s21;
	v19 =	vld.idx.msk [tilespmem:v19+s11+$0x0], $0xffff;
	v23 =	vor.u32 v5, v20;
	v21 =	vbroadcast v21, $0x0;
	v22 =	vshrl.u32 v22, $0x3;
	s22 =	smov.u32 s21  }
0x74: {  	v20 =	vor.u32 $0x5, v20;
	v24 =	vmov s23;
	v18 =	vld.idx.msk [tilespmem:v18+s12+$0x0], $0xffff;
	v22 =	vshll.u32 v22, v8  }
0x75: {  	s24 =	sadd.s32 $0x4D, s21;
	s23 =	sadd.s32 $0x4C, s21;
	v12 =	vmul.f32 v12, v14;
	v14 =	vld.idx.msk [tilespmem:v16+s11+$0x0], $0xffff;
	v16 =	vor.u32 v6, v21;
	v22 =	vbroadcast v22, $0x0  }
0x76: {  	v26 =	vmov s24;
	v25 =	vmov s23;
	v21 =	vor.u32 $0x6, v21;
	v15 =	vld.idx.msk [tilespmem:v15+s12+$0x0], $0xffff  }
0x77: {  	s24 =	sadd.s32 $0x4B, s21;
	s23 =	sadd.s32 $0x4A, s21;
	v9 =	vadd.f32 v12, v9;
	v10 =	vmul.f32 v13, v10;
	v12 =	vld.idx.msk [tilespmem:v17+s11+$0x0], $0xffff;
	v13 =	vor.u32 v7, v22  }
0x78: {  	s25 =	sadd.s32 $0x49, s21;
	v27 =	vmov s24;
	v17 =	vmov s23;
	v22 =	vor.u32 $0x7, v22;
	v23 =	vld.idx.msk [tilespmem:v23+s12+$0x0], $0xffff  }
0x79: {  	v28 =	vmov s25;
	s21 =	sadd.s32 $0x8, s21;
	s23 =	sadd.s32 $0x48, s22;
	v9 =	vadd.f32 v10, v9;
	v10 =	vmul.f32 v19, v11;
	v11 =	vld.idx.msk [tilespmem:v20+s11+$0x0], $0xffff  }
0x7a: {  	v25 =	vshrl.u32 v25, $0x3;
	p0 =	slt.u32 s21, $0x38;
	v19 =	vmov s23;
	v20 =	vshrl.u32 v28, $0x3;
	v16 =	vld.idx.msk [tilespmem:v16+s12+$0x0], $0xffff  }
0x7b: {  	v19 =	vshrl.u32 v19, $0x3;
	v9 =	vadd.f32 v10, v9;
	v10 =	vmul.f32 v14, v18;
	v14 =	vld.idx.msk [tilespmem:v21+s11+$0x0], $0xffff  }
0x7c: {  	v17 =	vshrl.u32 v17, $0x3;
	v18 =	vshll.u32 v19, v8;
	v19 =	vshll.u32 v20, v8;
	v13 =	vld.idx.msk [tilespmem:v13+s12+$0x0], $0xffff  }
0x7d: {  	v18 =	vbroadcast v18, $0x0;
	v9 =	vadd.f32 v10, v9;
	v10 =	vmul.f32 v12, v15;
	v15 =	vld.idx.msk [tilespmem:v22+s11+$0x0], $0xffff  }
0x7e: {  	v17 =	vshll.u32 v17, v8;
	v12 =	vbroadcast v19, $0x0;
	v19 =	vshrl.u32 v27, $0x3  }
0x7f: {  	v20 =	vor.u32 v0, v18;
	v9 =	vadd.f32 v10, v9;
	v10 =	vmul.f32 v11, v23  }
0x80: {  	v17 =	vbroadcast v17, $0x0;
	v19 =	vshll.u32 v19, v8;
	v11 =	vor.u32 v1, v12  }
0x81: {  	v21 =	vor.u32 $0x1, v12;
	v9 =	vadd.f32 v10, v9;
	v10 =	vmul.f32 v14, v16  }
0x82: {  	v22 =	vor.u32 v2, v17;
	v23 =	vshll.u32 v25, v8;
	v16 =	vbroadcast v19, $0x0  }
.Ltmp1:
0x83: {  	v19 =	vor.u32 $0x2, v17;
	v9 =	vadd.f32 v10, v9;
	v13 =	vmul.f32 v15, v13;
	v12 =	vld.idx.msk [tilespmem:v18+s11+$0x0], $0xffff;
	(pc) =	sbr.rel @p0 .LBB2_5-.Ltmp1, $4  }
0x84: {  	v17 =	vbroadcast v23, $0x0;
	v15 =	vshrl.u32 v26, $0x3;
	v18 =	vor.u32 v3, v16;
	v14 =	vld.idx.msk [tilespmem:v20+s12+$0x0], $0xffff  }
0x85: {  	v16 =	vor.u32 $0x3, v16;
	v9 =	vadd.f32 v13, v9;
	v10 =	vld.idx.msk [tilespmem:v11+s12+$0x0], $0xffff;
	v11 =	vshll.u32 v15, v8  }
0x86: {  	s22 =	sadd.s32 $0x4F, s22;
	v15 =	vor.u32 v4, v17;
	v13 =	vld.idx.msk [tilespmem:v21+s11+$0x0], $0xffff;
	v20 =	vbroadcast v11, $0x0;
	v21 =	vshrl.u32 v24, $0x3  }
0x87: {  	v17 =	vor.u32 $0x4, v17;
	v11 =	vld.idx.msk [tilespmem:v22+s12+$0x0], $0xffff;
	v21 =	vshll.u32 v21, v8;
	v22 =	vmov s22  }
0x88: {  	_ =	sdelay $0x3  }
0x89: {  	v19 =	vld.idx.msk [tilespmem:v19+s11+$0x0], $0xffff;
	v23 =	vor.u32 v5, v20;
	v21 =	vbroadcast v21, $0x0;
	v22 =	vshrl.u32 v22, $0x3  }
0x8a: {  	v18 =	vld.idx.msk [tilespmem:v18+s12+$0x0], $0xffff;
	v20 =	vor.u32 $0x5, v20;
	v22 =	vshll.u32 v22, v8;
	v12 =	vmul.f32 v12, v14  }
0x8b: {  	v14 =	vld.idx.msk [tilespmem:v16+s11+$0x0], $0xffff;
	v16 =	vor.u32 v6, v21;
	v22 =	vbroadcast v22, $0x0  }
0x8c: {  	v15 =	vld.idx.msk [tilespmem:v15+s12+$0x0], $0xffff;
	v21 =	vor.u32 $0x6, v21;
	v9 =	vadd.f32 v12, v9;
	v10 =	vmul.f32 v13, v10  }
0x8d: {  	v12 =	vld.idx.msk [tilespmem:v17+s11+$0x0], $0xffff;
	v13 =	vor.u32 v7, v22  }
0x8e: {  	v22 =	vor.u32 $0x7, v22;
	v17 =	vld.idx.msk [tilespmem:v23+s12+$0x0], $0xffff;
	v9 =	vadd.f32 v10, v9;
	v10 =	vmul.f32 v19, v11  }
0x8f: {  	v11 =	vld.idx.msk [tilespmem:v20+s11+$0x0], $0xffff  }
0x90: {  	v16 =	vld.idx.msk [tilespmem:v16+s12+$0x0], $0xffff;
	v9 =	vadd.f32 v10, v9;
	v10 =	vmul.f32 v14, v18  }
0x91: {  	v14 =	vld.idx.msk [tilespmem:v21+s11+$0x0], $0xffff  }
0x92: {  	v13 =	vld.idx.msk [tilespmem:v13+s12+$0x0], $0xffff;
	v9 =	vadd.f32 v10, v9;
	v10 =	vmul.f32 v12, v15  }
0x93: {  	v12 =	vld.idx.msk [tilespmem:v22+s11+$0x0], $0xffff  }
0x94: {  	v9 =	vadd.f32 v10, v9;
	v10 =	vmul.f32 v11, v17;
	_ =	sdelay $0x1  }
0x95: {  	v9 =	vadd.f32 v10, v9;
	v10 =	vmul.f32 v14, v16;
	_ =	sdelay $0x1  }
0x96: {  	v9 =	vadd.f32 v10, v9;
	v10 =	vmul.f32 v12, v13;
	_ =	sdelay $0x1  }
0x97: {  	v9 =	vadd.f32 v10, v9;
	_ =	sdelay $0x1  }
0x98: {  	v9 =	vmul.f32 $1.250000000e-01, v9;
	_ =	sdelay $0x1  }
0x99: {  	(xrf0) =	vmax.scan.msk.f32 $0xffff, v9;
	_ =	sdelay $0x5  }
0x9a: {  	v10, _, _ =	vpop (xrf0)  }
0x9b: {  	v10 =	vbroadcast v10, $0xF;
	_ =	sdelay $0x1  }
0x9c: {  	v9 =	vsub.f32 v9, v10;
	_ =	sdelay $0x1  }
0x9d: {  	v9 =	vmul.f32 $1.442695020e+00, v9;
	_ =	sdelay $0x1  }
0x9e: {  	(erf) = vpow2.f32 v9;
	_ =	sdelay $0x8  }
0x9f: {  	v9 =	vpop (erf)  }
0xa0: {  	(xrf2) =	vadd.scan.msk.f32 $0xffff, v9;
	_ =	sdelay $0x9  }
0xa1: {  	v10, _, _ =	vpop (xrf2)  }
0xa2: {  	v10 =	vbroadcast v10, $0xF;
	_ =	sdelay $0x1  }
0xa3: {  	(erf) = vrcp.f32 v10;
	_ =	sdelay $0x5  }
0xa4: {  	s21 =	simm.s32 $0x80  }
0xa5: {  	v10 =	vmov s21  }
0xa6: {  	s22 =	simm.s32 $0x81;
	v10 =	vshrl.u32 v10, $0x3  }
0xa7: {  	v12 =	vmov s22;
	v10 =	vshll.u32 v10, v8;
	v11 =	vpop (erf)  }
0xa8: {  	s25 =	simm.s32 $0x82;
	s28 =	simm.s32 $0x83;
	v10 =	vbroadcast v10, $0x0;
	v11 =	vmul.f32 v11, v9;
	v9 =	vshrl.u32 v12, $0x3  }
0xa9: {  	v15 =	vmov s28;
	v12 =	vmov s25;
	v13 =	vshll.u32 v9, v8  }
0xaa: {  	v14 =	vor.u32 v0, v10;
	v12 =	vshrl.u32 v12, $0x3;
	v13 =	vbroadcast v13, $0x0  }
0xab: {  	s29 =	simm.s32 $0x84;
	v15 =	vshrl.u32 v15, $0x3;
	v12 =	vshll.u32 v12, v8  }
0xac: {  	v18 =	vbroadcast v12, $0x0;
	v12 =	vmov s29;
	v16 =	vor.u32 v1, v13  }
0xad: {  	s26 =	simm.s32 $0x86;
	[tilespmem:$0x8420] =	vst v11;
	v13 =	vor.u32 $0x1, v13;
	v11 =	vshrl.u32 v12, $0x3;
	v12 =	vshll.u32 v15, v8  }
0xae: {  	s30 =	simm.s32 $0x85;
	v17 =	vmov s26;
	v21 =	vor.u32 v2, v18;
	v20 =	vbroadcast v12, $0x0  }
0xaf: {  	v14 =	vld.idx.msk [tilespmem:v14+s12+$0x0], $0xffff;
	v15 =	vmov s30;
	v11 =	vshll.u32 v11, v8;
	v19 =	vor.u32 $0x2, v18  }
0xb0: {  	v12 =	vld.idx.msk [tilespmem:v10+s11+$0x0], $0xffff;
	v22 =	vbroadcast v11, $0x0;
	v11 =	vshrl.u32 v15, $0x3;
	v18 =	vor.u32 v3, v20  }
0xb1: {  	v23 =	vshrl.u32 v17, $0x3;
	v11 =	vshll.u32 v11, v8;
	v10 =	vld.idx.msk [tilespmem:v16+s12+$0x0], $0xffff;
	v16 =	vor.u32 $0x3, v20  }
0xb2: {  	s31 =	simm.s32 $0x87;
	v9 =	vimm.f32 $0.0e+00;
	v15 =	vor.u32 v4, v22;
	v13 =	vld.idx.msk [tilespmem:v13+s11+$0x0], $0xffff;
	v20 =	vbroadcast v11, $0x0  }
0xb3: {  	s21 =	simm.s32 $0x0;
	v17 =	vor.u32 $0x4, v22;
	v22 =	vmov s31;
	v11 =	vld.idx.msk [tilespmem:v21+s12+$0x0], $0xffff;
	v21 =	vshll.u32 v23, v8  }
.LBB2_7:
0xb4: {  	s23 =	sadd.s32 $0x8E, s21;
	v19 =	vld.idx.msk [tilespmem:v19+s11+$0x0], $0xffff;
	v23 =	vor.u32 v5, v20;
	v21 =	vbroadcast v21, $0x0;
	v22 =	vshrl.u32 v22, $0x3;
	s22 =	smov.u32 s21  }
0xb5: {  	v20 =	vor.u32 $0x5, v20;
	v24 =	vmov s23;
	v18 =	vld.idx.msk [tilespmem:v18+s12+$0x0], $0xffff;
	v22 =	vshll.u32 v22, v8  }
0xb6: {  	s24 =	sadd.s32 $0x8D, s21;
	s23 =	sadd.s32 $0x8C, s21;
	v12 =	vmul.f32 v12, v14;
	v14 =	vld.idx.msk [tilespmem:v16+s11+$0x0], $0xffff;
	v16 =	vor.u32 v6, v21;
	v22 =	vbroadcast v22, $0x0  }
0xb7: {  	v26 =	vmov s24;
	v25 =	vmov s23;
	v21 =	vor.u32 $0x6, v21;
	v15 =	vld.idx.msk [tilespmem:v15+s12+$0x0], $0xffff  }
0xb8: {  	s24 =	sadd.s32 $0x8B, s21;
	s23 =	sadd.s32 $0x8A, s21;
	v9 =	vadd.f32 v12, v9;
	v10 =	vmul.f32 v13, v10;
	v12 =	vld.idx.msk [tilespmem:v17+s11+$0x0], $0xffff;
	v13 =	vor.u32 v7, v22  }
0xb9: {  	s25 =	sadd.s32 $0x89, s21;
	v27 =	vmov s24;
	v17 =	vmov s23;
	v22 =	vor.u32 $0x7, v22;
	v23 =	vld.idx.msk [tilespmem:v23+s12+$0x0], $0xffff  }
0xba: {  	v28 =	vmov s25;
	s21 =	sadd.s32 $0x8, s21;
	s23 =	sadd.s32 $0x88, s22;
	v9 =	vadd.f32 v10, v9;
	v10 =	vmul.f32 v19, v11;
	v11 =	vld.idx.msk [tilespmem:v20+s11+$0x0], $0xffff  }
0xbb: {  	v25 =	vshrl.u32 v25, $0x3;
	p0 =	slt.u32 s21, $0x38;
	v19 =	vmov s23;
	v20 =	vshrl.u32 v28, $0x3;
	v16 =	vld.idx.msk [tilespmem:v16+s12+$0x0], $0xffff  }
0xbc: {  	v19 =	vshrl.u32 v19, $0x3;
	v9 =	vadd.f32 v10, v9;
	v10 =	vmul.f32 v14, v18;
	v14 =	vld.idx.msk [tilespmem:v21+s11+$0x0], $0xffff  }
0xbd: {  	v17 =	vshrl.u32 v17, $0x3;
	v18 =	vshll.u32 v19, v8;
	v19 =	vshll.u32 v20, v8;
	v13 =	vld.idx.msk [tilespmem:v13+s12+$0x0], $0xffff  }
0xbe: {  	v18 =	vbroadcast v18, $0x0;
	v9 =	vadd.f32 v10, v9;
	v10 =	vmul.f32 v12, v15;
	v15 =	vld.idx.msk [tilespmem:v22+s11+$0x0], $0xffff  }
0xbf: {  	v17 =	vshll.u32 v17, v8;
	v12 =	vbroadcast v19, $0x0;
	v19 =	vshrl.u32 v27, $0x3  }
0xc0: {  	v20 =	vor.u32 v0, v18;
	v9 =	vadd.f32 v10, v9;
	v10 =	vmul.f32 v11, v23  }
0xc1: {  	v17 =	vbroadcast v17, $0x0;
	v19 =	vshll.u32 v19, v8;
	v11 =	vor.u32 v1, v12  }
0xc2: {  	v21 =	vor.u32 $0x1, v12;
	v9 =	vadd.f32 v10, v9;
	v10 =	vmul.f32 v14, v16  }
0xc3: {  	v22 =	vor.u32 v2, v17;
	v23 =	vshll.u32 v25, v8;
	v16 =	vbroadcast v19, $0x0  }
.Ltmp2:
0xc4: {  	v19 =	vor.u32 $0x2, v17;
	v9 =	vadd.f32 v10, v9;
	v13 =	vmul.f32 v15, v13;
	v12 =	vld.idx.msk [tilespmem:v18+s11+$0x0], $0xffff;
	(pc) =	sbr.rel @p0 .LBB2_7-.Ltmp2, $4  }
0xc5: {  	v17 =	vbroadcast v23, $0x0;
	v15 =	vshrl.u32 v26, $0x3;
	v18 =	vor.u32 v3, v16;
	v14 =	vld.idx.msk [tilespmem:v20+s12+$0x0], $0xffff  }
0xc6: {  	v16 =	vor.u32 $0x3, v16;
	v9 =	vadd.f32 v13, v9;
	v10 =	vld.idx.msk [tilespmem:v11+s12+$0x0], $0xffff;
	v11 =	vshll.u32 v15, v8  }
0xc7: {  	s22 =	sadd.s32 $0x8F, s22;
	v15 =	vor.u32 v4, v17;
	v13 =	vld.idx.msk [tilespmem:v21+s11+$0x0], $0xffff;
	v20 =	vbroadcast v11, $0x0;
	v21 =	vshrl.u32 v24, $0x3  }
0xc8: {  	v17 =	vor.u32 $0x4, v17;
	v11 =	vld.idx.msk [tilespmem:v22+s12+$0x0], $0xffff;
	v21 =	vshll.u32 v21, v8;
	v22 =	vmov s22  }
0xc9: {  	_ =	sdelay $0x3  }
0xca: {  	v19 =	vld.idx.msk [tilespmem:v19+s11+$0x0], $0xffff;
	v23 =	vor.u32 v5, v20;
	v21 =	vbroadcast v21, $0x0;
	v22 =	vshrl.u32 v22, $0x3  }
0xcb: {  	v18 =	vld.idx.msk [tilespmem:v18+s12+$0x0], $0xffff;
	v20 =	vor.u32 $0x5, v20;
	v22 =	vshll.u32 v22, v8;
	v12 =	vmul.f32 v12, v14  }
0xcc: {  	v14 =	vld.idx.msk [tilespmem:v16+s11+$0x0], $0xffff;
	v16 =	vor.u32 v6, v21;
	v22 =	vbroadcast v22, $0x0  }
0xcd: {  	v15 =	vld.idx.msk [tilespmem:v15+s12+$0x0], $0xffff;
	v21 =	vor.u32 $0x6, v21;
	v9 =	vadd.f32 v12, v9;
	v10 =	vmul.f32 v13, v10  }
0xce: {  	v12 =	vld.idx.msk [tilespmem:v17+s11+$0x0], $0xffff;
	v13 =	vor.u32 v7, v22  }
0xcf: {  	v22 =	vor.u32 $0x7, v22;
	v17 =	vld.idx.msk [tilespmem:v23+s12+$0x0], $0xffff;
	v9 =	vadd.f32 v10, v9;
	v10 =	vmul.f32 v19, v11  }
0xd0: {  	v11 =	vld.idx.msk [tilespmem:v20+s11+$0x0], $0xffff  }
0xd1: {  	v16 =	vld.idx.msk [tilespmem:v16+s12+$0x0], $0xffff;
	v9 =	vadd.f32 v10, v9;
	v10 =	vmul.f32 v14, v18  }
0xd2: {  	v14 =	vld.idx.msk [tilespmem:v21+s11+$0x0], $0xffff  }
0xd3: {  	v13 =	vld.idx.msk [tilespmem:v13+s12+$0x0], $0xffff;
	v9 =	vadd.f32 v10, v9;
	v10 =	vmul.f32 v12, v15  }
0xd4: {  	v12 =	vld.idx.msk [tilespmem:v22+s11+$0x0], $0xffff  }
0xd5: {  	v9 =	vadd.f32 v10, v9;
	v10 =	vmul.f32 v11, v17;
	_ =	sdelay $0x1  }
0xd6: {  	v9 =	vadd.f32 v10, v9;
	v10 =	vmul.f32 v14, v16;
	_ =	sdelay $0x1  }
0xd7: {  	v9 =	vadd.f32 v10, v9;
	v10 =	vmul.f32 v12, v13;
	_ =	sdelay $0x1  }
0xd8: {  	v9 =	vadd.f32 v10, v9;
	_ =	sdelay $0x1  }
0xd9: {  	v9 =	vmul.f32 $1.250000000e-01, v9;
	_ =	sdelay $0x1  }
0xda: {  	(xrf0) =	vmax.scan.msk.f32 $0xffff, v9;
	_ =	sdelay $0x5  }
0xdb: {  	v10, _, _ =	vpop (xrf0)  }
0xdc: {  	v10 =	vbroadcast v10, $0xF;
	_ =	sdelay $0x1  }
0xdd: {  	v9 =	vsub.f32 v9, v10;
	_ =	sdelay $0x1  }
0xde: {  	v9 =	vmul.f32 $1.442695020e+00, v9;
	_ =	sdelay $0x1  }
0xdf: {  	(erf) = vpow2.f32 v9;
	_ =	sdelay $0x8  }
0xe0: {  	v9 =	vpop (erf)  }
0xe1: {  	(xrf2) =	vadd.scan.msk.f32 $0xffff, v9;
	_ =	sdelay $0x9  }
0xe2: {  	v10, _, _ =	vpop (xrf2)  }
0xe3: {  	v10 =	vbroadcast v10, $0xF;
	_ =	sdelay $0x1  }
0xe4: {  	(erf) = vrcp.f32 v10;
	_ =	sdelay $0x5  }
0xe5: {  	s21 =	simm.s32 $0xC0  }
0xe6: {  	v10 =	vmov s21  }
0xe7: {  	s22 =	simm.s32 $0xC1;
	v10 =	vshrl.u32 v10, $0x3  }
0xe8: {  	v12 =	vmov s22;
	v10 =	vshll.u32 v10, v8;
	v11 =	vpop (erf)  }
0xe9: {  	s25 =	simm.s32 $0xC2;
	s28 =	simm.s32 $0xC3;
	v10 =	vbroadcast v10, $0x0;
	v11 =	vmul.f32 v11, v9;
	v9 =	vshrl.u32 v12, $0x3  }
0xea: {  	v15 =	vmov s28;
	v12 =	vmov s25;
	v13 =	vshll.u32 v9, v8  }
0xeb: {  	v14 =	vor.u32 v0, v10;
	v12 =	vshrl.u32 v12, $0x3;
	v13 =	vbroadcast v13, $0x0  }
0xec: {  	s29 =	simm.s32 $0xC4;
	v15 =	vshrl.u32 v15, $0x3;
	v12 =	vshll.u32 v12, v8  }
0xed: {  	v18 =	vbroadcast v12, $0x0;
	v12 =	vmov s29;
	v16 =	vor.u32 v1, v13  }
0xee: {  	s26 =	simm.s32 $0xC6;
	[tilespmem:$0x8430] =	vst v11;
	v13 =	vor.u32 $0x1, v13;
	v11 =	vshrl.u32 v12, $0x3;
	v12 =	vshll.u32 v15, v8  }
0xef: {  	s30 =	simm.s32 $0xC5;
	v17 =	vmov s26;
	v21 =	vor.u32 v2, v18;
	v20 =	vbroadcast v12, $0x0  }
0xf0: {  	v14 =	vld.idx.msk [tilespmem:v14+s12+$0x0], $0xffff;
	v15 =	vmov s30;
	v11 =	vshll.u32 v11, v8;
	v19 =	vor.u32 $0x2, v18  }
0xf1: {  	v12 =	vld.idx.msk [tilespmem:v10+s11+$0x0], $0xffff;
	v22 =	vbroadcast v11, $0x0;
	v11 =	vshrl.u32 v15, $0x3;
	v18 =	vor.u32 v3, v20  }
0xf2: {  	v23 =	vshrl.u32 v17, $0x3;
	v11 =	vshll.u32 v11, v8;
	v10 =	vld.idx.msk [tilespmem:v16+s12+$0x0], $0xffff;
	v16 =	vor.u32 $0x3, v20  }
0xf3: {  	s31 =	simm.s32 $0xC7;
	v9 =	vimm.f32 $0.0e+00;
	v15 =	vor.u32 v4, v22;
	v13 =	vld.idx.msk [tilespmem:v13+s11+$0x0], $0xffff;
	v20 =	vbroadcast v11, $0x0  }
0xf4: {  	s21 =	simm.s32 $0x0;
	v17 =	vor.u32 $0x4, v22;
	v22 =	vmov s31;
	v11 =	vld.idx.msk [tilespmem:v21+s12+$0x0], $0xffff;
	v21 =	vshll.u32 v23, v8  }
.LBB2_9:
0xf5: {  	s23 =	sadd.s32 $0xCE, s21;
	v19 =	vld.idx.msk [tilespmem:v19+s11+$0x0], $0xffff;
	v23 =	vor.u32 v5, v20;
	v21 =	vbroadcast v21, $0x0;
	v22 =	vshrl.u32 v22, $0x3;
	s22 =	smov.u32 s21  }
0xf6: {  	v20 =	vor.u32 $0x5, v20;
	v24 =	vmov s23;
	v18 =	vld.idx.msk [tilespmem:v18+s12+$0x0], $0xffff;
	v22 =	vshll.u32 v22, v8  }
0xf7: {  	s24 =	sadd.s32 $0xCD, s21;
	s23 =	sadd.s32 $0xCC, s21;
	v12 =	vmul.f32 v12, v14;
	v14 =	vld.idx.msk [tilespmem:v16+s11+$0x0], $0xffff;
	v16 =	vor.u32 v6, v21;
	v22 =	vbroadcast v22, $0x0  }
0xf8: {  	v26 =	vmov s24;
	v25 =	vmov s23;
	v21 =	vor.u32 $0x6, v21;
	v15 =	vld.idx.msk [tilespmem:v15+s12+$0x0], $0xffff  }
0xf9: {  	s24 =	sadd.s32 $0xCB, s21;
	s23 =	sadd.s32 $0xCA, s21;
	v9 =	vadd.f32 v12, v9;
	v10 =	vmul.f32 v13, v10;
	v12 =	vld.idx.msk [tilespmem:v17+s11+$0x0], $0xffff;
	v13 =	vor.u32 v7, v22  }
0xfa: {  	s25 =	sadd.s32 $0xC9, s21;
	v27 =	vmov s24;
	v17 =	vmov s23;
	v22 =	vor.u32 $0x7, v22;
	v23 =	vld.idx.msk [tilespmem:v23+s12+$0x0], $0xffff  }
0xfb: {  	v28 =	vmov s25;
	s21 =	sadd.s32 $0x8, s21;
	s23 =	sadd.s32 $0xC8, s22;
	v9 =	vadd.f32 v10, v9;
	v10 =	vmul.f32 v19, v11;
	v11 =	vld.idx.msk [tilespmem:v20+s11+$0x0], $0xffff  }
0xfc: {  	v25 =	vshrl.u32 v25, $0x3;
	p0 =	slt.u32 s21, $0x38;
	v19 =	vmov s23;
	v20 =	vshrl.u32 v28, $0x3;
	v16 =	vld.idx.msk [tilespmem:v16+s12+$0x0], $0xffff  }
0xfd: {  	v19 =	vshrl.u32 v19, $0x3;
	v9 =	vadd.f32 v10, v9;
	v10 =	vmul.f32 v14, v18;
	v14 =	vld.idx.msk [tilespmem:v21+s11+$0x0], $0xffff  }
0xfe: {  	v17 =	vshrl.u32 v17, $0x3;
	v18 =	vshll.u32 v19, v8;
	v19 =	vshll.u32 v20, v8;
	v13 =	vld.idx.msk [tilespmem:v13+s12+$0x0], $0xffff  }
0xff: {  	v18 =	vbroadcast v18, $0x0;
	v9 =	vadd.f32 v10, v9;
	v10 =	vmul.f32 v12, v15;
	v15 =	vld.idx.msk [tilespmem:v22+s11+$0x0], $0xffff  }
0x100: {  	v17 =	vshll.u32 v17, v8;
	v12 =	vbroadcast v19, $0x0;
	v19 =	vshrl.u32 v27, $0x3  }
0x101: {  	v20 =	vor.u32 v0, v18;
	v9 =	vadd.f32 v10, v9;
	v10 =	vmul.f32 v11, v23  }
0x102: {  	v17 =	vbroadcast v17, $0x0;
	v19 =	vshll.u32 v19, v8;
	v11 =	vor.u32 v1, v12  }
0x103: {  	v21 =	vor.u32 $0x1, v12;
	v9 =	vadd.f32 v10, v9;
	v10 =	vmul.f32 v14, v16  }
0x104: {  	v22 =	vor.u32 v2, v17;
	v23 =	vshll.u32 v25, v8;
	v16 =	vbroadcast v19, $0x0  }
.Ltmp3:
0x105: {  	v19 =	vor.u32 $0x2, v17;
	v9 =	vadd.f32 v10, v9;
	v13 =	vmul.f32 v15, v13;
	v12 =	vld.idx.msk [tilespmem:v18+s11+$0x0], $0xffff;
	(pc) =	sbr.rel @p0 .LBB2_9-.Ltmp3, $4  }
0x106: {  	v17 =	vbroadcast v23, $0x0;
	v15 =	vshrl.u32 v26, $0x3;
	v18 =	vor.u32 v3, v16;
	v14 =	vld.idx.msk [tilespmem:v20+s12+$0x0], $0xffff  }
0x107: {  	v16 =	vor.u32 $0x3, v16;
	v9 =	vadd.f32 v13, v9;
	v10 =	vld.idx.msk [tilespmem:v11+s12+$0x0], $0xffff;
	v11 =	vshll.u32 v15, v8  }
0x108: {  	s22 =	sadd.s32 $0xCF, s22;
	v15 =	vor.u32 v4, v17;
	v13 =	vld.idx.msk [tilespmem:v21+s11+$0x0], $0xffff;
	v20 =	vbroadcast v11, $0x0;
	v21 =	vshrl.u32 v24, $0x3  }
0x109: {  	v17 =	vor.u32 $0x4, v17;
	v11 =	vld.idx.msk [tilespmem:v22+s12+$0x0], $0xffff;
	v21 =	vshll.u32 v21, v8;
	v22 =	vmov s22  }
0x10a: {  	_ =	sdelay $0x3  }
0x10b: {  	v19 =	vld.idx.msk [tilespmem:v19+s11+$0x0], $0xffff;
	v23 =	vor.u32 v5, v20;
	v21 =	vbroadcast v21, $0x0;
	v22 =	vshrl.u32 v22, $0x3  }
0x10c: {  	v18 =	vld.idx.msk [tilespmem:v18+s12+$0x0], $0xffff;
	v20 =	vor.u32 $0x5, v20;
	v22 =	vshll.u32 v22, v8;
	v12 =	vmul.f32 v12, v14  }
0x10d: {  	v14 =	vld.idx.msk [tilespmem:v16+s11+$0x0], $0xffff;
	v16 =	vor.u32 v6, v21;
	v22 =	vbroadcast v22, $0x0  }
0x10e: {  	v15 =	vld.idx.msk [tilespmem:v15+s12+$0x0], $0xffff;
	v21 =	vor.u32 $0x6, v21;
	v9 =	vadd.f32 v12, v9;
	v10 =	vmul.f32 v13, v10  }
0x10f: {  	v12 =	vld.idx.msk [tilespmem:v17+s11+$0x0], $0xffff;
	v13 =	vor.u32 v7, v22  }
0x110: {  	v22 =	vor.u32 $0x7, v22;
	v17 =	vld.idx.msk [tilespmem:v23+s12+$0x0], $0xffff;
	v9 =	vadd.f32 v10, v9;
	v10 =	vmul.f32 v19, v11  }
0x111: {  	v11 =	vld.idx.msk [tilespmem:v20+s11+$0x0], $0xffff  }
0x112: {  	v16 =	vld.idx.msk [tilespmem:v16+s12+$0x0], $0xffff;
	v9 =	vadd.f32 v10, v9;
	v10 =	vmul.f32 v14, v18  }
0x113: {  	v14 =	vld.idx.msk [tilespmem:v21+s11+$0x0], $0xffff  }
0x114: {  	v13 =	vld.idx.msk [tilespmem:v13+s12+$0x0], $0xffff;
	v9 =	vadd.f32 v10, v9;
	v10 =	vmul.f32 v12, v15  }
0x115: {  	v12 =	vld.idx.msk [tilespmem:v22+s11+$0x0], $0xffff  }
0x116: {  	v9 =	vadd.f32 v10, v9;
	v10 =	vmul.f32 v11, v17;
	_ =	sdelay $0x1  }
0x117: {  	v9 =	vadd.f32 v10, v9;
	v10 =	vmul.f32 v14, v16;
	_ =	sdelay $0x1  }
0x118: {  	v9 =	vadd.f32 v10, v9;
	v10 =	vmul.f32 v12, v13;
	_ =	sdelay $0x1  }
0x119: {  	v9 =	vadd.f32 v10, v9;
	_ =	sdelay $0x1  }
0x11a: {  	v9 =	vmul.f32 $1.250000000e-01, v9;
	_ =	sdelay $0x1  }
0x11b: {  	(xrf0) =	vmax.scan.msk.f32 $0xffff, v9;
	_ =	sdelay $0x5  }
0x11c: {  	v10, _, _ =	vpop (xrf0)  }
0x11d: {  	v10 =	vbroadcast v10, $0xF;
	_ =	sdelay $0x1  }
0x11e: {  	v9 =	vsub.f32 v9, v10;
	_ =	sdelay $0x1  }
0x11f: {  	v9 =	vmul.f32 $1.442695020e+00, v9;
	_ =	sdelay $0x1  }
0x120: {  	(erf) = vpow2.f32 v9;
	_ =	sdelay $0x8  }
0x121: {  	v9 =	vpop (erf)  }
0x122: {  	(xrf2) =	vadd.scan.msk.f32 $0xffff, v9;
	_ =	sdelay $0x9  }
0x123: {  	v10, _, _ =	vpop (xrf2)  }
0x124: {  	v10 =	vbroadcast v10, $0xF;
	_ =	sdelay $0x1  }
0x125: {  	(erf) = vrcp.f32 v10;
	_ =	sdelay $0x5  }
0x126: {  	s21 =	simm.s32 $0x100  }
0x127: {  	v10 =	vmov s21  }
0x128: {  	s22 =	simm.s32 $0x101;
	v10 =	vshrl.u32 v10, $0x3  }
0x129: {  	v12 =	vmov s22;
	v10 =	vshll.u32 v10, v8;
	v11 =	vpop (erf)  }
0x12a: {  	s25 =	simm.s32 $0x102;
	s28 =	simm.s32 $0x103;
	v10 =	vbroadcast v10, $0x0;
	v11 =	vmul.f32 v11, v9;
	v9 =	vshrl.u32 v12, $0x3  }
0x12b: {  	v15 =	vmov s28;
	v12 =	vmov s25;
	v13 =	vshll.u32 v9, v8  }
0x12c: {  	v14 =	vor.u32 v0, v10;
	v12 =	vshrl.u32 v12, $0x3;
	v13 =	vbroadcast v13, $0x0  }
0x12d: {  	s29 =	simm.s32 $0x104;
	v15 =	vshrl.u32 v15, $0x3;
	v12 =	vshll.u32 v12, v8  }
0x12e: {  	v18 =	vbroadcast v12, $0x0;
	v12 =	vmov s29;
	v16 =	vor.u32 v1, v13  }
0x12f: {  	s26 =	simm.s32 $0x106;
	[tilespmem:$0x8440] =	vst v11;
	v13 =	vor.u32 $0x1, v13;
	v11 =	vshrl.u32 v12, $0x3;
	v12 =	vshll.u32 v15, v8  }
0x130: {  	s30 =	simm.s32 $0x105;
	v17 =	vmov s26;
	v21 =	vor.u32 v2, v18;
	v20 =	vbroadcast v12, $0x0  }
0x131: {  	v14 =	vld.idx.msk [tilespmem:v14+s12+$0x0], $0xffff;
	v15 =	vmov s30;
	v11 =	vshll.u32 v11, v8;
	v19 =	vor.u32 $0x2, v18  }
0x132: {  	v12 =	vld.idx.msk [tilespmem:v10+s11+$0x0], $0xffff;
	v22 =	vbroadcast v11, $0x0;
	v11 =	vshrl.u32 v15, $0x3;
	v18 =	vor.u32 v3, v20  }
0x133: {  	v23 =	vshrl.u32 v17, $0x3;
	v11 =	vshll.u32 v11, v8;
	v10 =	vld.idx.msk [tilespmem:v16+s12+$0x0], $0xffff;
	v16 =	vor.u32 $0x3, v20  }
0x134: {  	s31 =	simm.s32 $0x107;
	v9 =	vimm.f32 $0.0e+00;
	v15 =	vor.u32 v4, v22;
	v13 =	vld.idx.msk [tilespmem:v13+s11+$0x0], $0xffff;
	v20 =	vbroadcast v11, $0x0  }
0x135: {  	s21 =	simm.s32 $0x0;
	v17 =	vor.u32 $0x4, v22;
	v22 =	vmov s31;
	v11 =	vld.idx.msk [tilespmem:v21+s12+$0x0], $0xffff;
	v21 =	vshll.u32 v23, v8  }
.LBB2_11:
0x136: {  	s23 =	sadd.s32 $0x10E, s21;
	v19 =	vld.idx.msk [tilespmem:v19+s11+$0x0], $0xffff;
	v23 =	vor.u32 v5, v20;
	v21 =	vbroadcast v21, $0x0;
	v22 =	vshrl.u32 v22, $0x3;
	s22 =	smov.u32 s21  }
0x137: {  	v20 =	vor.u32 $0x5, v20;
	v24 =	vmov s23;
	v18 =	vld.idx.msk [tilespmem:v18+s12+$0x0], $0xffff;
	v22 =	vshll.u32 v22, v8  }
0x138: {  	s24 =	sadd.s32 $0x10D, s21;
	s23 =	sadd.s32 $0x10C, s21;
	v12 =	vmul.f32 v12, v14;
	v14 =	vld.idx.msk [tilespmem:v16+s11+$0x0], $0xffff;
	v16 =	vor.u32 v6, v21;
	v22 =	vbroadcast v22, $0x0  }
0x139: {  	v26 =	vmov s24;
	v25 =	vmov s23;
	v21 =	vor.u32 $0x6, v21;
	v15 =	vld.idx.msk [tilespmem:v15+s12+$0x0], $0xffff  }
0x13a: {  	s24 =	sadd.s32 $0x10B, s21;
	s23 =	sadd.s32 $0x10A, s21;
	v9 =	vadd.f32 v12, v9;
	v10 =	vmul.f32 v13, v10;
	v12 =	vld.idx.msk [tilespmem:v17+s11+$0x0], $0xffff;
	v13 =	vor.u32 v7, v22  }
0x13b: {  	s25 =	sadd.s32 $0x109, s21;
	v27 =	vmov s24;
	v17 =	vmov s23;
	v22 =	vor.u32 $0x7, v22;
	v23 =	vld.idx.msk [tilespmem:v23+s12+$0x0], $0xffff  }
0x13c: {  	v28 =	vmov s25;
	s21 =	sadd.s32 $0x8, s21;
	s23 =	sadd.s32 $0x108, s22;
	v9 =	vadd.f32 v10, v9;
	v10 =	vmul.f32 v19, v11;
	v11 =	vld.idx.msk [tilespmem:v20+s11+$0x0], $0xffff  }
0x13d: {  	v25 =	vshrl.u32 v25, $0x3;
	p0 =	slt.u32 s21, $0x38;
	v19 =	vmov s23;
	v20 =	vshrl.u32 v28, $0x3;
	v16 =	vld.idx.msk [tilespmem:v16+s12+$0x0], $0xffff  }
0x13e: {  	v19 =	vshrl.u32 v19, $0x3;
	v9 =	vadd.f32 v10, v9;
	v10 =	vmul.f32 v14, v18;
	v14 =	vld.idx.msk [tilespmem:v21+s11+$0x0], $0xffff  }
0x13f: {  	v17 =	vshrl.u32 v17, $0x3;
	v18 =	vshll.u32 v19, v8;
	v19 =	vshll.u32 v20, v8;
	v13 =	vld.idx.msk [tilespmem:v13+s12+$0x0], $0xffff  }
0x140: {  	v18 =	vbroadcast v18, $0x0;
	v9 =	vadd.f32 v10, v9;
	v10 =	vmul.f32 v12, v15;
	v15 =	vld.idx.msk [tilespmem:v22+s11+$0x0], $0xffff  }
0x141: {  	v17 =	vshll.u32 v17, v8;
	v12 =	vbroadcast v19, $0x0;
	v19 =	vshrl.u32 v27, $0x3  }
0x142: {  	v20 =	vor.u32 v0, v18;
	v9 =	vadd.f32 v10, v9;
	v10 =	vmul.f32 v11, v23  }
0x143: {  	v17 =	vbroadcast v17, $0x0;
	v19 =	vshll.u32 v19, v8;
	v11 =	vor.u32 v1, v12  }
0x144: {  	v21 =	vor.u32 $0x1, v12;
	v9 =	vadd.f32 v10, v9;
	v10 =	vmul.f32 v14, v16  }
0x145: {  	v22 =	vor.u32 v2, v17;
	v23 =	vshll.u32 v25, v8;
	v16 =	vbroadcast v19, $0x0  }
.Ltmp4:
0x146: {  	v19 =	vor.u32 $0x2, v17;
	v9 =	vadd.f32 v10, v9;
	v13 =	vmul.f32 v15, v13;
	v12 =	vld.idx.msk [tilespmem:v18+s11+$0x0], $0xffff;
	(pc) =	sbr.rel @p0 .LBB2_11-.Ltmp4, $4  }
0x147: {  	v17 =	vbroadcast v23, $0x0;
	v15 =	vshrl.u32 v26, $0x3;
	v18 =	vor.u32 v3, v16;
	v14 =	vld.idx.msk [tilespmem:v20+s12+$0x0], $0xffff  }
0x148: {  	v16 =	vor.u32 $0x3, v16;
	v9 =	vadd.f32 v13, v9;
	v10 =	vld.idx.msk [tilespmem:v11+s12+$0x0], $0xffff;
	v11 =	vshll.u32 v15, v8  }
0x149: {  	s22 =	sadd.s32 $0x10F, s22;
	v15 =	vor.u32 v4, v17;
	v13 =	vld.idx.msk [tilespmem:v21+s11+$0x0], $0xffff;
	v20 =	vbroadcast v11, $0x0;
	v21 =	vshrl.u32 v24, $0x3  }
0x14a: {  	v17 =	vor.u32 $0x4, v17;
	v11 =	vld.idx.msk [tilespmem:v22+s12+$0x0], $0xffff;
	v21 =	vshll.u32 v21, v8;
	v22 =	vmov s22  }
0x14b: {  	_ =	sdelay $0x3  }
0x14c: {  	v19 =	vld.idx.msk [tilespmem:v19+s11+$0x0], $0xffff;
	v23 =	vor.u32 v5, v20;
	v21 =	vbroadcast v21, $0x0;
	v22 =	vshrl.u32 v22, $0x3  }
0x14d: {  	v18 =	vld.idx.msk [tilespmem:v18+s12+$0x0], $0xffff;
	v20 =	vor.u32 $0x5, v20;
	v22 =	vshll.u32 v22, v8;
	v12 =	vmul.f32 v12, v14  }
0x14e: {  	v14 =	vld.idx.msk [tilespmem:v16+s11+$0x0], $0xffff;
	v16 =	vor.u32 v6, v21;
	v22 =	vbroadcast v22, $0x0  }
0x14f: {  	v15 =	vld.idx.msk [tilespmem:v15+s12+$0x0], $0xffff;
	v21 =	vor.u32 $0x6, v21;
	v9 =	vadd.f32 v12, v9;
	v10 =	vmul.f32 v13, v10  }
0x150: {  	v12 =	vld.idx.msk [tilespmem:v17+s11+$0x0], $0xffff;
	v13 =	vor.u32 v7, v22  }
0x151: {  	v22 =	vor.u32 $0x7, v22;
	v17 =	vld.idx.msk [tilespmem:v23+s12+$0x0], $0xffff;
	v9 =	vadd.f32 v10, v9;
	v10 =	vmul.f32 v19, v11  }
0x152: {  	v11 =	vld.idx.msk [tilespmem:v20+s11+$0x0], $0xffff  }
0x153: {  	v16 =	vld.idx.msk [tilespmem:v16+s12+$0x0], $0xffff;
	v9 =	vadd.f32 v10, v9;
	v10 =	vmul.f32 v14, v18  }
0x154: {  	v14 =	vld.idx.msk [tilespmem:v21+s11+$0x0], $0xffff  }
0x155: {  	v13 =	vld.idx.msk [tilespmem:v13+s12+$0x0], $0xffff;
	v9 =	vadd.f32 v10, v9;
	v10 =	vmul.f32 v12, v15  }
0x156: {  	v12 =	vld.idx.msk [tilespmem:v22+s11+$0x0], $0xffff  }
0x157: {  	v9 =	vadd.f32 v10, v9;
	v10 =	vmul.f32 v11, v17;
	_ =	sdelay $0x1  }
0x158: {  	v9 =	vadd.f32 v10, v9;
	v10 =	vmul.f32 v14, v16;
	_ =	sdelay $0x1  }
0x159: {  	v9 =	vadd.f32 v10, v9;
	v10 =	vmul.f32 v12, v13;
	_ =	sdelay $0x1  }
0x15a: {  	v9 =	vadd.f32 v10, v9;
	_ =	sdelay $0x1  }
0x15b: {  	v9 =	vmul.f32 $1.250000000e-01, v9;
	_ =	sdelay $0x1  }
0x15c: {  	(xrf0) =	vmax.scan.msk.f32 $0xffff, v9;
	_ =	sdelay $0x5  }
0x15d: {  	v10, _, _ =	vpop (xrf0)  }
0x15e: {  	v10 =	vbroadcast v10, $0xF;
	_ =	sdelay $0x1  }
0x15f: {  	v9 =	vsub.f32 v9, v10;
	_ =	sdelay $0x1  }
0x160: {  	v9 =	vmul.f32 $1.442695020e+00, v9;
	_ =	sdelay $0x1  }
0x161: {  	(erf) = vpow2.f32 v9;
	_ =	sdelay $0x8  }
0x162: {  	v9 =	vpop (erf)  }
0x163: {  	(xrf2) =	vadd.scan.msk.f32 $0xffff, v9;
	_ =	sdelay $0x9  }
0x164: {  	v10, _, _ =	vpop (xrf2)  }
0x165: {  	v10 =	vbroadcast v10, $0xF;
	_ =	sdelay $0x1  }
0x166: {  	(erf) = vrcp.f32 v10;
	_ =	sdelay $0x5  }
0x167: {  	s21 =	simm.s32 $0x140  }
0x168: {  	v10 =	vmov s21  }
0x169: {  	s22 =	simm.s32 $0x141;
	v10 =	vshrl.u32 v10, $0x3  }
0x16a: {  	v12 =	vmov s22;
	v10 =	vshll.u32 v10, v8;
	v11 =	vpop (erf)  }
0x16b: {  	s25 =	simm.s32 $0x142;
	s28 =	simm.s32 $0x143;
	v10 =	vbroadcast v10, $0x0;
	v11 =	vmul.f32 v11, v9;
	v9 =	vshrl.u32 v12, $0x3  }
0x16c: {  	v15 =	vmov s28;
	v12 =	vmov s25;
	v13 =	vshll.u32 v9, v8  }
0x16d: {  	v14 =	vor.u32 v0, v10;
	v12 =	vshrl.u32 v12, $0x3;
	v13 =	vbroadcast v13, $0x0  }
0x16e: {  	s29 =	simm.s32 $0x144;
	v15 =	vshrl.u32 v15, $0x3;
	v12 =	vshll.u32 v12, v8  }
0x16f: {  	v18 =	vbroadcast v12, $0x0;
	v12 =	vmov s29;
	v16 =	vor.u32 v1, v13  }
0x170: {  	s26 =	simm.s32 $0x146;
	[tilespmem:$0x8450] =	vst v11;
	v13 =	vor.u32 $0x1, v13;
	v11 =	vshrl.u32 v12, $0x3;
	v12 =	vshll.u32 v15, v8  }
0x171: {  	s30 =	simm.s32 $0x145;
	v17 =	vmov s26;
	v21 =	vor.u32 v2, v18;
	v20 =	vbroadcast v12, $0x0  }
0x172: {  	v14 =	vld.idx.msk [tilespmem:v14+s12+$0x0], $0xffff;
	v15 =	vmov s30;
	v11 =	vshll.u32 v11, v8;
	v19 =	vor.u32 $0x2, v18  }
0x173: {  	v12 =	vld.idx.msk [tilespmem:v10+s11+$0x0], $0xffff;
	v22 =	vbroadcast v11, $0x0;
	v11 =	vshrl.u32 v15, $0x3;
	v18 =	vor.u32 v3, v20  }
0x174: {  	v23 =	vshrl.u32 v17, $0x3;
	v11 =	vshll.u32 v11, v8;
	v10 =	vld.idx.msk [tilespmem:v16+s12+$0x0], $0xffff;
	v16 =	vor.u32 $0x3, v20  }
0x175: {  	s31 =	simm.s32 $0x147;
	v9 =	vimm.f32 $0.0e+00;
	v15 =	vor.u32 v4, v22;
	v13 =	vld.idx.msk [tilespmem:v13+s11+$0x0], $0xffff;
	v20 =	vbroadcast v11, $0x0  }
0x176: {  	s21 =	simm.s32 $0x0;
	v17 =	vor.u32 $0x4, v22;
	v22 =	vmov s31;
	v11 =	vld.idx.msk [tilespmem:v21+s12+$0x0], $0xffff;
	v21 =	vshll.u32 v23, v8  }
.LBB2_13:
0x177: {  	s23 =	sadd.s32 $0x14E, s21;
	v19 =	vld.idx.msk [tilespmem:v19+s11+$0x0], $0xffff;
	v23 =	vor.u32 v5, v20;
	v21 =	vbroadcast v21, $0x0;
	v22 =	vshrl.u32 v22, $0x3;
	s22 =	smov.u32 s21  }
0x178: {  	v20 =	vor.u32 $0x5, v20;
	v24 =	vmov s23;
	v18 =	vld.idx.msk [tilespmem:v18+s12+$0x0], $0xffff;
	v22 =	vshll.u32 v22, v8  }
0x179: {  	s24 =	sadd.s32 $0x14D, s21;
	s23 =	sadd.s32 $0x14C, s21;
	v12 =	vmul.f32 v12, v14;
	v14 =	vld.idx.msk [tilespmem:v16+s11+$0x0], $0xffff;
	v16 =	vor.u32 v6, v21;
	v22 =	vbroadcast v22, $0x0  }
0x17a: {  	v26 =	vmov s24;
	v25 =	vmov s23;
	v21 =	vor.u32 $0x6, v21;
	v15 =	vld.idx.msk [tilespmem:v15+s12+$0x0], $0xffff  }
0x17b: {  	s24 =	sadd.s32 $0x14B, s21;
	s23 =	sadd.s32 $0x14A, s21;
	v9 =	vadd.f32 v12, v9;
	v10 =	vmul.f32 v13, v10;
	v12 =	vld.idx.msk [tilespmem:v17+s11+$0x0], $0xffff;
	v13 =	vor.u32 v7, v22  }
0x17c: {  	s25 =	sadd.s32 $0x149, s21;
	v27 =	vmov s24;
	v17 =	vmov s23;
	v22 =	vor.u32 $0x7, v22;
	v23 =	vld.idx.msk [tilespmem:v23+s12+$0x0], $0xffff  }
0x17d: {  	v28 =	vmov s25;
	s21 =	sadd.s32 $0x8, s21;
	s23 =	sadd.s32 $0x148, s22;
	v9 =	vadd.f32 v10, v9;
	v10 =	vmul.f32 v19, v11;
	v11 =	vld.idx.msk [tilespmem:v20+s11+$0x0], $0xffff  }
0x17e: {  	v25 =	vshrl.u32 v25, $0x3;
	p0 =	slt.u32 s21, $0x38;
	v19 =	vmov s23;
	v20 =	vshrl.u32 v28, $0x3;
	v16 =	vld.idx.msk [tilespmem:v16+s12+$0x0], $0xffff  }
0x17f: {  	v19 =	vshrl.u32 v19, $0x3;
	v9 =	vadd.f32 v10, v9;
	v10 =	vmul.f32 v14, v18;
	v14 =	vld.idx.msk [tilespmem:v21+s11+$0x0], $0xffff  }
0x180: {  	v17 =	vshrl.u32 v17, $0x3;
	v18 =	vshll.u32 v19, v8;
	v19 =	vshll.u32 v20, v8;
	v13 =	vld.idx.msk [tilespmem:v13+s12+$0x0], $0xffff  }
0x181: {  	v18 =	vbroadcast v18, $0x0;
	v9 =	vadd.f32 v10, v9;
	v10 =	vmul.f32 v12, v15;
	v15 =	vld.idx.msk [tilespmem:v22+s11+$0x0], $0xffff  }
0x182: {  	v17 =	vshll.u32 v17, v8;
	v12 =	vbroadcast v19, $0x0;
	v19 =	vshrl.u32 v27, $0x3  }
0x183: {  	v20 =	vor.u32 v0, v18;
	v9 =	vadd.f32 v10, v9;
	v10 =	vmul.f32 v11, v23  }
0x184: {  	v17 =	vbroadcast v17, $0x0;
	v19 =	vshll.u32 v19, v8;
	v11 =	vor.u32 v1, v12  }
0x185: {  	v21 =	vor.u32 $0x1, v12;
	v9 =	vadd.f32 v10, v9;
	v10 =	vmul.f32 v14, v16  }
0x186: {  	v22 =	vor.u32 v2, v17;
	v23 =	vshll.u32 v25, v8;
	v16 =	vbroadcast v19, $0x0  }
.Ltmp5:
0x187: {  	v19 =	vor.u32 $0x2, v17;
	v9 =	vadd.f32 v10, v9;
	v13 =	vmul.f32 v15, v13;
	v12 =	vld.idx.msk [tilespmem:v18+s11+$0x0], $0xffff;
	(pc) =	sbr.rel @p0 .LBB2_13-.Ltmp5, $4  }
0x188: {  	v17 =	vbroadcast v23, $0x0;
	v15 =	vshrl.u32 v26, $0x3;
	v18 =	vor.u32 v3, v16;
	v14 =	vld.idx.msk [tilespmem:v20+s12+$0x0], $0xffff  }
0x189: {  	v16 =	vor.u32 $0x3, v16;
	v9 =	vadd.f32 v13, v9;
	v10 =	vld.idx.msk [tilespmem:v11+s12+$0x0], $0xffff;
	v11 =	vshll.u32 v15, v8  }
0x18a: {  	s22 =	sadd.s32 $0x14F, s22;
	v15 =	vor.u32 v4, v17;
	v13 =	vld.idx.msk [tilespmem:v21+s11+$0x0], $0xffff;
	v20 =	vbroadcast v11, $0x0;
	v21 =	vshrl.u32 v24, $0x3  }
0x18b: {  	v17 =	vor.u32 $0x4, v17;
	v11 =	vld.idx.msk [tilespmem:v22+s12+$0x0], $0xffff;
	v21 =	vshll.u32 v21, v8;
	v22 =	vmov s22  }
0x18c: {  	_ =	sdelay $0x3  }
0x18d: {  	v19 =	vld.idx.msk [tilespmem:v19+s11+$0x0], $0xffff;
	v23 =	vor.u32 v5, v20;
	v21 =	vbroadcast v21, $0x0;
	v22 =	vshrl.u32 v22, $0x3  }
0x18e: {  	v18 =	vld.idx.msk [tilespmem:v18+s12+$0x0], $0xffff;
	v20 =	vor.u32 $0x5, v20;
	v22 =	vshll.u32 v22, v8;
	v12 =	vmul.f32 v12, v14  }
0x18f: {  	v14 =	vld.idx.msk [tilespmem:v16+s11+$0x0], $0xffff;
	v16 =	vor.u32 v6, v21;
	v22 =	vbroadcast v22, $0x0  }
0x190: {  	v15 =	vld.idx.msk [tilespmem:v15+s12+$0x0], $0xffff;
	v21 =	vor.u32 $0x6, v21;
	v9 =	vadd.f32 v12, v9;
	v10 =	vmul.f32 v13, v10  }
0x191: {  	v12 =	vld.idx.msk [tilespmem:v17+s11+$0x0], $0xffff;
	v13 =	vor.u32 v7, v22  }
0x192: {  	v22 =	vor.u32 $0x7, v22;
	v17 =	vld.idx.msk [tilespmem:v23+s12+$0x0], $0xffff;
	v9 =	vadd.f32 v10, v9;
	v10 =	vmul.f32 v19, v11  }
0x193: {  	v11 =	vld.idx.msk [tilespmem:v20+s11+$0x0], $0xffff  }
0x194: {  	v16 =	vld.idx.msk [tilespmem:v16+s12+$0x0], $0xffff;
	v9 =	vadd.f32 v10, v9;
	v10 =	vmul.f32 v14, v18  }
0x195: {  	v14 =	vld.idx.msk [tilespmem:v21+s11+$0x0], $0xffff  }
0x196: {  	v13 =	vld.idx.msk [tilespmem:v13+s12+$0x0], $0xffff;
	v9 =	vadd.f32 v10, v9;
	v10 =	vmul.f32 v12, v15  }
0x197: {  	v12 =	vld.idx.msk [tilespmem:v22+s11+$0x0], $0xffff  }
0x198: {  	v9 =	vadd.f32 v10, v9;
	v10 =	vmul.f32 v11, v17;
	_ =	sdelay $0x1  }
0x199: {  	v9 =	vadd.f32 v10, v9;
	v10 =	vmul.f32 v14, v16;
	_ =	sdelay $0x1  }
0x19a: {  	v9 =	vadd.f32 v10, v9;
	v10 =	vmul.f32 v12, v13;
	_ =	sdelay $0x1  }
0x19b: {  	v9 =	vadd.f32 v10, v9;
	_ =	sdelay $0x1  }
0x19c: {  	v9 =	vmul.f32 $1.250000000e-01, v9;
	_ =	sdelay $0x1  }
0x19d: {  	(xrf0) =	vmax.scan.msk.f32 $0xffff, v9;
	_ =	sdelay $0x5  }
0x19e: {  	v10, _, _ =	vpop (xrf0)  }
0x19f: {  	v10 =	vbroadcast v10, $0xF;
	_ =	sdelay $0x1  }
0x1a0: {  	v9 =	vsub.f32 v9, v10;
	_ =	sdelay $0x1  }
0x1a1: {  	v9 =	vmul.f32 $1.442695020e+00, v9;
	_ =	sdelay $0x1  }
0x1a2: {  	(erf) = vpow2.f32 v9;
	_ =	sdelay $0x8  }
0x1a3: {  	v9 =	vpop (erf)  }
0x1a4: {  	(xrf2) =	vadd.scan.msk.f32 $0xffff, v9;
	_ =	sdelay $0x9  }
0x1a5: {  	v10, _, _ =	vpop (xrf2)  }
0x1a6: {  	v10 =	vbroadcast v10, $0xF;
	_ =	sdelay $0x1  }
0x1a7: {  	(erf) = vrcp.f32 v10;
	_ =	sdelay $0x5  }
0x1a8: {  	s21 =	simm.s32 $0x180  }
0x1a9: {  	v10 =	vmov s21  }
0x1aa: {  	s22 =	simm.s32 $0x181;
	v10 =	vshrl.u32 v10, $0x3  }
0x1ab: {  	v12 =	vmov s22;
	v10 =	vshll.u32 v10, v8;
	v11 =	vpop (erf)  }
0x1ac: {  	s25 =	simm.s32 $0x182;
	s28 =	simm.s32 $0x183;
	v10 =	vbroadcast v10, $0x0;
	v11 =	vmul.f32 v11, v9;
	v9 =	vshrl.u32 v12, $0x3  }
0x1ad: {  	v15 =	vmov s28;
	v12 =	vmov s25;
	v13 =	vshll.u32 v9, v8  }
0x1ae: {  	v14 =	vor.u32 v0, v10;
	v12 =	vshrl.u32 v12, $0x3;
	v13 =	vbroadcast v13, $0x0  }
0x1af: {  	s29 =	simm.s32 $0x184;
	v15 =	vshrl.u32 v15, $0x3;
	v12 =	vshll.u32 v12, v8  }
0x1b0: {  	v18 =	vbroadcast v12, $0x0;
	v12 =	vmov s29;
	v16 =	vor.u32 v1, v13  }
0x1b1: {  	s26 =	simm.s32 $0x186;
	[tilespmem:$0x8460] =	vst v11;
	v13 =	vor.u32 $0x1, v13;
	v11 =	vshrl.u32 v12, $0x3;
	v12 =	vshll.u32 v15, v8  }
0x1b2: {  	s30 =	simm.s32 $0x185;
	v17 =	vmov s26;
	v21 =	vor.u32 v2, v18;
	v20 =	vbroadcast v12, $0x0  }
0x1b3: {  	v14 =	vld.idx.msk [tilespmem:v14+s12+$0x0], $0xffff;
	v15 =	vmov s30;
	v11 =	vshll.u32 v11, v8;
	v19 =	vor.u32 $0x2, v18  }
0x1b4: {  	v12 =	vld.idx.msk [tilespmem:v10+s11+$0x0], $0xffff;
	v22 =	vbroadcast v11, $0x0;
	v11 =	vshrl.u32 v15, $0x3;
	v18 =	vor.u32 v3, v20  }
0x1b5: {  	v23 =	vshrl.u32 v17, $0x3;
	v11 =	vshll.u32 v11, v8;
	v10 =	vld.idx.msk [tilespmem:v16+s12+$0x0], $0xffff;
	v16 =	vor.u32 $0x3, v20  }
0x1b6: {  	s31 =	simm.s32 $0x187;
	v9 =	vimm.f32 $0.0e+00;
	v15 =	vor.u32 v4, v22;
	v13 =	vld.idx.msk [tilespmem:v13+s11+$0x0], $0xffff;
	v20 =	vbroadcast v11, $0x0  }
0x1b7: {  	s21 =	simm.s32 $0x0;
	v17 =	vor.u32 $0x4, v22;
	v22 =	vmov s31;
	v11 =	vld.idx.msk [tilespmem:v21+s12+$0x0], $0xffff;
	v21 =	vshll.u32 v23, v8  }
.LBB2_15:
0x1b8: {  	s23 =	sadd.s32 $0x18E, s21;
	v19 =	vld.idx.msk [tilespmem:v19+s11+$0x0], $0xffff;
	v23 =	vor.u32 v5, v20;
	v21 =	vbroadcast v21, $0x0;
	v22 =	vshrl.u32 v22, $0x3;
	s22 =	smov.u32 s21  }
0x1b9: {  	v20 =	vor.u32 $0x5, v20;
	v24 =	vmov s23;
	v18 =	vld.idx.msk [tilespmem:v18+s12+$0x0], $0xffff;
	v22 =	vshll.u32 v22, v8  }
0x1ba: {  	s24 =	sadd.s32 $0x18D, s21;
	s23 =	sadd.s32 $0x18C, s21;
	v12 =	vmul.f32 v12, v14;
	v14 =	vld.idx.msk [tilespmem:v16+s11+$0x0], $0xffff;
	v16 =	vor.u32 v6, v21;
	v22 =	vbroadcast v22, $0x0  }
0x1bb: {  	v26 =	vmov s24;
	v25 =	vmov s23;
	v21 =	vor.u32 $0x6, v21;
	v15 =	vld.idx.msk [tilespmem:v15+s12+$0x0], $0xffff  }
0x1bc: {  	s24 =	sadd.s32 $0x18B, s21;
	s23 =	sadd.s32 $0x18A, s21;
	v9 =	vadd.f32 v12, v9;
	v10 =	vmul.f32 v13, v10;
	v12 =	vld.idx.msk [tilespmem:v17+s11+$0x0], $0xffff;
	v13 =	vor.u32 v7, v22  }
0x1bd: {  	s25 =	sadd.s32 $0x189, s21;
	v27 =	vmov s24;
	v17 =	vmov s23;
	v22 =	vor.u32 $0x7, v22;
	v23 =	vld.idx.msk [tilespmem:v23+s12+$0x0], $0xffff  }
0x1be: {  	v28 =	vmov s25;
	s21 =	sadd.s32 $0x8, s21;
	s23 =	sadd.s32 $0x188, s22;
	v9 =	vadd.f32 v10, v9;
	v10 =	vmul.f32 v19, v11;
	v11 =	vld.idx.msk [tilespmem:v20+s11+$0x0], $0xffff  }
0x1bf: {  	v25 =	vshrl.u32 v25, $0x3;
	p0 =	slt.u32 s21, $0x38;
	v19 =	vmov s23;
	v20 =	vshrl.u32 v28, $0x3;
	v16 =	vld.idx.msk [tilespmem:v16+s12+$0x0], $0xffff  }
0x1c0: {  	v19 =	vshrl.u32 v19, $0x3;
	v9 =	vadd.f32 v10, v9;
	v10 =	vmul.f32 v14, v18;
	v14 =	vld.idx.msk [tilespmem:v21+s11+$0x0], $0xffff  }
0x1c1: {  	v17 =	vshrl.u32 v17, $0x3;
	v18 =	vshll.u32 v19, v8;
	v19 =	vshll.u32 v20, v8;
	v13 =	vld.idx.msk [tilespmem:v13+s12+$0x0], $0xffff  }
0x1c2: {  	v18 =	vbroadcast v18, $0x0;
	v9 =	vadd.f32 v10, v9;
	v10 =	vmul.f32 v12, v15;
	v15 =	vld.idx.msk [tilespmem:v22+s11+$0x0], $0xffff  }
0x1c3: {  	v17 =	vshll.u32 v17, v8;
	v12 =	vbroadcast v19, $0x0;
	v19 =	vshrl.u32 v27, $0x3  }
0x1c4: {  	v20 =	vor.u32 v0, v18;
	v9 =	vadd.f32 v10, v9;
	v10 =	vmul.f32 v11, v23  }
0x1c5: {  	v17 =	vbroadcast v17, $0x0;
	v19 =	vshll.u32 v19, v8;
	v11 =	vor.u32 v1, v12  }
0x1c6: {  	v21 =	vor.u32 $0x1, v12;
	v9 =	vadd.f32 v10, v9;
	v10 =	vmul.f32 v14, v16  }
0x1c7: {  	v22 =	vor.u32 v2, v17;
	v23 =	vshll.u32 v25, v8;
	v16 =	vbroadcast v19, $0x0  }
.Ltmp6:
0x1c8: {  	v19 =	vor.u32 $0x2, v17;
	v9 =	vadd.f32 v10, v9;
	v13 =	vmul.f32 v15, v13;
	v12 =	vld.idx.msk [tilespmem:v18+s11+$0x0], $0xffff;
	(pc) =	sbr.rel @p0 .LBB2_15-.Ltmp6, $4  }
0x1c9: {  	v17 =	vbroadcast v23, $0x0;
	v15 =	vshrl.u32 v26, $0x3;
	v18 =	vor.u32 v3, v16;
	v14 =	vld.idx.msk [tilespmem:v20+s12+$0x0], $0xffff  }
0x1ca: {  	v16 =	vor.u32 $0x3, v16;
	v9 =	vadd.f32 v13, v9;
	v10 =	vld.idx.msk [tilespmem:v11+s12+$0x0], $0xffff;
	v11 =	vshll.u32 v15, v8  }
0x1cb: {  	s22 =	sadd.s32 $0x18F, s22;
	v15 =	vor.u32 v4, v17;
	v13 =	vld.idx.msk [tilespmem:v21+s11+$0x0], $0xffff;
	v20 =	vbroadcast v11, $0x0;
	v21 =	vshrl.u32 v24, $0x3  }
0x1cc: {  	v17 =	vor.u32 $0x4, v17;
	v11 =	vld.idx.msk [tilespmem:v22+s12+$0x0], $0xffff;
	v21 =	vshll.u32 v21, v8;
	v22 =	vmov s22  }
0x1cd: {  	_ =	sdelay $0x3  }
0x1ce: {  	v19 =	vld.idx.msk [tilespmem:v19+s11+$0x0], $0xffff;
	v23 =	vor.u32 v5, v20;
	v21 =	vbroadcast v21, $0x0;
	v22 =	vshrl.u32 v22, $0x3  }
0x1cf: {  	v18 =	vld.idx.msk [tilespmem:v18+s12+$0x0], $0xffff;
	v20 =	vor.u32 $0x5, v20;
	v22 =	vshll.u32 v22, v8;
	v12 =	vmul.f32 v12, v14  }
0x1d0: {  	v14 =	vld.idx.msk [tilespmem:v16+s11+$0x0], $0xffff;
	v16 =	vor.u32 v6, v21;
	v22 =	vbroadcast v22, $0x0  }
0x1d1: {  	v15 =	vld.idx.msk [tilespmem:v15+s12+$0x0], $0xffff;
	v21 =	vor.u32 $0x6, v21;
	v9 =	vadd.f32 v12, v9;
	v10 =	vmul.f32 v13, v10  }
0x1d2: {  	v12 =	vld.idx.msk [tilespmem:v17+s11+$0x0], $0xffff;
	v13 =	vor.u32 v7, v22  }
0x1d3: {  	v22 =	vor.u32 $0x7, v22;
	v17 =	vld.idx.msk [tilespmem:v23+s12+$0x0], $0xffff;
	v9 =	vadd.f32 v10, v9;
	v10 =	vmul.f32 v19, v11  }
0x1d4: {  	v11 =	vld.idx.msk [tilespmem:v20+s11+$0x0], $0xffff  }
0x1d5: {  	v16 =	vld.idx.msk [tilespmem:v16+s12+$0x0], $0xffff;
	v9 =	vadd.f32 v10, v9;
	v10 =	vmul.f32 v14, v18  }
0x1d6: {  	v14 =	vld.idx.msk [tilespmem:v21+s11+$0x0], $0xffff  }
0x1d7: {  	v13 =	vld.idx.msk [tilespmem:v13+s12+$0x0], $0xffff;
	v9 =	vadd.f32 v10, v9;
	v10 =	vmul.f32 v12, v15  }
0x1d8: {  	v12 =	vld.idx.msk [tilespmem:v22+s11+$0x0], $0xffff  }
0x1d9: {  	v9 =	vadd.f32 v10, v9;
	v10 =	vmul.f32 v11, v17;
	_ =	sdelay $0x1  }
0x1da: {  	v9 =	vadd.f32 v10, v9;
	v10 =	vmul.f32 v14, v16;
	_ =	sdelay $0x1  }
0x1db: {  	v9 =	vadd.f32 v10, v9;
	v10 =	vmul.f32 v12, v13;
	_ =	sdelay $0x1  }
0x1dc: {  	v9 =	vadd.f32 v10, v9;
	_ =	sdelay $0x1  }
0x1dd: {  	v9 =	vmul.f32 $1.250000000e-01, v9;
	_ =	sdelay $0x1  }
0x1de: {  	(xrf0) =	vmax.scan.msk.f32 $0xffff, v9;
	_ =	sdelay $0x5  }
0x1df: {  	v10, _, _ =	vpop (xrf0)  }
0x1e0: {  	v10 =	vbroadcast v10, $0xF;
	_ =	sdelay $0x1  }
0x1e1: {  	v9 =	vsub.f32 v9, v10;
	_ =	sdelay $0x1  }
0x1e2: {  	v9 =	vmul.f32 $1.442695020e+00, v9;
	_ =	sdelay $0x1  }
0x1e3: {  	(erf) = vpow2.f32 v9;
	_ =	sdelay $0x8  }
0x1e4: {  	v9 =	vpop (erf)  }
0x1e5: {  	(xrf2) =	vadd.scan.msk.f32 $0xffff, v9;
	_ =	sdelay $0x9  }
0x1e6: {  	v10, _, _ =	vpop (xrf2)  }
0x1e7: {  	v10 =	vbroadcast v10, $0xF;
	_ =	sdelay $0x1  }
0x1e8: {  	(erf) = vrcp.f32 v10;
	_ =	sdelay $0x5  }
0x1e9: {  	s21 =	simm.s32 $0x1C0  }
0x1ea: {  	v10 =	vmov s21  }
0x1eb: {  	s22 =	simm.s32 $0x1C1;
	v10 =	vshrl.u32 v10, $0x3  }
0x1ec: {  	v12 =	vmov s22;
	v10 =	vshll.u32 v10, v8;
	v11 =	vpop (erf)  }
0x1ed: {  	s25 =	simm.s32 $0x1C2;
	s28 =	simm.s32 $0x1C3;
	v10 =	vbroadcast v10, $0x0;
	v11 =	vmul.f32 v11, v9;
	v9 =	vshrl.u32 v12, $0x3  }
0x1ee: {  	v15 =	vmov s28;
	v12 =	vmov s25;
	v13 =	vshll.u32 v9, v8  }
0x1ef: {  	v14 =	vor.u32 v0, v10;
	v12 =	vshrl.u32 v12, $0x3;
	v13 =	vbroadcast v13, $0x0  }
0x1f0: {  	s29 =	simm.s32 $0x1C4;
	v15 =	vshrl.u32 v15, $0x3;
	v12 =	vshll.u32 v12, v8  }
0x1f1: {  	v18 =	vbroadcast v12, $0x0;
	v12 =	vmov s29;
	v16 =	vor.u32 v1, v13  }
0x1f2: {  	s26 =	simm.s32 $0x1C6;
	[tilespmem:$0x8470] =	vst v11;
	v13 =	vor.u32 $0x1, v13;
	v11 =	vshrl.u32 v12, $0x3;
	v12 =	vshll.u32 v15, v8  }
0x1f3: {  	s30 =	simm.s32 $0x1C5;
	v17 =	vmov s26;
	v21 =	vor.u32 v2, v18;
	v20 =	vbroadcast v12, $0x0  }
0x1f4: {  	v14 =	vld.idx.msk [tilespmem:v14+s12+$0x0], $0xffff;
	v15 =	vmov s30;
	v11 =	vshll.u32 v11, v8;
	v19 =	vor.u32 $0x2, v18  }
0x1f5: {  	v12 =	vld.idx.msk [tilespmem:v10+s11+$0x0], $0xffff;
	v22 =	vbroadcast v11, $0x0;
	v11 =	vshrl.u32 v15, $0x3;
	v18 =	vor.u32 v3, v20  }
0x1f6: {  	v23 =	vshrl.u32 v17, $0x3;
	v11 =	vshll.u32 v11, v8;
	v10 =	vld.idx.msk [tilespmem:v16+s12+$0x0], $0xffff;
	v16 =	vor.u32 $0x3, v20  }
0x1f7: {  	s31 =	simm.s32 $0x1C7;
	v9 =	vimm.f32 $0.0e+00;
	v15 =	vor.u32 v4, v22;
	v13 =	vld.idx.msk [tilespmem:v13+s11+$0x0], $0xffff;
	v20 =	vbroadcast v11, $0x0  }
0x1f8: {  	s21 =	simm.s32 $0x0;
	v17 =	vor.u32 $0x4, v22;
	v22 =	vmov s31;
	v11 =	vld.idx.msk [tilespmem:v21+s12+$0x0], $0xffff;
	v21 =	vshll.u32 v23, v8  }
.LBB2_17:
0x1f9: {  	s23 =	sadd.s32 $0x1CE, s21;
	v19 =	vld.idx.msk [tilespmem:v19+s11+$0x0], $0xffff;
	v23 =	vor.u32 v5, v20;
	v21 =	vbroadcast v21, $0x0;
	v22 =	vshrl.u32 v22, $0x3;
	s22 =	smov.u32 s21  }
0x1fa: {  	v20 =	vor.u32 $0x5, v20;
	v24 =	vmov s23;
	v18 =	vld.idx.msk [tilespmem:v18+s12+$0x0], $0xffff;
	v22 =	vshll.u32 v22, v8  }
0x1fb: {  	s24 =	sadd.s32 $0x1CD, s21;
	s23 =	sadd.s32 $0x1CC, s21;
	v12 =	vmul.f32 v12, v14;
	v14 =	vld.idx.msk [tilespmem:v16+s11+$0x0], $0xffff;
	v16 =	vor.u32 v6, v21;
	v22 =	vbroadcast v22, $0x0  }
0x1fc: {  	v26 =	vmov s24;
	v25 =	vmov s23;
	v21 =	vor.u32 $0x6, v21;
	v15 =	vld.idx.msk [tilespmem:v15+s12+$0x0], $0xffff  }
0x1fd: {  	s24 =	sadd.s32 $0x1CB, s21;
	s23 =	sadd.s32 $0x1CA, s21;
	v9 =	vadd.f32 v12, v9;
	v10 =	vmul.f32 v13, v10;
	v12 =	vld.idx.msk [tilespmem:v17+s11+$0x0], $0xffff;
	v13 =	vor.u32 v7, v22  }
0x1fe: {  	s25 =	sadd.s32 $0x1C9, s21;
	v27 =	vmov s24;
	v17 =	vmov s23;
	v22 =	vor.u32 $0x7, v22;
	v23 =	vld.idx.msk [tilespmem:v23+s12+$0x0], $0xffff  }
0x1ff: {  	v28 =	vmov s25;
	s21 =	sadd.s32 $0x8, s21;
	s23 =	sadd.s32 $0x1C8, s22;
	v9 =	vadd.f32 v10, v9;
	v10 =	vmul.f32 v19, v11;
	v11 =	vld.idx.msk [tilespmem:v20+s11+$0x0], $0xffff  }
0x200: {  	v25 =	vshrl.u32 v25, $0x3;
	p0 =	slt.u32 s21, $0x38;
	v19 =	vmov s23;
	v20 =	vshrl.u32 v28, $0x3;
	v16 =	vld.idx.msk [tilespmem:v16+s12+$0x0], $0xffff  }
0x201: {  	v19 =	vshrl.u32 v19, $0x3;
	v9 =	vadd.f32 v10, v9;
	v10 =	vmul.f32 v14, v18;
	v14 =	vld.idx.msk [tilespmem:v21+s11+$0x0], $0xffff  }
0x202: {  	v17 =	vshrl.u32 v17, $0x3;
	v18 =	vshll.u32 v19, v8;
	v19 =	vshll.u32 v20, v8;
	v13 =	vld.idx.msk [tilespmem:v13+s12+$0x0], $0xffff  }
0x203: {  	v18 =	vbroadcast v18, $0x0;
	v9 =	vadd.f32 v10, v9;
	v10 =	vmul.f32 v12, v15;
	v15 =	vld.idx.msk [tilespmem:v22+s11+$0x0], $0xffff  }
0x204: {  	v17 =	vshll.u32 v17, v8;
	v12 =	vbroadcast v19, $0x0;
	v19 =	vshrl.u32 v27, $0x3  }
0x205: {  	v20 =	vor.u32 v0, v18;
	v9 =	vadd.f32 v10, v9;
	v10 =	vmul.f32 v11, v23  }
0x206: {  	v17 =	vbroadcast v17, $0x0;
	v19 =	vshll.u32 v19, v8;
	v11 =	vor.u32 v1, v12  }
0x207: {  	v21 =	vor.u32 $0x1, v12;
	v9 =	vadd.f32 v10, v9;
	v10 =	vmul.f32 v14, v16  }
0x208: {  	v22 =	vor.u32 v2, v17;
	v23 =	vshll.u32 v25, v8;
	v16 =	vbroadcast v19, $0x0  }
.Ltmp7:
0x209: {  	v19 =	vor.u32 $0x2, v17;
	v9 =	vadd.f32 v10, v9;
	v13 =	vmul.f32 v15, v13;
	v12 =	vld.idx.msk [tilespmem:v18+s11+$0x0], $0xffff;
	(pc) =	sbr.rel @p0 .LBB2_17-.Ltmp7, $4  }
0x20a: {  	v17 =	vbroadcast v23, $0x0;
	v15 =	vshrl.u32 v26, $0x3;
	v18 =	vor.u32 v3, v16;
	v14 =	vld.idx.msk [tilespmem:v20+s12+$0x0], $0xffff  }
0x20b: {  	v16 =	vor.u32 $0x3, v16;
	v9 =	vadd.f32 v13, v9;
	v10 =	vld.idx.msk [tilespmem:v11+s12+$0x0], $0xffff;
	v11 =	vshll.u32 v15, v8  }
0x20c: {  	s22 =	sadd.s32 $0x1CF, s22;
	v15 =	vor.u32 v4, v17;
	v13 =	vld.idx.msk [tilespmem:v21+s11+$0x0], $0xffff;
	v20 =	vbroadcast v11, $0x0;
	v21 =	vshrl.u32 v24, $0x3  }
0x20d: {  	v17 =	vor.u32 $0x4, v17;
	v11 =	vld.idx.msk [tilespmem:v22+s12+$0x0], $0xffff;
	v21 =	vshll.u32 v21, v8;
	v22 =	vmov s22  }
0x20e: {  	_ =	sdelay $0x3  }
0x20f: {  	v19 =	vld.idx.msk [tilespmem:v19+s11+$0x0], $0xffff;
	v23 =	vor.u32 v5, v20;
	v21 =	vbroadcast v21, $0x0;
	v22 =	vshrl.u32 v22, $0x3  }
0x210: {  	v18 =	vld.idx.msk [tilespmem:v18+s12+$0x0], $0xffff;
	v20 =	vor.u32 $0x5, v20;
	v22 =	vshll.u32 v22, v8;
	v12 =	vmul.f32 v12, v14  }
0x211: {  	v14 =	vld.idx.msk [tilespmem:v16+s11+$0x0], $0xffff;
	v16 =	vor.u32 v6, v21;
	v22 =	vbroadcast v22, $0x0  }
0x212: {  	v15 =	vld.idx.msk [tilespmem:v15+s12+$0x0], $0xffff;
	v21 =	vor.u32 $0x6, v21;
	v9 =	vadd.f32 v12, v9;
	v10 =	vmul.f32 v13, v10  }
0x213: {  	v12 =	vld.idx.msk [tilespmem:v17+s11+$0x0], $0xffff;
	v13 =	vor.u32 v7, v22  }
0x214: {  	v22 =	vor.u32 $0x7, v22;
	v17 =	vld.idx.msk [tilespmem:v23+s12+$0x0], $0xffff;
	v9 =	vadd.f32 v10, v9;
	v10 =	vmul.f32 v19, v11  }
0x215: {  	v11 =	vld.idx.msk [tilespmem:v20+s11+$0x0], $0xffff  }
0x216: {  	v16 =	vld.idx.msk [tilespmem:v16+s12+$0x0], $0xffff;
	v9 =	vadd.f32 v10, v9;
	v10 =	vmul.f32 v14, v18  }
0x217: {  	v14 =	vld.idx.msk [tilespmem:v21+s11+$0x0], $0xffff  }
0x218: {  	v13 =	vld.idx.msk [tilespmem:v13+s12+$0x0], $0xffff;
	v9 =	vadd.f32 v10, v9;
	v10 =	vmul.f32 v12, v15  }
0x219: {  	v12 =	vld.idx.msk [tilespmem:v22+s11+$0x0], $0xffff  }
0x21a: {  	v9 =	vadd.f32 v10, v9;
	v10 =	vmul.f32 v11, v17;
	_ =	sdelay $0x1  }
0x21b: {  	v9 =	vadd.f32 v10, v9;
	v10 =	vmul.f32 v14, v16;
	_ =	sdelay $0x1  }
0x21c: {  	v9 =	vadd.f32 v10, v9;
	v10 =	vmul.f32 v12, v13;
	_ =	sdelay $0x1  }
0x21d: {  	v9 =	vadd.f32 v10, v9;
	_ =	sdelay $0x1  }
0x21e: {  	v9 =	vmul.f32 $1.250000000e-01, v9;
	_ =	sdelay $0x1  }
0x21f: {  	(xrf0) =	vmax.scan.msk.f32 $0xffff, v9;
	_ =	sdelay $0x5  }
0x220: {  	v10, _, _ =	vpop (xrf0)  }
0x221: {  	v10 =	vbroadcast v10, $0xF;
	_ =	sdelay $0x1  }
0x222: {  	v9 =	vsub.f32 v9, v10;
	_ =	sdelay $0x1  }
0x223: {  	v9 =	vmul.f32 $1.442695020e+00, v9;
	_ =	sdelay $0x1  }
0x224: {  	(erf) = vpow2.f32 v9;
	_ =	sdelay $0x8  }
0x225: {  	v9 =	vpop (erf)  }
0x226: {  	(xrf2) =	vadd.scan.msk.f32 $0xffff, v9;
	_ =	sdelay $0x9  }
0x227: {  	v10, _, _ =	vpop (xrf2)  }
0x228: {  	v10 =	vbroadcast v10, $0xF;
	_ =	sdelay $0x1  }
0x229: {  	(erf) = vrcp.f32 v10;
	_ =	sdelay $0x5  }
0x22a: {  	s21 =	simm.s32 $0x200  }
0x22b: {  	v10 =	vmov s21  }
0x22c: {  	s22 =	simm.s32 $0x201;
	v10 =	vshrl.u32 v10, $0x3  }
0x22d: {  	v12 =	vmov s22;
	v10 =	vshll.u32 v10, v8;
	v11 =	vpop (erf)  }
0x22e: {  	s25 =	simm.s32 $0x202;
	s28 =	simm.s32 $0x203;
	v10 =	vbroadcast v10, $0x0;
	v11 =	vmul.f32 v11, v9;
	v9 =	vshrl.u32 v12, $0x3  }
0x22f: {  	v15 =	vmov s28;
	v12 =	vmov s25;
	v13 =	vshll.u32 v9, v8  }
0x230: {  	v14 =	vor.u32 v0, v10;
	v12 =	vshrl.u32 v12, $0x3;
	v13 =	vbroadcast v13, $0x0  }
0x231: {  	s29 =	simm.s32 $0x204;
	v15 =	vshrl.u32 v15, $0x3;
	v12 =	vshll.u32 v12, v8  }
0x232: {  	v18 =	vbroadcast v12, $0x0;
	v12 =	vmov s29;
	v16 =	vor.u32 v1, v13  }
0x233: {  	s26 =	simm.s32 $0x206;
	[tilespmem:$0x8480] =	vst v11;
	v13 =	vor.u32 $0x1, v13;
	v11 =	vshrl.u32 v12, $0x3;
	v12 =	vshll.u32 v15, v8  }
0x234: {  	s30 =	simm.s32 $0x205;
	v17 =	vmov s26;
	v21 =	vor.u32 v2, v18;
	v20 =	vbroadcast v12, $0x0  }
0x235: {  	v14 =	vld.idx.msk [tilespmem:v14+s12+$0x0], $0xffff;
	v15 =	vmov s30;
	v11 =	vshll.u32 v11, v8;
	v19 =	vor.u32 $0x2, v18  }
0x236: {  	v12 =	vld.idx.msk [tilespmem:v10+s11+$0x0], $0xffff;
	v22 =	vbroadcast v11, $0x0;
	v11 =	vshrl.u32 v15, $0x3;
	v18 =	vor.u32 v3, v20  }
0x237: {  	v23 =	vshrl.u32 v17, $0x3;
	v11 =	vshll.u32 v11, v8;
	v10 =	vld.idx.msk [tilespmem:v16+s12+$0x0], $0xffff;
	v16 =	vor.u32 $0x3, v20  }
0x238: {  	s31 =	simm.s32 $0x207;
	v9 =	vimm.f32 $0.0e+00;
	v15 =	vor.u32 v4, v22;
	v13 =	vld.idx.msk [tilespmem:v13+s11+$0x0], $0xffff;
	v20 =	vbroadcast v11, $0x0  }
0x239: {  	s21 =	simm.s32 $0x0;
	v17 =	vor.u32 $0x4, v22;
	v22 =	vmov s31;
	v11 =	vld.idx.msk [tilespmem:v21+s12+$0x0], $0xffff;
	v21 =	vshll.u32 v23, v8  }
.LBB2_19:
0x23a: {  	s23 =	sadd.s32 $0x20E, s21;
	v19 =	vld.idx.msk [tilespmem:v19+s11+$0x0], $0xffff;
	v23 =	vor.u32 v5, v20;
	v21 =	vbroadcast v21, $0x0;
	v22 =	vshrl.u32 v22, $0x3;
	s22 =	smov.u32 s21  }
0x23b: {  	v20 =	vor.u32 $0x5, v20;
	v24 =	vmov s23;
	v18 =	vld.idx.msk [tilespmem:v18+s12+$0x0], $0xffff;
	v22 =	vshll.u32 v22, v8  }
0x23c: {  	s24 =	sadd.s32 $0x20D, s21;
	s23 =	sadd.s32 $0x20C, s21;
	v12 =	vmul.f32 v12, v14;
	v14 =	vld.idx.msk [tilespmem:v16+s11+$0x0], $0xffff;
	v16 =	vor.u32 v6, v21;
	v22 =	vbroadcast v22, $0x0  }
0x23d: {  	v26 =	vmov s24;
	v25 =	vmov s23;
	v21 =	vor.u32 $0x6, v21;
	v15 =	vld.idx.msk [tilespmem:v15+s12+$0x0], $0xffff  }
0x23e: {  	s24 =	sadd.s32 $0x20B, s21;
	s23 =	sadd.s32 $0x20A, s21;
	v9 =	vadd.f32 v12, v9;
	v10 =	vmul.f32 v13, v10;
	v12 =	vld.idx.msk [tilespmem:v17+s11+$0x0], $0xffff;
	v13 =	vor.u32 v7, v22  }
0x23f: {  	s25 =	sadd.s32 $0x209, s21;
	v27 =	vmov s24;
	v17 =	vmov s23;
	v22 =	vor.u32 $0x7, v22;
	v23 =	vld.idx.msk [tilespmem:v23+s12+$0x0], $0xffff  }
0x240: {  	v28 =	vmov s25;
	s21 =	sadd.s32 $0x8, s21;
	s23 =	sadd.s32 $0x208, s22;
	v9 =	vadd.f32 v10, v9;
	v10 =	vmul.f32 v19, v11;
	v11 =	vld.idx.msk [tilespmem:v20+s11+$0x0], $0xffff  }
0x241: {  	v25 =	vshrl.u32 v25, $0x3;
	p0 =	slt.u32 s21, $0x38;
	v19 =	vmov s23;
	v20 =	vshrl.u32 v28, $0x3;
	v16 =	vld.idx.msk [tilespmem:v16+s12+$0x0], $0xffff  }
0x242: {  	v19 =	vshrl.u32 v19, $0x3;
	v9 =	vadd.f32 v10, v9;
	v10 =	vmul.f32 v14, v18;
	v14 =	vld.idx.msk [tilespmem:v21+s11+$0x0], $0xffff  }
0x243: {  	v17 =	vshrl.u32 v17, $0x3;
	v18 =	vshll.u32 v19, v8;
	v19 =	vshll.u32 v20, v8;
	v13 =	vld.idx.msk [tilespmem:v13+s12+$0x0], $0xffff  }
0x244: {  	v18 =	vbroadcast v18, $0x0;
	v9 =	vadd.f32 v10, v9;
	v10 =	vmul.f32 v12, v15;
	v15 =	vld.idx.msk [tilespmem:v22+s11+$0x0], $0xffff  }
0x245: {  	v17 =	vshll.u32 v17, v8;
	v12 =	vbroadcast v19, $0x0;
	v19 =	vshrl.u32 v27, $0x3  }
0x246: {  	v20 =	vor.u32 v0, v18;
	v9 =	vadd.f32 v10, v9;
	v10 =	vmul.f32 v11, v23  }
0x247: {  	v17 =	vbroadcast v17, $0x0;
	v19 =	vshll.u32 v19, v8;
	v11 =	vor.u32 v1, v12  }
0x248: {  	v21 =	vor.u32 $0x1, v12;
	v9 =	vadd.f32 v10, v9;
	v10 =	vmul.f32 v14, v16  }
0x249: {  	v22 =	vor.u32 v2, v17;
	v23 =	vshll.u32 v25, v8;
	v16 =	vbroadcast v19, $0x0  }
.Ltmp8:
0x24a: {  	v19 =	vor.u32 $0x2, v17;
	v9 =	vadd.f32 v10, v9;
	v13 =	vmul.f32 v15, v13;
	v12 =	vld.idx.msk [tilespmem:v18+s11+$0x0], $0xffff;
	(pc) =	sbr.rel @p0 .LBB2_19-.Ltmp8, $4  }
0x24b: {  	v17 =	vbroadcast v23, $0x0;
	v15 =	vshrl.u32 v26, $0x3;
	v18 =	vor.u32 v3, v16;
	v14 =	vld.idx.msk [tilespmem:v20+s12+$0x0], $0xffff  }
0x24c: {  	v16 =	vor.u32 $0x3, v16;
	v9 =	vadd.f32 v13, v9;
	v10 =	vld.idx.msk [tilespmem:v11+s12+$0x0], $0xffff;
	v11 =	vshll.u32 v15, v8  }
0x24d: {  	s22 =	sadd.s32 $0x20F, s22;
	v15 =	vor.u32 v4, v17;
	v13 =	vld.idx.msk [tilespmem:v21+s11+$0x0], $0xffff;
	v20 =	vbroadcast v11, $0x0;
	v21 =	vshrl.u32 v24, $0x3  }
0x24e: {  	v17 =	vor.u32 $0x4, v17;
	v11 =	vld.idx.msk [tilespmem:v22+s12+$0x0], $0xffff;
	v21 =	vshll.u32 v21, v8;
	v22 =	vmov s22  }
0x24f: {  	_ =	sdelay $0x3  }
0x250: {  	v19 =	vld.idx.msk [tilespmem:v19+s11+$0x0], $0xffff;
	v23 =	vor.u32 v5, v20;
	v21 =	vbroadcast v21, $0x0;
	v22 =	vshrl.u32 v22, $0x3  }
0x251: {  	v18 =	vld.idx.msk [tilespmem:v18+s12+$0x0], $0xffff;
	v20 =	vor.u32 $0x5, v20;
	v22 =	vshll.u32 v22, v8;
	v12 =	vmul.f32 v12, v14  }
0x252: {  	v14 =	vld.idx.msk [tilespmem:v16+s11+$0x0], $0xffff;
	v16 =	vor.u32 v6, v21;
	v22 =	vbroadcast v22, $0x0  }
0x253: {  	v15 =	vld.idx.msk [tilespmem:v15+s12+$0x0], $0xffff;
	v21 =	vor.u32 $0x6, v21;
	v9 =	vadd.f32 v12, v9;
	v10 =	vmul.f32 v13, v10  }
0x254: {  	v12 =	vld.idx.msk [tilespmem:v17+s11+$0x0], $0xffff;
	v13 =	vor.u32 v7, v22  }
0x255: {  	v22 =	vor.u32 $0x7, v22;
	v17 =	vld.idx.msk [tilespmem:v23+s12+$0x0], $0xffff;
	v9 =	vadd.f32 v10, v9;
	v10 =	vmul.f32 v19, v11  }
0x256: {  	v11 =	vld.idx.msk [tilespmem:v20+s11+$0x0], $0xffff  }
0x257: {  	v16 =	vld.idx.msk [tilespmem:v16+s12+$0x0], $0xffff;
	v9 =	vadd.f32 v10, v9;
	v10 =	vmul.f32 v14, v18  }
0x258: {  	v14 =	vld.idx.msk [tilespmem:v21+s11+$0x0], $0xffff  }
0x259: {  	v13 =	vld.idx.msk [tilespmem:v13+s12+$0x0], $0xffff;
	v9 =	vadd.f32 v10, v9;
	v10 =	vmul.f32 v12, v15  }
0x25a: {  	v12 =	vld.idx.msk [tilespmem:v22+s11+$0x0], $0xffff  }
0x25b: {  	v9 =	vadd.f32 v10, v9;
	v10 =	vmul.f32 v11, v17;
	_ =	sdelay $0x1  }
0x25c: {  	v9 =	vadd.f32 v10, v9;
	v10 =	vmul.f32 v14, v16;
	_ =	sdelay $0x1  }
0x25d: {  	v9 =	vadd.f32 v10, v9;
	v10 =	vmul.f32 v12, v13;
	_ =	sdelay $0x1  }
0x25e: {  	v9 =	vadd.f32 v10, v9;
	_ =	sdelay $0x1  }
0x25f: {  	v9 =	vmul.f32 $1.250000000e-01, v9;
	_ =	sdelay $0x1  }
0x260: {  	(xrf0) =	vmax.scan.msk.f32 $0xffff, v9;
	_ =	sdelay $0x5  }
0x261: {  	v10, _, _ =	vpop (xrf0)  }
0x262: {  	v10 =	vbroadcast v10, $0xF;
	_ =	sdelay $0x1  }
0x263: {  	v9 =	vsub.f32 v9, v10;
	_ =	sdelay $0x1  }
0x264: {  	v9 =	vmul.f32 $1.442695020e+00, v9;
	_ =	sdelay $0x1  }
0x265: {  	(erf) = vpow2.f32 v9;
	_ =	sdelay $0x8  }
0x266: {  	v9 =	vpop (erf)  }
0x267: {  	(xrf2) =	vadd.scan.msk.f32 $0xffff, v9;
	_ =	sdelay $0x9  }
0x268: {  	v10, _, _ =	vpop (xrf2)  }
0x269: {  	v10 =	vbroadcast v10, $0xF;
	_ =	sdelay $0x1  }
0x26a: {  	(erf) = vrcp.f32 v10;
	_ =	sdelay $0x5  }
0x26b: {  	s21 =	simm.s32 $0x240  }
0x26c: {  	v10 =	vmov s21  }
0x26d: {  	s22 =	simm.s32 $0x241;
	v10 =	vshrl.u32 v10, $0x3  }
0x26e: {  	v12 =	vmov s22;
	v10 =	vshll.u32 v10, v8;
	v11 =	vpop (erf)  }
0x26f: {  	s25 =	simm.s32 $0x242;
	s28 =	simm.s32 $0x243;
	v10 =	vbroadcast v10, $0x0;
	v11 =	vmul.f32 v11, v9;
	v9 =	vshrl.u32 v12, $0x3  }
0x270: {  	v15 =	vmov s28;
	v12 =	vmov s25;
	v13 =	vshll.u32 v9, v8  }
0x271: {  	v14 =	vor.u32 v0, v10;
	v12 =	vshrl.u32 v12, $0x3;
	v13 =	vbroadcast v13, $0x0  }
0x272: {  	s29 =	simm.s32 $0x244;
	v15 =	vshrl.u32 v15, $0x3;
	v12 =	vshll.u32 v12, v8  }
0x273: {  	v18 =	vbroadcast v12, $0x0;
	v12 =	vmov s29;
	v16 =	vor.u32 v1, v13  }
0x274: {  	s26 =	simm.s32 $0x246;
	[tilespmem:$0x8490] =	vst v11;
	v13 =	vor.u32 $0x1, v13;
	v11 =	vshrl.u32 v12, $0x3;
	v12 =	vshll.u32 v15, v8  }
0x275: {  	s30 =	simm.s32 $0x245;
	v17 =	vmov s26;
	v21 =	vor.u32 v2, v18;
	v20 =	vbroadcast v12, $0x0  }
0x276: {  	v14 =	vld.idx.msk [tilespmem:v14+s12+$0x0], $0xffff;
	v15 =	vmov s30;
	v11 =	vshll.u32 v11, v8;
	v19 =	vor.u32 $0x2, v18  }
0x277: {  	v12 =	vld.idx.msk [tilespmem:v10+s11+$0x0], $0xffff;
	v22 =	vbroadcast v11, $0x0;
	v11 =	vshrl.u32 v15, $0x3;
	v18 =	vor.u32 v3, v20  }
0x278: {  	v23 =	vshrl.u32 v17, $0x3;
	v11 =	vshll.u32 v11, v8;
	v10 =	vld.idx.msk [tilespmem:v16+s12+$0x0], $0xffff;
	v16 =	vor.u32 $0x3, v20  }
0x279: {  	s31 =	simm.s32 $0x247;
	v9 =	vimm.f32 $0.0e+00;
	v15 =	vor.u32 v4, v22;
	v13 =	vld.idx.msk [tilespmem:v13+s11+$0x0], $0xffff;
	v20 =	vbroadcast v11, $0x0  }
0x27a: {  	s21 =	simm.s32 $0x0;
	v17 =	vor.u32 $0x4, v22;
	v22 =	vmov s31;
	v11 =	vld.idx.msk [tilespmem:v21+s12+$0x0], $0xffff;
	v21 =	vshll.u32 v23, v8  }
.LBB2_21:
0x27b: {  	s23 =	sadd.s32 $0x24E, s21;
	v19 =	vld.idx.msk [tilespmem:v19+s11+$0x0], $0xffff;
	v23 =	vor.u32 v5, v20;
	v21 =	vbroadcast v21, $0x0;
	v22 =	vshrl.u32 v22, $0x3;
	s22 =	smov.u32 s21  }
0x27c: {  	v20 =	vor.u32 $0x5, v20;
	v24 =	vmov s23;
	v18 =	vld.idx.msk [tilespmem:v18+s12+$0x0], $0xffff;
	v22 =	vshll.u32 v22, v8  }
0x27d: {  	s24 =	sadd.s32 $0x24D, s21;
	s23 =	sadd.s32 $0x24C, s21;
	v12 =	vmul.f32 v12, v14;
	v14 =	vld.idx.msk [tilespmem:v16+s11+$0x0], $0xffff;
	v16 =	vor.u32 v6, v21;
	v22 =	vbroadcast v22, $0x0  }
0x27e: {  	v26 =	vmov s24;
	v25 =	vmov s23;
	v21 =	vor.u32 $0x6, v21;
	v15 =	vld.idx.msk [tilespmem:v15+s12+$0x0], $0xffff  }
0x27f: {  	s24 =	sadd.s32 $0x24B, s21;
	s23 =	sadd.s32 $0x24A, s21;
	v9 =	vadd.f32 v12, v9;
	v10 =	vmul.f32 v13, v10;
	v12 =	vld.idx.msk [tilespmem:v17+s11+$0x0], $0xffff;
	v13 =	vor.u32 v7, v22  }
0x280: {  	s25 =	sadd.s32 $0x249, s21;
	v27 =	vmov s24;
	v17 =	vmov s23;
	v22 =	vor.u32 $0x7, v22;
	v23 =	vld.idx.msk [tilespmem:v23+s12+$0x0], $0xffff  }
0x281: {  	v28 =	vmov s25;
	s21 =	sadd.s32 $0x8, s21;
	s23 =	sadd.s32 $0x248, s22;
	v9 =	vadd.f32 v10, v9;
	v10 =	vmul.f32 v19, v11;
	v11 =	vld.idx.msk [tilespmem:v20+s11+$0x0], $0xffff  }
0x282: {  	v25 =	vshrl.u32 v25, $0x3;
	p0 =	slt.u32 s21, $0x38;
	v19 =	vmov s23;
	v20 =	vshrl.u32 v28, $0x3;
	v16 =	vld.idx.msk [tilespmem:v16+s12+$0x0], $0xffff  }
0x283: {  	v19 =	vshrl.u32 v19, $0x3;
	v9 =	vadd.f32 v10, v9;
	v10 =	vmul.f32 v14, v18;
	v14 =	vld.idx.msk [tilespmem:v21+s11+$0x0], $0xffff  }
0x284: {  	v17 =	vshrl.u32 v17, $0x3;
	v18 =	vshll.u32 v19, v8;
	v19 =	vshll.u32 v20, v8;
	v13 =	vld.idx.msk [tilespmem:v13+s12+$0x0], $0xffff  }
0x285: {  	v18 =	vbroadcast v18, $0x0;
	v9 =	vadd.f32 v10, v9;
	v10 =	vmul.f32 v12, v15;
	v15 =	vld.idx.msk [tilespmem:v22+s11+$0x0], $0xffff  }
0x286: {  	v17 =	vshll.u32 v17, v8;
	v12 =	vbroadcast v19, $0x0;
	v19 =	vshrl.u32 v27, $0x3  }
0x287: {  	v20 =	vor.u32 v0, v18;
	v9 =	vadd.f32 v10, v9;
	v10 =	vmul.f32 v11, v23  }
0x288: {  	v17 =	vbroadcast v17, $0x0;
	v19 =	vshll.u32 v19, v8;
	v11 =	vor.u32 v1, v12  }
0x289: {  	v21 =	vor.u32 $0x1, v12;
	v9 =	vadd.f32 v10, v9;
	v10 =	vmul.f32 v14, v16  }
0x28a: {  	v22 =	vor.u32 v2, v17;
	v23 =	vshll.u32 v25, v8;
	v16 =	vbroadcast v19, $0x0  }
.Ltmp9:
0x28b: {  	v19 =	vor.u32 $0x2, v17;
	v9 =	vadd.f32 v10, v9;
	v13 =	vmul.f32 v15, v13;
	v12 =	vld.idx.msk [tilespmem:v18+s11+$0x0], $0xffff;
	(pc) =	sbr.rel @p0 .LBB2_21-.Ltmp9, $4  }
0x28c: {  	v17 =	vbroadcast v23, $0x0;
	v15 =	vshrl.u32 v26, $0x3;
	v18 =	vor.u32 v3, v16;
	v14 =	vld.idx.msk [tilespmem:v20+s12+$0x0], $0xffff  }
0x28d: {  	v16 =	vor.u32 $0x3, v16;
	v9 =	vadd.f32 v13, v9;
	v10 =	vld.idx.msk [tilespmem:v11+s12+$0x0], $0xffff;
	v11 =	vshll.u32 v15, v8  }
0x28e: {  	s22 =	sadd.s32 $0x24F, s22;
	v15 =	vor.u32 v4, v17;
	v13 =	vld.idx.msk [tilespmem:v21+s11+$0x0], $0xffff;
	v20 =	vbroadcast v11, $0x0;
	v21 =	vshrl.u32 v24, $0x3  }
0x28f: {  	v17 =	vor.u32 $0x4, v17;
	v11 =	vld.idx.msk [tilespmem:v22+s12+$0x0], $0xffff;
	v21 =	vshll.u32 v21, v8;
	v22 =	vmov s22  }
0x290: {  	_ =	sdelay $0x3  }
0x291: {  	v19 =	vld.idx.msk [tilespmem:v19+s11+$0x0], $0xffff;
	v23 =	vor.u32 v5, v20;
	v21 =	vbroadcast v21, $0x0;
	v22 =	vshrl.u32 v22, $0x3  }
0x292: {  	v18 =	vld.idx.msk [tilespmem:v18+s12+$0x0], $0xffff;
	v20 =	vor.u32 $0x5, v20;
	v22 =	vshll.u32 v22, v8;
	v12 =	vmul.f32 v12, v14  }
0x293: {  	v14 =	vld.idx.msk [tilespmem:v16+s11+$0x0], $0xffff;
	v16 =	vor.u32 v6, v21;
	v22 =	vbroadcast v22, $0x0  }
0x294: {  	v15 =	vld.idx.msk [tilespmem:v15+s12+$0x0], $0xffff;
	v21 =	vor.u32 $0x6, v21;
	v9 =	vadd.f32 v12, v9;
	v10 =	vmul.f32 v13, v10  }
0x295: {  	v12 =	vld.idx.msk [tilespmem:v17+s11+$0x0], $0xffff;
	v13 =	vor.u32 v7, v22  }
0x296: {  	v22 =	vor.u32 $0x7, v22;
	v17 =	vld.idx.msk [tilespmem:v23+s12+$0x0], $0xffff;
	v9 =	vadd.f32 v10, v9;
	v10 =	vmul.f32 v19, v11  }
0x297: {  	v11 =	vld.idx.msk [tilespmem:v20+s11+$0x0], $0xffff  }
0x298: {  	v16 =	vld.idx.msk [tilespmem:v16+s12+$0x0], $0xffff;
	v9 =	vadd.f32 v10, v9;
	v10 =	vmul.f32 v14, v18  }
0x299: {  	v14 =	vld.idx.msk [tilespmem:v21+s11+$0x0], $0xffff  }
0x29a: {  	v13 =	vld.idx.msk [tilespmem:v13+s12+$0x0], $0xffff;
	v9 =	vadd.f32 v10, v9;
	v10 =	vmul.f32 v12, v15  }
0x29b: {  	v12 =	vld.idx.msk [tilespmem:v22+s11+$0x0], $0xffff  }
0x29c: {  	v9 =	vadd.f32 v10, v9;
	v10 =	vmul.f32 v11, v17;
	_ =	sdelay $0x1  }
0x29d: {  	v9 =	vadd.f32 v10, v9;
	v10 =	vmul.f32 v14, v16;
	_ =	sdelay $0x1  }
0x29e: {  	v9 =	vadd.f32 v10, v9;
	v10 =	vmul.f32 v12, v13;
	_ =	sdelay $0x1  }
0x29f: {  	v9 =	vadd.f32 v10, v9;
	_ =	sdelay $0x1  }
0x2a0: {  	v9 =	vmul.f32 $1.250000000e-01, v9;
	_ =	sdelay $0x1  }
0x2a1: {  	(xrf0) =	vmax.scan.msk.f32 $0xffff, v9;
	_ =	sdelay $0x5  }
0x2a2: {  	v10, _, _ =	vpop (xrf0)  }
0x2a3: {  	v10 =	vbroadcast v10, $0xF;
	_ =	sdelay $0x1  }
0x2a4: {  	v9 =	vsub.f32 v9, v10;
	_ =	sdelay $0x1  }
0x2a5: {  	v9 =	vmul.f32 $1.442695020e+00, v9;
	_ =	sdelay $0x1  }
0x2a6: {  	(erf) = vpow2.f32 v9;
	_ =	sdelay $0x8  }
0x2a7: {  	v9 =	vpop (erf)  }
0x2a8: {  	(xrf2) =	vadd.scan.msk.f32 $0xffff, v9;
	_ =	sdelay $0x9  }
0x2a9: {  	v10, _, _ =	vpop (xrf2)  }
0x2aa: {  	v10 =	vbroadcast v10, $0xF;
	_ =	sdelay $0x1  }
0x2ab: {  	(erf) = vrcp.f32 v10;
	_ =	sdelay $0x5  }
0x2ac: {  	s21 =	simm.s32 $0x280  }
0x2ad: {  	v10 =	vmov s21  }
0x2ae: {  	s22 =	simm.s32 $0x281;
	v10 =	vshrl.u32 v10, $0x3  }
0x2af: {  	v12 =	vmov s22;
	v10 =	vshll.u32 v10, v8;
	v11 =	vpop (erf)  }
0x2b0: {  	s25 =	simm.s32 $0x282;
	s28 =	simm.s32 $0x283;
	v10 =	vbroadcast v10, $0x0;
	v11 =	vmul.f32 v11, v9;
	v9 =	vshrl.u32 v12, $0x3  }
0x2b1: {  	v15 =	vmov s28;
	v12 =	vmov s25;
	v13 =	vshll.u32 v9, v8  }
0x2b2: {  	v14 =	vor.u32 v0, v10;
	v12 =	vshrl.u32 v12, $0x3;
	v13 =	vbroadcast v13, $0x0  }
0x2b3: {  	s29 =	simm.s32 $0x284;
	v15 =	vshrl.u32 v15, $0x3;
	v12 =	vshll.u32 v12, v8  }
0x2b4: {  	v18 =	vbroadcast v12, $0x0;
	v12 =	vmov s29;
	v16 =	vor.u32 v1, v13  }
0x2b5: {  	s26 =	simm.s32 $0x286;
	[tilespmem:$0x84A0] =	vst v11;
	v13 =	vor.u32 $0x1, v13;
	v11 =	vshrl.u32 v12, $0x3;
	v12 =	vshll.u32 v15, v8  }
0x2b6: {  	s30 =	simm.s32 $0x285;
	v17 =	vmov s26;
	v21 =	vor.u32 v2, v18;
	v20 =	vbroadcast v12, $0x0  }
0x2b7: {  	v14 =	vld.idx.msk [tilespmem:v14+s12+$0x0], $0xffff;
	v15 =	vmov s30;
	v11 =	vshll.u32 v11, v8;
	v19 =	vor.u32 $0x2, v18  }
0x2b8: {  	v12 =	vld.idx.msk [tilespmem:v10+s11+$0x0], $0xffff;
	v22 =	vbroadcast v11, $0x0;
	v11 =	vshrl.u32 v15, $0x3;
	v18 =	vor.u32 v3, v20  }
0x2b9: {  	v23 =	vshrl.u32 v17, $0x3;
	v11 =	vshll.u32 v11, v8;
	v10 =	vld.idx.msk [tilespmem:v16+s12+$0x0], $0xffff;
	v16 =	vor.u32 $0x3, v20  }
0x2ba: {  	s31 =	simm.s32 $0x287;
	v9 =	vimm.f32 $0.0e+00;
	v15 =	vor.u32 v4, v22;
	v13 =	vld.idx.msk [tilespmem:v13+s11+$0x0], $0xffff;
	v20 =	vbroadcast v11, $0x0  }
0x2bb: {  	s21 =	simm.s32 $0x0;
	v17 =	vor.u32 $0x4, v22;
	v22 =	vmov s31;
	v11 =	vld.idx.msk [tilespmem:v21+s12+$0x0], $0xffff;
	v21 =	vshll.u32 v23, v8  }
.LBB2_23:
0x2bc: {  	s23 =	sadd.s32 $0x28E, s21;
	v19 =	vld.idx.msk [tilespmem:v19+s11+$0x0], $0xffff;
	v23 =	vor.u32 v5, v20;
	v21 =	vbroadcast v21, $0x0;
	v22 =	vshrl.u32 v22, $0x3;
	s22 =	smov.u32 s21  }
0x2bd: {  	v20 =	vor.u32 $0x5, v20;
	v24 =	vmov s23;
	v18 =	vld.idx.msk [tilespmem:v18+s12+$0x0], $0xffff;
	v22 =	vshll.u32 v22, v8  }
0x2be: {  	s24 =	sadd.s32 $0x28D, s21;
	s23 =	sadd.s32 $0x28C, s21;
	v12 =	vmul.f32 v12, v14;
	v14 =	vld.idx.msk [tilespmem:v16+s11+$0x0], $0xffff;
	v16 =	vor.u32 v6, v21;
	v22 =	vbroadcast v22, $0x0  }
0x2bf: {  	v26 =	vmov s24;
	v25 =	vmov s23;
	v21 =	vor.u32 $0x6, v21;
	v15 =	vld.idx.msk [tilespmem:v15+s12+$0x0], $0xffff  }
0x2c0: {  	s24 =	sadd.s32 $0x28B, s21;
	s23 =	sadd.s32 $0x28A, s21;
	v9 =	vadd.f32 v12, v9;
	v10 =	vmul.f32 v13, v10;
	v12 =	vld.idx.msk [tilespmem:v17+s11+$0x0], $0xffff;
	v13 =	vor.u32 v7, v22  }
0x2c1: {  	s25 =	sadd.s32 $0x289, s21;
	v27 =	vmov s24;
	v17 =	vmov s23;
	v22 =	vor.u32 $0x7, v22;
	v23 =	vld.idx.msk [tilespmem:v23+s12+$0x0], $0xffff  }
0x2c2: {  	v28 =	vmov s25;
	s21 =	sadd.s32 $0x8, s21;
	s23 =	sadd.s32 $0x288, s22;
	v9 =	vadd.f32 v10, v9;
	v10 =	vmul.f32 v19, v11;
	v11 =	vld.idx.msk [tilespmem:v20+s11+$0x0], $0xffff  }
0x2c3: {  	v25 =	vshrl.u32 v25, $0x3;
	p0 =	slt.u32 s21, $0x38;
	v19 =	vmov s23;
	v20 =	vshrl.u32 v28, $0x3;
	v16 =	vld.idx.msk [tilespmem:v16+s12+$0x0], $0xffff  }
0x2c4: {  	v19 =	vshrl.u32 v19, $0x3;
	v9 =	vadd.f32 v10, v9;
	v10 =	vmul.f32 v14, v18;
	v14 =	vld.idx.msk [tilespmem:v21+s11+$0x0], $0xffff  }
0x2c5: {  	v17 =	vshrl.u32 v17, $0x3;
	v18 =	vshll.u32 v19, v8;
	v19 =	vshll.u32 v20, v8;
	v13 =	vld.idx.msk [tilespmem:v13+s12+$0x0], $0xffff  }
0x2c6: {  	v18 =	vbroadcast v18, $0x0;
	v9 =	vadd.f32 v10, v9;
	v10 =	vmul.f32 v12, v15;
	v15 =	vld.idx.msk [tilespmem:v22+s11+$0x0], $0xffff  }
0x2c7: {  	v17 =	vshll.u32 v17, v8;
	v12 =	vbroadcast v19, $0x0;
	v19 =	vshrl.u32 v27, $0x3  }
0x2c8: {  	v20 =	vor.u32 v0, v18;
	v9 =	vadd.f32 v10, v9;
	v10 =	vmul.f32 v11, v23  }
0x2c9: {  	v17 =	vbroadcast v17, $0x0;
	v19 =	vshll.u32 v19, v8;
	v11 =	vor.u32 v1, v12  }
0x2ca: {  	v21 =	vor.u32 $0x1, v12;
	v9 =	vadd.f32 v10, v9;
	v10 =	vmul.f32 v14, v16  }
0x2cb: {  	v22 =	vor.u32 v2, v17;
	v23 =	vshll.u32 v25, v8;
	v16 =	vbroadcast v19, $0x0  }
.Ltmp10:
0x2cc: {  	v19 =	vor.u32 $0x2, v17;
	v9 =	vadd.f32 v10, v9;
	v13 =	vmul.f32 v15, v13;
	v12 =	vld.idx.msk [tilespmem:v18+s11+$0x0], $0xffff;
	(pc) =	sbr.rel @p0 .LBB2_23-.Ltmp10, $4  }
0x2cd: {  	v17 =	vbroadcast v23, $0x0;
	v15 =	vshrl.u32 v26, $0x3;
	v18 =	vor.u32 v3, v16;
	v14 =	vld.idx.msk [tilespmem:v20+s12+$0x0], $0xffff  }
0x2ce: {  	v16 =	vor.u32 $0x3, v16;
	v9 =	vadd.f32 v13, v9;
	v10 =	vld.idx.msk [tilespmem:v11+s12+$0x0], $0xffff;
	v11 =	vshll.u32 v15, v8  }
0x2cf: {  	s22 =	sadd.s32 $0x28F, s22;
	v15 =	vor.u32 v4, v17;
	v13 =	vld.idx.msk [tilespmem:v21+s11+$0x0], $0xffff;
	v20 =	vbroadcast v11, $0x0;
	v21 =	vshrl.u32 v24, $0x3  }
0x2d0: {  	v17 =	vor.u32 $0x4, v17;
	v11 =	vld.idx.msk [tilespmem:v22+s12+$0x0], $0xffff;
	v21 =	vshll.u32 v21, v8;
	v22 =	vmov s22  }
0x2d1: {  	_ =	sdelay $0x3  }
0x2d2: {  	v19 =	vld.idx.msk [tilespmem:v19+s11+$0x0], $0xffff;
	v23 =	vor.u32 v5, v20;
	v21 =	vbroadcast v21, $0x0;
	v22 =	vshrl.u32 v22, $0x3  }
0x2d3: {  	v18 =	vld.idx.msk [tilespmem:v18+s12+$0x0], $0xffff;
	v20 =	vor.u32 $0x5, v20;
	v22 =	vshll.u32 v22, v8;
	v12 =	vmul.f32 v12, v14  }
0x2d4: {  	v14 =	vld.idx.msk [tilespmem:v16+s11+$0x0], $0xffff;
	v16 =	vor.u32 v6, v21;
	v22 =	vbroadcast v22, $0x0  }
0x2d5: {  	v15 =	vld.idx.msk [tilespmem:v15+s12+$0x0], $0xffff;
	v21 =	vor.u32 $0x6, v21;
	v9 =	vadd.f32 v12, v9;
	v10 =	vmul.f32 v13, v10  }
0x2d6: {  	v12 =	vld.idx.msk [tilespmem:v17+s11+$0x0], $0xffff;
	v13 =	vor.u32 v7, v22  }
0x2d7: {  	v22 =	vor.u32 $0x7, v22;
	v17 =	vld.idx.msk [tilespmem:v23+s12+$0x0], $0xffff;
	v9 =	vadd.f32 v10, v9;
	v10 =	vmul.f32 v19, v11  }
0x2d8: {  	v11 =	vld.idx.msk [tilespmem:v20+s11+$0x0], $0xffff  }
0x2d9: {  	v16 =	vld.idx.msk [tilespmem:v16+s12+$0x0], $0xffff;
	v9 =	vadd.f32 v10, v9;
	v10 =	vmul.f32 v14, v18  }
0x2da: {  	v14 =	vld.idx.msk [tilespmem:v21+s11+$0x0], $0xffff  }
0x2db: {  	v13 =	vld.idx.msk [tilespmem:v13+s12+$0x0], $0xffff;
	v9 =	vadd.f32 v10, v9;
	v10 =	vmul.f32 v12, v15  }
0x2dc: {  	v12 =	vld.idx.msk [tilespmem:v22+s11+$0x0], $0xffff  }
0x2dd: {  	v9 =	vadd.f32 v10, v9;
	v10 =	vmul.f32 v11, v17;
	_ =	sdelay $0x1  }
0x2de: {  	v9 =	vadd.f32 v10, v9;
	v10 =	vmul.f32 v14, v16;
	_ =	sdelay $0x1  }
0x2df: {  	v9 =	vadd.f32 v10, v9;
	v10 =	vmul.f32 v12, v13;
	_ =	sdelay $0x1  }
0x2e0: {  	v9 =	vadd.f32 v10, v9;
	_ =	sdelay $0x1  }
0x2e1: {  	v9 =	vmul.f32 $1.250000000e-01, v9;
	_ =	sdelay $0x1  }
0x2e2: {  	(xrf0) =	vmax.scan.msk.f32 $0xffff, v9;
	_ =	sdelay $0x5  }
0x2e3: {  	v10, _, _ =	vpop (xrf0)  }
0x2e4: {  	v10 =	vbroadcast v10, $0xF;
	_ =	sdelay $0x1  }
0x2e5: {  	v9 =	vsub.f32 v9, v10;
	_ =	sdelay $0x1  }
0x2e6: {  	v9 =	vmul.f32 $1.442695020e+00, v9;
	_ =	sdelay $0x1  }
0x2e7: {  	(erf) = vpow2.f32 v9;
	_ =	sdelay $0x8  }
0x2e8: {  	v9 =	vpop (erf)  }
0x2e9: {  	(xrf2) =	vadd.scan.msk.f32 $0xffff, v9;
	_ =	sdelay $0x9  }
0x2ea: {  	v10, _, _ =	vpop (xrf2)  }
0x2eb: {  	v10 =	vbroadcast v10, $0xF;
	_ =	sdelay $0x1  }
0x2ec: {  	(erf) = vrcp.f32 v10;
	_ =	sdelay $0x5  }
0x2ed: {  	s21 =	simm.s32 $0x2C0  }
0x2ee: {  	v10 =	vmov s21  }
0x2ef: {  	s22 =	simm.s32 $0x2C1;
	v10 =	vshrl.u32 v10, $0x3  }
0x2f0: {  	v12 =	vmov s22;
	v10 =	vshll.u32 v10, v8;
	v11 =	vpop (erf)  }
0x2f1: {  	s25 =	simm.s32 $0x2C2;
	s28 =	simm.s32 $0x2C3;
	v10 =	vbroadcast v10, $0x0;
	v11 =	vmul.f32 v11, v9;
	v9 =	vshrl.u32 v12, $0x3  }
0x2f2: {  	v15 =	vmov s28;
	v12 =	vmov s25;
	v13 =	vshll.u32 v9, v8  }
0x2f3: {  	v14 =	vor.u32 v0, v10;
	v12 =	vshrl.u32 v12, $0x3;
	v13 =	vbroadcast v13, $0x0  }
0x2f4: {  	s29 =	simm.s32 $0x2C4;
	v15 =	vshrl.u32 v15, $0x3;
	v12 =	vshll.u32 v12, v8  }
0x2f5: {  	v18 =	vbroadcast v12, $0x0;
	v12 =	vmov s29;
	v16 =	vor.u32 v1, v13  }
0x2f6: {  	s26 =	simm.s32 $0x2C6;
	[tilespmem:$0x84B0] =	vst v11;
	v13 =	vor.u32 $0x1, v13;
	v11 =	vshrl.u32 v12, $0x3;
	v12 =	vshll.u32 v15, v8  }
0x2f7: {  	s30 =	simm.s32 $0x2C5;
	v17 =	vmov s26;
	v21 =	vor.u32 v2, v18;
	v20 =	vbroadcast v12, $0x0  }
0x2f8: {  	v14 =	vld.idx.msk [tilespmem:v14+s12+$0x0], $0xffff;
	v15 =	vmov s30;
	v11 =	vshll.u32 v11, v8;
	v19 =	vor.u32 $0x2, v18  }
0x2f9: {  	v12 =	vld.idx.msk [tilespmem:v10+s11+$0x0], $0xffff;
	v22 =	vbroadcast v11, $0x0;
	v11 =	vshrl.u32 v15, $0x3;
	v18 =	vor.u32 v3, v20  }
0x2fa: {  	v23 =	vshrl.u32 v17, $0x3;
	v11 =	vshll.u32 v11, v8;
	v10 =	vld.idx.msk [tilespmem:v16+s12+$0x0], $0xffff;
	v16 =	vor.u32 $0x3, v20  }
0x2fb: {  	s31 =	simm.s32 $0x2C7;
	v9 =	vimm.f32 $0.0e+00;
	v15 =	vor.u32 v4, v22;
	v13 =	vld.idx.msk [tilespmem:v13+s11+$0x0], $0xffff;
	v20 =	vbroadcast v11, $0x0  }
0x2fc: {  	s21 =	simm.s32 $0x0;
	v17 =	vor.u32 $0x4, v22;
	v22 =	vmov s31;
	v11 =	vld.idx.msk [tilespmem:v21+s12+$0x0], $0xffff;
	v21 =	vshll.u32 v23, v8  }
.LBB2_25:
0x2fd: {  	s23 =	sadd.s32 $0x2CE, s21;
	v19 =	vld.idx.msk [tilespmem:v19+s11+$0x0], $0xffff;
	v23 =	vor.u32 v5, v20;
	v21 =	vbroadcast v21, $0x0;
	v22 =	vshrl.u32 v22, $0x3;
	s22 =	smov.u32 s21  }
0x2fe: {  	v20 =	vor.u32 $0x5, v20;
	v24 =	vmov s23;
	v18 =	vld.idx.msk [tilespmem:v18+s12+$0x0], $0xffff;
	v22 =	vshll.u32 v22, v8  }
0x2ff: {  	s24 =	sadd.s32 $0x2CD, s21;
	s23 =	sadd.s32 $0x2CC, s21;
	v12 =	vmul.f32 v12, v14;
	v14 =	vld.idx.msk [tilespmem:v16+s11+$0x0], $0xffff;
	v16 =	vor.u32 v6, v21;
	v22 =	vbroadcast v22, $0x0  }
0x300: {  	v26 =	vmov s24;
	v25 =	vmov s23;
	v21 =	vor.u32 $0x6, v21;
	v15 =	vld.idx.msk [tilespmem:v15+s12+$0x0], $0xffff  }
0x301: {  	s24 =	sadd.s32 $0x2CB, s21;
	s23 =	sadd.s32 $0x2CA, s21;
	v9 =	vadd.f32 v12, v9;
	v10 =	vmul.f32 v13, v10;
	v12 =	vld.idx.msk [tilespmem:v17+s11+$0x0], $0xffff;
	v13 =	vor.u32 v7, v22  }
0x302: {  	s25 =	sadd.s32 $0x2C9, s21;
	v27 =	vmov s24;
	v17 =	vmov s23;
	v22 =	vor.u32 $0x7, v22;
	v23 =	vld.idx.msk [tilespmem:v23+s12+$0x0], $0xffff  }
0x303: {  	v28 =	vmov s25;
	s21 =	sadd.s32 $0x8, s21;
	s23 =	sadd.s32 $0x2C8, s22;
	v9 =	vadd.f32 v10, v9;
	v10 =	vmul.f32 v19, v11;
	v11 =	vld.idx.msk [tilespmem:v20+s11+$0x0], $0xffff  }
0x304: {  	v25 =	vshrl.u32 v25, $0x3;
	p0 =	slt.u32 s21, $0x38;
	v19 =	vmov s23;
	v20 =	vshrl.u32 v28, $0x3;
	v16 =	vld.idx.msk [tilespmem:v16+s12+$0x0], $0xffff  }
0x305: {  	v19 =	vshrl.u32 v19, $0x3;
	v9 =	vadd.f32 v10, v9;
	v10 =	vmul.f32 v14, v18;
	v14 =	vld.idx.msk [tilespmem:v21+s11+$0x0], $0xffff  }
0x306: {  	v17 =	vshrl.u32 v17, $0x3;
	v18 =	vshll.u32 v19, v8;
	v19 =	vshll.u32 v20, v8;
	v13 =	vld.idx.msk [tilespmem:v13+s12+$0x0], $0xffff  }
0x307: {  	v18 =	vbroadcast v18, $0x0;
	v9 =	vadd.f32 v10, v9;
	v10 =	vmul.f32 v12, v15;
	v15 =	vld.idx.msk [tilespmem:v22+s11+$0x0], $0xffff  }
0x308: {  	v17 =	vshll.u32 v17, v8;
	v12 =	vbroadcast v19, $0x0;
	v19 =	vshrl.u32 v27, $0x3  }
0x309: {  	v20 =	vor.u32 v0, v18;
	v9 =	vadd.f32 v10, v9;
	v10 =	vmul.f32 v11, v23  }
0x30a: {  	v17 =	vbroadcast v17, $0x0;
	v19 =	vshll.u32 v19, v8;
	v11 =	vor.u32 v1, v12  }
0x30b: {  	v21 =	vor.u32 $0x1, v12;
	v9 =	vadd.f32 v10, v9;
	v10 =	vmul.f32 v14, v16  }
0x30c: {  	v22 =	vor.u32 v2, v17;
	v23 =	vshll.u32 v25, v8;
	v16 =	vbroadcast v19, $0x0  }
.Ltmp11:
0x30d: {  	v19 =	vor.u32 $0x2, v17;
	v9 =	vadd.f32 v10, v9;
	v13 =	vmul.f32 v15, v13;
	v12 =	vld.idx.msk [tilespmem:v18+s11+$0x0], $0xffff;
	(pc) =	sbr.rel @p0 .LBB2_25-.Ltmp11, $4  }
0x30e: {  	v17 =	vbroadcast v23, $0x0;
	v15 =	vshrl.u32 v26, $0x3;
	v18 =	vor.u32 v3, v16;
	v14 =	vld.idx.msk [tilespmem:v20+s12+$0x0], $0xffff  }
0x30f: {  	v16 =	vor.u32 $0x3, v16;
	v9 =	vadd.f32 v13, v9;
	v10 =	vld.idx.msk [tilespmem:v11+s12+$0x0], $0xffff;
	v11 =	vshll.u32 v15, v8  }
0x310: {  	s22 =	sadd.s32 $0x2CF, s22;
	v15 =	vor.u32 v4, v17;
	v13 =	vld.idx.msk [tilespmem:v21+s11+$0x0], $0xffff;
	v20 =	vbroadcast v11, $0x0;
	v21 =	vshrl.u32 v24, $0x3  }
0x311: {  	v17 =	vor.u32 $0x4, v17;
	v11 =	vld.idx.msk [tilespmem:v22+s12+$0x0], $0xffff;
	v21 =	vshll.u32 v21, v8;
	v22 =	vmov s22  }
0x312: {  	_ =	sdelay $0x3  }
0x313: {  	v19 =	vld.idx.msk [tilespmem:v19+s11+$0x0], $0xffff;
	v23 =	vor.u32 v5, v20;
	v21 =	vbroadcast v21, $0x0;
	v22 =	vshrl.u32 v22, $0x3  }
0x314: {  	v18 =	vld.idx.msk [tilespmem:v18+s12+$0x0], $0xffff;
	v20 =	vor.u32 $0x5, v20;
	v22 =	vshll.u32 v22, v8;
	v12 =	vmul.f32 v12, v14  }
0x315: {  	v14 =	vld.idx.msk [tilespmem:v16+s11+$0x0], $0xffff;
	v16 =	vor.u32 v6, v21;
	v22 =	vbroadcast v22, $0x0  }
0x316: {  	v15 =	vld.idx.msk [tilespmem:v15+s12+$0x0], $0xffff;
	v21 =	vor.u32 $0x6, v21;
	v9 =	vadd.f32 v12, v9;
	v10 =	vmul.f32 v13, v10  }
0x317: {  	v12 =	vld.idx.msk [tilespmem:v17+s11+$0x0], $0xffff;
	v13 =	vor.u32 v7, v22  }
0x318: {  	v22 =	vor.u32 $0x7, v22;
	v17 =	vld.idx.msk [tilespmem:v23+s12+$0x0], $0xffff;
	v9 =	vadd.f32 v10, v9;
	v10 =	vmul.f32 v19, v11  }
0x319: {  	v11 =	vld.idx.msk [tilespmem:v20+s11+$0x0], $0xffff  }
0x31a: {  	v16 =	vld.idx.msk [tilespmem:v16+s12+$0x0], $0xffff;
	v9 =	vadd.f32 v10, v9;
	v10 =	vmul.f32 v14, v18  }
0x31b: {  	v14 =	vld.idx.msk [tilespmem:v21+s11+$0x0], $0xffff  }
0x31c: {  	v13 =	vld.idx.msk [tilespmem:v13+s12+$0x0], $0xffff;
	v9 =	vadd.f32 v10, v9;
	v10 =	vmul.f32 v12, v15  }
0x31d: {  	v12 =	vld.idx.msk [tilespmem:v22+s11+$0x0], $0xffff  }
0x31e: {  	v9 =	vadd.f32 v10, v9;
	v10 =	vmul.f32 v11, v17;
	_ =	sdelay $0x1  }
0x31f: {  	v9 =	vadd.f32 v10, v9;
	v10 =	vmul.f32 v14, v16;
	_ =	sdelay $0x1  }
0x320: {  	v9 =	vadd.f32 v10, v9;
	v10 =	vmul.f32 v12, v13;
	_ =	sdelay $0x1  }
0x321: {  	v9 =	vadd.f32 v10, v9;
	_ =	sdelay $0x1  }
0x322: {  	v9 =	vmul.f32 $1.250000000e-01, v9;
	_ =	sdelay $0x1  }
0x323: {  	(xrf0) =	vmax.scan.msk.f32 $0xffff, v9;
	_ =	sdelay $0x5  }
0x324: {  	v10, _, _ =	vpop (xrf0)  }
0x325: {  	v10 =	vbroadcast v10, $0xF;
	_ =	sdelay $0x1  }
0x326: {  	v9 =	vsub.f32 v9, v10;
	_ =	sdelay $0x1  }
0x327: {  	v9 =	vmul.f32 $1.442695020e+00, v9;
	_ =	sdelay $0x1  }
0x328: {  	(erf) = vpow2.f32 v9;
	_ =	sdelay $0x8  }
0x329: {  	v9 =	vpop (erf)  }
0x32a: {  	(xrf2) =	vadd.scan.msk.f32 $0xffff, v9;
	_ =	sdelay $0x9  }
0x32b: {  	v10, _, _ =	vpop (xrf2)  }
0x32c: {  	v10 =	vbroadcast v10, $0xF;
	_ =	sdelay $0x1  }
0x32d: {  	(erf) = vrcp.f32 v10;
	_ =	sdelay $0x5  }
0x32e: {  	s21 =	simm.s32 $0x300  }
0x32f: {  	v10 =	vmov s21  }
0x330: {  	s22 =	simm.s32 $0x301;
	v10 =	vshrl.u32 v10, $0x3  }
0x331: {  	v12 =	vmov s22;
	v10 =	vshll.u32 v10, v8;
	v11 =	vpop (erf)  }
0x332: {  	s25 =	simm.s32 $0x302;
	s28 =	simm.s32 $0x303;
	v10 =	vbroadcast v10, $0x0;
	v11 =	vmul.f32 v11, v9;
	v9 =	vshrl.u32 v12, $0x3  }
0x333: {  	v15 =	vmov s28;
	v12 =	vmov s25;
	v13 =	vshll.u32 v9, v8  }
0x334: {  	v14 =	vor.u32 v0, v10;
	v12 =	vshrl.u32 v12, $0x3;
	v13 =	vbroadcast v13, $0x0  }
0x335: {  	s29 =	simm.s32 $0x304;
	v15 =	vshrl.u32 v15, $0x3;
	v12 =	vshll.u32 v12, v8  }
0x336: {  	v18 =	vbroadcast v12, $0x0;
	v12 =	vmov s29;
	v16 =	vor.u32 v1, v13  }
0x337: {  	s26 =	simm.s32 $0x306;
	[tilespmem:$0x84C0] =	vst v11;
	v13 =	vor.u32 $0x1, v13;
	v11 =	vshrl.u32 v12, $0x3;
	v12 =	vshll.u32 v15, v8  }
0x338: {  	s30 =	simm.s32 $0x305;
	v17 =	vmov s26;
	v21 =	vor.u32 v2, v18;
	v20 =	vbroadcast v12, $0x0  }
0x339: {  	v14 =	vld.idx.msk [tilespmem:v14+s12+$0x0], $0xffff;
	v15 =	vmov s30;
	v11 =	vshll.u32 v11, v8;
	v19 =	vor.u32 $0x2, v18  }
0x33a: {  	v12 =	vld.idx.msk [tilespmem:v10+s11+$0x0], $0xffff;
	v22 =	vbroadcast v11, $0x0;
	v11 =	vshrl.u32 v15, $0x3;
	v18 =	vor.u32 v3, v20  }
0x33b: {  	v23 =	vshrl.u32 v17, $0x3;
	v11 =	vshll.u32 v11, v8;
	v10 =	vld.idx.msk [tilespmem:v16+s12+$0x0], $0xffff;
	v16 =	vor.u32 $0x3, v20  }
0x33c: {  	s31 =	simm.s32 $0x307;
	v9 =	vimm.f32 $0.0e+00;
	v15 =	vor.u32 v4, v22;
	v13 =	vld.idx.msk [tilespmem:v13+s11+$0x0], $0xffff;
	v20 =	vbroadcast v11, $0x0  }
0x33d: {  	s21 =	simm.s32 $0x0;
	v17 =	vor.u32 $0x4, v22;
	v22 =	vmov s31;
	v11 =	vld.idx.msk [tilespmem:v21+s12+$0x0], $0xffff;
	v21 =	vshll.u32 v23, v8  }
.LBB2_27:
0x33e: {  	s23 =	sadd.s32 $0x30E, s21;
	v19 =	vld.idx.msk [tilespmem:v19+s11+$0x0], $0xffff;
	v23 =	vor.u32 v5, v20;
	v21 =	vbroadcast v21, $0x0;
	v22 =	vshrl.u32 v22, $0x3;
	s22 =	smov.u32 s21  }
0x33f: {  	v20 =	vor.u32 $0x5, v20;
	v24 =	vmov s23;
	v18 =	vld.idx.msk [tilespmem:v18+s12+$0x0], $0xffff;
	v22 =	vshll.u32 v22, v8  }
0x340: {  	s24 =	sadd.s32 $0x30D, s21;
	s23 =	sadd.s32 $0x30C, s21;
	v12 =	vmul.f32 v12, v14;
	v14 =	vld.idx.msk [tilespmem:v16+s11+$0x0], $0xffff;
	v16 =	vor.u32 v6, v21;
	v22 =	vbroadcast v22, $0x0  }
0x341: {  	v26 =	vmov s24;
	v25 =	vmov s23;
	v21 =	vor.u32 $0x6, v21;
	v15 =	vld.idx.msk [tilespmem:v15+s12+$0x0], $0xffff  }
0x342: {  	s24 =	sadd.s32 $0x30B, s21;
	s23 =	sadd.s32 $0x30A, s21;
	v9 =	vadd.f32 v12, v9;
	v10 =	vmul.f32 v13, v10;
	v12 =	vld.idx.msk [tilespmem:v17+s11+$0x0], $0xffff;
	v13 =	vor.u32 v7, v22  }
0x343: {  	s25 =	sadd.s32 $0x309, s21;
	v27 =	vmov s24;
	v17 =	vmov s23;
	v22 =	vor.u32 $0x7, v22;
	v23 =	vld.idx.msk [tilespmem:v23+s12+$0x0], $0xffff  }
0x344: {  	v28 =	vmov s25;
	s21 =	sadd.s32 $0x8, s21;
	s23 =	sadd.s32 $0x308, s22;
	v9 =	vadd.f32 v10, v9;
	v10 =	vmul.f32 v19, v11;
	v11 =	vld.idx.msk [tilespmem:v20+s11+$0x0], $0xffff  }
0x345: {  	v25 =	vshrl.u32 v25, $0x3;
	p0 =	slt.u32 s21, $0x38;
	v19 =	vmov s23;
	v20 =	vshrl.u32 v28, $0x3;
	v16 =	vld.idx.msk [tilespmem:v16+s12+$0x0], $0xffff  }
0x346: {  	v19 =	vshrl.u32 v19, $0x3;
	v9 =	vadd.f32 v10, v9;
	v10 =	vmul.f32 v14, v18;
	v14 =	vld.idx.msk [tilespmem:v21+s11+$0x0], $0xffff  }
0x347: {  	v17 =	vshrl.u32 v17, $0x3;
	v18 =	vshll.u32 v19, v8;
	v19 =	vshll.u32 v20, v8;
	v13 =	vld.idx.msk [tilespmem:v13+s12+$0x0], $0xffff  }
0x348: {  	v18 =	vbroadcast v18, $0x0;
	v9 =	vadd.f32 v10, v9;
	v10 =	vmul.f32 v12, v15;
	v15 =	vld.idx.msk [tilespmem:v22+s11+$0x0], $0xffff  }
0x349: {  	v17 =	vshll.u32 v17, v8;
	v12 =	vbroadcast v19, $0x0;
	v19 =	vshrl.u32 v27, $0x3  }
0x34a: {  	v20 =	vor.u32 v0, v18;
	v9 =	vadd.f32 v10, v9;
	v10 =	vmul.f32 v11, v23  }
0x34b: {  	v17 =	vbroadcast v17, $0x0;
	v19 =	vshll.u32 v19, v8;
	v11 =	vor.u32 v1, v12  }
0x34c: {  	v21 =	vor.u32 $0x1, v12;
	v9 =	vadd.f32 v10, v9;
	v10 =	vmul.f32 v14, v16  }
0x34d: {  	v22 =	vor.u32 v2, v17;
	v23 =	vshll.u32 v25, v8;
	v16 =	vbroadcast v19, $0x0  }
.Ltmp12:
0x34e: {  	v19 =	vor.u32 $0x2, v17;
	v9 =	vadd.f32 v10, v9;
	v13 =	vmul.f32 v15, v13;
	v12 =	vld.idx.msk [tilespmem:v18+s11+$0x0], $0xffff;
	(pc) =	sbr.rel @p0 .LBB2_27-.Ltmp12, $4  }
0x34f: {  	v17 =	vbroadcast v23, $0x0;
	v15 =	vshrl.u32 v26, $0x3;
	v18 =	vor.u32 v3, v16;
	v14 =	vld.idx.msk [tilespmem:v20+s12+$0x0], $0xffff  }
0x350: {  	v16 =	vor.u32 $0x3, v16;
	v9 =	vadd.f32 v13, v9;
	v10 =	vld.idx.msk [tilespmem:v11+s12+$0x0], $0xffff;
	v11 =	vshll.u32 v15, v8  }
0x351: {  	s22 =	sadd.s32 $0x30F, s22;
	v15 =	vor.u32 v4, v17;
	v13 =	vld.idx.msk [tilespmem:v21+s11+$0x0], $0xffff;
	v20 =	vbroadcast v11, $0x0;
	v21 =	vshrl.u32 v24, $0x3  }
0x352: {  	v17 =	vor.u32 $0x4, v17;
	v11 =	vld.idx.msk [tilespmem:v22+s12+$0x0], $0xffff;
	v21 =	vshll.u32 v21, v8;
	v22 =	vmov s22  }
0x353: {  	_ =	sdelay $0x3  }
0x354: {  	v19 =	vld.idx.msk [tilespmem:v19+s11+$0x0], $0xffff;
	v23 =	vor.u32 v5, v20;
	v21 =	vbroadcast v21, $0x0;
	v22 =	vshrl.u32 v22, $0x3  }
0x355: {  	v18 =	vld.idx.msk [tilespmem:v18+s12+$0x0], $0xffff;
	v20 =	vor.u32 $0x5, v20;
	v22 =	vshll.u32 v22, v8;
	v12 =	vmul.f32 v12, v14  }
0x356: {  	v14 =	vld.idx.msk [tilespmem:v16+s11+$0x0], $0xffff;
	v16 =	vor.u32 v6, v21;
	v22 =	vbroadcast v22, $0x0  }
0x357: {  	v15 =	vld.idx.msk [tilespmem:v15+s12+$0x0], $0xffff;
	v21 =	vor.u32 $0x6, v21;
	v9 =	vadd.f32 v12, v9;
	v10 =	vmul.f32 v13, v10  }
0x358: {  	v12 =	vld.idx.msk [tilespmem:v17+s11+$0x0], $0xffff;
	v13 =	vor.u32 v7, v22  }
0x359: {  	v22 =	vor.u32 $0x7, v22;
	v17 =	vld.idx.msk [tilespmem:v23+s12+$0x0], $0xffff;
	v9 =	vadd.f32 v10, v9;
	v10 =	vmul.f32 v19, v11  }
0x35a: {  	v11 =	vld.idx.msk [tilespmem:v20+s11+$0x0], $0xffff  }
0x35b: {  	v16 =	vld.idx.msk [tilespmem:v16+s12+$0x0], $0xffff;
	v9 =	vadd.f32 v10, v9;
	v10 =	vmul.f32 v14, v18  }
0x35c: {  	v14 =	vld.idx.msk [tilespmem:v21+s11+$0x0], $0xffff  }
0x35d: {  	v13 =	vld.idx.msk [tilespmem:v13+s12+$0x0], $0xffff;
	v9 =	vadd.f32 v10, v9;
	v10 =	vmul.f32 v12, v15  }
0x35e: {  	v12 =	vld.idx.msk [tilespmem:v22+s11+$0x0], $0xffff  }
0x35f: {  	v9 =	vadd.f32 v10, v9;
	v10 =	vmul.f32 v11, v17;
	_ =	sdelay $0x1  }
0x360: {  	v9 =	vadd.f32 v10, v9;
	v10 =	vmul.f32 v14, v16;
	_ =	sdelay $0x1  }
0x361: {  	v9 =	vadd.f32 v10, v9;
	v10 =	vmul.f32 v12, v13;
	_ =	sdelay $0x1  }
0x362: {  	v9 =	vadd.f32 v10, v9;
	_ =	sdelay $0x1  }
0x363: {  	v9 =	vmul.f32 $1.250000000e-01, v9;
	_ =	sdelay $0x1  }
0x364: {  	(xrf0) =	vmax.scan.msk.f32 $0xffff, v9;
	_ =	sdelay $0x5  }
0x365: {  	v10, _, _ =	vpop (xrf0)  }
0x366: {  	v10 =	vbroadcast v10, $0xF;
	_ =	sdelay $0x1  }
0x367: {  	v9 =	vsub.f32 v9, v10;
	_ =	sdelay $0x1  }
0x368: {  	v9 =	vmul.f32 $1.442695020e+00, v9;
	_ =	sdelay $0x1  }
0x369: {  	(erf) = vpow2.f32 v9;
	_ =	sdelay $0x8  }
0x36a: {  	v9 =	vpop (erf)  }
0x36b: {  	(xrf2) =	vadd.scan.msk.f32 $0xffff, v9;
	_ =	sdelay $0x9  }
0x36c: {  	v10, _, _ =	vpop (xrf2)  }
0x36d: {  	v10 =	vbroadcast v10, $0xF;
	_ =	sdelay $0x1  }
0x36e: {  	(erf) = vrcp.f32 v10;
	_ =	sdelay $0x5  }
0x36f: {  	s21 =	simm.s32 $0x340  }
0x370: {  	v10 =	vmov s21  }
0x371: {  	s22 =	simm.s32 $0x341;
	v10 =	vshrl.u32 v10, $0x3  }
0x372: {  	v12 =	vmov s22;
	v10 =	vshll.u32 v10, v8;
	v11 =	vpop (erf)  }
0x373: {  	s25 =	simm.s32 $0x342;
	s28 =	simm.s32 $0x343;
	v10 =	vbroadcast v10, $0x0;
	v11 =	vmul.f32 v11, v9;
	v9 =	vshrl.u32 v12, $0x3  }
0x374: {  	v15 =	vmov s28;
	v12 =	vmov s25;
	v13 =	vshll.u32 v9, v8  }
0x375: {  	v14 =	vor.u32 v0, v10;
	v12 =	vshrl.u32 v12, $0x3;
	v13 =	vbroadcast v13, $0x0  }
0x376: {  	s29 =	simm.s32 $0x344;
	v15 =	vshrl.u32 v15, $0x3;
	v12 =	vshll.u32 v12, v8  }
0x377: {  	v18 =	vbroadcast v12, $0x0;
	v12 =	vmov s29;
	v16 =	vor.u32 v1, v13  }
0x378: {  	s26 =	simm.s32 $0x346;
	[tilespmem:$0x84D0] =	vst v11;
	v13 =	vor.u32 $0x1, v13;
	v11 =	vshrl.u32 v12, $0x3;
	v12 =	vshll.u32 v15, v8  }
0x379: {  	s30 =	simm.s32 $0x345;
	v17 =	vmov s26;
	v21 =	vor.u32 v2, v18;
	v20 =	vbroadcast v12, $0x0  }
0x37a: {  	v14 =	vld.idx.msk [tilespmem:v14+s12+$0x0], $0xffff;
	v15 =	vmov s30;
	v11 =	vshll.u32 v11, v8;
	v19 =	vor.u32 $0x2, v18  }
0x37b: {  	v12 =	vld.idx.msk [tilespmem:v10+s11+$0x0], $0xffff;
	v22 =	vbroadcast v11, $0x0;
	v11 =	vshrl.u32 v15, $0x3;
	v18 =	vor.u32 v3, v20  }
0x37c: {  	v23 =	vshrl.u32 v17, $0x3;
	v11 =	vshll.u32 v11, v8;
	v10 =	vld.idx.msk [tilespmem:v16+s12+$0x0], $0xffff;
	v16 =	vor.u32 $0x3, v20  }
0x37d: {  	s31 =	simm.s32 $0x347;
	v9 =	vimm.f32 $0.0e+00;
	v15 =	vor.u32 v4, v22;
	v13 =	vld.idx.msk [tilespmem:v13+s11+$0x0], $0xffff;
	v20 =	vbroadcast v11, $0x0  }
0x37e: {  	s21 =	simm.s32 $0x0;
	v17 =	vor.u32 $0x4, v22;
	v22 =	vmov s31;
	v11 =	vld.idx.msk [tilespmem:v21+s12+$0x0], $0xffff;
	v21 =	vshll.u32 v23, v8  }
.LBB2_29:
0x37f: {  	s23 =	sadd.s32 $0x34E, s21;
	v19 =	vld.idx.msk [tilespmem:v19+s11+$0x0], $0xffff;
	v23 =	vor.u32 v5, v20;
	v21 =	vbroadcast v21, $0x0;
	v22 =	vshrl.u32 v22, $0x3;
	s22 =	smov.u32 s21  }
0x380: {  	v20 =	vor.u32 $0x5, v20;
	v24 =	vmov s23;
	v18 =	vld.idx.msk [tilespmem:v18+s12+$0x0], $0xffff;
	v22 =	vshll.u32 v22, v8  }
0x381: {  	s24 =	sadd.s32 $0x34D, s21;
	s23 =	sadd.s32 $0x34C, s21;
	v12 =	vmul.f32 v12, v14;
	v14 =	vld.idx.msk [tilespmem:v16+s11+$0x0], $0xffff;
	v16 =	vor.u32 v6, v21;
	v22 =	vbroadcast v22, $0x0  }
0x382: {  	v26 =	vmov s24;
	v25 =	vmov s23;
	v21 =	vor.u32 $0x6, v21;
	v15 =	vld.idx.msk [tilespmem:v15+s12+$0x0], $0xffff  }
0x383: {  	s24 =	sadd.s32 $0x34B, s21;
	s23 =	sadd.s32 $0x34A, s21;
	v9 =	vadd.f32 v12, v9;
	v10 =	vmul.f32 v13, v10;
	v12 =	vld.idx.msk [tilespmem:v17+s11+$0x0], $0xffff;
	v13 =	vor.u32 v7, v22  }
0x384: {  	s25 =	sadd.s32 $0x349, s21;
	v27 =	vmov s24;
	v17 =	vmov s23;
	v22 =	vor.u32 $0x7, v22;
	v23 =	vld.idx.msk [tilespmem:v23+s12+$0x0], $0xffff  }
0x385: {  	v28 =	vmov s25;
	s21 =	sadd.s32 $0x8, s21;
	s23 =	sadd.s32 $0x348, s22;
	v9 =	vadd.f32 v10, v9;
	v10 =	vmul.f32 v19, v11;
	v11 =	vld.idx.msk [tilespmem:v20+s11+$0x0], $0xffff  }
0x386: {  	v25 =	vshrl.u32 v25, $0x3;
	p0 =	slt.u32 s21, $0x38;
	v19 =	vmov s23;
	v20 =	vshrl.u32 v28, $0x3;
	v16 =	vld.idx.msk [tilespmem:v16+s12+$0x0], $0xffff  }
0x387: {  	v19 =	vshrl.u32 v19, $0x3;
	v9 =	vadd.f32 v10, v9;
	v10 =	vmul.f32 v14, v18;
	v14 =	vld.idx.msk [tilespmem:v21+s11+$0x0], $0xffff  }
0x388: {  	v17 =	vshrl.u32 v17, $0x3;
	v18 =	vshll.u32 v19, v8;
	v19 =	vshll.u32 v20, v8;
	v13 =	vld.idx.msk [tilespmem:v13+s12+$0x0], $0xffff  }
0x389: {  	v18 =	vbroadcast v18, $0x0;
	v9 =	vadd.f32 v10, v9;
	v10 =	vmul.f32 v12, v15;
	v15 =	vld.idx.msk [tilespmem:v22+s11+$0x0], $0xffff  }
0x38a: {  	v17 =	vshll.u32 v17, v8;
	v12 =	vbroadcast v19, $0x0;
	v19 =	vshrl.u32 v27, $0x3  }
0x38b: {  	v20 =	vor.u32 v0, v18;
	v9 =	vadd.f32 v10, v9;
	v10 =	vmul.f32 v11, v23  }
0x38c: {  	v17 =	vbroadcast v17, $0x0;
	v19 =	vshll.u32 v19, v8;
	v11 =	vor.u32 v1, v12  }
0x38d: {  	v21 =	vor.u32 $0x1, v12;
	v9 =	vadd.f32 v10, v9;
	v10 =	vmul.f32 v14, v16  }
0x38e: {  	v22 =	vor.u32 v2, v17;
	v23 =	vshll.u32 v25, v8;
	v16 =	vbroadcast v19, $0x0  }
.Ltmp13:
0x38f: {  	v19 =	vor.u32 $0x2, v17;
	v9 =	vadd.f32 v10, v9;
	v13 =	vmul.f32 v15, v13;
	v12 =	vld.idx.msk [tilespmem:v18+s11+$0x0], $0xffff;
	(pc) =	sbr.rel @p0 .LBB2_29-.Ltmp13, $4  }
0x390: {  	v17 =	vbroadcast v23, $0x0;
	v15 =	vshrl.u32 v26, $0x3;
	v18 =	vor.u32 v3, v16;
	v14 =	vld.idx.msk [tilespmem:v20+s12+$0x0], $0xffff  }
0x391: {  	v16 =	vor.u32 $0x3, v16;
	v9 =	vadd.f32 v13, v9;
	v10 =	vld.idx.msk [tilespmem:v11+s12+$0x0], $0xffff;
	v11 =	vshll.u32 v15, v8  }
0x392: {  	s22 =	sadd.s32 $0x34F, s22;
	v15 =	vor.u32 v4, v17;
	v13 =	vld.idx.msk [tilespmem:v21+s11+$0x0], $0xffff;
	v20 =	vbroadcast v11, $0x0;
	v21 =	vshrl.u32 v24, $0x3  }
0x393: {  	v17 =	vor.u32 $0x4, v17;
	v11 =	vld.idx.msk [tilespmem:v22+s12+$0x0], $0xffff;
	v21 =	vshll.u32 v21, v8;
	v22 =	vmov s22  }
0x394: {  	_ =	sdelay $0x3  }
0x395: {  	v19 =	vld.idx.msk [tilespmem:v19+s11+$0x0], $0xffff;
	v23 =	vor.u32 v5, v20;
	v21 =	vbroadcast v21, $0x0;
	v22 =	vshrl.u32 v22, $0x3  }
0x396: {  	v18 =	vld.idx.msk [tilespmem:v18+s12+$0x0], $0xffff;
	v20 =	vor.u32 $0x5, v20;
	v22 =	vshll.u32 v22, v8;
	v12 =	vmul.f32 v12, v14  }
0x397: {  	v14 =	vld.idx.msk [tilespmem:v16+s11+$0x0], $0xffff;
	v16 =	vor.u32 v6, v21;
	v22 =	vbroadcast v22, $0x0  }
0x398: {  	v15 =	vld.idx.msk [tilespmem:v15+s12+$0x0], $0xffff;
	v21 =	vor.u32 $0x6, v21;
	v9 =	vadd.f32 v12, v9;
	v10 =	vmul.f32 v13, v10  }
0x399: {  	v12 =	vld.idx.msk [tilespmem:v17+s11+$0x0], $0xffff;
	v13 =	vor.u32 v7, v22  }
0x39a: {  	v22 =	vor.u32 $0x7, v22;
	v17 =	vld.idx.msk [tilespmem:v23+s12+$0x0], $0xffff;
	v9 =	vadd.f32 v10, v9;
	v10 =	vmul.f32 v19, v11  }
0x39b: {  	v11 =	vld.idx.msk [tilespmem:v20+s11+$0x0], $0xffff  }
0x39c: {  	v16 =	vld.idx.msk [tilespmem:v16+s12+$0x0], $0xffff;
	v9 =	vadd.f32 v10, v9;
	v10 =	vmul.f32 v14, v18  }
0x39d: {  	v14 =	vld.idx.msk [tilespmem:v21+s11+$0x0], $0xffff  }
0x39e: {  	v13 =	vld.idx.msk [tilespmem:v13+s12+$0x0], $0xffff;
	v9 =	vadd.f32 v10, v9;
	v10 =	vmul.f32 v12, v15  }
0x39f: {  	v12 =	vld.idx.msk [tilespmem:v22+s11+$0x0], $0xffff  }
0x3a0: {  	v9 =	vadd.f32 v10, v9;
	v10 =	vmul.f32 v11, v17;
	_ =	sdelay $0x1  }
0x3a1: {  	v9 =	vadd.f32 v10, v9;
	v10 =	vmul.f32 v14, v16;
	_ =	sdelay $0x1  }
0x3a2: {  	v9 =	vadd.f32 v10, v9;
	v10 =	vmul.f32 v12, v13;
	_ =	sdelay $0x1  }
0x3a3: {  	v9 =	vadd.f32 v10, v9;
	_ =	sdelay $0x1  }
0x3a4: {  	v9 =	vmul.f32 $1.250000000e-01, v9;
	_ =	sdelay $0x1  }
0x3a5: {  	(xrf0) =	vmax.scan.msk.f32 $0xffff, v9;
	_ =	sdelay $0x5  }
0x3a6: {  	v10, _, _ =	vpop (xrf0)  }
0x3a7: {  	v10 =	vbroadcast v10, $0xF;
	_ =	sdelay $0x1  }
0x3a8: {  	v9 =	vsub.f32 v9, v10;
	_ =	sdelay $0x1  }
0x3a9: {  	v9 =	vmul.f32 $1.442695020e+00, v9;
	_ =	sdelay $0x1  }
0x3aa: {  	(erf) = vpow2.f32 v9;
	_ =	sdelay $0x8  }
0x3ab: {  	v9 =	vpop (erf)  }
0x3ac: {  	(xrf2) =	vadd.scan.msk.f32 $0xffff, v9;
	_ =	sdelay $0x9  }
0x3ad: {  	v10, _, _ =	vpop (xrf2)  }
0x3ae: {  	v10 =	vbroadcast v10, $0xF;
	_ =	sdelay $0x1  }
0x3af: {  	(erf) = vrcp.f32 v10;
	_ =	sdelay $0x5  }
0x3b0: {  	s21 =	simm.s32 $0x380  }
0x3b1: {  	v10 =	vmov s21  }
0x3b2: {  	s22 =	simm.s32 $0x381;
	v10 =	vshrl.u32 v10, $0x3  }
0x3b3: {  	v12 =	vmov s22;
	v10 =	vshll.u32 v10, v8;
	v11 =	vpop (erf)  }
0x3b4: {  	s25 =	simm.s32 $0x382;
	s28 =	simm.s32 $0x383;
	v10 =	vbroadcast v10, $0x0;
	v11 =	vmul.f32 v11, v9;
	v9 =	vshrl.u32 v12, $0x3  }
0x3b5: {  	v15 =	vmov s28;
	v12 =	vmov s25;
	v13 =	vshll.u32 v9, v8  }
0x3b6: {  	v14 =	vor.u32 v0, v10;
	v12 =	vshrl.u32 v12, $0x3;
	v13 =	vbroadcast v13, $0x0  }
0x3b7: {  	s29 =	simm.s32 $0x384;
	v15 =	vshrl.u32 v15, $0x3;
	v12 =	vshll.u32 v12, v8  }
0x3b8: {  	v18 =	vbroadcast v12, $0x0;
	v12 =	vmov s29;
	v16 =	vor.u32 v1, v13  }
0x3b9: {  	s26 =	simm.s32 $0x386;
	[tilespmem:$0x84E0] =	vst v11;
	v13 =	vor.u32 $0x1, v13;
	v11 =	vshrl.u32 v12, $0x3;
	v12 =	vshll.u32 v15, v8  }
0x3ba: {  	s30 =	simm.s32 $0x385;
	v17 =	vmov s26;
	v21 =	vor.u32 v2, v18;
	v20 =	vbroadcast v12, $0x0  }
0x3bb: {  	v14 =	vld.idx.msk [tilespmem:v14+s12+$0x0], $0xffff;
	v15 =	vmov s30;
	v11 =	vshll.u32 v11, v8;
	v19 =	vor.u32 $0x2, v18  }
0x3bc: {  	v12 =	vld.idx.msk [tilespmem:v10+s11+$0x0], $0xffff;
	v22 =	vbroadcast v11, $0x0;
	v11 =	vshrl.u32 v15, $0x3;
	v18 =	vor.u32 v3, v20  }
0x3bd: {  	v23 =	vshrl.u32 v17, $0x3;
	v11 =	vshll.u32 v11, v8;
	v10 =	vld.idx.msk [tilespmem:v16+s12+$0x0], $0xffff;
	v16 =	vor.u32 $0x3, v20  }
0x3be: {  	s31 =	simm.s32 $0x387;
	v9 =	vimm.f32 $0.0e+00;
	v15 =	vor.u32 v4, v22;
	v13 =	vld.idx.msk [tilespmem:v13+s11+$0x0], $0xffff;
	v20 =	vbroadcast v11, $0x0  }
0x3bf: {  	s21 =	simm.s32 $0x0;
	v17 =	vor.u32 $0x4, v22;
	v22 =	vmov s31;
	v11 =	vld.idx.msk [tilespmem:v21+s12+$0x0], $0xffff;
	v21 =	vshll.u32 v23, v8  }
.LBB2_31:
0x3c0: {  	s23 =	sadd.s32 $0x38E, s21;
	v19 =	vld.idx.msk [tilespmem:v19+s11+$0x0], $0xffff;
	v23 =	vor.u32 v5, v20;
	v21 =	vbroadcast v21, $0x0;
	v22 =	vshrl.u32 v22, $0x3;
	s22 =	smov.u32 s21  }
0x3c1: {  	v20 =	vor.u32 $0x5, v20;
	v24 =	vmov s23;
	v18 =	vld.idx.msk [tilespmem:v18+s12+$0x0], $0xffff;
	v22 =	vshll.u32 v22, v8  }
0x3c2: {  	s24 =	sadd.s32 $0x38D, s21;
	s23 =	sadd.s32 $0x38C, s21;
	v12 =	vmul.f32 v12, v14;
	v14 =	vld.idx.msk [tilespmem:v16+s11+$0x0], $0xffff;
	v16 =	vor.u32 v6, v21;
	v22 =	vbroadcast v22, $0x0  }
0x3c3: {  	v26 =	vmov s24;
	v25 =	vmov s23;
	v21 =	vor.u32 $0x6, v21;
	v15 =	vld.idx.msk [tilespmem:v15+s12+$0x0], $0xffff  }
0x3c4: {  	s24 =	sadd.s32 $0x38B, s21;
	s23 =	sadd.s32 $0x38A, s21;
	v9 =	vadd.f32 v12, v9;
	v10 =	vmul.f32 v13, v10;
	v12 =	vld.idx.msk [tilespmem:v17+s11+$0x0], $0xffff;
	v13 =	vor.u32 v7, v22  }
0x3c5: {  	s25 =	sadd.s32 $0x389, s21;
	v27 =	vmov s24;
	v17 =	vmov s23;
	v22 =	vor.u32 $0x7, v22;
	v23 =	vld.idx.msk [tilespmem:v23+s12+$0x0], $0xffff  }
0x3c6: {  	v28 =	vmov s25;
	s21 =	sadd.s32 $0x8, s21;
	s23 =	sadd.s32 $0x388, s22;
	v9 =	vadd.f32 v10, v9;
	v10 =	vmul.f32 v19, v11;
	v11 =	vld.idx.msk [tilespmem:v20+s11+$0x0], $0xffff  }
0x3c7: {  	v25 =	vshrl.u32 v25, $0x3;
	p0 =	slt.u32 s21, $0x38;
	v19 =	vmov s23;
	v20 =	vshrl.u32 v28, $0x3;
	v16 =	vld.idx.msk [tilespmem:v16+s12+$0x0], $0xffff  }
0x3c8: {  	v19 =	vshrl.u32 v19, $0x3;
	v9 =	vadd.f32 v10, v9;
	v10 =	vmul.f32 v14, v18;
	v14 =	vld.idx.msk [tilespmem:v21+s11+$0x0], $0xffff  }
0x3c9: {  	v17 =	vshrl.u32 v17, $0x3;
	v18 =	vshll.u32 v19, v8;
	v19 =	vshll.u32 v20, v8;
	v13 =	vld.idx.msk [tilespmem:v13+s12+$0x0], $0xffff  }
0x3ca: {  	v18 =	vbroadcast v18, $0x0;
	v9 =	vadd.f32 v10, v9;
	v10 =	vmul.f32 v12, v15;
	v15 =	vld.idx.msk [tilespmem:v22+s11+$0x0], $0xffff  }
0x3cb: {  	v17 =	vshll.u32 v17, v8;
	v12 =	vbroadcast v19, $0x0;
	v19 =	vshrl.u32 v27, $0x3  }
0x3cc: {  	v20 =	vor.u32 v0, v18;
	v9 =	vadd.f32 v10, v9;
	v10 =	vmul.f32 v11, v23  }
0x3cd: {  	v17 =	vbroadcast v17, $0x0;
	v19 =	vshll.u32 v19, v8;
	v11 =	vor.u32 v1, v12  }
0x3ce: {  	v21 =	vor.u32 $0x1, v12;
	v9 =	vadd.f32 v10, v9;
	v10 =	vmul.f32 v14, v16  }
0x3cf: {  	v22 =	vor.u32 v2, v17;
	v23 =	vshll.u32 v25, v8;
	v16 =	vbroadcast v19, $0x0  }
.Ltmp14:
0x3d0: {  	v19 =	vor.u32 $0x2, v17;
	v9 =	vadd.f32 v10, v9;
	v13 =	vmul.f32 v15, v13;
	v12 =	vld.idx.msk [tilespmem:v18+s11+$0x0], $0xffff;
	(pc) =	sbr.rel @p0 .LBB2_31-.Ltmp14, $4  }
0x3d1: {  	v17 =	vbroadcast v23, $0x0;
	v15 =	vshrl.u32 v26, $0x3;
	v18 =	vor.u32 v3, v16;
	v14 =	vld.idx.msk [tilespmem:v20+s12+$0x0], $0xffff  }
0x3d2: {  	v16 =	vor.u32 $0x3, v16;
	v9 =	vadd.f32 v13, v9;
	v10 =	vld.idx.msk [tilespmem:v11+s12+$0x0], $0xffff;
	v11 =	vshll.u32 v15, v8  }
0x3d3: {  	s22 =	sadd.s32 $0x38F, s22;
	v15 =	vor.u32 v4, v17;
	v13 =	vld.idx.msk [tilespmem:v21+s11+$0x0], $0xffff;
	v20 =	vbroadcast v11, $0x0;
	v21 =	vshrl.u32 v24, $0x3  }
0x3d4: {  	v17 =	vor.u32 $0x4, v17;
	v11 =	vld.idx.msk [tilespmem:v22+s12+$0x0], $0xffff;
	v21 =	vshll.u32 v21, v8;
	v22 =	vmov s22  }
0x3d5: {  	_ =	sdelay $0x3  }
0x3d6: {  	v19 =	vld.idx.msk [tilespmem:v19+s11+$0x0], $0xffff;
	v23 =	vor.u32 v5, v20;
	v21 =	vbroadcast v21, $0x0;
	v22 =	vshrl.u32 v22, $0x3  }
0x3d7: {  	v18 =	vld.idx.msk [tilespmem:v18+s12+$0x0], $0xffff;
	v20 =	vor.u32 $0x5, v20;
	v22 =	vshll.u32 v22, v8;
	v12 =	vmul.f32 v12, v14  }
0x3d8: {  	v14 =	vld.idx.msk [tilespmem:v16+s11+$0x0], $0xffff;
	v16 =	vor.u32 v6, v21;
	v22 =	vbroadcast v22, $0x0  }
0x3d9: {  	v15 =	vld.idx.msk [tilespmem:v15+s12+$0x0], $0xffff;
	v21 =	vor.u32 $0x6, v21;
	v9 =	vadd.f32 v12, v9;
	v10 =	vmul.f32 v13, v10  }
0x3da: {  	v12 =	vld.idx.msk [tilespmem:v17+s11+$0x0], $0xffff;
	v13 =	vor.u32 v7, v22  }
0x3db: {  	v22 =	vor.u32 $0x7, v22;
	v17 =	vld.idx.msk [tilespmem:v23+s12+$0x0], $0xffff;
	v9 =	vadd.f32 v10, v9;
	v10 =	vmul.f32 v19, v11  }
0x3dc: {  	v11 =	vld.idx.msk [tilespmem:v20+s11+$0x0], $0xffff  }
0x3dd: {  	v16 =	vld.idx.msk [tilespmem:v16+s12+$0x0], $0xffff;
	v9 =	vadd.f32 v10, v9;
	v10 =	vmul.f32 v14, v18  }
0x3de: {  	v14 =	vld.idx.msk [tilespmem:v21+s11+$0x0], $0xffff  }
0x3df: {  	v13 =	vld.idx.msk [tilespmem:v13+s12+$0x0], $0xffff;
	v9 =	vadd.f32 v10, v9;
	v10 =	vmul.f32 v12, v15  }
0x3e0: {  	v12 =	vld.idx.msk [tilespmem:v22+s11+$0x0], $0xffff  }
0x3e1: {  	v9 =	vadd.f32 v10, v9;
	v10 =	vmul.f32 v11, v17;
	_ =	sdelay $0x1  }
0x3e2: {  	v9 =	vadd.f32 v10, v9;
	v10 =	vmul.f32 v14, v16;
	_ =	sdelay $0x1  }
0x3e3: {  	v9 =	vadd.f32 v10, v9;
	v10 =	vmul.f32 v12, v13;
	_ =	sdelay $0x1  }
0x3e4: {  	v9 =	vadd.f32 v10, v9;
	_ =	sdelay $0x1  }
0x3e5: {  	v9 =	vmul.f32 $1.250000000e-01, v9;
	_ =	sdelay $0x1  }
0x3e6: {  	(xrf0) =	vmax.scan.msk.f32 $0xffff, v9;
	_ =	sdelay $0x5  }
0x3e7: {  	v10, _, _ =	vpop (xrf0)  }
0x3e8: {  	v10 =	vbroadcast v10, $0xF;
	_ =	sdelay $0x1  }
0x3e9: {  	v9 =	vsub.f32 v9, v10;
	_ =	sdelay $0x1  }
0x3ea: {  	v9 =	vmul.f32 $1.442695020e+00, v9;
	_ =	sdelay $0x1  }
0x3eb: {  	(erf) = vpow2.f32 v9;
	_ =	sdelay $0x8  }
0x3ec: {  	v9 =	vpop (erf)  }
0x3ed: {  	(xrf2) =	vadd.scan.msk.f32 $0xffff, v9;
	_ =	sdelay $0x9  }
0x3ee: {  	v10, _, _ =	vpop (xrf2)  }
0x3ef: {  	v10 =	vbroadcast v10, $0xF;
	_ =	sdelay $0x1  }
0x3f0: {  	(erf) = vrcp.f32 v10;
	_ =	sdelay $0x5  }
0x3f1: {  	s21 =	simm.s32 $0x3C0  }
0x3f2: {  	v10 =	vmov s21  }
0x3f3: {  	s22 =	simm.s32 $0x3C1;
	v10 =	vshrl.u32 v10, $0x3  }
0x3f4: {  	v12 =	vmov s22;
	v10 =	vshll.u32 v10, v8;
	v11 =	vpop (erf)  }
0x3f5: {  	s25 =	simm.s32 $0x3C2;
	s28 =	simm.s32 $0x3C3;
	v10 =	vbroadcast v10, $0x0;
	v11 =	vmul.f32 v11, v9;
	v9 =	vshrl.u32 v12, $0x3  }
0x3f6: {  	v15 =	vmov s28;
	v12 =	vmov s25;
	v13 =	vshll.u32 v9, v8  }
0x3f7: {  	v14 =	vor.u32 v0, v10;
	v12 =	vshrl.u32 v12, $0x3;
	v13 =	vbroadcast v13, $0x0  }
0x3f8: {  	s29 =	simm.s32 $0x3C4;
	v15 =	vshrl.u32 v15, $0x3;
	v12 =	vshll.u32 v12, v8  }
0x3f9: {  	v18 =	vbroadcast v12, $0x0;
	v12 =	vmov s29;
	v16 =	vor.u32 v1, v13  }
0x3fa: {  	s26 =	simm.s32 $0x3C6;
	[tilespmem:$0x84F0] =	vst v11;
	v13 =	vor.u32 $0x1, v13;
	v11 =	vshrl.u32 v12, $0x3;
	v12 =	vshll.u32 v15, v8  }
0x3fb: {  	s30 =	simm.s32 $0x3C5;
	v17 =	vmov s26;
	v21 =	vor.u32 v2, v18;
	v20 =	vbroadcast v12, $0x0  }
0x3fc: {  	v14 =	vld.idx.msk [tilespmem:v14+s12+$0x0], $0xffff;
	v15 =	vmov s30;
	v11 =	vshll.u32 v11, v8;
	v19 =	vor.u32 $0x2, v18  }
0x3fd: {  	v12 =	vld.idx.msk [tilespmem:v10+s11+$0x0], $0xffff;
	v22 =	vbroadcast v11, $0x0;
	v11 =	vshrl.u32 v15, $0x3;
	v18 =	vor.u32 v3, v20  }
0x3fe: {  	v23 =	vshrl.u32 v17, $0x3;
	v11 =	vshll.u32 v11, v8;
	v10 =	vld.idx.msk [tilespmem:v16+s12+$0x0], $0xffff;
	v16 =	vor.u32 $0x3, v20  }
0x3ff: {  	s31 =	simm.s32 $0x3C7;
	v9 =	vimm.f32 $0.0e+00;
	v15 =	vor.u32 v4, v22;
	v13 =	vld.idx.msk [tilespmem:v13+s11+$0x0], $0xffff;
	v20 =	vbroadcast v11, $0x0  }
0x400: {  	s21 =	simm.s32 $0x0;
	v17 =	vor.u32 $0x4, v22;
	v22 =	vmov s31;
	v11 =	vld.idx.msk [tilespmem:v21+s12+$0x0], $0xffff;
	v21 =	vshll.u32 v23, v8  }
.LBB2_33:
0x401: {  	s23 =	sadd.s32 $0x3CE, s21;
	v19 =	vld.idx.msk [tilespmem:v19+s11+$0x0], $0xffff;
	v23 =	vor.u32 v5, v20;
	v21 =	vbroadcast v21, $0x0;
	v22 =	vshrl.u32 v22, $0x3;
	s22 =	smov.u32 s21  }
0x402: {  	v20 =	vor.u32 $0x5, v20;
	v24 =	vmov s23;
	v18 =	vld.idx.msk [tilespmem:v18+s12+$0x0], $0xffff;
	v22 =	vshll.u32 v22, v8  }
0x403: {  	s24 =	sadd.s32 $0x3CD, s21;
	s23 =	sadd.s32 $0x3CC, s21;
	v12 =	vmul.f32 v12, v14;
	v14 =	vld.idx.msk [tilespmem:v16+s11+$0x0], $0xffff;
	v16 =	vor.u32 v6, v21;
	v22 =	vbroadcast v22, $0x0  }
0x404: {  	v26 =	vmov s24;
	v25 =	vmov s23;
	v21 =	vor.u32 $0x6, v21;
	v15 =	vld.idx.msk [tilespmem:v15+s12+$0x0], $0xffff  }
0x405: {  	s24 =	sadd.s32 $0x3CB, s21;
	s23 =	sadd.s32 $0x3CA, s21;
	v9 =	vadd.f32 v12, v9;
	v10 =	vmul.f32 v13, v10;
	v12 =	vld.idx.msk [tilespmem:v17+s11+$0x0], $0xffff;
	v13 =	vor.u32 v7, v22  }
0x406: {  	s25 =	sadd.s32 $0x3C9, s21;
	v27 =	vmov s24;
	v17 =	vmov s23;
	v22 =	vor.u32 $0x7, v22;
	v23 =	vld.idx.msk [tilespmem:v23+s12+$0x0], $0xffff  }
0x407: {  	v28 =	vmov s25;
	s21 =	sadd.s32 $0x8, s21;
	s23 =	sadd.s32 $0x3C8, s22;
	v9 =	vadd.f32 v10, v9;
	v10 =	vmul.f32 v19, v11;
	v11 =	vld.idx.msk [tilespmem:v20+s11+$0x0], $0xffff  }
0x408: {  	v25 =	vshrl.u32 v25, $0x3;
	p0 =	slt.u32 s21, $0x38;
	v19 =	vmov s23;
	v20 =	vshrl.u32 v28, $0x3;
	v16 =	vld.idx.msk [tilespmem:v16+s12+$0x0], $0xffff  }
0x409: {  	v19 =	vshrl.u32 v19, $0x3;
	v9 =	vadd.f32 v10, v9;
	v10 =	vmul.f32 v14, v18;
	v14 =	vld.idx.msk [tilespmem:v21+s11+$0x0], $0xffff  }
0x40a: {  	v17 =	vshrl.u32 v17, $0x3;
	v18 =	vshll.u32 v19, v8;
	v19 =	vshll.u32 v20, v8;
	v13 =	vld.idx.msk [tilespmem:v13+s12+$0x0], $0xffff  }
0x40b: {  	v18 =	vbroadcast v18, $0x0;
	v9 =	vadd.f32 v10, v9;
	v10 =	vmul.f32 v12, v15;
	v15 =	vld.idx.msk [tilespmem:v22+s11+$0x0], $0xffff  }
0x40c: {  	v17 =	vshll.u32 v17, v8;
	v12 =	vbroadcast v19, $0x0;
	v19 =	vshrl.u32 v27, $0x3  }
0x40d: {  	v20 =	vor.u32 v0, v18;
	v9 =	vadd.f32 v10, v9;
	v10 =	vmul.f32 v11, v23  }
0x40e: {  	v17 =	vbroadcast v17, $0x0;
	v19 =	vshll.u32 v19, v8;
	v11 =	vor.u32 v1, v12  }
0x40f: {  	v21 =	vor.u32 $0x1, v12;
	v9 =	vadd.f32 v10, v9;
	v10 =	vmul.f32 v14, v16  }
0x410: {  	v22 =	vor.u32 v2, v17;
	v23 =	vshll.u32 v25, v8;
	v16 =	vbroadcast v19, $0x0  }
.Ltmp15:
0x411: {  	v19 =	vor.u32 $0x2, v17;
	v9 =	vadd.f32 v10, v9;
	v13 =	vmul.f32 v15, v13;
	v12 =	vld.idx.msk [tilespmem:v18+s11+$0x0], $0xffff;
	(pc) =	sbr.rel @p0 .LBB2_33-.Ltmp15, $4  }
0x412: {  	v17 =	vbroadcast v23, $0x0;
	v15 =	vshrl.u32 v26, $0x3;
	v18 =	vor.u32 v3, v16;
	v14 =	vld.idx.msk [tilespmem:v20+s12+$0x0], $0xffff  }
0x413: {  	v16 =	vor.u32 $0x3, v16;
	v9 =	vadd.f32 v13, v9;
	v10 =	vld.idx.msk [tilespmem:v11+s12+$0x0], $0xffff;
	v11 =	vshll.u32 v15, v8  }
0x414: {  	s22 =	sadd.s32 $0x3CF, s22;
	v15 =	vor.u32 v4, v17;
	v13 =	vld.idx.msk [tilespmem:v21+s11+$0x0], $0xffff;
	v20 =	vbroadcast v11, $0x0;
	v21 =	vshrl.u32 v24, $0x3  }
0x415: {  	v17 =	vor.u32 $0x4, v17;
	v11 =	vld.idx.msk [tilespmem:v22+s12+$0x0], $0xffff;
	v21 =	vshll.u32 v21, v8;
	v22 =	vmov s22  }
0x416: {  	_ =	sdelay $0x3  }
0x417: {  	v19 =	vld.idx.msk [tilespmem:v19+s11+$0x0], $0xffff;
	v23 =	vor.u32 v5, v20;
	v21 =	vbroadcast v21, $0x0;
	v22 =	vshrl.u32 v22, $0x3  }
0x418: {  	v18 =	vld.idx.msk [tilespmem:v18+s12+$0x0], $0xffff;
	v36 =	vor.u32 $0x5, v20;
	v22 =	vshll.u32 v22, v8;
	v12 =	vmul.f32 v12, v14  }
0x419: {  	v14 =	vld.idx.msk [tilespmem:v16+s11+$0x0], $0xffff;
	v16 =	vor.u32 v6, v21;
	v22 =	vbroadcast v22, $0x0  }
0x41a: {  	v15 =	vld.idx.msk [tilespmem:v15+s12+$0x0], $0xffff;
	v21 =	vor.u32 $0x6, v21;
	v9 =	vadd.f32 v12, v9;
	v10 =	vmul.f32 v13, v10  }
0x41b: {  	v12 =	vld.idx.msk [tilespmem:v17+s11+$0x0], $0xffff;
	v13 =	vor.u32 v7, v22  }
0x41c: {  	v22 =	vor.u32 $0x7, v22;
	v17 =	vld.idx.msk [tilespmem:v23+s12+$0x0], $0xffff;
	v9 =	vadd.f32 v10, v9;
	v10 =	vmul.f32 v19, v11  }
0x41d: {  	v11 =	vld.idx.msk [tilespmem:v36+s11+$0x0], $0xffff  }
0x41e: {  	v16 =	vld.idx.msk [tilespmem:v16+s12+$0x0], $0xffff;
	v9 =	vadd.f32 v10, v9;
	v10 =	vmul.f32 v14, v18  }
0x41f: {  	v14 =	vld.idx.msk [tilespmem:v21+s11+$0x0], $0xffff  }
0x420: {  	v13 =	vld.idx.msk [tilespmem:v13+s12+$0x0], $0xffff;
	v9 =	vadd.f32 v10, v9;
	v10 =	vmul.f32 v12, v15  }
0x421: {  	v12 =	vld.idx.msk [tilespmem:v22+s11+$0x0], $0xffff  }
0x422: {  	v9 =	vadd.f32 v10, v9;
	v10 =	vmul.f32 v11, v17;
	_ =	sdelay $0x1  }
0x423: {  	v9 =	vadd.f32 v10, v9;
	v10 =	vmul.f32 v14, v16;
	_ =	sdelay $0x1  }
0x424: {  	v9 =	vadd.f32 v10, v9;
	v10 =	vmul.f32 v12, v13;
	_ =	sdelay $0x1  }
0x425: {  	v9 =	vadd.f32 v10, v9;
	_ =	sdelay $0x1  }
0x426: {  	v9 =	vmul.f32 $1.250000000e-01, v9;
	_ =	sdelay $0x1  }
0x427: {  	(xrf0) =	vmax.scan.msk.f32 $0xffff, v9;
	_ =	sdelay $0x5  }
0x428: {  	v10, _, _ =	vpop (xrf0)  }
0x429: {  	v10 =	vbroadcast v10, $0xF;
	_ =	sdelay $0x1  }
0x42a: {  	v9 =	vsub.f32 v9, v10;
	_ =	sdelay $0x1  }
0x42b: {  	v9 =	vmul.f32 $1.442695020e+00, v9;
	_ =	sdelay $0x1  }
0x42c: {  	(erf) = vpow2.f32 v9;
	_ =	sdelay $0x8  }
0x42d: {  	v11 =	vpop (erf)  }
0x42e: {  	(xrf2) =	vadd.scan.msk.f32 $0xffff, v11;
	_ =	sdelay $0x9  }
0x42f: {  	v9, _, _ =	vpop (xrf2)  }
0x430: {  	v9 =	vbroadcast v9, $0xF;
	_ =	sdelay $0x1  }
0x431: {  	(erf) = vrcp.f32 v9;
	_ =	sdelay $0x1  }
0x432: {  	s22 =	simm.s32 $0x0  }
0x433: {  	s21 =	sand.u32 $0xF0, s22  }
0x434: {  	v9 =	vmov s21  }
0x435: {  	v9 =	vshrl.u32 v9, $0x3  }
0x436: {  	v12 =	vshll.u32 v9, v8  }
0x437: {  	v9 =	vbroadcast v12, $0x0  }
0x438: {  	v10 =	vor.u32 $0x1, v12  }
0x439: {  	v10 =	vbroadcast v10, $0x0;
	v13 =	vpop (erf)  }
0x43a: {  	v13 =	vmul.f32 v13, v11  }
0x43b: {  	v11 =	vadd.s32 $0x2, v12  }
0x43c: {  	v11 =	vbroadcast v11, $0x0;
	[tilespmem:$0x8500] =	vst v13  }
0x43d: {  	s21 =	simm.s32 $0x6010;
	v13 =	vadd.s32 $0x3, v12;
	v14 =	vld.idx.msk [tilespmem:v9+s16+$0x0], $0xffff  }
0x43e: {  	s23 =	sor.u32 $0xF, s22;
	s24 =	sor.u32 $0xD, s22;
	v16 =	vadd.s32 $0x4, v12;
	v13 =	vbroadcast v13, $0x0;
	v15 =	vld [tilespmem:s21+$0xFFFFE000]  }
0x43f: {  	s25 =	sor.u32 $0xE, s22;
	s29 =	sor.u32 $0xB, s22;
	s26 =	sor.u32 $0xC, s22;
	v16 =	vbroadcast v16, $0x0;
	v17 =	vld.idx.msk [tilespmem:v10+s16+$0x0], $0xffff  }
0x440: {  	s30 =	sor.u32 $0x9, s22;
	s31 =	sor.u32 $0xA, s22;
	s22 =	sor.u32 $0x8, s22;
	v37 =	vmov s23;
	v24 =	vmov s29;
	v39 =	vadd.s32 $0x5, v12;
	v38 =	vld [tilespmem:s21+$0xFFFFE400]  }
0x441: {  	v25 =	vmov s26;
	v30 =	vmov s22;
	v20 =	vbroadcast v39, $0x0;
	v26 =	vld [tilespmem:s21+$0xFFFFE800]  }
0x442: {  	v28 =	vmov s30;
	v29 =	vmov s31;
	v30 =	vshrl.u32 v30, $0x3;
	v42 =	vld.idx.msk [tilespmem:v11+s16+$0x0], $0xffff  }
0x443: {  	v28 =	vshrl.u32 v28, $0x3;
	v27 =	vadd.s32 $0x6, v12;
	v31 =	vld [tilespmem:s21+$0xFFFFEC00];
	v14 =	vmul.f32 v15, v14  }
0x444: {  	v29 =	vshrl.u32 v29, $0x3;
	v24 =	vshrl.u32 v24, $0x3;
	v27 =	vbroadcast v27, $0x0;
	v15 =	vld.idx.msk [tilespmem:v13+s16+$0x0], $0xffff  }
0x445: {  	v12 =	vadd.s32 $0x7, v12;
	v43 =	vld.idx.msk [tilespmem:v16+s16+$0x0], $0xffff;
	v17 =	vmul.f32 v38, v17;
	v14 =	vadd.f32 $0.0e+00, v14  }
0x446: {  	v25 =	vshrl.u32 v25, $0x3;
	v30 =	vshll.u32 v30, v8;
	v12 =	vbroadcast v12, $0x0;
	v32 =	vld [tilespmem:s21+$0xFFFFF000]  }
0x447: {  	v45 =	vbroadcast v30, $0x0;
	v44 =	vld.idx.msk [tilespmem:v20+s16+$0x0], $0xffff;
	v14 =	vadd.f32 v17, v14;
	v17 =	vmul.f32 v26, v42  }
0x448: {  	v28 =	vshll.u32 v28, v8;
	v29 =	vshll.u32 v29, v8;
	v24 =	vshll.u32 v24, v8;
	v46 =	vld [tilespmem:s21+$0xFFFFF400]  }
0x449: {  	v28 =	vadd.s32 $0x1, v28;
	v47 =	vld [tilespmem:s21+$0xFFFFF800];
	v14 =	vadd.f32 v17, v14;
	v15 =	vmul.f32 v31, v15  }
0x44a: {  	v29 =	vadd.s32 $0x2, v29;
	v24 =	vadd.s32 $0x3, v24;
	v28 =	vbroadcast v28, $0x0;
	v17 =	vld.idx.msk [tilespmem:v27+s16+$0x0], $0xffff  }
0x44b: {  	v29 =	vbroadcast v29, $0x0;
	v49 =	vld [tilespmem:s21+$0xFFFFFC00];
	v14 =	vadd.f32 v15, v14;
	v15 =	vmul.f32 v32, v43  }
0x44c: {  	v40 =	vmov s24;
	v25 =	vshll.u32 v25, v8;
	v24 =	vbroadcast v24, $0x0;
	v48 =	vld.idx.msk [tilespmem:v12+s16+$0x0], $0xffff  }
0x44d: {  	v21 =	vshrl.u32 v40, $0x3;
	v50 =	vld.idx.msk [tilespmem:v45+s16+$0x0], $0xffff;
	v14 =	vadd.f32 v15, v14;
	v15 =	vmul.f32 v46, v44  }
0x44e: {  	v41 =	vmov s25;
	v25 =	vadd.s32 $0x4, v25;
	v21 =	vshll.u32 v21, v8;
	v51 =	vld [tilespmem:s21+$0x0]  }
0x44f: {  	v22 =	vshrl.u32 v41, $0x3;
	v52 =	vld [tilespmem:s21+$0x400];
	v14 =	vadd.f32 v15, v14;
	v15 =	vmul.f32 v47, v17  }
0x450: {  	v25 =	vbroadcast v25, $0x0;
	v21 =	vadd.s32 $0x5, v21;
	v22 =	vshll.u32 v22, v8;
	v17 =	vld.idx.msk [tilespmem:v28+s16+$0x0], $0xffff  }
0x451: {  	v21 =	vbroadcast v21, $0x0;
	v53 =	vld.idx.msk [tilespmem:v29+s16+$0x0], $0xffff;
	v14 =	vadd.f32 v15, v14;
	v15 =	vmul.f32 v49, v48  }
0x452: {  	v18 =	vshrl.u32 v37, $0x3;
	v22 =	vadd.s32 $0x6, v22;
	v54 =	vld [tilespmem:s21+$0x800]  }
0x453: {  	v22 =	vbroadcast v22, $0x0;
	v55 =	vld.idx.msk [tilespmem:v24+s16+$0x0], $0xffff;
	v14 =	vadd.f32 v15, v14;
	v15 =	vmul.f32 v51, v50  }
0x454: {  	v18 =	vshll.u32 v18, v8;
	v56 =	vld [tilespmem:s21+$0xC00]  }
0x455: {  	v18 =	vadd.s32 $0x7, v18;
	v57 =	vld [tilespmem:s21+$0x1000];
	v14 =	vadd.f32 v15, v14;
	v15 =	vmul.f32 v52, v17  }
0x456: {  	v18 =	vbroadcast v18, $0x0;
	v17 =	vld.idx.msk [tilespmem:v25+s16+$0x0], $0xffff  }
0x457: {  	v58 =	vld.idx.msk [tilespmem:v21+s16+$0x0], $0xffff;
	v14 =	vadd.f32 v15, v14;
	v15 =	vmul.f32 v54, v53  }
0x458: {  	v59 =	vld [tilespmem:s21+$0x1400]  }
0x459: {  	v60 =	vld.idx.msk [tilespmem:v22+s16+$0x0], $0xffff;
	v14 =	vadd.f32 v15, v14;
	v15 =	vmul.f32 v56, v55  }
0x45a: {  	v61 =	vld [tilespmem:s21+$0x1800]  }
0x45b: {  	v62 =	vld [tilespmem:s21+$0x1C00];
	v14 =	vadd.f32 v15, v14;
	v15 =	vmul.f32 v57, v17  }
0x45c: {  	v17 =	vld.idx.msk [tilespmem:v18+s16+$0x0], $0xffff  }
0x45d: {  	v14 =	vadd.f32 v15, v14;
	v15 =	vmul.f32 v59, v58;
	_ =	sdelay $0x1  }
0x45e: {  	v14 =	vadd.f32 v15, v14;
	v15 =	vmul.f32 v61, v60;
	_ =	sdelay $0x1  }
0x45f: {  	v14 =	vadd.f32 v15, v14;
	v15 =	vmul.f32 v62, v17;
	_ =	sdelay $0x1  }
0x460: {  	v14 =	vadd.f32 v15, v14  }
0x461: {  	s22 =	simm.s32 $0x8520  }
0x462: {  	[tilespmem:s22+$0xFFFFFFF0] =	vst v14  }
0x463: {  	v9 =	vld.idx.msk [tilespmem:v9+s16+$0x0], $0xffff  }
0x464: {  	v14 =	vld [tilespmem:s21+$0xFFFFE010]  }
0x465: {  	v10 =	vld.idx.msk [tilespmem:v10+s16+$0x0], $0xffff  }
0x466: {  	v15 =	vld [tilespmem:s21+$0xFFFFE410]  }
0x467: {  	v11 =	vld.idx.msk [tilespmem:v11+s16+$0x0], $0xffff  }
0x468: {  	v17 =	vld [tilespmem:s21+$0xFFFFE810]  }
0x469: {  	v13 =	vld.idx.msk [tilespmem:v13+s16+$0x0], $0xffff;
	v9 =	vmul.f32 v14, v9  }
0x46a: {  	v14 =	vld [tilespmem:s21+$0xFFFFEC10]  }
0x46b: {  	v10 =	vmul.f32 v15, v10;
	v15 =	vld.idx.msk [tilespmem:v16+s16+$0x0], $0xffff;
	v9 =	vadd.f32 $0.0e+00, v9  }
0x46c: {  	v16 =	vld [tilespmem:s21+$0xFFFFF010]  }
0x46d: {  	v9 =	vadd.f32 v10, v9;
	v10 =	vmul.f32 v17, v11;
	v11 =	vld.idx.msk [tilespmem:v20+s16+$0x0], $0xffff  }
0x46e: {  	v17 =	vld [tilespmem:s21+$0xFFFFF410]  }
0x46f: {  	v9 =	vadd.f32 v10, v9;
	v10 =	vmul.f32 v14, v13;
	v13 =	vld.idx.msk [tilespmem:v27+s16+$0x0], $0xffff  }
0x470: {  	v14 =	vld [tilespmem:s21+$0xFFFFF810]  }
0x471: {  	v12 =	vld.idx.msk [tilespmem:v12+s16+$0x0], $0xffff;
	v9 =	vadd.f32 v10, v9;
	v10 =	vmul.f32 v16, v15  }
0x472: {  	v15 =	vld [tilespmem:s21+$0xFFFFFC10]  }
0x473: {  	v16 =	vld [tilespmem:s21+$0x10];
	v9 =	vadd.f32 v10, v9;
	v10 =	vmul.f32 v17, v11  }
0x474: {  	v11 =	vld.idx.msk [tilespmem:v45+s16+$0x0], $0xffff  }
0x475: {  	v9 =	vadd.f32 v10, v9;
	v10 =	vmul.f32 v14, v13;
	v13 =	vld.idx.msk [tilespmem:v28+s16+$0x0], $0xffff  }
0x476: {  	v14 =	vld [tilespmem:s21+$0x410]  }
0x477: {  	v9 =	vadd.f32 v10, v9;
	v10 =	vmul.f32 v15, v12;
	v12 =	vld.idx.msk [tilespmem:v29+s16+$0x0], $0xffff  }
0x478: {  	v15 =	vld [tilespmem:s21+$0x810]  }
0x479: {  	v17 =	vld [tilespmem:s21+$0xC10];
	v9 =	vadd.f32 v10, v9;
	v10 =	vmul.f32 v16, v11  }
0x47a: {  	v16 =	vld.idx.msk [tilespmem:v24+s16+$0x0], $0xffff  }
0x47b: {  	v63 =	vld [tilespmem:s21+$0x1010];
	v9 =	vadd.f32 v10, v9;
	v10 =	vmul.f32 v14, v13  }
0x47c: {  	v13 =	vld.idx.msk [tilespmem:v25+s16+$0x0], $0xffff  }
0x47d: {  	v11 =	vld [tilespmem:s21+$0x1410];
	v12 =	vmul.f32 v15, v12;
	v10 =	vadd.f32 v10, v9  }
0x47e: {  	v9 =	vld.idx.msk [tilespmem:v21+s16+$0x0], $0xffff  }
0x47f: {  	v15 =	vmul.f32 v17, v16;
	v14 =	vadd.f32 v12, v10;
	v10 =	vld.idx.msk [tilespmem:v22+s16+$0x0], $0xffff  }
0x480: {  	v12 =	vld [tilespmem:s21+$0x1810]  }
0x481: {  	s23 =	simm.s32 $0x0;
	s24 =	simm.s32 $0x8;
	v14 =	vadd.f32 v15, v14;
	v15 =	vmul.f32 v63, v13;
	v13 =	vld.idx.msk [tilespmem:v18+s16+$0x0], $0xffff  }
.LBB2_35:
0x482: {  	s25 =	sand.u32 $0xF0, s24;
	s23 =	sadd.s32 $0x2, s23;
	v16 =	vld [tilespmem:s21+$0x1C10]  }
0x483: {  	v17 =	vmov s25;
	p0 =	slt.u32 s23, $0x3E;
	v14 =	vadd.f32 v15, v14;
	v9 =	vmul.f32 v11, v9  }
0x484: {  	v11 =	vshrl.u32 v17, $0x3  }
0x485: {  	v17 =	vshll.u32 v11, v8;
	v11 =	vadd.f32 v9, v14;
	v10 =	vmul.f32 v12, v10  }
0x486: {  	v9 =	vbroadcast v17, $0x0  }
0x487: {  	v12 =	vor.u32 $0x1, v17;
	v11 =	vadd.f32 v10, v11;
	v13 =	vmul.f32 v16, v13  }
0x488: {  	v10 =	vbroadcast v12, $0x0  }
0x489: {  	v12 =	vadd.s32 $0x2, v17;
	v13 =	vadd.f32 v13, v11  }
0x48a: {  	v11 =	vbroadcast v12, $0x0  }
0x48b: {  	v12 =	vadd.s32 $0x3, v17;
	[tilespmem:s22+$0x0] =	vst v13  }
0x48c: {  	s21 =	sadd.s32 $0x20, s21;
	v12 =	vbroadcast v12, $0x0;
	v15 =	vld.idx.msk [tilespmem:v9+s16+$0x0], $0xffff  }
0x48d: {  	s25 =	sor.u32 $0xF, s24;
	v13 =	vadd.s32 $0x4, v17;
	v16 =	vld [tilespmem:s21+$0xFFFFE000]  }
0x48e: {  	s26 =	sor.u32 $0xD, s24;
	s28 =	sor.u32 $0xE, s24;
	v22 =	vmov s25;
	v13 =	vbroadcast v13, $0x0;
	v18 =	vld.idx.msk [tilespmem:v10+s16+$0x0], $0xffff  }
0x48f: {  	s29 =	sor.u32 $0xC, s24;
	v20 =	vmov s26;
	v21 =	vmov s28;
	s25 =	sor.u32 $0xB, s24;
	v14 =	vadd.s32 $0x5, v17;
	v19 =	vld [tilespmem:s21+$0xFFFFE400]  }
0x490: {  	s26 =	sor.u32 $0x9, s24;
	s28 =	sor.u32 $0xA, s24;
	v25 =	vmov s29;
	v24 =	vmov s25;
	v14 =	vbroadcast v14, $0x0;
	v23 =	vld.idx.msk [tilespmem:v11+s16+$0x0], $0xffff  }
0x491: {  	v28 =	vmov s26;
	v29 =	vmov s28;
	s25 =	sor.u32 $0x8, s24;
	v27 =	vadd.s32 $0x6, v17;
	v26 =	vld [tilespmem:s21+$0xFFFFE800]  }
0x492: {  	v16 =	vmul.f32 v16, v15;
	v30 =	vld.idx.msk [tilespmem:v12+s16+$0x0], $0xffff;
	v15 =	vbroadcast v27, $0x0;
	v27 =	vmov s25  }
0x493: {  	v28 =	vshrl.u32 v28, $0x3;
	v17 =	vadd.s32 $0x7, v17;
	v31 =	vld [tilespmem:s21+$0xFFFFEC00];
	v27 =	vshrl.u32 v27, $0x3  }
0x494: {  	v32 =	vadd.f32 $0.0e+00, v16;
	v18 =	vmul.f32 v19, v18;
	v19 =	vld.idx.msk [tilespmem:v13+s16+$0x0], $0xffff;
	v16 =	vbroadcast v17, $0x0  }
0x495: {  	v17 =	vshll.u32 v27, v8;
	v27 =	vshll.u32 v28, v8;
	v28 =	vshrl.u32 v29, $0x3;
	v33 =	vld [tilespmem:s21+$0xFFFFF000]  }
0x496: {  	v17 =	vbroadcast v17, $0x0;
	v18 =	vadd.f32 v18, v32;
	v23 =	vmul.f32 v26, v23;
	v26 =	vld.idx.msk [tilespmem:v14+s16+$0x0], $0xffff  }
0x497: {  	v24 =	vshrl.u32 v24, $0x3;
	v27 =	vadd.s32 $0x1, v27;
	v28 =	vshll.u32 v28, v8;
	v29 =	vld [tilespmem:s21+$0xFFFFF400]  }
0x498: {  	v23 =	vadd.f32 v23, v18;
	v30 =	vmul.f32 v31, v30;
	v31 =	vld.idx.msk [tilespmem:v15+s16+$0x0], $0xffff;
	v18 =	vbroadcast v27, $0x0  }
0x499: {  	v25 =	vshrl.u32 v25, $0x3;
	v24 =	vshll.u32 v24, v8;
	v28 =	vadd.s32 $0x2, v28;
	v27 =	vld [tilespmem:s21+$0xFFFFF800]  }
0x49a: {  	v23 =	vadd.f32 v30, v23;
	v30 =	vmul.f32 v33, v19;
	v32 =	vld.idx.msk [tilespmem:v16+s16+$0x0], $0xffff;
	v19 =	vbroadcast v28, $0x0  }
0x49b: {  	v25 =	vshll.u32 v25, v8;
	v24 =	vadd.s32 $0x3, v24;
	v33 =	vshrl.u32 v20, $0x3;
	v28 =	vld [tilespmem:s21+$0xFFFFFC00]  }
0x49c: {  	v20 =	vbroadcast v24, $0x0;
	v23 =	vadd.f32 v30, v23;
	v26 =	vmul.f32 v29, v26;
	v29 =	vld.idx.msk [tilespmem:v17+s16+$0x0], $0xffff  }
0x49d: {  	v25 =	vadd.s32 $0x4, v25;
	v30 =	vshll.u32 v33, v8;
	v33 =	vshrl.u32 v21, $0x3;
	v24 =	vld [tilespmem:s21+$0x0]  }
0x49e: {  	v21 =	vbroadcast v25, $0x0;
	v23 =	vadd.f32 v26, v23;
	v26 =	vmul.f32 v27, v31;
	v27 =	vld.idx.msk [tilespmem:v18+s16+$0x0], $0xffff  }
0x49f: {  	v30 =	vadd.s32 $0x5, v30;
	v31 =	vshll.u32 v33, v8;
	v33 =	vshrl.u32 v22, $0x3;
	v25 =	vld [tilespmem:s21+$0x400]  }
0x4a0: {  	v22 =	vbroadcast v30, $0x0;
	v23 =	vadd.f32 v26, v23;
	v26 =	vmul.f32 v28, v32;
	v28 =	vld.idx.msk [tilespmem:v19+s16+$0x0], $0xffff  }
0x4a1: {  	v31 =	vadd.s32 $0x6, v31;
	v32 =	vshll.u32 v33, v8;
	v30 =	vld [tilespmem:s21+$0x800]  }
0x4a2: {  	v23 =	vadd.f32 v26, v23;
	v24 =	vmul.f32 v24, v29;
	v26 =	vld.idx.msk [tilespmem:v20+s16+$0x0], $0xffff;
	v29 =	vbroadcast v31, $0x0  }
0x4a3: {  	v32 =	vadd.s32 $0x7, v32;
	v31 =	vld [tilespmem:s21+$0xC00]  }
0x4a4: {  	v23 =	vadd.f32 v24, v23;
	v24 =	vmul.f32 v25, v27;
	v25 =	vld.idx.msk [tilespmem:v21+s16+$0x0], $0xffff;
	v27 =	vbroadcast v32, $0x0  }
0x4a5: {  	v32 =	vld [tilespmem:s21+$0x1000]  }
0x4a6: {  	v23 =	vadd.f32 v24, v23;
	v24 =	vmul.f32 v30, v28;
	v28 =	vld.idx.msk [tilespmem:v22+s16+$0x0], $0xffff  }
0x4a7: {  	v30 =	vld [tilespmem:s21+$0x1400]  }
0x4a8: {  	v23 =	vadd.f32 v24, v23;
	v24 =	vmul.f32 v31, v26;
	v26 =	vld.idx.msk [tilespmem:v29+s16+$0x0], $0xffff  }
0x4a9: {  	v31 =	vld [tilespmem:s21+$0x1800]  }
0x4aa: {  	v23 =	vadd.f32 v24, v23;
	v24 =	vmul.f32 v32, v25;
	v25 =	vld.idx.msk [tilespmem:v27+s16+$0x0], $0xffff  }
0x4ab: {  	v32 =	vld [tilespmem:s21+$0x1C00]  }
0x4ac: {  	v23 =	vadd.f32 v24, v23;
	v24 =	vmul.f32 v30, v28;
	_ =	sdelay $0x1  }
0x4ad: {  	v23 =	vadd.f32 v24, v23;
	v24 =	vmul.f32 v31, v26;
	_ =	sdelay $0x1  }
0x4ae: {  	v23 =	vadd.f32 v24, v23;
	v24 =	vmul.f32 v32, v25;
	_ =	sdelay $0x1  }
0x4af: {  	v23 =	vadd.f32 v24, v23  }
0x4b0: {  	s22 =	sadd.s32 $0x20, s22  }
0x4b1: {  	[tilespmem:s22+$0xFFFFFFF0] =	vst v23  }
0x4b2: {  	v9 =	vld.idx.msk [tilespmem:v9+s16+$0x0], $0xffff  }
0x4b3: {  	v23 =	vld [tilespmem:s21+$0xFFFFE010]  }
0x4b4: {  	v10 =	vld.idx.msk [tilespmem:v10+s16+$0x0], $0xffff  }
0x4b5: {  	v24 =	vld [tilespmem:s21+$0xFFFFE410]  }
0x4b6: {  	v11 =	vld.idx.msk [tilespmem:v11+s16+$0x0], $0xffff  }
0x4b7: {  	v25 =	vld [tilespmem:s21+$0xFFFFE810]  }
0x4b8: {  	v9 =	vmul.f32 v23, v9;
	v12 =	vld.idx.msk [tilespmem:v12+s16+$0x0], $0xffff  }
0x4b9: {  	v23 =	vld [tilespmem:s21+$0xFFFFEC10]  }
0x4ba: {  	v9 =	vadd.f32 $0.0e+00, v9;
	v10 =	vmul.f32 v24, v10;
	v13 =	vld.idx.msk [tilespmem:v13+s16+$0x0], $0xffff  }
0x4bb: {  	v24 =	vld [tilespmem:s21+$0xFFFFF010]  }
0x4bc: {  	v9 =	vadd.f32 v10, v9;
	v10 =	vmul.f32 v25, v11;
	v11 =	vld.idx.msk [tilespmem:v14+s16+$0x0], $0xffff  }
0x4bd: {  	v14 =	vld [tilespmem:s21+$0xFFFFF410]  }
0x4be: {  	v9 =	vadd.f32 v10, v9;
	v10 =	vmul.f32 v23, v12;
	v12 =	vld.idx.msk [tilespmem:v15+s16+$0x0], $0xffff  }
0x4bf: {  	v15 =	vld [tilespmem:s21+$0xFFFFF810]  }
0x4c0: {  	v9 =	vadd.f32 v10, v9;
	v10 =	vmul.f32 v24, v13;
	v13 =	vld.idx.msk [tilespmem:v16+s16+$0x0], $0xffff  }
0x4c1: {  	v16 =	vld [tilespmem:s21+$0xFFFFFC10]  }
0x4c2: {  	v9 =	vadd.f32 v10, v9;
	v10 =	vmul.f32 v14, v11;
	v11 =	vld.idx.msk [tilespmem:v17+s16+$0x0], $0xffff  }
0x4c3: {  	v14 =	vld [tilespmem:s21+$0x10]  }
0x4c4: {  	v9 =	vadd.f32 v10, v9;
	v10 =	vmul.f32 v15, v12;
	v12 =	vld.idx.msk [tilespmem:v18+s16+$0x0], $0xffff  }
0x4c5: {  	v15 =	vld [tilespmem:s21+$0x410]  }
0x4c6: {  	v9 =	vadd.f32 v10, v9;
	v10 =	vmul.f32 v16, v13;
	v13 =	vld.idx.msk [tilespmem:v19+s16+$0x0], $0xffff  }
0x4c7: {  	v16 =	vld [tilespmem:s21+$0x810]  }
0x4c8: {  	v9 =	vadd.f32 v10, v9;
	v10 =	vmul.f32 v14, v11;
	v14 =	vld.idx.msk [tilespmem:v20+s16+$0x0], $0xffff  }
0x4c9: {  	v17 =	vld [tilespmem:s21+$0xC10]  }
0x4ca: {  	v9 =	vadd.f32 v10, v9;
	v10 =	vmul.f32 v15, v12;
	v15 =	vld.idx.msk [tilespmem:v21+s16+$0x0], $0xffff  }
0x4cb: {  	v18 =	vld [tilespmem:s21+$0x1010]  }
.Ltmp16:
0x4cc: {  	v10 =	vadd.f32 v10, v9;
	v12 =	vmul.f32 v16, v13;
	v9 =	vld.idx.msk [tilespmem:v22+s16+$0x0], $0xffff;
	(pc) =	sbr.rel @p0 .LBB2_35-.Ltmp16, $4  }
0x4cd: {  	v11 =	vld [tilespmem:s21+$0x1410]  }
0x4ce: {  	v13 =	vadd.f32 v12, v10;
	v14 =	vmul.f32 v17, v14;
	v10 =	vld.idx.msk [tilespmem:v29+s16+$0x0], $0xffff  }
0x4cf: {  	v12 =	vld [tilespmem:s21+$0x1810]  }
0x4d0: {  	s24 =	sadd.s32 $0x8, s24;
	v14 =	vadd.f32 v14, v13;
	v15 =	vmul.f32 v18, v15;
	v13 =	vld.idx.msk [tilespmem:v27+s16+$0x0], $0xffff  }
0x4d1: {  	v16 =	vld [tilespmem:s21+$0x1C10]  }
0x4d2: {  	v14 =	vadd.f32 v15, v14;
	v9 =	vmul.f32 v11, v9;
	_ =	sdelay $0x1  }
0x4d3: {  	v9 =	vadd.f32 v9, v14;
	v10 =	vmul.f32 v12, v10;
	_ =	sdelay $0x1  }
0x4d4: {  	v9 =	vadd.f32 v10, v9;
	v10 =	vmul.f32 v16, v13;
	_ =	sdelay $0x1  }
0x4d5: {  	s19 =	sadd.s32 $0x1, s19;
	v9 =	vadd.f32 v10, v9  }
0x4d6: {  	p0 =	sne.s32 s19, $0x80  }
.Ltmp17:
0x4d7: {  	s20 =	sadd.s32 s7, s20;
	[tilespmem:s22+$0x0] =	vst v9;
	(pc) =	sbr.rel @p0 .LBB2_2-.Ltmp17, $4  }
0x4d8: {  	[hbm4b:s20+s2] =	stream.linear.scatter [tilespmem:s17], [sflag:$0x3], $0x400, $0x38;
	[tilespmem:$0x8910] =	vst v63  }
0x4d9: {  	_ =	swait.ge [sflag:s10], $0x400  }
0x4da: {  	[sflag:s10] =	ssyncset.done $0x0  }
0x4db: {  	[sflag:s10] =	ssyncadd.s32 $0xFFFFFC00  }
0x4dc: {  	s18 =	sadd.s32 $0x1, s18  }
0x4dd: {  	p0 =	sne.s32 s18, s9  }
.Ltmp18:
0x4de: {  	_ = 	snop;
	(pc) =	sbr.rel @p0 .LBB2_1-.Ltmp18, $1  }
0x4df: {  	_ =	sdelay $0x3  }
0x4e0: {  	_ =	sfence.sel $0x180000  }
0x4e1: {  	[bflag:$0x0] =	sbarrier.arrive $0xFFFF  }
0x4e2: {  	p0 =	sne.s32 s4, $0x0;
	_ =	strace $0x9000004D  }
0x4e3: {  	s0 =	sadd.s32 @!p0 $0x100000, s0;
	[bflag:$0x2] =	sbarrier.arrive $0xFFFF  }
0x4e4: {  	[sflag:s0] =	ssyncadd.tile.s32 @!p0 $0x1;
	_ =	shalt  }
.Lfunc_end2:
_tile_overlayer_lowered:
.L_overlay_start_2:
0x4e5: {  	(tag) =	ssettag $0x2  }
0x4e6: {  	s0 =	rddreg [dreg:$0x0];
	s2 =	stileid.u32  }
0x4e7: {  	s1 =	rddreg [dreg:$0x1];
	p0 =	sne.s32 s2, $0x0  }
0x4e8: {  	s3 =	rddreg [dreg:$0x2];
	[bflag:$0x3] =	sbarrier.arrive $0xFFFF;
	s2 =	simm.s32 @!p0 $0x1C03  }
0x4e9: {  	[timem:s3], [sflag:s2] =	dma.local @!p0 [hbm:s0], s1  }
0x4ea: {  	s0 =	simm.s32 @!p0 $0x3  }
0x4eb: {  	_ =	swait.ge @!p0 [sflag:s0], s1  }
0x4ec: {  	s1 =	ssub.s32 @!p0 $0x0, s1;
	[sflag:s0] =	ssyncset.done @!p0 $0x0  }
0x4ed: {  	[sflag:s0] =	ssyncadd.s32 @!p0 s1  }
0x4ee: {  	[bflag:$0x3] =	sbarrier.arrive $0xFFFF  }
0x4ef: {  	_ =	shalt  }

// kernel: sparse-core-data-format-call.1.cloned.1.call-start
scs
called_computation.1_lowered:
.L_overlay_start_0:
0x0: {  	s2 =	sld [smem:$0x3FD9]  }
0x1: {  	s3 =	sld [smem:$0x3FFE];
	_ =	sdelay $0x1  }
0x2: {  	s1 =	srdreg.scid  }
0x3: {  	s0 =	sand.u32 $0x1, s1  }
0x4: {  	s18 =	sshll.u32 s0, $0xA;
	s2 =	sadd.s32 s3, s2  }
0x5: {  	s2 =	sadd.s32 s2, s18  }
0x6: {  	[smem:$0x3FBC] =	sst s2  }
0x7: {  	_ = 	snop  }
0x8: {  	(tm) =	ssettm $0x1  }
0x9: {  	s19 =	sld [smem:$0x3FFB];
	_ =	sdelay $0x3  }
0xa: {  	_ =	strace s19  }
0xb: {  	s2 =	sld [smem:$0x3FFC];
	_ =	sdelay $0x3  }
0xc: {  	_ =	strace s2  }
0xd: {  	s2 =	sld [smem:$0x3FFD];
	_ =	sdelay $0x3  }
0xe: {  	_ =	strace s2  }
0xf: {  	_ =	strace $0x8FFFFFFF  }
0x10: {  	s20 =	sld [smem:$0x3FDB];
	_ =	sdelay $0x1  }
0x11: {  	s21 =	simm.s32 $_scs_section_size  }
0x12: {  	s4 =	simm.s32 $_size__tile_overlayer_lowered;
	s5 =	simm.s32 $_tile_overlayer_lowered  }
0x13: {  	s6 =	simm.s32 $0x1BFF;
	s22 =	sshll.u32 s5, $0x1;
	s3 =	sadd.s32 s21, s20  }
0x14: {  	s23 =	simm.s32 $0x0;
	s4 =	sshll.u32 s4, $0x1;
	s5 =	sadd.s32 s22, s3  }
0x15: {  	[timem:s23], [sflag:s6] =	dma.local [hbm:s5], s4  }
0x16: {  	_ =	swait.ge [sflag:s6], s4  }
0x17: {  	s4 =	ssub.s32 $0x0, s4;
	[sflag:s6] =	ssyncset.done $0x0  }
0x18: {  	[sflag:s6] =	ssyncadd.s32 s4;
	_ =	sdelay $0x1  }
0x19: {  	s24 =	simm.s32 $0x1B8B  }
0x1a: {  	_ =	swait.ge [sflag:s24], $0x1  }
0x1b: {  	[sflag:s24] =	ssyncset.done $0x0  }
0x1c: {  	[sflag:s24] =	ssyncadd.s32 $0xFFFFFFFF  }
0x1d: {  	s4 =	sld [smem:$0x0]  }
0x1e: {  	s5 =	sand.u32 $0xFFFFFFFE, s1  }
0x1f: {  	p0 =	sne.s32 s1, s5  }
0x20: {  	s5 =	sshll.u32 @p0 s5, $0xE  }
0x21: {  	s5 =	sadd.s32 @p0 $0x11B8D, s5;
	s6 =	sshll.u32 @p0 s4, $0x11  }
0x22: {  	s5 =	sor.u32 @p0 s6, s5  }
0x23: {  	[sflag:s5] =	ssyncadd.remote.s32 @p0 $0x1;
	_ =	sdelay $0x1  }
0x24: {  	s5 =	simm.s32 @p0 $0x1B8D  }
0x25: {  	_ =	swait.eq @p0 [sflag:s5], $0x1  }
0x26: {  	[sflag:s5] =	ssyncadd.s32 @p0 $0xFFFFFFFF  }
0x27: {  	s6 =	sshll.u32 @!p0 s1, $0xE  }
0x28: {  	s6 =	sor.u32 @!p0 $0x4000, s6;
	s5 =	simm.s32 @!p0 $0x1B8D  }
0x29: {  	s4 =	sshll.u32 @!p0 s4, $0x11;
	s6 =	sadd.s32 @!p0 $0x11B8D, s6;
	_ =	swait.eq @!p0 [sflag:s5], $0x1  }
0x2a: {  	s4 =	sor.u32 @!p0 s4, s6;
	[sflag:s5] =	ssyncadd.s32 @!p0 $0xFFFFFFFF  }
0x2b: {  	s26 =	simm.s32 $0x1B8E;
	s25 =	sld [smem:$0x3FFE];
	[sflag:s4] =	ssyncadd.remote.s32 @!p0 $0x1  }
0x2c: {  	s27 =	simm.s32 $execute0_lowered;
	[smem:$0x3FD2] =	sst s26  }
0x2d: {  	s5 =	sshll.u32 s27, $0x1;
	_ =	strace $0x80000049;
	[dreg:$0x1] =	wrdreg $0xFFFFFFFF  }
0x2e: {  	s28 =	simm.s32 $_size_execute0_lowered;
	s3 =	sadd.s32 s3, s5;
	[dreg:$0x0] =	wrdreg $0x0  }
0x2f: {  	s5 =	sshll.u32 s28, $0x1;
	[dreg:$0x2] =	wrdreg s3  }
0x30: {  	[dreg:$0x3] =	wrdreg s5  }
0x31: {  	[dreg:$0x4] =	wrdreg $0xC0  }
0x32: {  	_ =	task [dreg:s23], $0x5FFFF  }
0x33: {  	[dreg:$0x1] =	wrdreg $0xFFFFFFFF  }
0x34: {  	[dreg:$0x0] =	wrdreg $0x60  }
0x35: {  	[dreg:$0x2] =	wrdreg s25  }
0x36: {  	[dreg:$0x3] =	wrdreg $0xA  }
0x37: {  	_ =	task.clear_ibuf [dreg:s23], $0x4FFFF;
	_ =	strace $0x90000049  }
0x38: {  	s29 =	simm.s32 $0xA;
	_ =	strace $0x8000004B  }
0x39: {  	_ =	swait.ge [sflag:s29], $0x1  }
0x3a: {  	[sflag:s29] =	ssyncadd.s32 $0xFFFFFFFF  }
0x3b: {  	_ =	strace $0x9000004B  }
0x3c: {  	_ =	sfence  }
0x3d: {  	s30 =	sld [smem:$0x0];
	_ =	sdelay $0x2  }
0x3e: {  	s31 =	sshll.u32 s1, $0xD;
	s1 =	sshrl.u32 s1, $0x2  }
0x3f: {  	s4 =	sand.u32 $0x4000, s31;
	s1 =	sadd.s32 s1, s30  }
0x40: {  	s0 =	sor.u32 s4, s0;
	s1 =	sshll.u32 s1, $0x11  }
0x41: {  	s0 =	sor.u32 s1, s0  }
0x42: {  	s0 =	sadd.s32 $0x8F2B, s0  }
0x43: {  	[sflag:s0] =	ssyncadd.remote.s32 $0x1  }
0x44: {  	_ =	sfence.sel $0xFFFF  }
0x45: {  	[dreg:$0x0] =	wrdreg $0xFFFFFFFF;
	(pc) =	sbr.abs _section_cstart, $3  }
0x46: {  	[dreg:$0x1] =	wrdreg $0xFFFFFFFF  }
0x47: {  	_ =	task.clear_ibuf [dreg:s23], $0x2FFFF;
	_ =	strace $0x9FFFFFFF  }
0x48: {  	(tm) =	ssettm $0x7FFFFFFF  }
0x49: {  	_ =	shalt  }
tec
execute0_lowered:
.L_overlay_start_1:
0x0: {  	(tag) =	ssettag $0x1  }
0x1: {  	s0 =	srdreg.scid  }
0x2: {  	s1 =	sshll.u32 s0, $0x4  }
0x3: {  	s4 =	rddreg [dreg:$0x0];
	s0 =	stileid.u32;
	s1 =	sand.u32 $0x10, s1  }
0x4: {  	s7 =	simm.s32 $0x1;
	s8 =	simm.s32 $0x2;
	s1 =	sor.u32 s0, s1  }
0x5: {  	s9 =	simm.s32 $0x0;
	s12 =	simm.s32 $0x0;
	s2 =	sshll.u32 s1, $0x1  }
0x6: {  	s11 =	simm.s32 $0x0;
	s3 =	sadd.s32 $0x103000, s4;
	s6 =	ssub.s32 $0x400, s2  }
.Ltmp0:
0x7: {  	s4 =	sadd.s32 $0x303000, s4;
	s5 =	sand.u32 $0x3E, s6;
	(pc) =	sbr.rel .LBB1_1-.Ltmp0, $4  }
0x8: {  	s1 =	rddreg [dreg:$0x1];
	_ =	strace $0x8000004A;
	p0 =	sne.s32 s5, $0x0  }
0x9: {  	s6 =	sshrl.u32 s6, $0x6;
	s5 =	simm.s32 $0x1;
	s7 =	simm.s32 @!p0 $0x0  }
0xa: {  	s10 =	smov.u32 s2;
	[sflag:s5] =	ssyncpa.u1 $0x0;
	s6 =	sadd.s32 s7, s6  }
0xb: {  	[sflag:s8] =	ssyncpa.u1 $0x0;
	s8 =	simm.s32 $0x0;
	s7 =	sadd.s32 $0x1, s6  }
.LBB1_9:
0xc: {  	s14 =	sadd.s32 $0x40, s10  }
0xd: {  	p1 =	sgt.s32 s14, $0x3FF  }
0xe: {  	s14 =	smov.u32 @p1 s2;
	p1 =	sne.s32 s11, s7  }
.Ltmp1:
0xf: {  	p0 =	slt.u32 s11, $0x2;
	(pc) =	sbr.rel @!p1 .LBB1_10-.Ltmp1, $4  }
0x10: {  	s13 =	simm.s32 @!p0 $0x2  }
0x11: {  	s15 =	sadd.s32 $0x1, s11;
	_ =	swait.ge @!p0 [sflag:s13], $0x4000  }
0x12: {  	s12 =	smov.u32 s10;
	s9 =	sadd.s32 $0x4000, s9;
	[sflag:s13] =	ssyncset.done @!p0 $0x0  }
0x13: {  	s11 =	smov.u32 s15;
	s10 =	smov.u32 s14;
	[sflag:s13] =	ssyncadd.s32 @!p0 $0xFFFFC000  }
.LBB1_1:
0x14: {  	p0 =	sge.u32 s11, s6  }
0x15: {  	s13 =	sxor.u32 @!p0 $0xFFFFFFFF, s11  }
0x16: {  	s31 =	sadd.s32 $0xFFFFFFFF, s11;
	s14 =	sshll.u32 @!p0 s10, $0xA;
	s13 =	sshll.u32 @!p0 s13, $0xE  }
0x17: {  	s15 =	simm.s32 @!p0 $0x0;
	s14 =	sadd.s32 @!p0 s3, s14;
	s13 =	sand.u32 @!p0 $0x4000, s13  }
0x18: {  	[tilespmem:s13], [sflag:$0x1] =	stream.linear.gather @!p0 [hbm4b:s14+s15], $0x4000, $0x38;
	[tilespmem:$0x10000] =	vst v63  }
0x19: {  	p0 =	sge.u32 s31, s6  }
.Ltmp2:
0x1a: {  	_ = 	snop;
	(pc) =	sbr.rel @p0 .LBB1_9-.Ltmp2, $1  }
0x1b: {  	_ =	sdelay $0x3  }
0x1c: {  	s13 =	sshll.u32 s9, $0x2  }
0x1d: {  	_ =	swait.ge [sflag:s5], $0x4000;
	s14 =	sshll.u32 s11, $0xE;
	s16 =	simm.s32 $0x0  }
0x1e: {  	p1 =	por $0x1, $0x1;
	s13 =	sand.u32 $0x10000, s13;
	[sflag:s5] =	ssyncset.done $0x0  }
0x1f: {  	s14 =	sand.u32 $0x4000, s14;
	s15 =	sshrl.u32 s13, $0x2;
	[sflag:s5] =	ssyncadd.s32 $0xFFFFC000  }
0x20: {  	s13 =	sor.u32 $0x8000, s14;
	s14 =	sadd.s32 $0x8040, s15;
	s15 =	sadd.s32 $0x40, s15  }
.LBB1_3:
0x21: {  	s16 =	sshll.u32 s16, $0x2  }
0x22: {  	p0 =	por p1, p1;
	s17 =	sshra.s32 s16, $0x2  }
0x23: {  	s18 =	simm.s32 $0x0;
	s16 =	sadd.s32 s17, s14;
	s17 =	sadd.s32 s17, s15  }
.LBB1_4:
0x24: {  	v0 =	vmov s17;
	_ =	sdelay $0x3  }
0x25: {  	s20 =	simm.s32 $0x0  }
0x26: {  	v6 =	vld.idx.msk [tilespmem:v0+s20+$0x30 ss:$0x1], $0xffff  }
0x27: {  	v7 =	vld.idx.msk [tilespmem:v0+s20+$0xFFFFFFC0 ss:$0x1], $0xffff  }
0x28: {  	v5 =	vld.idx.msk [tilespmem:v0+s20+$0xFFFFFFD0 ss:$0x1], $0xffff  }
0x29: {  	v4 =	vld.idx.msk [tilespmem:v0+s20+$0xFFFFFFE0 ss:$0x1], $0xffff  }
0x2a: {  	v3 =	vld.idx.msk [tilespmem:v0+s20+$0xFFFFFFF0 ss:$0x1], $0xffff  }
0x2b: {  	v1 =	vld.idx.msk [tilespmem:v0+s20+$0x0 ss:$0x1], $0xffff  }
0x2c: {  	v2 =	vld.idx.msk [tilespmem:v0+s20+$0x10 ss:$0x1], $0xffff;
	[tilespmem:s16+$0x30] =	vst v6  }
0x2d: {  	s19 =	simm.s32 $0x80;
	s21 =	simm.s32 $0x400;
	[tilespmem:s16+$0xFFFFFFC0] =	vst v7;
	v6 =	vld.idx.msk [tilespmem:v0+s20+$0x20 ss:$0x1], $0xffff;
	s20 =	smov.u32 s16  }
.LBB1_5:
0x2e: {  	p1 =	sne.s32 s21, $0xE00;
	v7 =	vld.idx.msk [tilespmem:v0+s19+$0x30 ss:$0x1], $0xffff;
	[tilespmem:s20+$0xFFFFFFD0] =	vst v5  }
0x2f: {  	v8 =	vld.idx.msk [tilespmem:v0+s19+$0xFFFFFFC0 ss:$0x1], $0xffff;
	[tilespmem:s20+$0xFFFFFFE0] =	vst v4  }
0x30: {  	v5 =	vld.idx.msk [tilespmem:v0+s19+$0xFFFFFFD0 ss:$0x1], $0xffff;
	[tilespmem:s20+$0xFFFFFFF0] =	vst v3  }
.Ltmp3:
0x31: {  	v4 =	vld.idx.msk [tilespmem:v0+s19+$0xFFFFFFE0 ss:$0x1], $0xffff;
	[tilespmem:s20+$0x0] =	vst v1;
	(pc) =	sbr.rel @p1 .LBB1_5-.Ltmp3, $4  }
0x32: {  	v3 =	vld.idx.msk [tilespmem:v0+s19+$0xFFFFFFF0 ss:$0x1], $0xffff;
	[tilespmem:s20+$0x10] =	vst v2  }
0x33: {  	v1 =	vld.idx.msk [tilespmem:v0+s19+$0x0 ss:$0x1], $0xffff;
	[tilespmem:s20+$0x20] =	vst v6;
	s20 =	sadd.s32 $0x400, s20  }
0x34: {  	v2 =	vld.idx.msk [tilespmem:v0+s19+$0x10 ss:$0x1], $0xffff;
	[tilespmem:s20+$0x30] =	vst v7  }
0x35: {  	[tilespmem:s20+$0xFFFFFFC0] =	vst v8;
	v6 =	vld.idx.msk [tilespmem:v0+s19+$0x20 ss:$0x1], $0xffff;
	s19 =	sshra.s32 s21, $0x2;
	s21 =	sadd.s32 $0x200, s21  }
0x36: {  	_ =	sdelay $0x2  }
0x37: {  	[tilespmem:s20+$0xFFFFFFD0] =	vst v5  }
0x38: {  	v56 =	vld.idx.msk [tilespmem:v0+s19+$0x30 ss:$0x1], $0xffff;
	[tilespmem:s20+$0xFFFFFFE0] =	vst v4  }
0x39: {  	v57 =	vld.idx.msk [tilespmem:v0+s19+$0xFFFFFFC0 ss:$0x1], $0xffff;
	[tilespmem:s20+$0xFFFFFFF0] =	vst v3  }
0x3a: {  	v58 =	vld.idx.msk [tilespmem:v0+s19+$0xFFFFFFD0 ss:$0x1], $0xffff;
	[tilespmem:s20+$0x0] =	vst v1  }
0x3b: {  	v59 =	vld.idx.msk [tilespmem:v0+s19+$0xFFFFFFE0 ss:$0x1], $0xffff;
	[tilespmem:s20+$0x10] =	vst v2  }
0x3c: {  	v60 =	vld.idx.msk [tilespmem:v0+s19+$0xFFFFFFF0 ss:$0x1], $0xffff;
	s31 =	sadd.s32 $0x400, s20;
	[tilespmem:s20+$0x20] =	vst v6  }
0x3d: {  	v61 =	vld.idx.msk [tilespmem:v0+s19+$0x0 ss:$0x1], $0xffff;
	[tilespmem:s31+$0x30] =	vst v56  }
0x3e: {  	v62 =	vld.idx.msk [tilespmem:v0+s19+$0x10 ss:$0x1], $0xffff;
	s18 =	sadd.s32 $0x1, s18;
	[tilespmem:s31+$0xFFFFFFC0] =	vst v57  }
0x3f: {  	v63 =	vld.idx.msk [tilespmem:v0+s19+$0x20 ss:$0x1], $0xffff;
	p1 =	sne.s32 s18, $0x8;
	[tilespmem:s31+$0xFFFFFFD0] =	vst v58  }
.Ltmp4:
0x40: {  	[tilespmem:s31+$0xFFFFFFE0] =	vst v59;
	(pc) =	sbr.rel @p1 .LBB1_4-.Ltmp4, $4  }
0x41: {  	[tilespmem:s31+$0xFFFFFFF0] =	vst v60  }
0x42: {  	[tilespmem:s31+$0x0] =	vst v61  }
0x43: {  	[tilespmem:s31+$0x10] =	vst v62  }
0x44: {  	s16 =	sadd.s32 $0x80, s16;
	s17 =	sadd.s32 $0x400, s17;
	[tilespmem:s31+$0x20] =	vst v63  }
.Ltmp5:
0x45: {  	(pc) =	sbr.rel @p0 .LBB1_3-.Ltmp5, $2  }
0x46: {  	_ =	sdelay $0x2  }
0x47: {  	s16 =	simm.s32 $0x2000;
	p1 =	por $0x0, $0x0  }
.Ltmp6:
0x48: {  	(pc) =	sbr.rel .LBB1_9-.Ltmp6, $4  }
0x49: {  	_ = 	snop  }
0x4a: {  	s12 =	sshll.u32 s12, $0xA  }
0x4b: {  	s12 =	sadd.s32 s4, s12  }
0x4c: {  	[hbm4b:s12+s8] =	stream.linear.scatter [tilespmem:s13], [sflag:$0x2], $0x4000, $0x38;
	[tilespmem:$0x10000] =	vst v63  }
.LBB1_10:
0x4d: {  	_ =	sfence.sel $0x180000  }
0x4e: {  	s2 =	simm.s32 $0x1;
	[bflag:$0x0] =	sbarrier.arrive $0xFFFF  }
0x4f: {  	s31 =	simm.s32 $0x2;
	[sflag:s2] =	ssyncpa.u1 $0x1  }
0x50: {  	[sflag:s31] =	ssyncpa.u1 $0x1  }
0x51: {  	p0 =	sne.s32 s0, $0x0;
	_ =	strace $0x9000004A  }
0x52: {  	s0 =	sadd.s32 @!p0 $0x100000, s1;
	[bflag:$0x2] =	sbarrier.arrive $0xFFFF  }
0x53: {  	[sflag:s0] =	ssyncadd.tile.s32 @!p0 $0x1;
	_ =	shalt  }
.Lfunc_end1:
_tile_overlayer_lowered:
.L_overlay_start_2:
0x54: {  	(tag) =	ssettag $0x2  }
0x55: {  	s0 =	rddreg [dreg:$0x0];
	s2 =	stileid.u32  }
0x56: {  	s1 =	rddreg [dreg:$0x1];
	p0 =	sne.s32 s2, $0x0  }
0x57: {  	s3 =	rddreg [dreg:$0x2];
	[bflag:$0x3] =	sbarrier.arrive $0xFFFF;
	s2 =	simm.s32 @!p0 $0x1C01  }
0x58: {  	[timem:s3], [sflag:s2] =	dma.local @!p0 [hbm:s0], s1  }
0x59: {  	s0 =	simm.s32 @!p0 $0x1  }
0x5a: {  	_ =	swait.ge @!p0 [sflag:s0], s1  }
0x5b: {  	s1 =	ssub.s32 @!p0 $0x0, s1;
	[sflag:s0] =	ssyncset.done @!p0 $0x0  }
0x5c: {  	[sflag:s0] =	ssyncadd.s32 @!p0 s1  }
0x5d: {  	[bflag:$0x3] =	sbarrier.arrive $0xFFFF  }
0x5e: {  	_ =	shalt  }

// kernel: sparse-core-data-format-call.cloned.1.call-start
scs
called_computation_lowered:
.L_overlay_start_0:
0x0: {  	s1 =	sld [smem:$0x3FD9]  }
0x1: {  	s2 =	sld [smem:$0x3FFE];
	_ =	sdelay $0x1  }
0x2: {  	s3 =	srdreg.scid  }
0x3: {  	s0 =	sand.u32 $0x1, s3  }
0x4: {  	s17 =	sshll.u32 s0, $0xA;
	s1 =	sadd.s32 s2, s1  }
0x5: {  	s1 =	sadd.s32 s1, s17  }
0x6: {  	[smem:$0x3FBC] =	sst s1  }
0x7: {  	_ = 	snop  }
0x8: {  	(tm) =	ssettm $0x1  }
0x9: {  	s18 =	sld [smem:$0x3FFB];
	_ =	sdelay $0x3  }
0xa: {  	_ =	strace s18  }
0xb: {  	s1 =	sld [smem:$0x3FFC];
	_ =	sdelay $0x3  }
0xc: {  	_ =	strace s1  }
0xd: {  	s1 =	sld [smem:$0x3FFD];
	_ =	sdelay $0x3  }
0xe: {  	_ =	strace s1  }
0xf: {  	_ =	strace $0x8FFFFFFF  }
0x10: {  	s19 =	sld [smem:$0x3FDB];
	_ =	sdelay $0x1  }
0x11: {  	s20 =	simm.s32 $_scs_section_size  }
0x12: {  	s4 =	simm.s32 $_size__tile_overlayer_lowered;
	s5 =	simm.s32 $_tile_overlayer_lowered  }
0x13: {  	s23 =	simm.s32 $0x1BFF;
	s22 =	sshll.u32 s5, $0x1;
	s1 =	sadd.s32 s20, s19  }
0x14: {  	s6 =	simm.s32 $0x0;
	s21 =	sshll.u32 s4, $0x1;
	s4 =	sadd.s32 s22, s1  }
0x15: {  	[timem:s6], [sflag:s23] =	dma.local [hbm:s4], s21  }
0x16: {  	_ =	swait.ge [sflag:s23], s21  }
0x17: {  	s2 =	ssub.s32 $0x0, s21;
	[sflag:s23] =	ssyncset.done $0x0  }
0x18: {  	[sflag:s23] =	ssyncadd.s32 s2;
	_ =	sdelay $0x1  }
0x19: {  	s24 =	simm.s32 $0x1B8B  }
0x1a: {  	_ =	swait.ge [sflag:s24], $0x1  }
0x1b: {  	[sflag:s24] =	ssyncset.done $0x0  }
0x1c: {  	s26 =	simm.s32 $0x1B8E;
	s25 =	sld [smem:$0x3FFE];
	[sflag:s24] =	ssyncadd.s32 $0xFFFFFFFF  }
0x1d: {  	s27 =	simm.s32 $execute0_lowered;
	[smem:$0x3FD2] =	sst s26  }
0x1e: {  	s4 =	sshll.u32 s27, $0x1;
	_ =	strace $0x80000046;
	[dreg:$0x1] =	wrdreg $0xFFFFFFFF  }
0x1f: {  	s28 =	simm.s32 $_size_execute0_lowered;
	s1 =	sadd.s32 s1, s4;
	[dreg:$0x0] =	wrdreg $0x0  }
0x20: {  	s4 =	sshll.u32 s28, $0x1;
	[dreg:$0x2] =	wrdreg s1  }
0x21: {  	[dreg:$0x3] =	wrdreg s4  }
0x22: {  	[dreg:$0x4] =	wrdreg $0xC0  }
0x23: {  	_ =	task [dreg:s6], $0x5FFFF  }
0x24: {  	[dreg:$0x1] =	wrdreg $0xFFFFFFFF  }
0x25: {  	[dreg:$0x0] =	wrdreg $0x60  }
0x26: {  	[dreg:$0x2] =	wrdreg s25  }
0x27: {  	[dreg:$0x3] =	wrdreg $0x9  }
0x28: {  	_ =	task.clear_ibuf [dreg:s6], $0x4FFFF;
	_ =	strace $0x90000046  }
0x29: {  	s29 =	simm.s32 $0x9;
	_ =	strace $0x80000048  }
0x2a: {  	_ =	swait.ge [sflag:s29], $0x1  }
0x2b: {  	[sflag:s29] =	ssyncadd.s32 $0xFFFFFFFF  }
0x2c: {  	_ =	strace $0x90000048  }
0x2d: {  	_ =	sfence  }
0x2e: {  	s30 =	sld [smem:$0x0];
	_ =	sdelay $0x2  }
0x2f: {  	s31 =	sshll.u32 s3, $0xD;
	s3 =	sshrl.u32 s3, $0x2  }
0x30: {  	s2 =	sand.u32 $0x4000, s31;
	s1 =	sadd.s32 s3, s30  }
0x31: {  	s0 =	sor.u32 s2, s0;
	s1 =	sshll.u32 s1, $0x11  }
0x32: {  	s0 =	sor.u32 s1, s0  }
0x33: {  	s0 =	sadd.s32 $0x8F2B, s0  }
0x34: {  	[sflag:s0] =	ssyncadd.remote.s32 $0x1  }
0x35: {  	_ =	sfence.sel $0xFFFF  }
0x36: {  	[dreg:$0x0] =	wrdreg $0xFFFFFFFF;
	(pc) =	sbr.abs _section_cstart, $3  }
0x37: {  	[dreg:$0x1] =	wrdreg $0xFFFFFFFF  }
0x38: {  	_ =	task.clear_ibuf [dreg:s6], $0x2FFFF;
	_ =	strace $0x9FFFFFFF  }
0x39: {  	(tm) =	ssettm $0x7FFFFFFF  }
tec
execute0_lowered:
.L_overlay_start_1:
0x0: {  	(tag) =	ssettag $0x1  }
0x1: {  	s0 =	srdreg.scid  }
0x2: {  	s1 =	sshll.u32 s0, $0x4  }
0x3: {  	s4 =	rddreg [dreg:$0x0];
	s0 =	stileid.u32;
	s1 =	sand.u32 $0x10, s1  }
0x4: {  	s7 =	simm.s32 $0x1;
	s8 =	simm.s32 $0x2;
	s1 =	sor.u32 s0, s1  }
0x5: {  	s9 =	simm.s32 $0x0;
	s12 =	simm.s32 $0x0;
	s2 =	sshll.u32 s1, $0x1  }
0x6: {  	s11 =	simm.s32 $0x0;
	s3 =	sadd.s32 $0x3000, s4;
	s6 =	ssub.s32 $0x400, s2  }
.Ltmp0:
0x7: {  	s4 =	sadd.s32 $0x203000, s4;
	s5 =	sand.u32 $0x3E, s6;
	(pc) =	sbr.rel .LBB1_1-.Ltmp0, $4  }
0x8: {  	s1 =	rddreg [dreg:$0x1];
	_ =	strace $0x80000047;
	p0 =	sne.s32 s5, $0x0  }
0x9: {  	s6 =	sshrl.u32 s6, $0x6;
	s5 =	simm.s32 $0x1;
	s7 =	simm.s32 @!p0 $0x0  }
0xa: {  	s10 =	smov.u32 s2;
	[sflag:s5] =	ssyncpa.u1 $0x0;
	s6 =	sadd.s32 s7, s6  }
0xb: {  	[sflag:s8] =	ssyncpa.u1 $0x0;
	s8 =	simm.s32 $0x0;
	s7 =	sadd.s32 $0x1, s6  }
.LBB1_9:
0xc: {  	s14 =	sadd.s32 $0x40, s10  }
0xd: {  	p1 =	sgt.s32 s14, $0x3FF  }
0xe: {  	s14 =	smov.u32 @p1 s2;
	p1 =	sne.s32 s11, s7  }
.Ltmp1:
0xf: {  	p0 =	slt.u32 s11, $0x2;
	(pc) =	sbr.rel @!p1 .LBB1_10-.Ltmp1, $4  }
0x10: {  	s13 =	simm.s32 @!p0 $0x2  }
0x11: {  	s15 =	sadd.s32 $0x1, s11;
	_ =	swait.ge @!p0 [sflag:s13], $0x4000  }
0x12: {  	s12 =	smov.u32 s10;
	s9 =	sadd.s32 $0x4000, s9;
	[sflag:s13] =	ssyncset.done @!p0 $0x0  }
0x13: {  	s11 =	smov.u32 s15;
	s10 =	smov.u32 s14;
	[sflag:s13] =	ssyncadd.s32 @!p0 $0xFFFFC000  }
.LBB1_1:
0x14: {  	p0 =	sge.u32 s11, s6  }
0x15: {  	s13 =	sxor.u32 @!p0 $0xFFFFFFFF, s11  }
0x16: {  	s31 =	sadd.s32 $0xFFFFFFFF, s11;
	s14 =	sshll.u32 @!p0 s10, $0xA;
	s13 =	sshll.u32 @!p0 s13, $0xE  }
0x17: {  	s15 =	simm.s32 @!p0 $0x0;
	s14 =	sadd.s32 @!p0 s3, s14;
	s13 =	sand.u32 @!p0 $0x4000, s13  }
0x18: {  	[tilespmem:s13], [sflag:$0x1] =	stream.linear.gather @!p0 [hbm4b:s14+s15], $0x4000, $0x38;
	[tilespmem:$0x10000] =	vst v63  }
0x19: {  	p0 =	sge.u32 s31, s6  }
.Ltmp2:
0x1a: {  	_ = 	snop;
	(pc) =	sbr.rel @p0 .LBB1_9-.Ltmp2, $1  }
0x1b: {  	_ =	sdelay $0x3  }
0x1c: {  	s13 =	sshll.u32 s9, $0x2  }
0x1d: {  	_ =	swait.ge [sflag:s5], $0x4000;
	s14 =	sshll.u32 s11, $0xE;
	s16 =	simm.s32 $0x0  }
0x1e: {  	p1 =	por $0x1, $0x1;
	s13 =	sand.u32 $0x10000, s13;
	[sflag:s5] =	ssyncset.done $0x0  }
0x1f: {  	s14 =	sand.u32 $0x4000, s14;
	s15 =	sshrl.u32 s13, $0x2;
	[sflag:s5] =	ssyncadd.s32 $0xFFFFC000  }
0x20: {  	s13 =	sor.u32 $0x8000, s14;
	s14 =	sadd.s32 $0x8040, s15;
	s15 =	sadd.s32 $0x40, s15  }
.LBB1_3:
0x21: {  	s16 =	sshll.u32 s16, $0x2  }
0x22: {  	p0 =	por p1, p1;
	s17 =	sshra.s32 s16, $0x2  }
0x23: {  	s18 =	simm.s32 $0x0;
	s16 =	sadd.s32 s17, s14;
	s17 =	sadd.s32 s17, s15  }
.LBB1_4:
0x24: {  	v0 =	vmov s17;
	_ =	sdelay $0x3  }
0x25: {  	s20 =	simm.s32 $0x0  }
0x26: {  	v6 =	vld.idx.msk [tilespmem:v0+s20+$0x30 ss:$0x1], $0xffff  }
0x27: {  	v7 =	vld.idx.msk [tilespmem:v0+s20+$0xFFFFFFC0 ss:$0x1], $0xffff  }
0x28: {  	v5 =	vld.idx.msk [tilespmem:v0+s20+$0xFFFFFFD0 ss:$0x1], $0xffff  }
0x29: {  	v4 =	vld.idx.msk [tilespmem:v0+s20+$0xFFFFFFE0 ss:$0x1], $0xffff  }
0x2a: {  	v3 =	vld.idx.msk [tilespmem:v0+s20+$0xFFFFFFF0 ss:$0x1], $0xffff  }
0x2b: {  	v1 =	vld.idx.msk [tilespmem:v0+s20+$0x0 ss:$0x1], $0xffff  }
0x2c: {  	v2 =	vld.idx.msk [tilespmem:v0+s20+$0x10 ss:$0x1], $0xffff;
	[tilespmem:s16+$0x30] =	vst v6  }
0x2d: {  	s19 =	simm.s32 $0x80;
	s21 =	simm.s32 $0x400;
	[tilespmem:s16+$0xFFFFFFC0] =	vst v7;
	v6 =	vld.idx.msk [tilespmem:v0+s20+$0x20 ss:$0x1], $0xffff;
	s20 =	smov.u32 s16  }
.LBB1_5:
0x2e: {  	p1 =	sne.s32 s21, $0xE00;
	v7 =	vld.idx.msk [tilespmem:v0+s19+$0x30 ss:$0x1], $0xffff;
	[tilespmem:s20+$0xFFFFFFD0] =	vst v5  }
0x2f: {  	v8 =	vld.idx.msk [tilespmem:v0+s19+$0xFFFFFFC0 ss:$0x1], $0xffff;
	[tilespmem:s20+$0xFFFFFFE0] =	vst v4  }
0x30: {  	v5 =	vld.idx.msk [tilespmem:v0+s19+$0xFFFFFFD0 ss:$0x1], $0xffff;
	[tilespmem:s20+$0xFFFFFFF0] =	vst v3  }
.Ltmp3:
0x31: {  	v4 =	vld.idx.msk [tilespmem:v0+s19+$0xFFFFFFE0 ss:$0x1], $0xffff;
	[tilespmem:s20+$0x0] =	vst v1;
	(pc) =	sbr.rel @p1 .LBB1_5-.Ltmp3, $4  }
0x32: {  	v3 =	vld.idx.msk [tilespmem:v0+s19+$0xFFFFFFF0 ss:$0x1], $0xffff;
	[tilespmem:s20+$0x10] =	vst v2  }
0x33: {  	v1 =	vld.idx.msk [tilespmem:v0+s19+$0x0 ss:$0x1], $0xffff;
	[tilespmem:s20+$0x20] =	vst v6;
	s20 =	sadd.s32 $0x400, s20  }
0x34: {  	v2 =	vld.idx.msk [tilespmem:v0+s19+$0x10 ss:$0x1], $0xffff;
	[tilespmem:s20+$0x30] =	vst v7  }
0x35: {  	[tilespmem:s20+$0xFFFFFFC0] =	vst v8;
	v6 =	vld.idx.msk [tilespmem:v0+s19+$0x20 ss:$0x1], $0xffff;
	s19 =	sshra.s32 s21, $0x2;
	s21 =	sadd.s32 $0x200, s21  }
0x36: {  	_ =	sdelay $0x2  }
0x37: {  	[tilespmem:s20+$0xFFFFFFD0] =	vst v5  }
0x38: {  	v56 =	vld.idx.msk [tilespmem:v0+s19+$0x30 ss:$0x1], $0xffff;
	[tilespmem:s20+$0xFFFFFFE0] =	vst v4  }
0x39: {  	v57 =	vld.idx.msk [tilespmem:v0+s19+$0xFFFFFFC0 ss:$0x1], $0xffff;
	[tilespmem:s20+$0xFFFFFFF0] =	vst v3  }
0x3a: {  	v58 =	vld.idx.msk [tilespmem:v0+s19+$0xFFFFFFD0 ss:$0x1], $0xffff;
	[tilespmem:s20+$0x0] =	vst v1  }
0x3b: {  	v59 =	vld.idx.msk [tilespmem:v0+s19+$0xFFFFFFE0 ss:$0x1], $0xffff;
	[tilespmem:s20+$0x10] =	vst v2  }
0x3c: {  	v60 =	vld.idx.msk [tilespmem:v0+s19+$0xFFFFFFF0 ss:$0x1], $0xffff;
	s31 =	sadd.s32 $0x400, s20;
	[tilespmem:s20+$0x20] =	vst v6  }
0x3d: {  	v61 =	vld.idx.msk [tilespmem:v0+s19+$0x0 ss:$0x1], $0xffff;
	[tilespmem:s31+$0x30] =	vst v56  }
0x3e: {  	v62 =	vld.idx.msk [tilespmem:v0+s19+$0x10 ss:$0x1], $0xffff;
	s18 =	sadd.s32 $0x1, s18;
	[tilespmem:s31+$0xFFFFFFC0] =	vst v57  }
0x3f: {  	v63 =	vld.idx.msk [tilespmem:v0+s19+$0x20 ss:$0x1], $0xffff;
	p1 =	sne.s32 s18, $0x8;
	[tilespmem:s31+$0xFFFFFFD0] =	vst v58  }
.Ltmp4:
0x40: {  	[tilespmem:s31+$0xFFFFFFE0] =	vst v59;
	(pc) =	sbr.rel @p1 .LBB1_4-.Ltmp4, $4  }
0x41: {  	[tilespmem:s31+$0xFFFFFFF0] =	vst v60  }
0x42: {  	[tilespmem:s31+$0x0] =	vst v61  }
0x43: {  	[tilespmem:s31+$0x10] =	vst v62  }
0x44: {  	s16 =	sadd.s32 $0x80, s16;
	s17 =	sadd.s32 $0x400, s17;
	[tilespmem:s31+$0x20] =	vst v63  }
.Ltmp5:
0x45: {  	(pc) =	sbr.rel @p0 .LBB1_3-.Ltmp5, $2  }
0x46: {  	_ =	sdelay $0x2  }
0x47: {  	s16 =	simm.s32 $0x2000;
	p1 =	por $0x0, $0x0  }
.Ltmp6:
0x48: {  	(pc) =	sbr.rel .LBB1_9-.Ltmp6, $4  }
0x49: {  	_ = 	snop  }
0x4a: {  	s12 =	sshll.u32 s12, $0xA  }
0x4b: {  	s12 =	sadd.s32 s4, s12  }
0x4c: {  	[hbm4b:s12+s8] =	stream.linear.scatter [tilespmem:s13], [sflag:$0x2], $0x4000, $0x38;
	[tilespmem:$0x10000] =	vst v63  }
.LBB1_10:
0x4d: {  	_ =	sfence.sel $0x180000  }
0x4e: {  	s2 =	simm.s32 $0x1;
	[bflag:$0x0] =	sbarrier.arrive $0xFFFF  }
0x4f: {  	s31 =	simm.s32 $0x2;
	[sflag:s2] =	ssyncpa.u1 $0x1  }
0x50: {  	[sflag:s31] =	ssyncpa.u1 $0x1  }
0x51: {  	p0 =	sne.s32 s0, $0x0;
	_ =	strace $0x90000047  }
0x52: {  	s0 =	sadd.s32 @!p0 $0x100000, s1;
	[bflag:$0x2] =	sbarrier.arrive $0xFFFF  }
0x53: {  	[sflag:s0] =	ssyncadd.tile.s32 @!p0 $0x1;
	_ =	shalt  }
.Lfunc_end1:
_tile_overlayer_lowered:
.L_overlay_start_2:
0x54: {  	(tag) =	ssettag $0x2  }
0x55: {  	s0 =	rddreg [dreg:$0x0];
	s2 =	stileid.u32  }
0x56: {  	s1 =	rddreg [dreg:$0x1];
	p0 =	sne.s32 s2, $0x0  }
0x57: {  	s3 =	rddreg [dreg:$0x2];
	[bflag:$0x3] =	sbarrier.arrive $0xFFFF;
	s2 =	simm.s32 @!p0 $0x1C01  }
0x58: {  	[timem:s3], [sflag:s2] =	dma.local @!p0 [hbm:s0], s1  }
0x59: {  	s0 =	simm.s32 @!p0 $0x1  }
0x5a: {  	_ =	swait.ge @!p0 [sflag:s0], s1  }
0x5b: {  	s1 =	ssub.s32 @!p0 $0x0, s1;
	[sflag:s0] =	ssyncset.done @!p0 $0x0  }
0x5c: {  	[sflag:s0] =	ssyncadd.s32 @!p0 s1  }
0x5d: {  	[bflag:$0x3] =	sbarrier.arrive $0xFFFF  }
0x5e: {  	_ =	shalt  }

</sc_bundles>
